<compile_context>
chip_gen: v7x
topology: tpu7x:2x2x1
jax: 0.10.2.dev20260603
libtpu: 0.0.44.dev20260713+nightly
codegen_flags: <defaults>
</compile_context>

<pallas_src>
import functools

import jax
import jax.numpy as jnp
from jax import lax
from jax.experimental import pallas as pl
from jax.experimental.pallas import tpu as pltpu
from jax.experimental.pallas import tpu_sc as plsc

NEG_SLOPE = 0.01
_N = 10000
_NP = 10240
_E = 320000
_D = 128
_NC = 2
_NS = 16
_NW = _NC * _NS
_CPW = _E // _NW
_K = 80
_ROWS = _CPW // _K
_VPB = _K // 16
_NPS = _NP // _NS
_CK = 25
_NCH = _ROWS // _CK


def _prep_body(fs_ref, fd_ref, al_ref, ar_ref, el_ref, er_ref, m16_ref):
    el = jnp.sum(fs_ref[...] * al_ref[...], axis=-1)
    er = jnp.sum(fd_ref[...] * ar_ref[...], axis=-1)
    el_ref[...] = el
    er_ref[...] = er
    m16_ref[...] = jnp.full((16,), jnp.max(el), jnp.float32)


def _finish_body(accp_ref, denp_ref, out_ref):
    dsum = jnp.sum(denp_ref[...], axis=(0, 1))
    r = 1.0 / jnp.maximum(dsum[:_N], 1e-16)
    out_ref[...] = (accp_ref[0] + accp_ref[1]) * r[:, None]


def _sc_body(el_hbm, er_hbm, m16_hbm, src_hbm, dst_hbm, feat_hbm,
             denp_hbm, accp_hbm,
             src_c, dst_c,
             rows_a, rows_b, elg_a, elg_b, erg_a, erg_b,
             exb_a, exb_b, m16_v, zrow_v,
             el_sh, er_sh, den_sh, acc_sh,
             semg_a, semg_b, seml_a, seml_b, semw_a, semw_b, semd_a, semd_b,
             semi):
    cid = lax.axis_index("c")
    sid = lax.axis_index("s")
    wid = cid * _NS + sid

    buf_a = (rows_a, elg_a, erg_a, exb_a, semg_a, seml_a, semw_a, semd_a)
    buf_b = (rows_b, elg_b, erg_b, exb_b, semg_b, seml_b, semw_b, semd_b)

    def src_row(b):
        return src_c.at[(b // _CK) % 2, b % _CK]

    def dst_row(b):
        return dst_c.at[(b // _CK) % 2, b % _CK]

    pltpu.sync_copy(src_hbm.at[wid, 0], src_c.at[0])
    pltpu.sync_copy(dst_hbm.at[wid, 0], dst_c.at[0])
    pltpu.sync_copy(m16_hbm, m16_v)
    mv = m16_v[...]

    nsl = pl.ds(sid * _NPS, _NPS)
    pltpu.sync_copy(el_hbm.at[nsl], el_sh.at[nsl])
    pltpu.sync_copy(er_hbm.at[nsl], er_sh.at[nsl])

    zeros16 = jnp.zeros((16,), jnp.float32)

    @pl.loop(0, (_K * _D) // 16)
    def _(t):
        rows_a[t // (_D // 16), pl.ds((t % (_D // 16)) * 16, 16)] = zeros16

    @pl.loop(0, _NPS // 16)
    def _(t):
        zrow_v[pl.ds(t * 16, 16)] = zeros16

    pltpu.sync_copy(zrow_v, den_sh.at[nsl])

    @pl.when(sid < _NS - 1)
    def _():
        @pl.loop(0, 640 // _K)
        def _(q):
            pltpu.sync_copy(rows_a, acc_sh.at[pl.ds(sid * 640 + q * _K, _K), :])

    @pl.when(sid == _NS - 1)
    def _():
        @pl.loop(0, 400 // _K)
        def _(q):
            pltpu.sync_copy(rows_a, acc_sh.at[pl.ds(9600 + q * _K, _K), :])

    plsc.subcore_barrier()

    def issue_batch(b, buf):
        rows_v, elg_v, erg_v, _, semg, seml, _, _ = buf

        @pl.when(b < _ROWS)
        def _():
            pltpu.async_copy(feat_hbm.at[src_row(b)], rows_v, semg)
            pltpu.async_copy(el_sh.at[src_row(b)], elg_v, seml)
            pltpu.async_copy(er_sh.at[dst_row(b)], erg_v, seml)

    def phase(b, cur, nxt):
        rows_v, elg_v, erg_v, exb_v, semg, seml, semw, semd = cur

        @pl.when(b < _ROWS)
        def _():
            pltpu.make_async_copy(el_sh.at[src_row(b)], elg_v, seml).wait()
            pltpu.make_async_copy(er_sh.at[dst_row(b)], erg_v, seml).wait()
            @pl.when(b >= 2)
            def _():
                pltpu.make_async_copy(
                    exb_v, den_sh.at[dst_row(0)], semd).wait()

            for j in range(_VPB):
                sl = pl.ds(j * 16, 16)
                erg = erg_v[sl]
                e = elg_v[sl] + erg
                e = jnp.where(e > 0, e, NEG_SLOPE * e)
                t = mv + erg
                mp = jnp.where(t > 0, t, NEG_SLOPE * t)
                exb_v[sl] = jnp.exp(e - mp)
            pltpu.async_copy(exb_v, den_sh.at[dst_row(b)], semd, add=True)

        @pl.when(jnp.logical_and(b % _CK == _CK - 5, b + 5 < _ROWS))
        def _():
            c = b // _CK + 1
            pltpu.async_copy(src_hbm.at[wid, c], src_c.at[c % 2], semi)
            pltpu.async_copy(dst_hbm.at[wid, c], dst_c.at[c % 2], semi)

        @pl.when(jnp.logical_and((b + 1) % _CK == 0, b + 1 < _ROWS))
        def _():
            c = (b + 1) // _CK
            pltpu.make_async_copy(
                src_hbm.at[wid, c], src_c.at[c % 2], semi).wait()
            pltpu.make_async_copy(
                dst_hbm.at[wid, c], dst_c.at[c % 2], semi).wait()

        @pl.when(jnp.logical_and(b >= 1, b <= _ROWS))
        def _():
            pltpu.make_async_copy(
                nxt[0], acc_sh.at[dst_row(0)], nxt[6]).wait()

        issue_batch(b + 1, nxt)

        @pl.when(b < _ROWS)
        def _():
            pltpu.make_async_copy(
                feat_hbm.at[src_row(b)], rows_v, semg).wait()

            @pl.loop(0, _K, unroll=8)
            def _(i):
                idx16 = jnp.broadcast_to(i, (16,)).astype(jnp.int32)
                a = plsc.load_gather(exb_v, [idx16])
                for j in range(_D // 16):
                    rows_v[i, pl.ds(j * 16, 16)] = (
                        rows_v[i, pl.ds(j * 16, 16)] * a)

            pltpu.async_copy(rows_v, acc_sh.at[dst_row(b)], semw, add=True)

    issue_batch(0, buf_a)

    @pl.loop(0, _ROWS + 1, step=2)
    def _(g):
        phase(g, buf_a, buf_b)
        phase(g + 1, buf_b, buf_a)

    pltpu.make_async_copy(exb_a, den_sh.at[dst_row(0)], semd_a).wait()
    pltpu.make_async_copy(exb_b, den_sh.at[dst_row(0)], semd_b).wait()

    plsc.subcore_barrier()

    @pl.when(sid < _NS - 1)
    def _():
        osl = pl.ds(sid * 640, 640)
        pltpu.sync_copy(acc_sh.at[osl, :], accp_hbm.at[cid, osl, :])

    @pl.when(sid == _NS - 1)
    def _():
        osl = pl.ds(9600, 400)
        pltpu.sync_copy(acc_sh.at[osl, :], accp_hbm.at[cid, osl, :])

    @pl.when(sid == 0)
    def _():
        pltpu.sync_copy(den_sh, denp_hbm.at[cid, 0])


@functools.cache
def _make_sc_call():
    return pl.kernel(
        _sc_body,
        out_type=(
            jax.ShapeDtypeStruct((_NC, 1, _NP), jnp.float32),
            jax.ShapeDtypeStruct((_NC, _N, _D), jnp.float32),
        ),
        mesh=plsc.VectorSubcoreMesh(core_axis_name="c", subcore_axis_name="s"),
        compiler_params=pltpu.CompilerParams(needs_layout_passes=False),
        scratch_types=[
            pltpu.VMEM((2, _CK, _K), jnp.int32),
            pltpu.VMEM((2, _CK, _K), jnp.int32),
            pltpu.VMEM((_K, _D), jnp.float32),
            pltpu.VMEM((_K, _D), jnp.float32),
            pltpu.VMEM((_K,), jnp.float32),
            pltpu.VMEM((_K,), jnp.float32),
            pltpu.VMEM((_K,), jnp.float32),
            pltpu.VMEM((_K,), jnp.float32),
            pltpu.VMEM((_K,), jnp.float32),
            pltpu.VMEM((_K,), jnp.float32),
            pltpu.VMEM((16,), jnp.float32),
            pltpu.VMEM((_NPS,), jnp.float32),
            pltpu.VMEM_SHARED((_NP,), jnp.float32),
            pltpu.VMEM_SHARED((_NP,), jnp.float32),
            pltpu.VMEM_SHARED((_NP,), jnp.float32),
            pltpu.VMEM_SHARED((_N, _D), jnp.float32),
            pltpu.SemaphoreType.DMA,
            pltpu.SemaphoreType.DMA,
            pltpu.SemaphoreType.DMA,
            pltpu.SemaphoreType.DMA,
            pltpu.SemaphoreType.DMA,
            pltpu.SemaphoreType.DMA,
            pltpu.SemaphoreType.DMA,
            pltpu.SemaphoreType.DMA,
            pltpu.SemaphoreType.DMA,
        ],
    )


def kernel(feat_src, feat_dst, edge_index, attn_l, attn_r):
    N, D = feat_src.shape
    el, er, m16 = pl.pallas_call(
        _prep_body,
        out_shape=(
            jax.ShapeDtypeStruct((N,), jnp.float32),
            jax.ShapeDtypeStruct((N,), jnp.float32),
            jax.ShapeDtypeStruct((16,), jnp.float32),
        ),
    )(feat_src, feat_dst, attn_l, attn_r)
    pad = (0, _NP - _N)
    el = jnp.pad(el, pad)
    er = jnp.pad(er, pad)
    src4 = edge_index[0].reshape(_NW, _NCH, _CK, _K)
    dst4 = edge_index[1].reshape(_NW, _NCH, _CK, _K)
    denp, accp = _make_sc_call()(el, er, m16, src4, dst4, feat_src)
    out = pl.pallas_call(
        _finish_body,
        out_shape=jax.ShapeDtypeStruct((N, D), jnp.float32),
    )(accp, denp)
    return out

# --- scband reference (transcript-rebuilt; emitter-appended) ---
"""Pipeline reference for scband-he-co-gatconv-1185410973814 (READ-ONLY COPY).

The authoritative reference and input builder live on the scoring server;
editing this copy changes nothing except your own understanding.
"""

import jax, jax.numpy as jnp
import numpy as np

N = 10000
E = 320000
D = 128
NEG_SLOPE = 0.01


def setup_inputs(seed: int = 0) -> dict:
    key = jax.random.key(seed)
    k1, k2, k3, k4, k5 = jax.random.split(key, 5)
    feat_src = jax.random.normal(k1, (N, D), dtype=jnp.float32)
    feat_dst = jax.random.normal(k2, (N, D), dtype=jnp.float32)
    edge_index = jax.random.randint(k3, (2, E), 0, N, dtype=jnp.int32)
    # xavier_normal_ with gain = calculate_gain('relu') = sqrt(2); fan_in=1, fan_out=D
    std = float(np.sqrt(2.0) * np.sqrt(2.0 / (1.0 + D)))
    attn_l = jax.random.normal(k4, (1, D), dtype=jnp.float32) * std
    attn_r = jax.random.normal(k5, (1, D), dtype=jnp.float32) * std
    return {"feat_src": feat_src, "feat_dst": feat_dst, "edge_index": edge_index,
            "attn_l": attn_l, "attn_r": attn_r}


def reference(feat_src, feat_dst, edge_index, attn_l, attn_r):
    # attn_drop = 0.0 -> dropout is identity; activation = None
    src = edge_index[0]
    dst = edge_index[1]
    # el = (feat_src * attn_l).sum(-1); er = (feat_dst * attn_r).sum(-1)
    el = jnp.sum(feat_src * attn_l, axis=-1)  # [N]
    er = jnp.sum(feat_dst * attn_r, axis=-1)  # [N]
    # e = leaky_relu(el[u] + er[v]) per edge (u_add_v)
    e = el[src] + er[dst]                      # [E]
    e = jnp.where(e > 0, e, NEG_SLOPE * e)
    # edge_softmax: softmax over incoming edges of each dst node (numerically stable)
    m = jax.ops.segment_max(e, dst, num_segments=N)
    m = jnp.where(jnp.isfinite(m), m, 0.0)
    ex = jnp.exp(e - m[dst])
    denom = jax.ops.segment_sum(ex, dst, num_segments=N)
    a = ex / jnp.maximum(denom[dst], 1e-16)    # [E]
    # update_all: u_mul_e('ft','a') then sum by dst
    msg = feat_src[src] * a[:, None]           # [E, D]
    out = jax.ops.segment_sum(msg, dst, num_segments=N)  # [N, D]
    return out

if __name__ == "__main__":
    import jax
    _d = setup_inputs()
    print(jax.jit(kernel)(*tuple(_d.values())))

</pallas_src>

<mosaic_0001>
#map = affine_map<(d0, d1) -> (0)>
#map1 = affine_map<(d0, d1) -> (0, 0, 0, 0)>
#map2 = affine_map<(d0, d1) -> (0, 0)>
#map3 = affine_map<(d0, d1) -> (0, 0, 0)>
module attributes {stable_mosaic.version = 14 : i64} {
  func.func @_sc_body(%arg0: i32, %arg1: i32, %arg2: memref<10240xf32, #tpu.memory_space<hbm>>, %arg3: memref<10240xf32, #tpu.memory_space<hbm>>, %arg4: memref<16xf32, #tpu.memory_space<hbm>>, %arg5: memref<32x5x25x80xi32, #tpu.memory_space<hbm>>, %arg6: memref<32x5x25x80xi32, #tpu.memory_space<hbm>>, %arg7: memref<10000x128xf32, #tpu.memory_space<hbm>>, %arg8: memref<2x1x10240xf32, #tpu.memory_space<hbm>>, %arg9: memref<2x10000x128xf32, #tpu.memory_space<hbm>>, %arg10: memref<2x25x80xi32, #tpu.memory_space<vmem>>, %arg11: memref<2x25x80xi32, #tpu.memory_space<vmem>>, %arg12: memref<80x128xf32, #tpu.memory_space<vmem>>, %arg13: memref<80x128xf32, #tpu.memory_space<vmem>>, %arg14: memref<80xf32, #tpu.memory_space<vmem>>, %arg15: memref<80xf32, #tpu.memory_space<vmem>>, %arg16: memref<80xf32, #tpu.memory_space<vmem>>, %arg17: memref<80xf32, #tpu.memory_space<vmem>>, %arg18: memref<80xf32, #tpu.memory_space<vmem>>, %arg19: memref<80xf32, #tpu.memory_space<vmem>>, %arg20: memref<16xf32, #tpu.memory_space<vmem>>, %arg21: memref<640xf32, #tpu.memory_space<vmem>>, %arg22: memref<10240xf32, #tpu.memory_space<vmem_shared>>, %arg23: memref<10240xf32, #tpu.memory_space<vmem_shared>>, %arg24: memref<10240xf32, #tpu.memory_space<vmem_shared>>, %arg25: memref<10000x128xf32, #tpu.memory_space<vmem_shared>>, %arg26: memref<!tpu.dma_semaphore, #tpu.memory_space<semaphore_mem>>, %arg27: memref<!tpu.dma_semaphore, #tpu.memory_space<semaphore_mem>>, %arg28: memref<!tpu.dma_semaphore, #tpu.memory_space<semaphore_mem>>, %arg29: memref<!tpu.dma_semaphore, #tpu.memory_space<semaphore_mem>>, %arg30: memref<!tpu.dma_semaphore, #tpu.memory_space<semaphore_mem>>, %arg31: memref<!tpu.dma_semaphore, #tpu.memory_space<semaphore_mem>>, %arg32: memref<!tpu.dma_semaphore, #tpu.memory_space<semaphore_mem>>, %arg33: memref<!tpu.dma_semaphore, #tpu.memory_space<semaphore_mem>>, %arg34: memref<!tpu.dma_semaphore, #tpu.memory_space<semaphore_mem>>) attributes {dimension_semantics = [#tpu.dimension_semantics<core_parallel>, #tpu.dimension_semantics<subcore_parallel>], iteration_bounds = array<i64: 2, 16>, scalar_prefetch = 0 : i64, scratch_operands = 25 : i64, tpu.core_type = #tpu.core_type<sc_vector_subcore>, window_params = [{transform_indices = #map}, {transform_indices = #map}, {transform_indices = #map}, {transform_indices = #map1}, {transform_indices = #map1}, {transform_indices = #map2}, {transform_indices = #map3}, {transform_indices = #map3}]} {
    %mul3A = arith.constant 16 : i32
    %mul3A_0 = arith.muli %arg0, %mul3A : i32
    %add3A = arith.addi %mul3A_0, %arg1 : i32
    %run_scoped3A = arith.constant 0 : i32
    %run_scoped3A_1 = arith.constant 0 : i32
    "tpu.region"() ({
      %run_scoped3A_78 = tpu.sem_alloc : memref<!tpu.dma_semaphore, #tpu.memory_space<semaphore_mem>>
      %dma_start3A_79 = arith.constant 0 : i32
      %dma_start3A_80 = arith.constant 0 : i32
      %dma_start3A_81 = tpu.memref_slice %arg10[%run_scoped3A_1, %dma_start3A_79, %dma_start3A_80] : memref<2x25x80xi32, #tpu.memory_space<vmem>> -> memref<1x25x80xi32, #tpu.memory_space<vmem>>
      %dma_start3A_82 = tpu.memref_squeeze %dma_start3A_81 : memref<1x25x80xi32, #tpu.memory_space<vmem>> -> memref<25x80xi32, #tpu.memory_space<vmem>>
      %dma_start3A_83 = arith.constant 0 : i32
      %dma_start3A_84 = arith.constant 0 : i32
      %dma_start3A_85 = tpu.memref_slice %arg5[%add3A, %run_scoped3A, %dma_start3A_83, %dma_start3A_84] : memref<32x5x25x80xi32, #tpu.memory_space<hbm>> -> memref<1x1x25x80xi32, #tpu.memory_space<hbm>>
      %dma_start3A_86 = tpu.memref_squeeze %dma_start3A_85 : memref<1x1x25x80xi32, #tpu.memory_space<hbm>> -> memref<25x80xi32, #tpu.memory_space<hbm>>
      %dma_start3A_87 = arith.constant 0 : i32
      %dma_start3A_88 = arith.constant 0 : i32
      %dma_start3A_89 = tpu.memref_slice %arg10[%run_scoped3A_1, %dma_start3A_87, %dma_start3A_88] : memref<2x25x80xi32, #tpu.memory_space<vmem>> -> memref<1x25x80xi32, #tpu.memory_space<vmem>>
      %dma_start3A_90 = tpu.memref_squeeze %dma_start3A_89 : memref<1x25x80xi32, #tpu.memory_space<vmem>> -> memref<25x80xi32, #tpu.memory_space<vmem>>
      %dma_start3A_91 = arith.constant 0 : i32
      %dma_start3A_92 = arith.constant 0 : i32
      %dma_start3A_93 = tpu.memref_slice %arg5[%add3A, %run_scoped3A, %dma_start3A_91, %dma_start3A_92] : memref<32x5x25x80xi32, #tpu.memory_space<hbm>> -> memref<1x1x25x80xi32, #tpu.memory_space<hbm>>
      %dma_start3A_94 = tpu.memref_squeeze %dma_start3A_93 : memref<1x1x25x80xi32, #tpu.memory_space<hbm>> -> memref<25x80xi32, #tpu.memory_space<hbm>>
      tpu.enqueue_dma source(%dma_start3A_94 : memref<25x80xi32, #tpu.memory_space<hbm>>) target(%dma_start3A_90 : memref<25x80xi32, #tpu.memory_space<vmem>>) target_semaphore(%run_scoped3A_78 : memref<!tpu.dma_semaphore, #tpu.memory_space<semaphore_mem>>)
      %dma_wait3A_95 = arith.constant 0 : i32
      %dma_wait3A_96 = arith.constant 0 : i32
      %dma_wait3A_97 = tpu.memref_slice %arg10[%run_scoped3A_1, %dma_wait3A_95, %dma_wait3A_96] : memref<2x25x80xi32, #tpu.memory_space<vmem>> -> memref<1x25x80xi32, #tpu.memory_space<vmem>>
      %dma_wait3A_98 = tpu.memref_squeeze %dma_wait3A_97 : memref<1x25x80xi32, #tpu.memory_space<vmem>> -> memref<25x80xi32, #tpu.memory_space<vmem>>
      %dma_wait3A_99 = arith.constant 0 : i32
      %dma_wait3A_100 = arith.constant 0 : i32
      %dma_wait3A_101 = tpu.memref_slice %arg5[%add3A, %run_scoped3A, %dma_wait3A_99, %dma_wait3A_100] : memref<32x5x25x80xi32, #tpu.memory_space<hbm>> -> memref<1x1x25x80xi32, #tpu.memory_space<hbm>>
      %dma_wait3A_102 = tpu.memref_squeeze %dma_wait3A_101 : memref<1x1x25x80xi32, #tpu.memory_space<hbm>> -> memref<25x80xi32, #tpu.memory_space<hbm>>
      %dma_wait3A_103 = arith.constant 0 : i32
      %dma_wait3A_104 = arith.constant 0 : i32
      %dma_wait3A_105 = tpu.memref_slice %arg10[%run_scoped3A_1, %dma_wait3A_103, %dma_wait3A_104] : memref<2x25x80xi32, #tpu.memory_space<vmem>> -> memref<1x25x80xi32, #tpu.memory_space<vmem>>
      %dma_wait3A_106 = tpu.memref_squeeze %dma_wait3A_105 : memref<1x25x80xi32, #tpu.memory_space<vmem>> -> memref<25x80xi32, #tpu.memory_space<vmem>>
      %dma_wait3A_107 = arith.constant 0 : i32
      %dma_wait3A_108 = arith.constant 0 : i32
      %dma_wait3A_109 = tpu.memref_slice %arg5[%add3A, %run_scoped3A, %dma_wait3A_107, %dma_wait3A_108] : memref<32x5x25x80xi32, #tpu.memory_space<hbm>> -> memref<1x1x25x80xi32, #tpu.memory_space<hbm>>
      %dma_wait3A_110 = tpu.memref_squeeze %dma_wait3A_109 : memref<1x1x25x80xi32, #tpu.memory_space<hbm>> -> memref<25x80xi32, #tpu.memory_space<hbm>>
      tpu.wait_dma2 semaphore(%run_scoped3A_78 : memref<!tpu.dma_semaphore, #tpu.memory_space<semaphore_mem>>) src(%dma_wait3A_110 : memref<25x80xi32, #tpu.memory_space<hbm>>) dst(%dma_wait3A_106 : memref<25x80xi32, #tpu.memory_space<vmem>>)
      tpu.yield
    }) : () -> ()
    %run_scoped3A_2 = arith.constant 0 : i32
    %run_scoped3A_3 = arith.constant 0 : i32
    "tpu.region"() ({
      %run_scoped3A_78 = tpu.sem_alloc : memref<!tpu.dma_semaphore, #tpu.memory_space<semaphore_mem>>
      %dma_start3A_79 = arith.constant 0 : i32
      %dma_start3A_80 = arith.constant 0 : i32
      %dma_start3A_81 = tpu.memref_slice %arg11[%run_scoped3A_3, %dma_start3A_79, %dma_start3A_80] : memref<2x25x80xi32, #tpu.memory_space<vmem>> -> memref<1x25x80xi32, #tpu.memory_space<vmem>>
      %dma_start3A_82 = tpu.memref_squeeze %dma_start3A_81 : memref<1x25x80xi32, #tpu.memory_space<vmem>> -> memref<25x80xi32, #tpu.memory_space<vmem>>
      %dma_start3A_83 = arith.constant 0 : i32
      %dma_start3A_84 = arith.constant 0 : i32
      %dma_start3A_85 = tpu.memref_slice %arg6[%add3A, %run_scoped3A_2, %dma_start3A_83, %dma_start3A_84] : memref<32x5x25x80xi32, #tpu.memory_space<hbm>> -> memref<1x1x25x80xi32, #tpu.memory_space<hbm>>
      %dma_start3A_86 = tpu.memref_squeeze %dma_start3A_85 : memref<1x1x25x80xi32, #tpu.memory_space<hbm>> -> memref<25x80xi32, #tpu.memory_space<hbm>>
      %dma_start3A_87 = arith.constant 0 : i32
      %dma_start3A_88 = arith.constant 0 : i32
      %dma_start3A_89 = tpu.memref_slice %arg11[%run_scoped3A_3, %dma_start3A_87, %dma_start3A_88] : memref<2x25x80xi32, #tpu.memory_space<vmem>> -> memref<1x25x80xi32, #tpu.memory_space<vmem>>
      %dma_start3A_90 = tpu.memref_squeeze %dma_start3A_89 : memref<1x25x80xi32, #tpu.memory_space<vmem>> -> memref<25x80xi32, #tpu.memory_space<vmem>>
      %dma_start3A_91 = arith.constant 0 : i32
      %dma_start3A_92 = arith.constant 0 : i32
      %dma_start3A_93 = tpu.memref_slice %arg6[%add3A, %run_scoped3A_2, %dma_start3A_91, %dma_start3A_92] : memref<32x5x25x80xi32, #tpu.memory_space<hbm>> -> memref<1x1x25x80xi32, #tpu.memory_space<hbm>>
      %dma_start3A_94 = tpu.memref_squeeze %dma_start3A_93 : memref<1x1x25x80xi32, #tpu.memory_space<hbm>> -> memref<25x80xi32, #tpu.memory_space<hbm>>
      tpu.enqueue_dma source(%dma_start3A_94 : memref<25x80xi32, #tpu.memory_space<hbm>>) target(%dma_start3A_90 : memref<25x80xi32, #tpu.memory_space<vmem>>) target_semaphore(%run_scoped3A_78 : memref<!tpu.dma_semaphore, #tpu.memory_space<semaphore_mem>>)
      %dma_wait3A_95 = arith.constant 0 : i32
      %dma_wait3A_96 = arith.constant 0 : i32
      %dma_wait3A_97 = tpu.memref_slice %arg11[%run_scoped3A_3, %dma_wait3A_95, %dma_wait3A_96] : memref<2x25x80xi32, #tpu.memory_space<vmem>> -> memref<1x25x80xi32, #tpu.memory_space<vmem>>
      %dma_wait3A_98 = tpu.memref_squeeze %dma_wait3A_97 : memref<1x25x80xi32, #tpu.memory_space<vmem>> -> memref<25x80xi32, #tpu.memory_space<vmem>>
      %dma_wait3A_99 = arith.constant 0 : i32
      %dma_wait3A_100 = arith.constant 0 : i32
      %dma_wait3A_101 = tpu.memref_slice %arg6[%add3A, %run_scoped3A_2, %dma_wait3A_99, %dma_wait3A_100] : memref<32x5x25x80xi32, #tpu.memory_space<hbm>> -> memref<1x1x25x80xi32, #tpu.memory_space<hbm>>
      %dma_wait3A_102 = tpu.memref_squeeze %dma_wait3A_101 : memref<1x1x25x80xi32, #tpu.memory_space<hbm>> -> memref<25x80xi32, #tpu.memory_space<hbm>>
      %dma_wait3A_103 = arith.constant 0 : i32
      %dma_wait3A_104 = arith.constant 0 : i32
      %dma_wait3A_105 = tpu.memref_slice %arg11[%run_scoped3A_3, %dma_wait3A_103, %dma_wait3A_104] : memref<2x25x80xi32, #tpu.memory_space<vmem>> -> memref<1x25x80xi32, #tpu.memory_space<vmem>>
      %dma_wait3A_106 = tpu.memref_squeeze %dma_wait3A_105 : memref<1x25x80xi32, #tpu.memory_space<vmem>> -> memref<25x80xi32, #tpu.memory_space<vmem>>
      %dma_wait3A_107 = arith.constant 0 : i32
      %dma_wait3A_108 = arith.constant 0 : i32
      %dma_wait3A_109 = tpu.memref_slice %arg6[%add3A, %run_scoped3A_2, %dma_wait3A_107, %dma_wait3A_108] : memref<32x5x25x80xi32, #tpu.memory_space<hbm>> -> memref<1x1x25x80xi32, #tpu.memory_space<hbm>>
      %dma_wait3A_110 = tpu.memref_squeeze %dma_wait3A_109 : memref<1x1x25x80xi32, #tpu.memory_space<hbm>> -> memref<25x80xi32, #tpu.memory_space<hbm>>
      tpu.wait_dma2 semaphore(%run_scoped3A_78 : memref<!tpu.dma_semaphore, #tpu.memory_space<semaphore_mem>>) src(%dma_wait3A_110 : memref<25x80xi32, #tpu.memory_space<hbm>>) dst(%dma_wait3A_106 : memref<25x80xi32, #tpu.memory_space<vmem>>)
      tpu.yield
    }) : () -> ()
    "tpu.region"() ({
      %run_scoped3A_78 = tpu.sem_alloc : memref<!tpu.dma_semaphore, #tpu.memory_space<semaphore_mem>>
      tpu.enqueue_dma source(%arg4 : memref<16xf32, #tpu.memory_space<hbm>>) target(%arg20 : memref<16xf32, #tpu.memory_space<vmem>>) target_semaphore(%run_scoped3A_78 : memref<!tpu.dma_semaphore, #tpu.memory_space<semaphore_mem>>)
      tpu.wait_dma2 semaphore(%run_scoped3A_78 : memref<!tpu.dma_semaphore, #tpu.memory_space<semaphore_mem>>) src(%arg4 : memref<16xf32, #tpu.memory_space<hbm>>) dst(%arg20 : memref<16xf32, #tpu.memory_space<vmem>>)
      tpu.yield
    }) : () -> ()
    %get3A = arith.constant 0 : index
    %get3A_4 = tpu.vector_load %arg20[%get3A] {strides = array<i32>} : memref<16xf32, #tpu.memory_space<vmem>>, vector<16xf32>,
    %mul3A_5 = arith.constant 640 : i32
    %mul3A_6 = arith.muli %arg1, %mul3A_5 : i32
    "tpu.region"() ({
      %run_scoped3A_78 = tpu.sem_alloc : memref<!tpu.dma_semaphore, #tpu.memory_space<semaphore_mem>>
      %dma_start3A_79 = tpu.memref_slice %arg22[%mul3A_6] : memref<10240xf32, #tpu.memory_space<vmem_shared>> -> memref<640xf32, #tpu.memory_space<vmem_shared>>
      %dma_start3A_80 = tpu.memref_slice %arg2[%mul3A_6] : memref<10240xf32, #tpu.memory_space<hbm>> -> memref<640xf32, #tpu.memory_space<hbm>>
      tpu.enqueue_dma source(%dma_start3A_80 : memref<640xf32, #tpu.memory_space<hbm>>) target(%dma_start3A_79 : memref<640xf32, #tpu.memory_space<vmem_shared>>) target_semaphore(%run_scoped3A_78 : memref<!tpu.dma_semaphore, #tpu.memory_space<semaphore_mem>>)
      %dma_wait3A_81 = tpu.memref_slice %arg22[%mul3A_6] : memref<10240xf32, #tpu.memory_space<vmem_shared>> -> memref<640xf32, #tpu.memory_space<vmem_shared>>
      %dma_wait3A_82 = tpu.memref_slice %arg2[%mul3A_6] : memref<10240xf32, #tpu.memory_space<hbm>> -> memref<640xf32, #tpu.memory_space<hbm>>
      tpu.wait_dma2 semaphore(%run_scoped3A_78 : memref<!tpu.dma_semaphore, #tpu.memory_space<semaphore_mem>>) src(%dma_wait3A_82 : memref<640xf32, #tpu.memory_space<hbm>>) dst(%dma_wait3A_81 : memref<640xf32, #tpu.memory_space<vmem_shared>>)
      tpu.yield
    }) : () -> ()
    "tpu.region"() ({
      %run_scoped3A_78 = tpu.sem_alloc : memref<!tpu.dma_semaphore, #tpu.memory_space<semaphore_mem>>
      %dma_start3A_79 = tpu.memref_slice %arg23[%mul3A_6] : memref<10240xf32, #tpu.memory_space<vmem_shared>> -> memref<640xf32, #tpu.memory_space<vmem_shared>>
      %dma_start3A_80 = tpu.memref_slice %arg3[%mul3A_6] : memref<10240xf32, #tpu.memory_space<hbm>> -> memref<640xf32, #tpu.memory_space<hbm>>
      tpu.enqueue_dma source(%dma_start3A_80 : memref<640xf32, #tpu.memory_space<hbm>>) target(%dma_start3A_79 : memref<640xf32, #tpu.memory_space<vmem_shared>>) target_semaphore(%run_scoped3A_78 : memref<!tpu.dma_semaphore, #tpu.memory_space<semaphore_mem>>)
      %dma_wait3A_81 = tpu.memref_slice %arg23[%mul3A_6] : memref<10240xf32, #tpu.memory_space<vmem_shared>> -> memref<640xf32, #tpu.memory_space<vmem_shared>>
      %dma_wait3A_82 = tpu.memref_slice %arg3[%mul3A_6] : memref<10240xf32, #tpu.memory_space<hbm>> -> memref<640xf32, #tpu.memory_space<hbm>>
      tpu.wait_dma2 semaphore(%run_scoped3A_78 : memref<!tpu.dma_semaphore, #tpu.memory_space<semaphore_mem>>) src(%dma_wait3A_82 : memref<640xf32, #tpu.memory_space<hbm>>) dst(%dma_wait3A_81 : memref<640xf32, #tpu.memory_space<vmem_shared>>)
      tpu.yield
    }) : () -> ()
    %broadcast_in_dim3A = arith.constant 0.000000e+00 : f32
    %broadcast_in_dim3A_7 = vector.broadcast %broadcast_in_dim3A : f32 to vector<16xf32>
    %scan3A = arith.constant 0 : i32
    %scan3A_8 = arith.constant 640 : i32
    %scan3A_9 = arith.addi %scan3A, %scan3A_8 : i32
    %scan3A_10 = arith.constant 1 : i32
    scf.for %scan3A_78 = %scan3A to %scan3A_9 step %scan3A_10  : i32 {
      %mul3A_79 = arith.constant 1 : i32
      %mul3A_80 = arith.muli %scan3A_78, %mul3A_79 : i32
      %add3A_81 = arith.constant 0 : i32
      %add3A_82 = arith.addi %add3A_81, %mul3A_80 : i32
      %jit3A = arith.constant 8 : i32
      %div3A = arith.divsi %add3A_82, %jit3A : i32
      %sign3A = arith.constant 0 : i32
      %sign3A_83 = arith.cmpi sgt, %add3A_82, %sign3A : i32
      %sign3A_84 = arith.extui %sign3A_83 : i1 to i32
      %sign3A_85 = arith.constant 0 : i32
      %sign3A_86 = arith.cmpi slt, %add3A_82, %sign3A_85 : i32
      %sign3A_87 = arith.extui %sign3A_86 : i1 to i32
      %sign3A_88 = arith.subi %sign3A_84, %sign3A_87 : i32
      %sign3A_89 = arith.constant 0 : i32
      %sign3A_90 = arith.cmpi sgt, %jit3A, %sign3A_89 : i32
      %sign3A_91 = arith.extui %sign3A_90 : i1 to i32
      %sign3A_92 = arith.constant 0 : i32
      %sign3A_93 = arith.cmpi slt, %jit3A, %sign3A_92 : i32
      %sign3A_94 = arith.extui %sign3A_93 : i1 to i32
      %sign3A_95 = arith.subi %sign3A_91, %sign3A_94 : i32
      %ne3A = arith.cmpi ne, %sign3A_88, %sign3A_95 : i32
      %rem3A = arith.remsi %add3A_82, %jit3A : i32
      %ne3A_96 = arith.constant 0 : i32
      %ne3A_97 = arith.cmpi ne, %rem3A, %ne3A_96 : i32
      %and3A = arith.andi %ne3A, %ne3A_97 : i1
      %sub3A = arith.constant 1 : i32
      %sub3A_98 = arith.subi %div3A, %sub3A : i32
      %select_n3A = arith.select %and3A, %sub3A_98, %div3A : i32
      %jit3A_99 = arith.constant 8 : i32
      %eq3A_100 = arith.constant 0 : i32
      %eq3A_101 = arith.cmpi eq, %jit3A_99, %eq3A_100 : i32
      %jit3A_102 = arith.constant 1 : i32
      %select_n3A_103 = arith.select %eq3A_101, %jit3A_102, %jit3A_99 : i32
      %rem3A_104 = arith.remsi %add3A_82, %select_n3A_103 : i32
      %ne3A_105 = arith.constant 0 : i32
      %ne3A_106 = arith.cmpi ne, %rem3A_104, %ne3A_105 : i32
      %lt3A_107 = arith.constant 0 : i32
      %lt3A_108 = arith.cmpi slt, %rem3A_104, %lt3A_107 : i32
      %lt3A_109 = arith.constant 0 : i32
      %lt3A_110 = arith.cmpi slt, %select_n3A_103, %lt3A_109 : i32
      %ne3A_111 = arith.xori %lt3A_108, %lt3A_110 : i1
      %and3A_112 = arith.andi %ne3A_111, %ne3A_106 : i1
      %add3A_113 = arith.addi %rem3A_104, %select_n3A_103 : i32
      %select_n3A_114 = arith.select %and3A_112, %add3A_113, %rem3A_104 : i32
      %mul3A_115 = arith.constant 16 : i32
      %mul3A_116 = arith.muli %select_n3A_114, %mul3A_115 : i32
      %swap3A = arith.index_cast %select_n3A : i32 to index
      %swap3A_117 = arith.index_cast %mul3A_116 : i32 to index
      %swap3A_118 = tpu.vector_load %arg12[%swap3A, %swap3A_117] {strides = array<i32>} : memref<80x128xf32, #tpu.memory_space<vmem>>, vector<16xf32>,
      tpu.vector_store %arg12[%swap3A, %swap3A_117], %broadcast_in_dim3A_7 {strides = array<i32>} : memref<80x128xf32, #tpu.memory_space<vmem>>, vector<16xf32>,
    }
    %scan3A_11 = arith.constant 640 : i32
    %scan3A_12 = arith.constant 0 : i32
    %scan3A_13 = arith.constant 40 : i32
    %scan3A_14 = arith.addi %scan3A_12, %scan3A_13 : i32
    %scan3A_15 = arith.constant 1 : i32
    scf.for %scan3A_78 = %scan3A_12 to %scan3A_14 step %scan3A_15  : i32 {
      %mul3A_79 = arith.constant 1 : i32
      %mul3A_80 = arith.muli %scan3A_78, %mul3A_79 : i32
      %add3A_81 = arith.constant 0 : i32
      %add3A_82 = arith.addi %add3A_81, %mul3A_80 : i32
      %mul3A_83 = arith.constant 16 : i32
      %mul3A_84 = arith.muli %add3A_82, %mul3A_83 : i32
      %swap3A = arith.index_cast %mul3A_84 : i32 to index
      %swap3A_85 = tpu.vector_load %arg21[%swap3A] {strides = array<i32>} : memref<640xf32, #tpu.memory_space<vmem>>, vector<16xf32>,
      tpu.vector_store %arg21[%swap3A], %broadcast_in_dim3A_7 {strides = array<i32>} : memref<640xf32, #tpu.memory_space<vmem>>, vector<16xf32>,
    }
    %scan3A_16 = arith.constant 40 : i32
    "tpu.region"() ({
      %run_scoped3A_78 = tpu.sem_alloc : memref<!tpu.dma_semaphore, #tpu.memory_space<semaphore_mem>>
      %dma_start3A_79 = tpu.memref_slice %arg24[%mul3A_6] : memref<10240xf32, #tpu.memory_space<vmem_shared>> -> memref<640xf32, #tpu.memory_space<vmem_shared>>
      %dma_start3A_80 = tpu.memref_slice %arg24[%mul3A_6] : memref<10240xf32, #tpu.memory_space<vmem_shared>> -> memref<640xf32, #tpu.memory_space<vmem_shared>>
      tpu.enqueue_dma source(%arg21 : memref<640xf32, #tpu.memory_space<vmem>>) target(%dma_start3A_80 : memref<640xf32, #tpu.memory_space<vmem_shared>>) target_semaphore(%run_scoped3A_78 : memref<!tpu.dma_semaphore, #tpu.memory_space<semaphore_mem>>)
      %dma_wait3A_81 = tpu.memref_slice %arg24[%mul3A_6] : memref<10240xf32, #tpu.memory_space<vmem_shared>> -> memref<640xf32, #tpu.memory_space<vmem_shared>>
      %dma_wait3A_82 = tpu.memref_slice %arg24[%mul3A_6] : memref<10240xf32, #tpu.memory_space<vmem_shared>> -> memref<640xf32, #tpu.memory_space<vmem_shared>>
      tpu.wait_dma2 semaphore(%run_scoped3A_78 : memref<!tpu.dma_semaphore, #tpu.memory_space<semaphore_mem>>) src(%arg21 : memref<640xf32, #tpu.memory_space<vmem>>) dst(%dma_wait3A_82 : memref<640xf32, #tpu.memory_space<vmem_shared>>)
      tpu.yield
    }) : () -> ()
    %lt3A = arith.constant 15 : i32
    %lt3A_17 = arith.cmpi slt, %arg1, %lt3A : i32
    %convert_element_type3A = arith.extui %lt3A_17 : i1 to i32
    %cond3A = arith.constant 0 : i32
    %cond3A_18 = arith.cmpi ne, %convert_element_type3A, %cond3A : i32
    scf.if %cond3A_18 {
      %scan3A_78 = arith.constant 0 : i32
      %scan3A_79 = arith.constant 8 : i32
      %scan3A_80 = arith.addi %scan3A_78, %scan3A_79 : i32
      %scan3A_81 = arith.constant 1 : i32
      scf.for %scan3A_83 = %scan3A_78 to %scan3A_80 step %scan3A_81  : i32 {
        %mul3A_84 = arith.constant 1 : i32
        %mul3A_85 = arith.muli %scan3A_83, %mul3A_84 : i32
        %add3A_86 = arith.constant 0 : i32
        %add3A_87 = arith.addi %add3A_86, %mul3A_85 : i32
        %mul3A_88 = arith.constant 640 : i32
        %mul3A_89 = arith.muli %arg1, %mul3A_88 : i32
        %mul3A_90 = arith.constant 80 : i32
        %mul3A_91 = arith.muli %add3A_87, %mul3A_90 : i32
        %add3A_92 = arith.addi %mul3A_89, %mul3A_91 : i32
        "tpu.region"() ({
          %run_scoped3A_93 = tpu.sem_alloc : memref<!tpu.dma_semaphore, #tpu.memory_space<semaphore_mem>>
          %dma_start3A_94 = arith.constant 0 : i32
          %dma_start3A_95 = tpu.memref_slice %arg25[%add3A_92, %dma_start3A_94] : memref<10000x128xf32, #tpu.memory_space<vmem_shared>> -> memref<80x128xf32, #tpu.memory_space<vmem_shared>>
          %dma_start3A_96 = arith.constant 0 : i32
          %dma_start3A_97 = tpu.memref_slice %arg25[%add3A_92, %dma_start3A_96] : memref<10000x128xf32, #tpu.memory_space<vmem_shared>> -> memref<80x128xf32, #tpu.memory_space<vmem_shared>>
          tpu.enqueue_dma source(%arg12 : memref<80x128xf32, #tpu.memory_space<vmem>>) target(%dma_start3A_97 : memref<80x128xf32, #tpu.memory_space<vmem_shared>>) target_semaphore(%run_scoped3A_93 : memref<!tpu.dma_semaphore, #tpu.memory_space<semaphore_mem>>)
          %dma_wait3A_98 = arith.constant 0 : i32
          %dma_wait3A_99 = tpu.memref_slice %arg25[%add3A_92, %dma_wait3A_98] : memref<10000x128xf32, #tpu.memory_space<vmem_shared>> -> memref<80x128xf32, #tpu.memory_space<vmem_shared>>
          %dma_wait3A_100 = arith.constant 0 : i32
          %dma_wait3A_101 = tpu.memref_slice %arg25[%add3A_92, %dma_wait3A_100] : memref<10000x128xf32, #tpu.memory_space<vmem_shared>> -> memref<80x128xf32, #tpu.memory_space<vmem_shared>>
          tpu.wait_dma2 semaphore(%run_scoped3A_93 : memref<!tpu.dma_semaphore, #tpu.memory_space<semaphore_mem>>) src(%arg12 : memref<80x128xf32, #tpu.memory_space<vmem>>) dst(%dma_wait3A_101 : memref<80x128xf32, #tpu.memory_space<vmem_shared>>)
          tpu.yield
        }) : () -> ()
      }
      %scan3A_82 = arith.constant 8 : i32
    } else {
    }
    %eq3A = arith.constant 15 : i32
    %eq3A_19 = arith.cmpi eq, %arg1, %eq3A : i32
    %convert_element_type3A_20 = arith.extui %eq3A_19 : i1 to i32
    %cond3A_21 = arith.constant 0 : i32
    %cond3A_22 = arith.cmpi ne, %convert_element_type3A_20, %cond3A_21 : i32
    scf.if %cond3A_22 {
      %scan3A_78 = arith.constant 0 : i32
      %scan3A_79 = arith.constant 5 : i32
      %scan3A_80 = arith.addi %scan3A_78, %scan3A_79 : i32
      %scan3A_81 = arith.constant 1 : i32
      scf.for %scan3A_83 = %scan3A_78 to %scan3A_80 step %scan3A_81  : i32 {
        %mul3A_84 = arith.constant 1 : i32
        %mul3A_85 = arith.muli %scan3A_83, %mul3A_84 : i32
        %add3A_86 = arith.constant 0 : i32
        %add3A_87 = arith.addi %add3A_86, %mul3A_85 : i32
        %mul3A_88 = arith.constant 80 : i32
        %mul3A_89 = arith.muli %add3A_87, %mul3A_88 : i32
        %add3A_90 = arith.constant 9600 : i32
        %add3A_91 = arith.addi %add3A_90, %mul3A_89 : i32
        "tpu.region"() ({
          %run_scoped3A_92 = tpu.sem_alloc : memref<!tpu.dma_semaphore, #tpu.memory_space<semaphore_mem>>
          %dma_start3A_93 = arith.constant 0 : i32
          %dma_start3A_94 = tpu.memref_slice %arg25[%add3A_91, %dma_start3A_93] : memref<10000x128xf32, #tpu.memory_space<vmem_shared>> -> memref<80x128xf32, #tpu.memory_space<vmem_shared>>
          %dma_start3A_95 = arith.constant 0 : i32
          %dma_start3A_96 = tpu.memref_slice %arg25[%add3A_91, %dma_start3A_95] : memref<10000x128xf32, #tpu.memory_space<vmem_shared>> -> memref<80x128xf32, #tpu.memory_space<vmem_shared>>
          tpu.enqueue_dma source(%arg12 : memref<80x128xf32, #tpu.memory_space<vmem>>) target(%dma_start3A_96 : memref<80x128xf32, #tpu.memory_space<vmem_shared>>) target_semaphore(%run_scoped3A_92 : memref<!tpu.dma_semaphore, #tpu.memory_space<semaphore_mem>>)
          %dma_wait3A_97 = arith.constant 0 : i32
          %dma_wait3A_98 = tpu.memref_slice %arg25[%add3A_91, %dma_wait3A_97] : memref<10000x128xf32, #tpu.memory_space<vmem_shared>> -> memref<80x128xf32, #tpu.memory_space<vmem_shared>>
          %dma_wait3A_99 = arith.constant 0 : i32
          %dma_wait3A_100 = tpu.memref_slice %arg25[%add3A_91, %dma_wait3A_99] : memref<10000x128xf32, #tpu.memory_space<vmem_shared>> -> memref<80x128xf32, #tpu.memory_space<vmem_shared>>
          tpu.wait_dma2 semaphore(%run_scoped3A_92 : memref<!tpu.dma_semaphore, #tpu.memory_space<semaphore_mem>>) src(%arg12 : memref<80x128xf32, #tpu.memory_space<vmem>>) dst(%dma_wait3A_100 : memref<80x128xf32, #tpu.memory_space<vmem_shared>>)
          tpu.yield
        }) : () -> ()
      }
      %scan3A_82 = arith.constant 5 : i32
    } else {
    }
    %barrier3A = arith.constant 0 : index
    tpu.barrier barrier_id(%barrier3A)
    %dma_start3A = arith.constant 0 : i32
    %dma_start3A_23 = arith.constant 0 : i32
    %dma_start3A_24 = arith.constant 0 : i32
    %dma_start3A_25 = tpu.memref_slice %arg10[%dma_start3A, %dma_start3A_23, %dma_start3A_24] : memref<2x25x80xi32, #tpu.memory_space<vmem>> -> memref<1x1x80xi32, #tpu.memory_space<vmem>>
    %dma_start3A_26 = tpu.memref_squeeze %dma_start3A_25 : memref<1x1x80xi32, #tpu.memory_space<vmem>> -> memref<80xi32, #tpu.memory_space<vmem>>
    %dma_start3A_27 = arith.constant 0 : i32
    %dma_start3A_28 = arith.constant 0 : i32
    %dma_start3A_29 = tpu.memref_slice %arg7[%dma_start3A_27, %dma_start3A_28] : memref<10000x128xf32, #tpu.memory_space<hbm>> -> memref<10000x128xf32, #tpu.memory_space<hbm>>
    tpu.enqueue_indirect_dma source(%dma_start3A_29 : memref<10000x128xf32, #tpu.memory_space<hbm>>) target(%arg12 : memref<80x128xf32, #tpu.memory_space<vmem>>) offsets(%dma_start3A_26 : memref<80xi32, #tpu.memory_space<vmem>>) semaphore(%arg26 : memref<!tpu.dma_semaphore, #tpu.memory_space<semaphore_mem>>)
    %dma_start3A_30 = arith.constant 0 : i32
    %dma_start3A_31 = arith.constant 0 : i32
    %dma_start3A_32 = arith.constant 0 : i32
    %dma_start3A_33 = tpu.memref_slice %arg10[%dma_start3A_30, %dma_start3A_31, %dma_start3A_32] : memref<2x25x80xi32, #tpu.memory_space<vmem>> -> memref<1x1x80xi32, #tpu.memory_space<vmem>>
    %dma_start3A_34 = tpu.memref_squeeze %dma_start3A_33 : memref<1x1x80xi32, #tpu.memory_space<vmem>> -> memref<80xi32, #tpu.memory_space<vmem>>
    %dma_start3A_35 = arith.constant 0 : i32
    %dma_start3A_36 = tpu.memref_slice %arg22[%dma_start3A_35] : memref<10240xf32, #tpu.memory_space<vmem_shared>> -> memref<10240xf32, #tpu.memory_space<vmem_shared>>
    tpu.enqueue_indirect_dma source(%dma_start3A_36 : memref<10240xf32, #tpu.memory_space<vmem_shared>>) target(%arg14 : memref<80xf32, #tpu.memory_space<vmem>>) offsets(%dma_start3A_34 : memref<80xi32, #tpu.memory_space<vmem>>) semaphore(%arg28 : memref<!tpu.dma_semaphore, #tpu.memory_space<semaphore_mem>>)
    %dma_start3A_37 = arith.constant 0 : i32
    %dma_start3A_38 = arith.constant 0 : i32
    %dma_start3A_39 = arith.constant 0 : i32
    %dma_start3A_40 = tpu.memref_slice %arg11[%dma_start3A_37, %dma_start3A_38, %dma_start3A_39] : memref<2x25x80xi32, #tpu.memory_space<vmem>> -> memref<1x1x80xi32, #tpu.memory_space<vmem>>
    %dma_start3A_41 = tpu.memref_squeeze %dma_start3A_40 : memref<1x1x80xi32, #tpu.memory_space<vmem>> -> memref<80xi32, #tpu.memory_space<vmem>>
    %dma_start3A_42 = arith.constant 0 : i32
    %dma_start3A_43 = tpu.memref_slice %arg23[%dma_start3A_42] : memref<10240xf32, #tpu.memory_space<vmem_shared>> -> memref<10240xf32, #tpu.memory_space<vmem_shared>>
    tpu.enqueue_indirect_dma source(%dma_start3A_43 : memref<10240xf32, #tpu.memory_space<vmem_shared>>) target(%arg16 : memref<80xf32, #tpu.memory_space<vmem>>) offsets(%dma_start3A_41 : memref<80xi32, #tpu.memory_space<vmem>>) semaphore(%arg28 : memref<!tpu.dma_semaphore, #tpu.memory_space<semaphore_mem>>)
    %scan3A_44 = arith.constant 0 : i32
    %scan3A_45 = arith.constant 63 : i32
    %scan3A_46 = arith.addi %scan3A_44, %scan3A_45 : i32
    %scan3A_47 = arith.constant 1 : i32
    scf.for %scan3A_78 = %scan3A_44 to %scan3A_46 step %scan3A_47  : i32 {
      %mul3A_79 = arith.constant 2 : i32
      %mul3A_80 = arith.muli %scan3A_78, %mul3A_79 : i32
      %add3A_81 = arith.constant 0 : i32
      %add3A_82 = arith.addi %add3A_81, %mul3A_80 : i32
      %lt3A_83 = arith.constant 125 : i32
      %lt3A_84 = arith.cmpi slt, %add3A_82, %lt3A_83 : i32
      %convert_element_type3A_85 = arith.extui %lt3A_84 : i1 to i32
      %cond3A_86 = arith.constant 0 : i32
      %cond3A_87 = arith.cmpi ne, %convert_element_type3A_85, %cond3A_86 : i32
      scf.if %cond3A_87 {
        %jit3A_236 = arith.constant 25 : i32
        %div3A = arith.divsi %add3A_82, %jit3A_236 : i32
        %sign3A = arith.constant 0 : i32
        %sign3A_237 = arith.cmpi sgt, %add3A_82, %sign3A : i32
        %sign3A_238 = arith.extui %sign3A_237 : i1 to i32
        %sign3A_239 = arith.constant 0 : i32
        %sign3A_240 = arith.cmpi slt, %add3A_82, %sign3A_239 : i32
        %sign3A_241 = arith.extui %sign3A_240 : i1 to i32
        %sign3A_242 = arith.subi %sign3A_238, %sign3A_241 : i32
        %sign3A_243 = arith.constant 0 : i32
        %sign3A_244 = arith.cmpi sgt, %jit3A_236, %sign3A_243 : i32
        %sign3A_245 = arith.extui %sign3A_244 : i1 to i32
        %sign3A_246 = arith.constant 0 : i32
        %sign3A_247 = arith.cmpi slt, %jit3A_236, %sign3A_246 : i32
        %sign3A_248 = arith.extui %sign3A_247 : i1 to i32
        %sign3A_249 = arith.subi %sign3A_245, %sign3A_248 : i32
        %ne3A_250 = arith.cmpi ne, %sign3A_242, %sign3A_249 : i32
        %rem3A_251 = arith.remsi %add3A_82, %jit3A_236 : i32
        %ne3A_252 = arith.constant 0 : i32
        %ne3A_253 = arith.cmpi ne, %rem3A_251, %ne3A_252 : i32
        %and3A_254 = arith.andi %ne3A_250, %ne3A_253 : i1
        %sub3A = arith.constant 1 : i32
        %sub3A_255 = arith.subi %div3A, %sub3A : i32
        %select_n3A_256 = arith.select %and3A_254, %sub3A_255, %div3A : i32
        %jit3A_257 = arith.constant 2 : i32
        %eq3A_258 = arith.constant 0 : i32
        %eq3A_259 = arith.cmpi eq, %jit3A_257, %eq3A_258 : i32
        %jit3A_260 = arith.constant 1 : i32
        %select_n3A_261 = arith.select %eq3A_259, %jit3A_260, %jit3A_257 : i32
        %rem3A_262 = arith.remsi %select_n3A_256, %select_n3A_261 : i32
        %ne3A_263 = arith.constant 0 : i32
        %ne3A_264 = arith.cmpi ne, %rem3A_262, %ne3A_263 : i32
        %lt3A_265 = arith.constant 0 : i32
        %lt3A_266 = arith.cmpi slt, %rem3A_262, %lt3A_265 : i32
        %lt3A_267 = arith.constant 0 : i32
        %lt3A_268 = arith.cmpi slt, %select_n3A_261, %lt3A_267 : i32
        %ne3A_269 = arith.xori %lt3A_266, %lt3A_268 : i1
        %and3A_270 = arith.andi %ne3A_269, %ne3A_264 : i1
        %add3A_271 = arith.addi %rem3A_262, %select_n3A_261 : i32
        %select_n3A_272 = arith.select %and3A_270, %add3A_271, %rem3A_262 : i32
        %jit3A_273 = arith.constant 25 : i32
        %eq3A_274 = arith.constant 0 : i32
        %eq3A_275 = arith.cmpi eq, %jit3A_273, %eq3A_274 : i32
        %jit3A_276 = arith.constant 1 : i32
        %select_n3A_277 = arith.select %eq3A_275, %jit3A_276, %jit3A_273 : i32
        %rem3A_278 = arith.remsi %add3A_82, %select_n3A_277 : i32
        %ne3A_279 = arith.constant 0 : i32
        %ne3A_280 = arith.cmpi ne, %rem3A_278, %ne3A_279 : i32
        %lt3A_281 = arith.constant 0 : i32
        %lt3A_282 = arith.cmpi slt, %rem3A_278, %lt3A_281 : i32
        %lt3A_283 = arith.constant 0 : i32
        %lt3A_284 = arith.cmpi slt, %select_n3A_277, %lt3A_283 : i32
        %ne3A_285 = arith.xori %lt3A_282, %lt3A_284 : i1
        %and3A_286 = arith.andi %ne3A_285, %ne3A_280 : i1
        %add3A_287 = arith.addi %rem3A_278, %select_n3A_277 : i32
        %select_n3A_288 = arith.select %and3A_286, %add3A_287, %rem3A_278 : i32
        %dma_wait3A_289 = arith.constant 0 : i32
        %dma_wait3A_290 = tpu.memref_slice %arg10[%select_n3A_272, %select_n3A_288, %dma_wait3A_289] : memref<2x25x80xi32, #tpu.memory_space<vmem>> -> memref<1x1x80xi32, #tpu.memory_space<vmem>>
        %dma_wait3A_291 = tpu.memref_squeeze %dma_wait3A_290 : memref<1x1x80xi32, #tpu.memory_space<vmem>> -> memref<80xi32, #tpu.memory_space<vmem>>
        %dma_wait3A_292 = arith.constant 0 : i32
        %dma_wait3A_293 = tpu.memref_slice %arg22[%dma_wait3A_292] : memref<10240xf32, #tpu.memory_space<vmem_shared>> -> memref<10240xf32, #tpu.memory_space<vmem_shared>>
        tpu.wait_indirect_dma semaphore(%arg28 : memref<!tpu.dma_semaphore, #tpu.memory_space<semaphore_mem>>) src(%dma_wait3A_293 : memref<10240xf32, #tpu.memory_space<vmem_shared>>) dst(%arg14 : memref<80xf32, #tpu.memory_space<vmem>>)
        %jit3A_294 = arith.constant 25 : i32
        %div3A_295 = arith.divsi %add3A_82, %jit3A_294 : i32
        %sign3A_296 = arith.constant 0 : i32
        %sign3A_297 = arith.cmpi sgt, %add3A_82, %sign3A_296 : i32
        %sign3A_298 = arith.extui %sign3A_297 : i1 to i32
        %sign3A_299 = arith.constant 0 : i32
        %sign3A_300 = arith.cmpi slt, %add3A_82, %sign3A_299 : i32
        %sign3A_301 = arith.extui %sign3A_300 : i1 to i32
        %sign3A_302 = arith.subi %sign3A_298, %sign3A_301 : i32
        %sign3A_303 = arith.constant 0 : i32
        %sign3A_304 = arith.cmpi sgt, %jit3A_294, %sign3A_303 : i32
        %sign3A_305 = arith.extui %sign3A_304 : i1 to i32
        %sign3A_306 = arith.constant 0 : i32
        %sign3A_307 = arith.cmpi slt, %jit3A_294, %sign3A_306 : i32
        %sign3A_308 = arith.extui %sign3A_307 : i1 to i32
        %sign3A_309 = arith.subi %sign3A_305, %sign3A_308 : i32
        %ne3A_310 = arith.cmpi ne, %sign3A_302, %sign3A_309 : i32
        %rem3A_311 = arith.remsi %add3A_82, %jit3A_294 : i32
        %ne3A_312 = arith.constant 0 : i32
        %ne3A_313 = arith.cmpi ne, %rem3A_311, %ne3A_312 : i32
        %and3A_314 = arith.andi %ne3A_310, %ne3A_313 : i1
        %sub3A_315 = arith.constant 1 : i32
        %sub3A_316 = arith.subi %div3A_295, %sub3A_315 : i32
        %select_n3A_317 = arith.select %and3A_314, %sub3A_316, %div3A_295 : i32
        %jit3A_318 = arith.constant 2 : i32
        %eq3A_319 = arith.constant 0 : i32
        %eq3A_320 = arith.cmpi eq, %jit3A_318, %eq3A_319 : i32
        %jit3A_321 = arith.constant 1 : i32
        %select_n3A_322 = arith.select %eq3A_320, %jit3A_321, %jit3A_318 : i32
        %rem3A_323 = arith.remsi %select_n3A_317, %select_n3A_322 : i32
        %ne3A_324 = arith.constant 0 : i32
        %ne3A_325 = arith.cmpi ne, %rem3A_323, %ne3A_324 : i32
        %lt3A_326 = arith.constant 0 : i32
        %lt3A_327 = arith.cmpi slt, %rem3A_323, %lt3A_326 : i32
        %lt3A_328 = arith.constant 0 : i32
        %lt3A_329 = arith.cmpi slt, %select_n3A_322, %lt3A_328 : i32
        %ne3A_330 = arith.xori %lt3A_327, %lt3A_329 : i1
        %and3A_331 = arith.andi %ne3A_330, %ne3A_325 : i1
        %add3A_332 = arith.addi %rem3A_323, %select_n3A_322 : i32
        %select_n3A_333 = arith.select %and3A_331, %add3A_332, %rem3A_323 : i32
        %jit3A_334 = arith.constant 25 : i32
        %eq3A_335 = arith.constant 0 : i32
        %eq3A_336 = arith.cmpi eq, %jit3A_334, %eq3A_335 : i32
        %jit3A_337 = arith.constant 1 : i32
        %select_n3A_338 = arith.select %eq3A_336, %jit3A_337, %jit3A_334 : i32
        %rem3A_339 = arith.remsi %add3A_82, %select_n3A_338 : i32
        %ne3A_340 = arith.constant 0 : i32
        %ne3A_341 = arith.cmpi ne, %rem3A_339, %ne3A_340 : i32
        %lt3A_342 = arith.constant 0 : i32
        %lt3A_343 = arith.cmpi slt, %rem3A_339, %lt3A_342 : i32
        %lt3A_344 = arith.constant 0 : i32
        %lt3A_345 = arith.cmpi slt, %select_n3A_338, %lt3A_344 : i32
        %ne3A_346 = arith.xori %lt3A_343, %lt3A_345 : i1
        %and3A_347 = arith.andi %ne3A_346, %ne3A_341 : i1
        %add3A_348 = arith.addi %rem3A_339, %select_n3A_338 : i32
        %select_n3A_349 = arith.select %and3A_347, %add3A_348, %rem3A_339 : i32
        %dma_wait3A_350 = arith.constant 0 : i32
        %dma_wait3A_351 = tpu.memref_slice %arg11[%select_n3A_333, %select_n3A_349, %dma_wait3A_350] : memref<2x25x80xi32, #tpu.memory_space<vmem>> -> memref<1x1x80xi32, #tpu.memory_space<vmem>>
        %dma_wait3A_352 = tpu.memref_squeeze %dma_wait3A_351 : memref<1x1x80xi32, #tpu.memory_space<vmem>> -> memref<80xi32, #tpu.memory_space<vmem>>
        %dma_wait3A_353 = arith.constant 0 : i32
        %dma_wait3A_354 = tpu.memref_slice %arg23[%dma_wait3A_353] : memref<10240xf32, #tpu.memory_space<vmem_shared>> -> memref<10240xf32, #tpu.memory_space<vmem_shared>>
        tpu.wait_indirect_dma semaphore(%arg28 : memref<!tpu.dma_semaphore, #tpu.memory_space<semaphore_mem>>) src(%dma_wait3A_354 : memref<10240xf32, #tpu.memory_space<vmem_shared>>) dst(%arg16 : memref<80xf32, #tpu.memory_space<vmem>>)
        %ge3A_355 = arith.constant 2 : i32
        %ge3A_356 = arith.cmpi sge, %add3A_82, %ge3A_355 : i32
        %convert_element_type3A_357 = arith.extui %ge3A_356 : i1 to i32
        %cond3A_358 = arith.constant 0 : i32
        %cond3A_359 = arith.cmpi ne, %convert_element_type3A_357, %cond3A_358 : i32
        scf.if %cond3A_359 {
          %dma_wait3A_538 = arith.constant 0 : i32
          %dma_wait3A_539 = arith.constant 0 : i32
          %dma_wait3A_540 = arith.constant 0 : i32
          %dma_wait3A_541 = tpu.memref_slice %arg11[%dma_wait3A_538, %dma_wait3A_539, %dma_wait3A_540] : memref<2x25x80xi32, #tpu.memory_space<vmem>> -> memref<1x1x80xi32, #tpu.memory_space<vmem>>
          %dma_wait3A_542 = tpu.memref_squeeze %dma_wait3A_541 : memref<1x1x80xi32, #tpu.memory_space<vmem>> -> memref<80xi32, #tpu.memory_space<vmem>>
          %dma_wait3A_543 = arith.constant 0 : i32
          %dma_wait3A_544 = tpu.memref_slice %arg24[%dma_wait3A_543] : memref<10240xf32, #tpu.memory_space<vmem_shared>> -> memref<10240xf32, #tpu.memory_space<vmem_shared>>
          tpu.wait_indirect_dma semaphore(%arg32 : memref<!tpu.dma_semaphore, #tpu.memory_space<semaphore_mem>>) src(%arg18 : memref<80xf32, #tpu.memory_space<vmem>>) dst(%dma_wait3A_544 : memref<10240xf32, #tpu.memory_space<vmem_shared>>)
        } else {
        }
        %get3A_360 = arith.constant 0 : index
        %get3A_361 = tpu.vector_load %arg16[%get3A_360] {strides = array<i32>} : memref<80xf32, #tpu.memory_space<vmem>>, vector<16xf32>,
        %get3A_362 = arith.constant 0 : index
        %get3A_363 = tpu.vector_load %arg14[%get3A_362] {strides = array<i32>} : memref<80xf32, #tpu.memory_space<vmem>>, vector<16xf32>,
        %add3A_364 = arith.addf %get3A_363, %get3A_361 : vector<16xf32>
        %gt3A = arith.constant 0.000000e+00 : f32
        %gt3A_365 = vector.broadcast %gt3A : f32 to vector<16xf32>
        %gt3A_366 = arith.cmpf ogt, %add3A_364, %gt3A_365 : vector<16xf32>
        %mul3A_367 = arith.constant 0.00999999977 : f32
        %mul3A_368 = vector.broadcast %mul3A_367 : f32 to vector<16xf32>
        %mul3A_369 = arith.mulf %mul3A_368, %add3A_364 : vector<16xf32>
        %select_n3A_370 = arith.select %gt3A_366, %add3A_364, %mul3A_369 : vector<16xi1>, vector<16xf32>
        %add3A_371 = arith.addf %get3A_4, %get3A_361 : vector<16xf32>
        %gt3A_372 = arith.constant 0.000000e+00 : f32
        %gt3A_373 = vector.broadcast %gt3A_372 : f32 to vector<16xf32>
        %gt3A_374 = arith.cmpf ogt, %add3A_371, %gt3A_373 : vector<16xf32>
        %mul3A_375 = arith.constant 0.00999999977 : f32
        %mul3A_376 = vector.broadcast %mul3A_375 : f32 to vector<16xf32>
        %mul3A_377 = arith.mulf %mul3A_376, %add3A_371 : vector<16xf32>
        %select_n3A_378 = arith.select %gt3A_374, %add3A_371, %mul3A_377 : vector<16xi1>, vector<16xf32>
        %sub3A_379 = arith.subf %select_n3A_370, %select_n3A_378 : vector<16xf32>
        %exp3A = math.exp %sub3A_379 : vector<16xf32>
        %swap3A = arith.constant 0 : index
        %swap3A_380 = tpu.vector_load %arg18[%swap3A] {strides = array<i32>} : memref<80xf32, #tpu.memory_space<vmem>>, vector<16xf32>,
        tpu.vector_store %arg18[%swap3A], %exp3A {strides = array<i32>} : memref<80xf32, #tpu.memory_space<vmem>>, vector<16xf32>,
        %get3A_381 = arith.constant 16 : index
        %get3A_382 = tpu.vector_load %arg16[%get3A_381] {strides = array<i32>} : memref<80xf32, #tpu.memory_space<vmem>>, vector<16xf32>,
        %get3A_383 = arith.constant 16 : index
        %get3A_384 = tpu.vector_load %arg14[%get3A_383] {strides = array<i32>} : memref<80xf32, #tpu.memory_space<vmem>>, vector<16xf32>,
        %add3A_385 = arith.addf %get3A_384, %get3A_382 : vector<16xf32>
        %gt3A_386 = arith.constant 0.000000e+00 : f32
        %gt3A_387 = vector.broadcast %gt3A_386 : f32 to vector<16xf32>
        %gt3A_388 = arith.cmpf ogt, %add3A_385, %gt3A_387 : vector<16xf32>
        %mul3A_389 = arith.constant 0.00999999977 : f32
        %mul3A_390 = vector.broadcast %mul3A_389 : f32 to vector<16xf32>
        %mul3A_391 = arith.mulf %mul3A_390, %add3A_385 : vector<16xf32>
        %select_n3A_392 = arith.select %gt3A_388, %add3A_385, %mul3A_391 : vector<16xi1>, vector<16xf32>
        %add3A_393 = arith.addf %get3A_4, %get3A_382 : vector<16xf32>
        %gt3A_394 = arith.constant 0.000000e+00 : f32
        %gt3A_395 = vector.broadcast %gt3A_394 : f32 to vector<16xf32>
        %gt3A_396 = arith.cmpf ogt, %add3A_393, %gt3A_395 : vector<16xf32>
        %mul3A_397 = arith.constant 0.00999999977 : f32
        %mul3A_398 = vector.broadcast %mul3A_397 : f32 to vector<16xf32>
        %mul3A_399 = arith.mulf %mul3A_398, %add3A_393 : vector<16xf32>
        %select_n3A_400 = arith.select %gt3A_396, %add3A_393, %mul3A_399 : vector<16xi1>, vector<16xf32>
        %sub3A_401 = arith.subf %select_n3A_392, %select_n3A_400 : vector<16xf32>
        %exp3A_402 = math.exp %sub3A_401 : vector<16xf32>
        %swap3A_403 = arith.constant 16 : index
        %swap3A_404 = tpu.vector_load %arg18[%swap3A_403] {strides = array<i32>} : memref<80xf32, #tpu.memory_space<vmem>>, vector<16xf32>,
        tpu.vector_store %arg18[%swap3A_403], %exp3A_402 {strides = array<i32>} : memref<80xf32, #tpu.memory_space<vmem>>, vector<16xf32>,
        %get3A_405 = arith.constant 32 : index
        %get3A_406 = tpu.vector_load %arg16[%get3A_405] {strides = array<i32>} : memref<80xf32, #tpu.memory_space<vmem>>, vector<16xf32>,
        %get3A_407 = arith.constant 32 : index
        %get3A_408 = tpu.vector_load %arg14[%get3A_407] {strides = array<i32>} : memref<80xf32, #tpu.memory_space<vmem>>, vector<16xf32>,
        %add3A_409 = arith.addf %get3A_408, %get3A_406 : vector<16xf32>
        %gt3A_410 = arith.constant 0.000000e+00 : f32
        %gt3A_411 = vector.broadcast %gt3A_410 : f32 to vector<16xf32>
        %gt3A_412 = arith.cmpf ogt, %add3A_409, %gt3A_411 : vector<16xf32>
        %mul3A_413 = arith.constant 0.00999999977 : f32
        %mul3A_414 = vector.broadcast %mul3A_413 : f32 to vector<16xf32>
        %mul3A_415 = arith.mulf %mul3A_414, %add3A_409 : vector<16xf32>
        %select_n3A_416 = arith.select %gt3A_412, %add3A_409, %mul3A_415 : vector<16xi1>, vector<16xf32>
        %add3A_417 = arith.addf %get3A_4, %get3A_406 : vector<16xf32>
        %gt3A_418 = arith.constant 0.000000e+00 : f32
        %gt3A_419 = vector.broadcast %gt3A_418 : f32 to vector<16xf32>
        %gt3A_420 = arith.cmpf ogt, %add3A_417, %gt3A_419 : vector<16xf32>
        %mul3A_421 = arith.constant 0.00999999977 : f32
        %mul3A_422 = vector.broadcast %mul3A_421 : f32 to vector<16xf32>
        %mul3A_423 = arith.mulf %mul3A_422, %add3A_417 : vector<16xf32>
        %select_n3A_424 = arith.select %gt3A_420, %add3A_417, %mul3A_423 : vector<16xi1>, vector<16xf32>
        %sub3A_425 = arith.subf %select_n3A_416, %select_n3A_424 : vector<16xf32>
        %exp3A_426 = math.exp %sub3A_425 : vector<16xf32>
        %swap3A_427 = arith.constant 32 : index
        %swap3A_428 = tpu.vector_load %arg18[%swap3A_427] {strides = array<i32>} : memref<80xf32, #tpu.memory_space<vmem>>, vector<16xf32>,
        tpu.vector_store %arg18[%swap3A_427], %exp3A_426 {strides = array<i32>} : memref<80xf32, #tpu.memory_space<vmem>>, vector<16xf32>,
        %get3A_429 = arith.constant 48 : index
        %get3A_430 = tpu.vector_load %arg16[%get3A_429] {strides = array<i32>} : memref<80xf32, #tpu.memory_space<vmem>>, vector<16xf32>,
        %get3A_431 = arith.constant 48 : index
        %get3A_432 = tpu.vector_load %arg14[%get3A_431] {strides = array<i32>} : memref<80xf32, #tpu.memory_space<vmem>>, vector<16xf32>,
        %add3A_433 = arith.addf %get3A_432, %get3A_430 : vector<16xf32>
        %gt3A_434 = arith.constant 0.000000e+00 : f32
        %gt3A_435 = vector.broadcast %gt3A_434 : f32 to vector<16xf32>
        %gt3A_436 = arith.cmpf ogt, %add3A_433, %gt3A_435 : vector<16xf32>
        %mul3A_437 = arith.constant 0.00999999977 : f32
        %mul3A_438 = vector.broadcast %mul3A_437 : f32 to vector<16xf32>
        %mul3A_439 = arith.mulf %mul3A_438, %add3A_433 : vector<16xf32>
        %select_n3A_440 = arith.select %gt3A_436, %add3A_433, %mul3A_439 : vector<16xi1>, vector<16xf32>
        %add3A_441 = arith.addf %get3A_4, %get3A_430 : vector<16xf32>
        %gt3A_442 = arith.constant 0.000000e+00 : f32
        %gt3A_443 = vector.broadcast %gt3A_442 : f32 to vector<16xf32>
        %gt3A_444 = arith.cmpf ogt, %add3A_441, %gt3A_443 : vector<16xf32>
        %mul3A_445 = arith.constant 0.00999999977 : f32
        %mul3A_446 = vector.broadcast %mul3A_445 : f32 to vector<16xf32>
        %mul3A_447 = arith.mulf %mul3A_446, %add3A_441 : vector<16xf32>
        %select_n3A_448 = arith.select %gt3A_444, %add3A_441, %mul3A_447 : vector<16xi1>, vector<16xf32>
        %sub3A_449 = arith.subf %select_n3A_440, %select_n3A_448 : vector<16xf32>
        %exp3A_450 = math.exp %sub3A_449 : vector<16xf32>
        %swap3A_451 = arith.constant 48 : index
        %swap3A_452 = tpu.vector_load %arg18[%swap3A_451] {strides = array<i32>} : memref<80xf32, #tpu.memory_space<vmem>>, vector<16xf32>,
        tpu.vector_store %arg18[%swap3A_451], %exp3A_450 {strides = array<i32>} : memref<80xf32, #tpu.memory_space<vmem>>, vector<16xf32>,
        %get3A_453 = arith.constant 64 : index
        %get3A_454 = tpu.vector_load %arg16[%get3A_453] {strides = array<i32>} : memref<80xf32, #tpu.memory_space<vmem>>, vector<16xf32>,
        %get3A_455 = arith.constant 64 : index
        %get3A_456 = tpu.vector_load %arg14[%get3A_455] {strides = array<i32>} : memref<80xf32, #tpu.memory_space<vmem>>, vector<16xf32>,
        %add3A_457 = arith.addf %get3A_456, %get3A_454 : vector<16xf32>
        %gt3A_458 = arith.constant 0.000000e+00 : f32
        %gt3A_459 = vector.broadcast %gt3A_458 : f32 to vector<16xf32>
        %gt3A_460 = arith.cmpf ogt, %add3A_457, %gt3A_459 : vector<16xf32>
        %mul3A_461 = arith.constant 0.00999999977 : f32
        %mul3A_462 = vector.broadcast %mul3A_461 : f32 to vector<16xf32>
        %mul3A_463 = arith.mulf %mul3A_462, %add3A_457 : vector<16xf32>
        %select_n3A_464 = arith.select %gt3A_460, %add3A_457, %mul3A_463 : vector<16xi1>, vector<16xf32>
        %add3A_465 = arith.addf %get3A_4, %get3A_454 : vector<16xf32>
        %gt3A_466 = arith.constant 0.000000e+00 : f32
        %gt3A_467 = vector.broadcast %gt3A_466 : f32 to vector<16xf32>
        %gt3A_468 = arith.cmpf ogt, %add3A_465, %gt3A_467 : vector<16xf32>
        %mul3A_469 = arith.constant 0.00999999977 : f32
        %mul3A_470 = vector.broadcast %mul3A_469 : f32 to vector<16xf32>
        %mul3A_471 = arith.mulf %mul3A_470, %add3A_465 : vector<16xf32>
        %select_n3A_472 = arith.select %gt3A_468, %add3A_465, %mul3A_471 : vector<16xi1>, vector<16xf32>
        %sub3A_473 = arith.subf %select_n3A_464, %select_n3A_472 : vector<16xf32>
        %exp3A_474 = math.exp %sub3A_473 : vector<16xf32>
        %swap3A_475 = arith.constant 64 : index
        %swap3A_476 = tpu.vector_load %arg18[%swap3A_475] {strides = array<i32>} : memref<80xf32, #tpu.memory_space<vmem>>, vector<16xf32>,
        tpu.vector_store %arg18[%swap3A_475], %exp3A_474 {strides = array<i32>} : memref<80xf32, #tpu.memory_space<vmem>>, vector<16xf32>,
        %jit3A_477 = arith.constant 25 : i32
        %div3A_478 = arith.divsi %add3A_82, %jit3A_477 : i32
        %sign3A_479 = arith.constant 0 : i32
        %sign3A_480 = arith.cmpi sgt, %add3A_82, %sign3A_479 : i32
        %sign3A_481 = arith.extui %sign3A_480 : i1 to i32
        %sign3A_482 = arith.constant 0 : i32
        %sign3A_483 = arith.cmpi slt, %add3A_82, %sign3A_482 : i32
        %sign3A_484 = arith.extui %sign3A_483 : i1 to i32
        %sign3A_485 = arith.subi %sign3A_481, %sign3A_484 : i32
        %sign3A_486 = arith.constant 0 : i32
        %sign3A_487 = arith.cmpi sgt, %jit3A_477, %sign3A_486 : i32
        %sign3A_488 = arith.extui %sign3A_487 : i1 to i32
        %sign3A_489 = arith.constant 0 : i32
        %sign3A_490 = arith.cmpi slt, %jit3A_477, %sign3A_489 : i32
        %sign3A_491 = arith.extui %sign3A_490 : i1 to i32
        %sign3A_492 = arith.subi %sign3A_488, %sign3A_491 : i32
        %ne3A_493 = arith.cmpi ne, %sign3A_485, %sign3A_492 : i32
        %rem3A_494 = arith.remsi %add3A_82, %jit3A_477 : i32
        %ne3A_495 = arith.constant 0 : i32
        %ne3A_496 = arith.cmpi ne, %rem3A_494, %ne3A_495 : i32
        %and3A_497 = arith.andi %ne3A_493, %ne3A_496 : i1
        %sub3A_498 = arith.constant 1 : i32
        %sub3A_499 = arith.subi %div3A_478, %sub3A_498 : i32
        %select_n3A_500 = arith.select %and3A_497, %sub3A_499, %div3A_478 : i32
        %jit3A_501 = arith.constant 2 : i32
        %eq3A_502 = arith.constant 0 : i32
        %eq3A_503 = arith.cmpi eq, %jit3A_501, %eq3A_502 : i32
        %jit3A_504 = arith.constant 1 : i32
        %select_n3A_505 = arith.select %eq3A_503, %jit3A_504, %jit3A_501 : i32
        %rem3A_506 = arith.remsi %select_n3A_500, %select_n3A_505 : i32
        %ne3A_507 = arith.constant 0 : i32
        %ne3A_508 = arith.cmpi ne, %rem3A_506, %ne3A_507 : i32
        %lt3A_509 = arith.constant 0 : i32
        %lt3A_510 = arith.cmpi slt, %rem3A_506, %lt3A_509 : i32
        %lt3A_511 = arith.constant 0 : i32
        %lt3A_512 = arith.cmpi slt, %select_n3A_505, %lt3A_511 : i32
        %ne3A_513 = arith.xori %lt3A_510, %lt3A_512 : i1
        %and3A_514 = arith.andi %ne3A_513, %ne3A_508 : i1
        %add3A_515 = arith.addi %rem3A_506, %select_n3A_505 : i32
        %select_n3A_516 = arith.select %and3A_514, %add3A_515, %rem3A_506 : i32
        %jit3A_517 = arith.constant 25 : i32
        %eq3A_518 = arith.constant 0 : i32
        %eq3A_519 = arith.cmpi eq, %jit3A_517, %eq3A_518 : i32
        %jit3A_520 = arith.constant 1 : i32
        %select_n3A_521 = arith.select %eq3A_519, %jit3A_520, %jit3A_517 : i32
        %rem3A_522 = arith.remsi %add3A_82, %select_n3A_521 : i32
        %ne3A_523 = arith.constant 0 : i32
        %ne3A_524 = arith.cmpi ne, %rem3A_522, %ne3A_523 : i32
        %lt3A_525 = arith.constant 0 : i32
        %lt3A_526 = arith.cmpi slt, %rem3A_522, %lt3A_525 : i32
        %lt3A_527 = arith.constant 0 : i32
        %lt3A_528 = arith.cmpi slt, %select_n3A_521, %lt3A_527 : i32
        %ne3A_529 = arith.xori %lt3A_526, %lt3A_528 : i1
        %and3A_530 = arith.andi %ne3A_529, %ne3A_524 : i1
        %add3A_531 = arith.addi %rem3A_522, %select_n3A_521 : i32
        %select_n3A_532 = arith.select %and3A_530, %add3A_531, %rem3A_522 : i32
        %dma_start3A_533 = arith.constant 0 : i32
        %dma_start3A_534 = tpu.memref_slice %arg11[%select_n3A_516, %select_n3A_532, %dma_start3A_533] : memref<2x25x80xi32, #tpu.memory_space<vmem>> -> memref<1x1x80xi32, #tpu.memory_space<vmem>>
        %dma_start3A_535 = tpu.memref_squeeze %dma_start3A_534 : memref<1x1x80xi32, #tpu.memory_space<vmem>> -> memref<80xi32, #tpu.memory_space<vmem>>
        %dma_start3A_536 = arith.constant 0 : i32
        %dma_start3A_537 = tpu.memref_slice %arg24[%dma_start3A_536] : memref<10240xf32, #tpu.memory_space<vmem_shared>> -> memref<10240xf32, #tpu.memory_space<vmem_shared>>
        tpu.enqueue_indirect_dma source(%arg18 : memref<80xf32, #tpu.memory_space<vmem>>) target(%dma_start3A_537 : memref<10240xf32, #tpu.memory_space<vmem_shared>>) offsets(%dma_start3A_535 : memref<80xi32, #tpu.memory_space<vmem>>) semaphore(%arg32 : memref<!tpu.dma_semaphore, #tpu.memory_space<semaphore_mem>>) {add = true}
      } else {
      }
      %jit3A = arith.constant 25 : i32
      %eq3A_88 = arith.constant 0 : i32
      %eq3A_89 = arith.cmpi eq, %jit3A, %eq3A_88 : i32
      %jit3A_90 = arith.constant 1 : i32
      %select_n3A = arith.select %eq3A_89, %jit3A_90, %jit3A : i32
      %rem3A = arith.remsi %add3A_82, %select_n3A : i32
      %ne3A = arith.constant 0 : i32
      %ne3A_91 = arith.cmpi ne, %rem3A, %ne3A : i32
      %lt3A_92 = arith.constant 0 : i32
      %lt3A_93 = arith.cmpi slt, %rem3A, %lt3A_92 : i32
      %lt3A_94 = arith.constant 0 : i32
      %lt3A_95 = arith.cmpi slt, %select_n3A, %lt3A_94 : i32
      %ne3A_96 = arith.xori %lt3A_93, %lt3A_95 : i1
      %and3A = arith.andi %ne3A_96, %ne3A_91 : i1
      %add3A_97 = arith.addi %rem3A, %select_n3A : i32
      %select_n3A_98 = arith.select %and3A, %add3A_97, %rem3A : i32
      %eq3A_99 = arith.constant 20 : i32
      %eq3A_100 = arith.cmpi eq, %select_n3A_98, %eq3A_99 : i32
      %add3A_101 = arith.constant 5 : i32
      %add3A_102 = arith.addi %add3A_82, %add3A_101 : i32
      %lt3A_103 = arith.constant 125 : i32
      %lt3A_104 = arith.cmpi slt, %add3A_102, %lt3A_103 : i32
      %and3A_105 = arith.andi %eq3A_100, %lt3A_104 : i1
      %convert_element_type3A_106 = arith.extui %and3A_105 : i1 to i32
      %cond3A_107 = arith.constant 0 : i32
      %cond3A_108 = arith.cmpi ne, %convert_element_type3A_106, %cond3A_107 : i32
      scf.if %cond3A_108 {
        %jit3A_236 = arith.constant 25 : i32
        %div3A = arith.divsi %add3A_82, %jit3A_236 : i32
        %sign3A = arith.constant 0 : i32
        %sign3A_237 = arith.cmpi sgt, %add3A_82, %sign3A : i32
        %sign3A_238 = arith.extui %sign3A_237 : i1 to i32
        %sign3A_239 = arith.constant 0 : i32
        %sign3A_240 = arith.cmpi slt, %add3A_82, %sign3A_239 : i32
        %sign3A_241 = arith.extui %sign3A_240 : i1 to i32
        %sign3A_242 = arith.subi %sign3A_238, %sign3A_241 : i32
        %sign3A_243 = arith.constant 0 : i32
        %sign3A_244 = arith.cmpi sgt, %jit3A_236, %sign3A_243 : i32
        %sign3A_245 = arith.extui %sign3A_244 : i1 to i32
        %sign3A_246 = arith.constant 0 : i32
        %sign3A_247 = arith.cmpi slt, %jit3A_236, %sign3A_246 : i32
        %sign3A_248 = arith.extui %sign3A_247 : i1 to i32
        %sign3A_249 = arith.subi %sign3A_245, %sign3A_248 : i32
        %ne3A_250 = arith.cmpi ne, %sign3A_242, %sign3A_249 : i32
        %rem3A_251 = arith.remsi %add3A_82, %jit3A_236 : i32
        %ne3A_252 = arith.constant 0 : i32
        %ne3A_253 = arith.cmpi ne, %rem3A_251, %ne3A_252 : i32
        %and3A_254 = arith.andi %ne3A_250, %ne3A_253 : i1
        %sub3A = arith.constant 1 : i32
        %sub3A_255 = arith.subi %div3A, %sub3A : i32
        %select_n3A_256 = arith.select %and3A_254, %sub3A_255, %div3A : i32
        %add3A_257 = arith.constant 1 : i32
        %add3A_258 = arith.addi %select_n3A_256, %add3A_257 : i32
        %jit3A_259 = arith.constant 2 : i32
        %eq3A_260 = arith.constant 0 : i32
        %eq3A_261 = arith.cmpi eq, %jit3A_259, %eq3A_260 : i32
        %jit3A_262 = arith.constant 1 : i32
        %select_n3A_263 = arith.select %eq3A_261, %jit3A_262, %jit3A_259 : i32
        %rem3A_264 = arith.remsi %add3A_258, %select_n3A_263 : i32
        %ne3A_265 = arith.constant 0 : i32
        %ne3A_266 = arith.cmpi ne, %rem3A_264, %ne3A_265 : i32
        %lt3A_267 = arith.constant 0 : i32
        %lt3A_268 = arith.cmpi slt, %rem3A_264, %lt3A_267 : i32
        %lt3A_269 = arith.constant 0 : i32
        %lt3A_270 = arith.cmpi slt, %select_n3A_263, %lt3A_269 : i32
        %ne3A_271 = arith.xori %lt3A_268, %lt3A_270 : i1
        %and3A_272 = arith.andi %ne3A_271, %ne3A_266 : i1
        %add3A_273 = arith.addi %rem3A_264, %select_n3A_263 : i32
        %select_n3A_274 = arith.select %and3A_272, %add3A_273, %rem3A_264 : i32
        %dma_start3A_275 = arith.constant 0 : i32
        %dma_start3A_276 = arith.constant 0 : i32
        %dma_start3A_277 = tpu.memref_slice %arg10[%select_n3A_274, %dma_start3A_275, %dma_start3A_276] : memref<2x25x80xi32, #tpu.memory_space<vmem>> -> memref<1x25x80xi32, #tpu.memory_space<vmem>>
        %dma_start3A_278 = tpu.memref_squeeze %dma_start3A_277 : memref<1x25x80xi32, #tpu.memory_space<vmem>> -> memref<25x80xi32, #tpu.memory_space<vmem>>
        %dma_start3A_279 = arith.constant 0 : i32
        %dma_start3A_280 = arith.constant 0 : i32
        %dma_start3A_281 = tpu.memref_slice %arg5[%add3A, %add3A_258, %dma_start3A_279, %dma_start3A_280] : memref<32x5x25x80xi32, #tpu.memory_space<hbm>> -> memref<1x1x25x80xi32, #tpu.memory_space<hbm>>
        %dma_start3A_282 = tpu.memref_squeeze %dma_start3A_281 : memref<1x1x25x80xi32, #tpu.memory_space<hbm>> -> memref<25x80xi32, #tpu.memory_space<hbm>>
        %dma_start3A_283 = arith.constant 0 : i32
        %dma_start3A_284 = arith.constant 0 : i32
        %dma_start3A_285 = tpu.memref_slice %arg10[%select_n3A_274, %dma_start3A_283, %dma_start3A_284] : memref<2x25x80xi32, #tpu.memory_space<vmem>> -> memref<1x25x80xi32, #tpu.memory_space<vmem>>
        %dma_start3A_286 = tpu.memref_squeeze %dma_start3A_285 : memref<1x25x80xi32, #tpu.memory_space<vmem>> -> memref<25x80xi32, #tpu.memory_space<vmem>>
        %dma_start3A_287 = arith.constant 0 : i32
        %dma_start3A_288 = arith.constant 0 : i32
        %dma_start3A_289 = tpu.memref_slice %arg5[%add3A, %add3A_258, %dma_start3A_287, %dma_start3A_288] : memref<32x5x25x80xi32, #tpu.memory_space<hbm>> -> memref<1x1x25x80xi32, #tpu.memory_space<hbm>>
        %dma_start3A_290 = tpu.memref_squeeze %dma_start3A_289 : memref<1x1x25x80xi32, #tpu.memory_space<hbm>> -> memref<25x80xi32, #tpu.memory_space<hbm>>
        tpu.enqueue_dma source(%dma_start3A_290 : memref<25x80xi32, #tpu.memory_space<hbm>>) target(%dma_start3A_286 : memref<25x80xi32, #tpu.memory_space<vmem>>) target_semaphore(%arg34 : memref<!tpu.dma_semaphore, #tpu.memory_space<semaphore_mem>>)
        %jit3A_291 = arith.constant 2 : i32
        %eq3A_292 = arith.constant 0 : i32
        %eq3A_293 = arith.cmpi eq, %jit3A_291, %eq3A_292 : i32
        %jit3A_294 = arith.constant 1 : i32
        %select_n3A_295 = arith.select %eq3A_293, %jit3A_294, %jit3A_291 : i32
        %rem3A_296 = arith.remsi %add3A_258, %select_n3A_295 : i32
        %ne3A_297 = arith.constant 0 : i32
        %ne3A_298 = arith.cmpi ne, %rem3A_296, %ne3A_297 : i32
        %lt3A_299 = arith.constant 0 : i32
        %lt3A_300 = arith.cmpi slt, %rem3A_296, %lt3A_299 : i32
        %lt3A_301 = arith.constant 0 : i32
        %lt3A_302 = arith.cmpi slt, %select_n3A_295, %lt3A_301 : i32
        %ne3A_303 = arith.xori %lt3A_300, %lt3A_302 : i1
        %and3A_304 = arith.andi %ne3A_303, %ne3A_298 : i1
        %add3A_305 = arith.addi %rem3A_296, %select_n3A_295 : i32
        %select_n3A_306 = arith.select %and3A_304, %add3A_305, %rem3A_296 : i32
        %dma_start3A_307 = arith.constant 0 : i32
        %dma_start3A_308 = arith.constant 0 : i32
        %dma_start3A_309 = tpu.memref_slice %arg11[%select_n3A_306, %dma_start3A_307, %dma_start3A_308] : memref<2x25x80xi32, #tpu.memory_space<vmem>> -> memref<1x25x80xi32, #tpu.memory_space<vmem>>
        %dma_start3A_310 = tpu.memref_squeeze %dma_start3A_309 : memref<1x25x80xi32, #tpu.memory_space<vmem>> -> memref<25x80xi32, #tpu.memory_space<vmem>>
        %dma_start3A_311 = arith.constant 0 : i32
        %dma_start3A_312 = arith.constant 0 : i32
        %dma_start3A_313 = tpu.memref_slice %arg6[%add3A, %add3A_258, %dma_start3A_311, %dma_start3A_312] : memref<32x5x25x80xi32, #tpu.memory_space<hbm>> -> memref<1x1x25x80xi32, #tpu.memory_space<hbm>>
        %dma_start3A_314 = tpu.memref_squeeze %dma_start3A_313 : memref<1x1x25x80xi32, #tpu.memory_space<hbm>> -> memref<25x80xi32, #tpu.memory_space<hbm>>
        %dma_start3A_315 = arith.constant 0 : i32
        %dma_start3A_316 = arith.constant 0 : i32
        %dma_start3A_317 = tpu.memref_slice %arg11[%select_n3A_306, %dma_start3A_315, %dma_start3A_316] : memref<2x25x80xi32, #tpu.memory_space<vmem>> -> memref<1x25x80xi32, #tpu.memory_space<vmem>>
        %dma_start3A_318 = tpu.memref_squeeze %dma_start3A_317 : memref<1x25x80xi32, #tpu.memory_space<vmem>> -> memref<25x80xi32, #tpu.memory_space<vmem>>
        %dma_start3A_319 = arith.constant 0 : i32
        %dma_start3A_320 = arith.constant 0 : i32
        %dma_start3A_321 = tpu.memref_slice %arg6[%add3A, %add3A_258, %dma_start3A_319, %dma_start3A_320] : memref<32x5x25x80xi32, #tpu.memory_space<hbm>> -> memref<1x1x25x80xi32, #tpu.memory_space<hbm>>
        %dma_start3A_322 = tpu.memref_squeeze %dma_start3A_321 : memref<1x1x25x80xi32, #tpu.memory_space<hbm>> -> memref<25x80xi32, #tpu.memory_space<hbm>>
        tpu.enqueue_dma source(%dma_start3A_322 : memref<25x80xi32, #tpu.memory_space<hbm>>) target(%dma_start3A_318 : memref<25x80xi32, #tpu.memory_space<vmem>>) target_semaphore(%arg34 : memref<!tpu.dma_semaphore, #tpu.memory_space<semaphore_mem>>)
      } else {
      }
      %add3A_109 = arith.constant 1 : i32
      %add3A_110 = arith.addi %add3A_82, %add3A_109 : i32
      %jit3A_111 = arith.constant 25 : i32
      %eq3A_112 = arith.constant 0 : i32
      %eq3A_113 = arith.cmpi eq, %jit3A_111, %eq3A_112 : i32
      %jit3A_114 = arith.constant 1 : i32
      %select_n3A_115 = arith.select %eq3A_113, %jit3A_114, %jit3A_111 : i32
      %rem3A_116 = arith.remsi %add3A_110, %select_n3A_115 : i32
      %ne3A_117 = arith.constant 0 : i32
      %ne3A_118 = arith.cmpi ne, %rem3A_116, %ne3A_117 : i32
      %lt3A_119 = arith.constant 0 : i32
      %lt3A_120 = arith.cmpi slt, %rem3A_116, %lt3A_119 : i32
      %lt3A_121 = arith.constant 0 : i32
      %lt3A_122 = arith.cmpi slt, %select_n3A_115, %lt3A_121 : i32
      %ne3A_123 = arith.xori %lt3A_120, %lt3A_122 : i1
      %and3A_124 = arith.andi %ne3A_123, %ne3A_118 : i1
      %add3A_125 = arith.addi %rem3A_116, %select_n3A_115 : i32
      %select_n3A_126 = arith.select %and3A_124, %add3A_125, %rem3A_116 : i32
      %eq3A_127 = arith.constant 0 : i32
      %eq3A_128 = arith.cmpi eq, %select_n3A_126, %eq3A_127 : i32
      %add3A_129 = arith.constant 1 : i32
      %add3A_130 = arith.addi %add3A_82, %add3A_129 : i32
      %lt3A_131 = arith.constant 125 : i32
      %lt3A_132 = arith.cmpi slt, %add3A_130, %lt3A_131 : i32
      %and3A_133 = arith.andi %eq3A_128, %lt3A_132 : i1
      %convert_element_type3A_134 = arith.extui %and3A_133 : i1 to i32
      %cond3A_135 = arith.constant 0 : i32
      %cond3A_136 = arith.cmpi ne, %convert_element_type3A_134, %cond3A_135 : i32
      scf.if %cond3A_136 {
        %add3A_236 = arith.constant 1 : i32
        %add3A_237 = arith.addi %add3A_82, %add3A_236 : i32
        %jit3A_238 = arith.constant 25 : i32
        %div3A = arith.divsi %add3A_237, %jit3A_238 : i32
        %sign3A = arith.constant 0 : i32
        %sign3A_239 = arith.cmpi sgt, %add3A_237, %sign3A : i32
        %sign3A_240 = arith.extui %sign3A_239 : i1 to i32
        %sign3A_241 = arith.constant 0 : i32
        %sign3A_242 = arith.cmpi slt, %add3A_237, %sign3A_241 : i32
        %sign3A_243 = arith.extui %sign3A_242 : i1 to i32
        %sign3A_244 = arith.subi %sign3A_240, %sign3A_243 : i32
        %sign3A_245 = arith.constant 0 : i32
        %sign3A_246 = arith.cmpi sgt, %jit3A_238, %sign3A_245 : i32
        %sign3A_247 = arith.extui %sign3A_246 : i1 to i32
        %sign3A_248 = arith.constant 0 : i32
        %sign3A_249 = arith.cmpi slt, %jit3A_238, %sign3A_248 : i32
        %sign3A_250 = arith.extui %sign3A_249 : i1 to i32
        %sign3A_251 = arith.subi %sign3A_247, %sign3A_250 : i32
        %ne3A_252 = arith.cmpi ne, %sign3A_244, %sign3A_251 : i32
        %rem3A_253 = arith.remsi %add3A_237, %jit3A_238 : i32
        %ne3A_254 = arith.constant 0 : i32
        %ne3A_255 = arith.cmpi ne, %rem3A_253, %ne3A_254 : i32
        %and3A_256 = arith.andi %ne3A_252, %ne3A_255 : i1
        %sub3A = arith.constant 1 : i32
        %sub3A_257 = arith.subi %div3A, %sub3A : i32
        %select_n3A_258 = arith.select %and3A_256, %sub3A_257, %div3A : i32
        %jit3A_259 = arith.constant 2 : i32
        %eq3A_260 = arith.constant 0 : i32
        %eq3A_261 = arith.cmpi eq, %jit3A_259, %eq3A_260 : i32
        %jit3A_262 = arith.constant 1 : i32
        %select_n3A_263 = arith.select %eq3A_261, %jit3A_262, %jit3A_259 : i32
        %rem3A_264 = arith.remsi %select_n3A_258, %select_n3A_263 : i32
        %ne3A_265 = arith.constant 0 : i32
        %ne3A_266 = arith.cmpi ne, %rem3A_264, %ne3A_265 : i32
        %lt3A_267 = arith.constant 0 : i32
        %lt3A_268 = arith.cmpi slt, %rem3A_264, %lt3A_267 : i32
        %lt3A_269 = arith.constant 0 : i32
        %lt3A_270 = arith.cmpi slt, %select_n3A_263, %lt3A_269 : i32
        %ne3A_271 = arith.xori %lt3A_268, %lt3A_270 : i1
        %and3A_272 = arith.andi %ne3A_271, %ne3A_266 : i1
        %add3A_273 = arith.addi %rem3A_264, %select_n3A_263 : i32
        %select_n3A_274 = arith.select %and3A_272, %add3A_273, %rem3A_264 : i32
        %dma_wait3A_275 = arith.constant 0 : i32
        %dma_wait3A_276 = arith.constant 0 : i32
        %dma_wait3A_277 = tpu.memref_slice %arg10[%select_n3A_274, %dma_wait3A_275, %dma_wait3A_276] : memref<2x25x80xi32, #tpu.memory_space<vmem>> -> memref<1x25x80xi32, #tpu.memory_space<vmem>>
        %dma_wait3A_278 = tpu.memref_squeeze %dma_wait3A_277 : memref<1x25x80xi32, #tpu.memory_space<vmem>> -> memref<25x80xi32, #tpu.memory_space<vmem>>
        %dma_wait3A_279 = arith.constant 0 : i32
        %dma_wait3A_280 = arith.constant 0 : i32
        %dma_wait3A_281 = tpu.memref_slice %arg5[%add3A, %select_n3A_258, %dma_wait3A_279, %dma_wait3A_280] : memref<32x5x25x80xi32, #tpu.memory_space<hbm>> -> memref<1x1x25x80xi32, #tpu.memory_space<hbm>>
        %dma_wait3A_282 = tpu.memref_squeeze %dma_wait3A_281 : memref<1x1x25x80xi32, #tpu.memory_space<hbm>> -> memref<25x80xi32, #tpu.memory_space<hbm>>
        %dma_wait3A_283 = arith.constant 0 : i32
        %dma_wait3A_284 = arith.constant 0 : i32
        %dma_wait3A_285 = tpu.memref_slice %arg10[%select_n3A_274, %dma_wait3A_283, %dma_wait3A_284] : memref<2x25x80xi32, #tpu.memory_space<vmem>> -> memref<1x25x80xi32, #tpu.memory_space<vmem>>
        %dma_wait3A_286 = tpu.memref_squeeze %dma_wait3A_285 : memref<1x25x80xi32, #tpu.memory_space<vmem>> -> memref<25x80xi32, #tpu.memory_space<vmem>>
        %dma_wait3A_287 = arith.constant 0 : i32
        %dma_wait3A_288 = arith.constant 0 : i32
        %dma_wait3A_289 = tpu.memref_slice %arg5[%add3A, %select_n3A_258, %dma_wait3A_287, %dma_wait3A_288] : memref<32x5x25x80xi32, #tpu.memory_space<hbm>> -> memref<1x1x25x80xi32, #tpu.memory_space<hbm>>
        %dma_wait3A_290 = tpu.memref_squeeze %dma_wait3A_289 : memref<1x1x25x80xi32, #tpu.memory_space<hbm>> -> memref<25x80xi32, #tpu.memory_space<hbm>>
        tpu.wait_dma2 semaphore(%arg34 : memref<!tpu.dma_semaphore, #tpu.memory_space<semaphore_mem>>) src(%dma_wait3A_290 : memref<25x80xi32, #tpu.memory_space<hbm>>) dst(%dma_wait3A_286 : memref<25x80xi32, #tpu.memory_space<vmem>>)
        %jit3A_291 = arith.constant 2 : i32
        %eq3A_292 = arith.constant 0 : i32
        %eq3A_293 = arith.cmpi eq, %jit3A_291, %eq3A_292 : i32
        %jit3A_294 = arith.constant 1 : i32
        %select_n3A_295 = arith.select %eq3A_293, %jit3A_294, %jit3A_291 : i32
        %rem3A_296 = arith.remsi %select_n3A_258, %select_n3A_295 : i32
        %ne3A_297 = arith.constant 0 : i32
        %ne3A_298 = arith.cmpi ne, %rem3A_296, %ne3A_297 : i32
        %lt3A_299 = arith.constant 0 : i32
        %lt3A_300 = arith.cmpi slt, %rem3A_296, %lt3A_299 : i32
        %lt3A_301 = arith.constant 0 : i32
        %lt3A_302 = arith.cmpi slt, %select_n3A_295, %lt3A_301 : i32
        %ne3A_303 = arith.xori %lt3A_300, %lt3A_302 : i1
        %and3A_304 = arith.andi %ne3A_303, %ne3A_298 : i1
        %add3A_305 = arith.addi %rem3A_296, %select_n3A_295 : i32
        %select_n3A_306 = arith.select %and3A_304, %add3A_305, %rem3A_296 : i32
        %dma_wait3A_307 = arith.constant 0 : i32
        %dma_wait3A_308 = arith.constant 0 : i32
        %dma_wait3A_309 = tpu.memref_slice %arg11[%select_n3A_306, %dma_wait3A_307, %dma_wait3A_308] : memref<2x25x80xi32, #tpu.memory_space<vmem>> -> memref<1x25x80xi32, #tpu.memory_space<vmem>>
        %dma_wait3A_310 = tpu.memref_squeeze %dma_wait3A_309 : memref<1x25x80xi32, #tpu.memory_space<vmem>> -> memref<25x80xi32, #tpu.memory_space<vmem>>
        %dma_wait3A_311 = arith.constant 0 : i32
        %dma_wait3A_312 = arith.constant 0 : i32
        %dma_wait3A_313 = tpu.memref_slice %arg6[%add3A, %select_n3A_258, %dma_wait3A_311, %dma_wait3A_312] : memref<32x5x25x80xi32, #tpu.memory_space<hbm>> -> memref<1x1x25x80xi32, #tpu.memory_space<hbm>>
        %dma_wait3A_314 = tpu.memref_squeeze %dma_wait3A_313 : memref<1x1x25x80xi32, #tpu.memory_space<hbm>> -> memref<25x80xi32, #tpu.memory_space<hbm>>
        %dma_wait3A_315 = arith.constant 0 : i32
        %dma_wait3A_316 = arith.constant 0 : i32
        %dma_wait3A_317 = tpu.memref_slice %arg11[%select_n3A_306, %dma_wait3A_315, %dma_wait3A_316] : memref<2x25x80xi32, #tpu.memory_space<vmem>> -> memref<1x25x80xi32, #tpu.memory_space<vmem>>
        %dma_wait3A_318 = tpu.memref_squeeze %dma_wait3A_317 : memref<1x25x80xi32, #tpu.memory_space<vmem>> -> memref<25x80xi32, #tpu.memory_space<vmem>>
        %dma_wait3A_319 = arith.constant 0 : i32
        %dma_wait3A_320 = arith.constant 0 : i32
        %dma_wait3A_321 = tpu.memref_slice %arg6[%add3A, %select_n3A_258, %dma_wait3A_319, %dma_wait3A_320] : memref<32x5x25x80xi32, #tpu.memory_space<hbm>> -> memref<1x1x25x80xi32, #tpu.memory_space<hbm>>
        %dma_wait3A_322 = tpu.memref_squeeze %dma_wait3A_321 : memref<1x1x25x80xi32, #tpu.memory_space<hbm>> -> memref<25x80xi32, #tpu.memory_space<hbm>>
        tpu.wait_dma2 semaphore(%arg34 : memref<!tpu.dma_semaphore, #tpu.memory_space<semaphore_mem>>) src(%dma_wait3A_322 : memref<25x80xi32, #tpu.memory_space<hbm>>) dst(%dma_wait3A_318 : memref<25x80xi32, #tpu.memory_space<vmem>>)
      } else {
      }
      %ge3A = arith.constant 1 : i32
      %ge3A_137 = arith.cmpi sge, %add3A_82, %ge3A : i32
      %le3A = arith.constant 125 : i32
      %le3A_138 = arith.cmpi sle, %add3A_82, %le3A : i32
      %and3A_139 = arith.andi %ge3A_137, %le3A_138 : i1
      %convert_element_type3A_140 = arith.extui %and3A_139 : i1 to i32
      %cond3A_141 = arith.constant 0 : i32
      %cond3A_142 = arith.cmpi ne, %convert_element_type3A_140, %cond3A_141 : i32
      scf.if %cond3A_142 {
        %dma_wait3A_236 = arith.constant 0 : i32
        %dma_wait3A_237 = arith.constant 0 : i32
        %dma_wait3A_238 = arith.constant 0 : i32
        %dma_wait3A_239 = tpu.memref_slice %arg11[%dma_wait3A_236, %dma_wait3A_237, %dma_wait3A_238] : memref<2x25x80xi32, #tpu.memory_space<vmem>> -> memref<1x1x80xi32, #tpu.memory_space<vmem>>
        %dma_wait3A_240 = tpu.memref_squeeze %dma_wait3A_239 : memref<1x1x80xi32, #tpu.memory_space<vmem>> -> memref<80xi32, #tpu.memory_space<vmem>>
        %dma_wait3A_241 = arith.constant 0 : i32
        %dma_wait3A_242 = arith.constant 0 : i32
        %dma_wait3A_243 = tpu.memref_slice %arg25[%dma_wait3A_241, %dma_wait3A_242] : memref<10000x128xf32, #tpu.memory_space<vmem_shared>> -> memref<10000x128xf32, #tpu.memory_space<vmem_shared>>
        tpu.wait_indirect_dma semaphore(%arg31 : memref<!tpu.dma_semaphore, #tpu.memory_space<semaphore_mem>>) src(%arg13 : memref<80x128xf32, #tpu.memory_space<vmem>>) dst(%dma_wait3A_243 : memref<10000x128xf32, #tpu.memory_space<vmem_shared>>)
      } else {
      }
      %add3A_143 = arith.constant 1 : i32
      %add3A_144 = arith.addi %add3A_82, %add3A_143 : i32
      %lt3A_145 = arith.constant 125 : i32
      %lt3A_146 = arith.cmpi slt, %add3A_144, %lt3A_145 : i32
      %convert_element_type3A_147 = arith.extui %lt3A_146 : i1 to i32
      %cond3A_148 = arith.constant 0 : i32
      %cond3A_149 = arith.cmpi ne, %convert_element_type3A_147, %cond3A_148 : i32
      scf.if %cond3A_149 {
        %jit3A_236 = arith.constant 25 : i32
        %div3A = arith.divsi %add3A_144, %jit3A_236 : i32
        %sign3A = arith.constant 0 : i32
        %sign3A_237 = arith.cmpi sgt, %add3A_144, %sign3A : i32
        %sign3A_238 = arith.extui %sign3A_237 : i1 to i32
        %sign3A_239 = arith.constant 0 : i32
        %sign3A_240 = arith.cmpi slt, %add3A_144, %sign3A_239 : i32
        %sign3A_241 = arith.extui %sign3A_240 : i1 to i32
        %sign3A_242 = arith.subi %sign3A_238, %sign3A_241 : i32
        %sign3A_243 = arith.constant 0 : i32
        %sign3A_244 = arith.cmpi sgt, %jit3A_236, %sign3A_243 : i32
        %sign3A_245 = arith.extui %sign3A_244 : i1 to i32
        %sign3A_246 = arith.constant 0 : i32
        %sign3A_247 = arith.cmpi slt, %jit3A_236, %sign3A_246 : i32
        %sign3A_248 = arith.extui %sign3A_247 : i1 to i32
        %sign3A_249 = arith.subi %sign3A_245, %sign3A_248 : i32
        %ne3A_250 = arith.cmpi ne, %sign3A_242, %sign3A_249 : i32
        %rem3A_251 = arith.remsi %add3A_144, %jit3A_236 : i32
        %ne3A_252 = arith.constant 0 : i32
        %ne3A_253 = arith.cmpi ne, %rem3A_251, %ne3A_252 : i32
        %and3A_254 = arith.andi %ne3A_250, %ne3A_253 : i1
        %sub3A = arith.constant 1 : i32
        %sub3A_255 = arith.subi %div3A, %sub3A : i32
        %select_n3A_256 = arith.select %and3A_254, %sub3A_255, %div3A : i32
        %jit3A_257 = arith.constant 2 : i32
        %eq3A_258 = arith.constant 0 : i32
        %eq3A_259 = arith.cmpi eq, %jit3A_257, %eq3A_258 : i32
        %jit3A_260 = arith.constant 1 : i32
        %select_n3A_261 = arith.select %eq3A_259, %jit3A_260, %jit3A_257 : i32
        %rem3A_262 = arith.remsi %select_n3A_256, %select_n3A_261 : i32
        %ne3A_263 = arith.constant 0 : i32
        %ne3A_264 = arith.cmpi ne, %rem3A_262, %ne3A_263 : i32
        %lt3A_265 = arith.constant 0 : i32
        %lt3A_266 = arith.cmpi slt, %rem3A_262, %lt3A_265 : i32
        %lt3A_267 = arith.constant 0 : i32
        %lt3A_268 = arith.cmpi slt, %select_n3A_261, %lt3A_267 : i32
        %ne3A_269 = arith.xori %lt3A_266, %lt3A_268 : i1
        %and3A_270 = arith.andi %ne3A_269, %ne3A_264 : i1
        %add3A_271 = arith.addi %rem3A_262, %select_n3A_261 : i32
        %select_n3A_272 = arith.select %and3A_270, %add3A_271, %rem3A_262 : i32
        %jit3A_273 = arith.constant 25 : i32
        %eq3A_274 = arith.constant 0 : i32
        %eq3A_275 = arith.cmpi eq, %jit3A_273, %eq3A_274 : i32
        %jit3A_276 = arith.constant 1 : i32
        %select_n3A_277 = arith.select %eq3A_275, %jit3A_276, %jit3A_273 : i32
        %rem3A_278 = arith.remsi %add3A_144, %select_n3A_277 : i32
        %ne3A_279 = arith.constant 0 : i32
        %ne3A_280 = arith.cmpi ne, %rem3A_278, %ne3A_279 : i32
        %lt3A_281 = arith.constant 0 : i32
        %lt3A_282 = arith.cmpi slt, %rem3A_278, %lt3A_281 : i32
        %lt3A_283 = arith.constant 0 : i32
        %lt3A_284 = arith.cmpi slt, %select_n3A_277, %lt3A_283 : i32
        %ne3A_285 = arith.xori %lt3A_282, %lt3A_284 : i1
        %and3A_286 = arith.andi %ne3A_285, %ne3A_280 : i1
        %add3A_287 = arith.addi %rem3A_278, %select_n3A_277 : i32
        %select_n3A_288 = arith.select %and3A_286, %add3A_287, %rem3A_278 : i32
        %dma_start3A_289 = arith.constant 0 : i32
        %dma_start3A_290 = tpu.memref_slice %arg10[%select_n3A_272, %select_n3A_288, %dma_start3A_289] : memref<2x25x80xi32, #tpu.memory_space<vmem>> -> memref<1x1x80xi32, #tpu.memory_space<vmem>>
        %dma_start3A_291 = tpu.memref_squeeze %dma_start3A_290 : memref<1x1x80xi32, #tpu.memory_space<vmem>> -> memref<80xi32, #tpu.memory_space<vmem>>
        %dma_start3A_292 = arith.constant 0 : i32
        %dma_start3A_293 = arith.constant 0 : i32
        %dma_start3A_294 = tpu.memref_slice %arg7[%dma_start3A_292, %dma_start3A_293] : memref<10000x128xf32, #tpu.memory_space<hbm>> -> memref<10000x128xf32, #tpu.memory_space<hbm>>
        tpu.enqueue_indirect_dma source(%dma_start3A_294 : memref<10000x128xf32, #tpu.memory_space<hbm>>) target(%arg13 : memref<80x128xf32, #tpu.memory_space<vmem>>) offsets(%dma_start3A_291 : memref<80xi32, #tpu.memory_space<vmem>>) semaphore(%arg27 : memref<!tpu.dma_semaphore, #tpu.memory_space<semaphore_mem>>)
        %jit3A_295 = arith.constant 25 : i32
        %div3A_296 = arith.divsi %add3A_144, %jit3A_295 : i32
        %sign3A_297 = arith.constant 0 : i32
        %sign3A_298 = arith.cmpi sgt, %add3A_144, %sign3A_297 : i32
        %sign3A_299 = arith.extui %sign3A_298 : i1 to i32
        %sign3A_300 = arith.constant 0 : i32
        %sign3A_301 = arith.cmpi slt, %add3A_144, %sign3A_300 : i32
        %sign3A_302 = arith.extui %sign3A_301 : i1 to i32
        %sign3A_303 = arith.subi %sign3A_299, %sign3A_302 : i32
        %sign3A_304 = arith.constant 0 : i32
        %sign3A_305 = arith.cmpi sgt, %jit3A_295, %sign3A_304 : i32
        %sign3A_306 = arith.extui %sign3A_305 : i1 to i32
        %sign3A_307 = arith.constant 0 : i32
        %sign3A_308 = arith.cmpi slt, %jit3A_295, %sign3A_307 : i32
        %sign3A_309 = arith.extui %sign3A_308 : i1 to i32
        %sign3A_310 = arith.subi %sign3A_306, %sign3A_309 : i32
        %ne3A_311 = arith.cmpi ne, %sign3A_303, %sign3A_310 : i32
        %rem3A_312 = arith.remsi %add3A_144, %jit3A_295 : i32
        %ne3A_313 = arith.constant 0 : i32
        %ne3A_314 = arith.cmpi ne, %rem3A_312, %ne3A_313 : i32
        %and3A_315 = arith.andi %ne3A_311, %ne3A_314 : i1
        %sub3A_316 = arith.constant 1 : i32
        %sub3A_317 = arith.subi %div3A_296, %sub3A_316 : i32
        %select_n3A_318 = arith.select %and3A_315, %sub3A_317, %div3A_296 : i32
        %jit3A_319 = arith.constant 2 : i32
        %eq3A_320 = arith.constant 0 : i32
        %eq3A_321 = arith.cmpi eq, %jit3A_319, %eq3A_320 : i32
        %jit3A_322 = arith.constant 1 : i32
        %select_n3A_323 = arith.select %eq3A_321, %jit3A_322, %jit3A_319 : i32
        %rem3A_324 = arith.remsi %select_n3A_318, %select_n3A_323 : i32
        %ne3A_325 = arith.constant 0 : i32
        %ne3A_326 = arith.cmpi ne, %rem3A_324, %ne3A_325 : i32
        %lt3A_327 = arith.constant 0 : i32
        %lt3A_328 = arith.cmpi slt, %rem3A_324, %lt3A_327 : i32
        %lt3A_329 = arith.constant 0 : i32
        %lt3A_330 = arith.cmpi slt, %select_n3A_323, %lt3A_329 : i32
        %ne3A_331 = arith.xori %lt3A_328, %lt3A_330 : i1
        %and3A_332 = arith.andi %ne3A_331, %ne3A_326 : i1
        %add3A_333 = arith.addi %rem3A_324, %select_n3A_323 : i32
        %select_n3A_334 = arith.select %and3A_332, %add3A_333, %rem3A_324 : i32
        %jit3A_335 = arith.constant 25 : i32
        %eq3A_336 = arith.constant 0 : i32
        %eq3A_337 = arith.cmpi eq, %jit3A_335, %eq3A_336 : i32
        %jit3A_338 = arith.constant 1 : i32
        %select_n3A_339 = arith.select %eq3A_337, %jit3A_338, %jit3A_335 : i32
        %rem3A_340 = arith.remsi %add3A_144, %select_n3A_339 : i32
        %ne3A_341 = arith.constant 0 : i32
        %ne3A_342 = arith.cmpi ne, %rem3A_340, %ne3A_341 : i32
        %lt3A_343 = arith.constant 0 : i32
        %lt3A_344 = arith.cmpi slt, %rem3A_340, %lt3A_343 : i32
        %lt3A_345 = arith.constant 0 : i32
        %lt3A_346 = arith.cmpi slt, %select_n3A_339, %lt3A_345 : i32
        %ne3A_347 = arith.xori %lt3A_344, %lt3A_346 : i1
        %and3A_348 = arith.andi %ne3A_347, %ne3A_342 : i1
        %add3A_349 = arith.addi %rem3A_340, %select_n3A_339 : i32
        %select_n3A_350 = arith.select %and3A_348, %add3A_349, %rem3A_340 : i32
        %dma_start3A_351 = arith.constant 0 : i32
        %dma_start3A_352 = tpu.memref_slice %arg10[%select_n3A_334, %select_n3A_350, %dma_start3A_351] : memref<2x25x80xi32, #tpu.memory_space<vmem>> -> memref<1x1x80xi32, #tpu.memory_space<vmem>>
        %dma_start3A_353 = tpu.memref_squeeze %dma_start3A_352 : memref<1x1x80xi32, #tpu.memory_space<vmem>> -> memref<80xi32, #tpu.memory_space<vmem>>
        %dma_start3A_354 = arith.constant 0 : i32
        %dma_start3A_355 = tpu.memref_slice %arg22[%dma_start3A_354] : memref<10240xf32, #tpu.memory_space<vmem_shared>> -> memref<10240xf32, #tpu.memory_space<vmem_shared>>
        tpu.enqueue_indirect_dma source(%dma_start3A_355 : memref<10240xf32, #tpu.memory_space<vmem_shared>>) target(%arg15 : memref<80xf32, #tpu.memory_space<vmem>>) offsets(%dma_start3A_353 : memref<80xi32, #tpu.memory_space<vmem>>) semaphore(%arg29 : memref<!tpu.dma_semaphore, #tpu.memory_space<semaphore_mem>>)
        %jit3A_356 = arith.constant 25 : i32
        %div3A_357 = arith.divsi %add3A_144, %jit3A_356 : i32
        %sign3A_358 = arith.constant 0 : i32
        %sign3A_359 = arith.cmpi sgt, %add3A_144, %sign3A_358 : i32
        %sign3A_360 = arith.extui %sign3A_359 : i1 to i32
        %sign3A_361 = arith.constant 0 : i32
        %sign3A_362 = arith.cmpi slt, %add3A_144, %sign3A_361 : i32
        %sign3A_363 = arith.extui %sign3A_362 : i1 to i32
        %sign3A_364 = arith.subi %sign3A_360, %sign3A_363 : i32
        %sign3A_365 = arith.constant 0 : i32
        %sign3A_366 = arith.cmpi sgt, %jit3A_356, %sign3A_365 : i32
        %sign3A_367 = arith.extui %sign3A_366 : i1 to i32
        %sign3A_368 = arith.constant 0 : i32
        %sign3A_369 = arith.cmpi slt, %jit3A_356, %sign3A_368 : i32
        %sign3A_370 = arith.extui %sign3A_369 : i1 to i32
        %sign3A_371 = arith.subi %sign3A_367, %sign3A_370 : i32
        %ne3A_372 = arith.cmpi ne, %sign3A_364, %sign3A_371 : i32
        %rem3A_373 = arith.remsi %add3A_144, %jit3A_356 : i32
        %ne3A_374 = arith.constant 0 : i32
        %ne3A_375 = arith.cmpi ne, %rem3A_373, %ne3A_374 : i32
        %and3A_376 = arith.andi %ne3A_372, %ne3A_375 : i1
        %sub3A_377 = arith.constant 1 : i32
        %sub3A_378 = arith.subi %div3A_357, %sub3A_377 : i32
        %select_n3A_379 = arith.select %and3A_376, %sub3A_378, %div3A_357 : i32
        %jit3A_380 = arith.constant 2 : i32
        %eq3A_381 = arith.constant 0 : i32
        %eq3A_382 = arith.cmpi eq, %jit3A_380, %eq3A_381 : i32
        %jit3A_383 = arith.constant 1 : i32
        %select_n3A_384 = arith.select %eq3A_382, %jit3A_383, %jit3A_380 : i32
        %rem3A_385 = arith.remsi %select_n3A_379, %select_n3A_384 : i32
        %ne3A_386 = arith.constant 0 : i32
        %ne3A_387 = arith.cmpi ne, %rem3A_385, %ne3A_386 : i32
        %lt3A_388 = arith.constant 0 : i32
        %lt3A_389 = arith.cmpi slt, %rem3A_385, %lt3A_388 : i32
        %lt3A_390 = arith.constant 0 : i32
        %lt3A_391 = arith.cmpi slt, %select_n3A_384, %lt3A_390 : i32
        %ne3A_392 = arith.xori %lt3A_389, %lt3A_391 : i1
        %and3A_393 = arith.andi %ne3A_392, %ne3A_387 : i1
        %add3A_394 = arith.addi %rem3A_385, %select_n3A_384 : i32
        %select_n3A_395 = arith.select %and3A_393, %add3A_394, %rem3A_385 : i32
        %jit3A_396 = arith.constant 25 : i32
        %eq3A_397 = arith.constant 0 : i32
        %eq3A_398 = arith.cmpi eq, %jit3A_396, %eq3A_397 : i32
        %jit3A_399 = arith.constant 1 : i32
        %select_n3A_400 = arith.select %eq3A_398, %jit3A_399, %jit3A_396 : i32
        %rem3A_401 = arith.remsi %add3A_144, %select_n3A_400 : i32
        %ne3A_402 = arith.constant 0 : i32
        %ne3A_403 = arith.cmpi ne, %rem3A_401, %ne3A_402 : i32
        %lt3A_404 = arith.constant 0 : i32
        %lt3A_405 = arith.cmpi slt, %rem3A_401, %lt3A_404 : i32
        %lt3A_406 = arith.constant 0 : i32
        %lt3A_407 = arith.cmpi slt, %select_n3A_400, %lt3A_406 : i32
        %ne3A_408 = arith.xori %lt3A_405, %lt3A_407 : i1
        %and3A_409 = arith.andi %ne3A_408, %ne3A_403 : i1
        %add3A_410 = arith.addi %rem3A_401, %select_n3A_400 : i32
        %select_n3A_411 = arith.select %and3A_409, %add3A_410, %rem3A_401 : i32
        %dma_start3A_412 = arith.constant 0 : i32
        %dma_start3A_413 = tpu.memref_slice %arg11[%select_n3A_395, %select_n3A_411, %dma_start3A_412] : memref<2x25x80xi32, #tpu.memory_space<vmem>> -> memref<1x1x80xi32, #tpu.memory_space<vmem>>
        %dma_start3A_414 = tpu.memref_squeeze %dma_start3A_413 : memref<1x1x80xi32, #tpu.memory_space<vmem>> -> memref<80xi32, #tpu.memory_space<vmem>>
        %dma_start3A_415 = arith.constant 0 : i32
        %dma_start3A_416 = tpu.memref_slice %arg23[%dma_start3A_415] : memref<10240xf32, #tpu.memory_space<vmem_shared>> -> memref<10240xf32, #tpu.memory_space<vmem_shared>>
        tpu.enqueue_indirect_dma source(%dma_start3A_416 : memref<10240xf32, #tpu.memory_space<vmem_shared>>) target(%arg17 : memref<80xf32, #tpu.memory_space<vmem>>) offsets(%dma_start3A_414 : memref<80xi32, #tpu.memory_space<vmem>>) semaphore(%arg29 : memref<!tpu.dma_semaphore, #tpu.memory_space<semaphore_mem>>)
      } else {
      }
      %lt3A_150 = arith.constant 125 : i32
      %lt3A_151 = arith.cmpi slt, %add3A_82, %lt3A_150 : i32
      %convert_element_type3A_152 = arith.extui %lt3A_151 : i1 to i32
      %cond3A_153 = arith.constant 0 : i32
      %cond3A_154 = arith.cmpi ne, %convert_element_type3A_152, %cond3A_153 : i32
      scf.if %cond3A_154 {
        %jit3A_236 = arith.constant 25 : i32
        %div3A = arith.divsi %add3A_82, %jit3A_236 : i32
        %sign3A = arith.constant 0 : i32
        %sign3A_237 = arith.cmpi sgt, %add3A_82, %sign3A : i32
        %sign3A_238 = arith.extui %sign3A_237 : i1 to i32
        %sign3A_239 = arith.constant 0 : i32
        %sign3A_240 = arith.cmpi slt, %add3A_82, %sign3A_239 : i32
        %sign3A_241 = arith.extui %sign3A_240 : i1 to i32
        %sign3A_242 = arith.subi %sign3A_238, %sign3A_241 : i32
        %sign3A_243 = arith.constant 0 : i32
        %sign3A_244 = arith.cmpi sgt, %jit3A_236, %sign3A_243 : i32
        %sign3A_245 = arith.extui %sign3A_244 : i1 to i32
        %sign3A_246 = arith.constant 0 : i32
        %sign3A_247 = arith.cmpi slt, %jit3A_236, %sign3A_246 : i32
        %sign3A_248 = arith.extui %sign3A_247 : i1 to i32
        %sign3A_249 = arith.subi %sign3A_245, %sign3A_248 : i32
        %ne3A_250 = arith.cmpi ne, %sign3A_242, %sign3A_249 : i32
        %rem3A_251 = arith.remsi %add3A_82, %jit3A_236 : i32
        %ne3A_252 = arith.constant 0 : i32
        %ne3A_253 = arith.cmpi ne, %rem3A_251, %ne3A_252 : i32
        %and3A_254 = arith.andi %ne3A_250, %ne3A_253 : i1
        %sub3A = arith.constant 1 : i32
        %sub3A_255 = arith.subi %div3A, %sub3A : i32
        %select_n3A_256 = arith.select %and3A_254, %sub3A_255, %div3A : i32
        %jit3A_257 = arith.constant 2 : i32
        %eq3A_258 = arith.constant 0 : i32
        %eq3A_259 = arith.cmpi eq, %jit3A_257, %eq3A_258 : i32
        %jit3A_260 = arith.constant 1 : i32
        %select_n3A_261 = arith.select %eq3A_259, %jit3A_260, %jit3A_257 : i32
        %rem3A_262 = arith.remsi %select_n3A_256, %select_n3A_261 : i32
        %ne3A_263 = arith.constant 0 : i32
        %ne3A_264 = arith.cmpi ne, %rem3A_262, %ne3A_263 : i32
        %lt3A_265 = arith.constant 0 : i32
        %lt3A_266 = arith.cmpi slt, %rem3A_262, %lt3A_265 : i32
        %lt3A_267 = arith.constant 0 : i32
        %lt3A_268 = arith.cmpi slt, %select_n3A_261, %lt3A_267 : i32
        %ne3A_269 = arith.xori %lt3A_266, %lt3A_268 : i1
        %and3A_270 = arith.andi %ne3A_269, %ne3A_264 : i1
        %add3A_271 = arith.addi %rem3A_262, %select_n3A_261 : i32
        %select_n3A_272 = arith.select %and3A_270, %add3A_271, %rem3A_262 : i32
        %jit3A_273 = arith.constant 25 : i32
        %eq3A_274 = arith.constant 0 : i32
        %eq3A_275 = arith.cmpi eq, %jit3A_273, %eq3A_274 : i32
        %jit3A_276 = arith.constant 1 : i32
        %select_n3A_277 = arith.select %eq3A_275, %jit3A_276, %jit3A_273 : i32
        %rem3A_278 = arith.remsi %add3A_82, %select_n3A_277 : i32
        %ne3A_279 = arith.constant 0 : i32
        %ne3A_280 = arith.cmpi ne, %rem3A_278, %ne3A_279 : i32
        %lt3A_281 = arith.constant 0 : i32
        %lt3A_282 = arith.cmpi slt, %rem3A_278, %lt3A_281 : i32
        %lt3A_283 = arith.constant 0 : i32
        %lt3A_284 = arith.cmpi slt, %select_n3A_277, %lt3A_283 : i32
        %ne3A_285 = arith.xori %lt3A_282, %lt3A_284 : i1
        %and3A_286 = arith.andi %ne3A_285, %ne3A_280 : i1
        %add3A_287 = arith.addi %rem3A_278, %select_n3A_277 : i32
        %select_n3A_288 = arith.select %and3A_286, %add3A_287, %rem3A_278 : i32
        %dma_wait3A_289 = arith.constant 0 : i32
        %dma_wait3A_290 = tpu.memref_slice %arg10[%select_n3A_272, %select_n3A_288, %dma_wait3A_289] : memref<2x25x80xi32, #tpu.memory_space<vmem>> -> memref<1x1x80xi32, #tpu.memory_space<vmem>>
        %dma_wait3A_291 = tpu.memref_squeeze %dma_wait3A_290 : memref<1x1x80xi32, #tpu.memory_space<vmem>> -> memref<80xi32, #tpu.memory_space<vmem>>
        %dma_wait3A_292 = arith.constant 0 : i32
        %dma_wait3A_293 = arith.constant 0 : i32
        %dma_wait3A_294 = tpu.memref_slice %arg7[%dma_wait3A_292, %dma_wait3A_293] : memref<10000x128xf32, #tpu.memory_space<hbm>> -> memref<10000x128xf32, #tpu.memory_space<hbm>>
        tpu.wait_indirect_dma semaphore(%arg26 : memref<!tpu.dma_semaphore, #tpu.memory_space<semaphore_mem>>) src(%dma_wait3A_294 : memref<10000x128xf32, #tpu.memory_space<hbm>>) dst(%arg12 : memref<80x128xf32, #tpu.memory_space<vmem>>)
        %scan3A_295 = arith.constant 0 : i32
        %scan3A_296 = arith.constant 80 : i32
        %scan3A_297 = arith.addi %scan3A_295, %scan3A_296 : i32
        %scan3A_298 = arith.constant 8 : i32
        scf.for %scan3A_362 = %scan3A_295 to %scan3A_297 step %scan3A_298  : i32 {
          %mul3A_363 = arith.constant 1 : i32
          %mul3A_364 = arith.muli %scan3A_362, %mul3A_363 : i32
          %add3A_365 = arith.constant 0 : i32
          %add3A_366 = arith.addi %add3A_365, %mul3A_364 : i32
          %broadcast_in_dim3A_367 = vector.broadcast %add3A_366 : i32 to vector<16xi32>
          %gather3A = tpu.vector_load_idx %arg18[%broadcast_in_dim3A_367] : memref<80xf32, #tpu.memory_space<vmem>>[vector<16xi32>], vector<16xf32>,
          %get3A_368 = arith.index_cast %add3A_366 : i32 to index
          %get3A_369 = arith.constant 0 : index
          %get3A_370 = tpu.vector_load %arg12[%get3A_368, %get3A_369] {strides = array<i32>} : memref<80x128xf32, #tpu.memory_space<vmem>>, vector<16xf32>,
          %mul3A_371 = arith.mulf %get3A_370, %gather3A : vector<16xf32>
          %swap3A = arith.index_cast %add3A_366 : i32 to index
          %swap3A_372 = arith.constant 0 : index
          %swap3A_373 = tpu.vector_load %arg12[%swap3A, %swap3A_372] {strides = array<i32>} : memref<80x128xf32, #tpu.memory_space<vmem>>, vector<16xf32>,
          tpu.vector_store %arg12[%swap3A, %swap3A_372], %mul3A_371 {strides = array<i32>} : memref<80x128xf32, #tpu.memory_space<vmem>>, vector<16xf32>,
          %get3A_374 = arith.index_cast %add3A_366 : i32 to index
          %get3A_375 = arith.constant 16 : index
          %get3A_376 = tpu.vector_load %arg12[%get3A_374, %get3A_375] {strides = array<i32>} : memref<80x128xf32, #tpu.memory_space<vmem>>, vector<16xf32>,
          %mul3A_377 = arith.mulf %get3A_376, %gather3A : vector<16xf32>
          %swap3A_378 = arith.index_cast %add3A_366 : i32 to index
          %swap3A_379 = arith.constant 16 : index
          %swap3A_380 = tpu.vector_load %arg12[%swap3A_378, %swap3A_379] {strides = array<i32>} : memref<80x128xf32, #tpu.memory_space<vmem>>, vector<16xf32>,
          tpu.vector_store %arg12[%swap3A_378, %swap3A_379], %mul3A_377 {strides = array<i32>} : memref<80x128xf32, #tpu.memory_space<vmem>>, vector<16xf32>,
          %get3A_381 = arith.index_cast %add3A_366 : i32 to index
          %get3A_382 = arith.constant 32 : index
          %get3A_383 = tpu.vector_load %arg12[%get3A_381, %get3A_382] {strides = array<i32>} : memref<80x128xf32, #tpu.memory_space<vmem>>, vector<16xf32>,
          %mul3A_384 = arith.mulf %get3A_383, %gather3A : vector<16xf32>
          %swap3A_385 = arith.index_cast %add3A_366 : i32 to index
          %swap3A_386 = arith.constant 32 : index
          %swap3A_387 = tpu.vector_load %arg12[%swap3A_385, %swap3A_386] {strides = array<i32>} : memref<80x128xf32, #tpu.memory_space<vmem>>, vector<16xf32>,
          tpu.vector_store %arg12[%swap3A_385, %swap3A_386], %mul3A_384 {strides = array<i32>} : memref<80x128xf32, #tpu.memory_space<vmem>>, vector<16xf32>,
          %get3A_388 = arith.index_cast %add3A_366 : i32 to index
          %get3A_389 = arith.constant 48 : index
          %get3A_390 = tpu.vector_load %arg12[%get3A_388, %get3A_389] {strides = array<i32>} : memref<80x128xf32, #tpu.memory_space<vmem>>, vector<16xf32>,
          %mul3A_391 = arith.mulf %get3A_390, %gather3A : vector<16xf32>
          %swap3A_392 = arith.index_cast %add3A_366 : i32 to index
          %swap3A_393 = arith.constant 48 : index
          %swap3A_394 = tpu.vector_load %arg12[%swap3A_392, %swap3A_393] {strides = array<i32>} : memref<80x128xf32, #tpu.memory_space<vmem>>, vector<16xf32>,
          tpu.vector_store %arg12[%swap3A_392, %swap3A_393], %mul3A_391 {strides = array<i32>} : memref<80x128xf32, #tpu.memory_space<vmem>>, vector<16xf32>,
          %get3A_395 = arith.index_cast %add3A_366 : i32 to index
          %get3A_396 = arith.constant 64 : index
          %get3A_397 = tpu.vector_load %arg12[%get3A_395, %get3A_396] {strides = array<i32>} : memref<80x128xf32, #tpu.memory_space<vmem>>, vector<16xf32>,
          %mul3A_398 = arith.mulf %get3A_397, %gather3A : vector<16xf32>
          %swap3A_399 = arith.index_cast %add3A_366 : i32 to index
          %swap3A_400 = arith.constant 64 : index
          %swap3A_401 = tpu.vector_load %arg12[%swap3A_399, %swap3A_400] {strides = array<i32>} : memref<80x128xf32, #tpu.memory_space<vmem>>, vector<16xf32>,
          tpu.vector_store %arg12[%swap3A_399, %swap3A_400], %mul3A_398 {strides = array<i32>} : memref<80x128xf32, #tpu.memory_space<vmem>>, vector<16xf32>,
          %get3A_402 = arith.index_cast %add3A_366 : i32 to index
          %get3A_403 = arith.constant 80 : index
          %get3A_404 = tpu.vector_load %arg12[%get3A_402, %get3A_403] {strides = array<i32>} : memref<80x128xf32, #tpu.memory_space<vmem>>, vector<16xf32>,
          %mul3A_405 = arith.mulf %get3A_404, %gather3A : vector<16xf32>
          %swap3A_406 = arith.index_cast %add3A_366 : i32 to index
          %swap3A_407 = arith.constant 80 : index
          %swap3A_408 = tpu.vector_load %arg12[%swap3A_406, %swap3A_407] {strides = array<i32>} : memref<80x128xf32, #tpu.memory_space<vmem>>, vector<16xf32>,
          tpu.vector_store %arg12[%swap3A_406, %swap3A_407], %mul3A_405 {strides = array<i32>} : memref<80x128xf32, #tpu.memory_space<vmem>>, vector<16xf32>,
          %get3A_409 = arith.index_cast %add3A_366 : i32 to index
          %get3A_410 = arith.constant 96 : index
          %get3A_411 = tpu.vector_load %arg12[%get3A_409, %get3A_410] {strides = array<i32>} : memref<80x128xf32, #tpu.memory_space<vmem>>, vector<16xf32>,
          %mul3A_412 = arith.mulf %get3A_411, %gather3A : vector<16xf32>
          %swap3A_413 = arith.index_cast %add3A_366 : i32 to index
          %swap3A_414 = arith.constant 96 : index
          %swap3A_415 = tpu.vector_load %arg12[%swap3A_413, %swap3A_414] {strides = array<i32>} : memref<80x128xf32, #tpu.memory_space<vmem>>, vector<16xf32>,
          tpu.vector_store %arg12[%swap3A_413, %swap3A_414], %mul3A_412 {strides = array<i32>} : memref<80x128xf32, #tpu.memory_space<vmem>>, vector<16xf32>,
          %get3A_416 = arith.index_cast %add3A_366 : i32 to index
          %get3A_417 = arith.constant 112 : index
          %get3A_418 = tpu.vector_load %arg12[%get3A_416, %get3A_417] {strides = array<i32>} : memref<80x128xf32, #tpu.memory_space<vmem>>, vector<16xf32>,
          %mul3A_419 = arith.mulf %get3A_418, %gather3A : vector<16xf32>
          %swap3A_420 = arith.index_cast %add3A_366 : i32 to index
          %swap3A_421 = arith.constant 112 : index
          %swap3A_422 = tpu.vector_load %arg12[%swap3A_420, %swap3A_421] {strides = array<i32>} : memref<80x128xf32, #tpu.memory_space<vmem>>, vector<16xf32>,
          tpu.vector_store %arg12[%swap3A_420, %swap3A_421], %mul3A_419 {strides = array<i32>} : memref<80x128xf32, #tpu.memory_space<vmem>>, vector<16xf32>,
          %scan3A_423 = arith.constant 1 : i32
          %scan3A_424 = arith.addi %scan3A_362, %scan3A_423 : i32
          %mul3A_425 = arith.constant 1 : i32
          %mul3A_426 = arith.muli %scan3A_424, %mul3A_425 : i32
          %add3A_427 = arith.constant 0 : i32
          %add3A_428 = arith.addi %add3A_427, %mul3A_426 : i32
          %broadcast_in_dim3A_429 = vector.broadcast %add3A_428 : i32 to vector<16xi32>
          %gather3A_430 = tpu.vector_load_idx %arg18[%broadcast_in_dim3A_429] : memref<80xf32, #tpu.memory_space<vmem>>[vector<16xi32>], vector<16xf32>,
          %get3A_431 = arith.index_cast %add3A_428 : i32 to index
          %get3A_432 = arith.constant 0 : index
          %get3A_433 = tpu.vector_load %arg12[%get3A_431, %get3A_432] {strides = array<i32>} : memref<80x128xf32, #tpu.memory_space<vmem>>, vector<16xf32>,
          %mul3A_434 = arith.mulf %get3A_433, %gather3A_430 : vector<16xf32>
          %swap3A_435 = arith.index_cast %add3A_428 : i32 to index
          %swap3A_436 = arith.constant 0 : index
          %swap3A_437 = tpu.vector_load %arg12[%swap3A_435, %swap3A_436] {strides = array<i32>} : memref<80x128xf32, #tpu.memory_space<vmem>>, vector<16xf32>,
          tpu.vector_store %arg12[%swap3A_435, %swap3A_436], %mul3A_434 {strides = array<i32>} : memref<80x128xf32, #tpu.memory_space<vmem>>, vector<16xf32>,
          %get3A_438 = arith.index_cast %add3A_428 : i32 to index
          %get3A_439 = arith.constant 16 : index
          %get3A_440 = tpu.vector_load %arg12[%get3A_438, %get3A_439] {strides = array<i32>} : memref<80x128xf32, #tpu.memory_space<vmem>>, vector<16xf32>,
          %mul3A_441 = arith.mulf %get3A_440, %gather3A_430 : vector<16xf32>
          %swap3A_442 = arith.index_cast %add3A_428 : i32 to index
          %swap3A_443 = arith.constant 16 : index
          %swap3A_444 = tpu.vector_load %arg12[%swap3A_442, %swap3A_443] {strides = array<i32>} : memref<80x128xf32, #tpu.memory_space<vmem>>, vector<16xf32>,
          tpu.vector_store %arg12[%swap3A_442, %swap3A_443], %mul3A_441 {strides = array<i32>} : memref<80x128xf32, #tpu.memory_space<vmem>>, vector<16xf32>,
          %get3A_445 = arith.index_cast %add3A_428 : i32 to index
          %get3A_446 = arith.constant 32 : index
          %get3A_447 = tpu.vector_load %arg12[%get3A_445, %get3A_446] {strides = array<i32>} : memref<80x128xf32, #tpu.memory_space<vmem>>, vector<16xf32>,
          %mul3A_448 = arith.mulf %get3A_447, %gather3A_430 : vector<16xf32>
          %swap3A_449 = arith.index_cast %add3A_428 : i32 to index
          %swap3A_450 = arith.constant 32 : index
          %swap3A_451 = tpu.vector_load %arg12[%swap3A_449, %swap3A_450] {strides = array<i32>} : memref<80x128xf32, #tpu.memory_space<vmem>>, vector<16xf32>,
          tpu.vector_store %arg12[%swap3A_449, %swap3A_450], %mul3A_448 {strides = array<i32>} : memref<80x128xf32, #tpu.memory_space<vmem>>, vector<16xf32>,
          %get3A_452 = arith.index_cast %add3A_428 : i32 to index
          %get3A_453 = arith.constant 48 : index
          %get3A_454 = tpu.vector_load %arg12[%get3A_452, %get3A_453] {strides = array<i32>} : memref<80x128xf32, #tpu.memory_space<vmem>>, vector<16xf32>,
          %mul3A_455 = arith.mulf %get3A_454, %gather3A_430 : vector<16xf32>
          %swap3A_456 = arith.index_cast %add3A_428 : i32 to index
          %swap3A_457 = arith.constant 48 : index
          %swap3A_458 = tpu.vector_load %arg12[%swap3A_456, %swap3A_457] {strides = array<i32>} : memref<80x128xf32, #tpu.memory_space<vmem>>, vector<16xf32>,
          tpu.vector_store %arg12[%swap3A_456, %swap3A_457], %mul3A_455 {strides = array<i32>} : memref<80x128xf32, #tpu.memory_space<vmem>>, vector<16xf32>,
          %get3A_459 = arith.index_cast %add3A_428 : i32 to index
          %get3A_460 = arith.constant 64 : index
          %get3A_461 = tpu.vector_load %arg12[%get3A_459, %get3A_460] {strides = array<i32>} : memref<80x128xf32, #tpu.memory_space<vmem>>, vector<16xf32>,
          %mul3A_462 = arith.mulf %get3A_461, %gather3A_430 : vector<16xf32>
          %swap3A_463 = arith.index_cast %add3A_428 : i32 to index
          %swap3A_464 = arith.constant 64 : index
          %swap3A_465 = tpu.vector_load %arg12[%swap3A_463, %swap3A_464] {strides = array<i32>} : memref<80x128xf32, #tpu.memory_space<vmem>>, vector<16xf32>,
          tpu.vector_store %arg12[%swap3A_463, %swap3A_464], %mul3A_462 {strides = array<i32>} : memref<80x128xf32, #tpu.memory_space<vmem>>, vector<16xf32>,
          %get3A_466 = arith.index_cast %add3A_428 : i32 to index
          %get3A_467 = arith.constant 80 : index
          %get3A_468 = tpu.vector_load %arg12[%get3A_466, %get3A_467] {strides = array<i32>} : memref<80x128xf32, #tpu.memory_space<vmem>>, vector<16xf32>,
          %mul3A_469 = arith.mulf %get3A_468, %gather3A_430 : vector<16xf32>
          %swap3A_470 = arith.index_cast %add3A_428 : i32 to index
          %swap3A_471 = arith.constant 80 : index
          %swap3A_472 = tpu.vector_load %arg12[%swap3A_470, %swap3A_471] {strides = array<i32>} : memref<80x128xf32, #tpu.memory_space<vmem>>, vector<16xf32>,
          tpu.vector_store %arg12[%swap3A_470, %swap3A_471], %mul3A_469 {strides = array<i32>} : memref<80x128xf32, #tpu.memory_space<vmem>>, vector<16xf32>,
          %get3A_473 = arith.index_cast %add3A_428 : i32 to index
          %get3A_474 = arith.constant 96 : index
          %get3A_475 = tpu.vector_load %arg12[%get3A_473, %get3A_474] {strides = array<i32>} : memref<80x128xf32, #tpu.memory_space<vmem>>, vector<16xf32>,
          %mul3A_476 = arith.mulf %get3A_475, %gather3A_430 : vector<16xf32>
          %swap3A_477 = arith.index_cast %add3A_428 : i32 to index
          %swap3A_478 = arith.constant 96 : index
          %swap3A_479 = tpu.vector_load %arg12[%swap3A_477, %swap3A_478] {strides = array<i32>} : memref<80x128xf32, #tpu.memory_space<vmem>>, vector<16xf32>,
          tpu.vector_store %arg12[%swap3A_477, %swap3A_478], %mul3A_476 {strides = array<i32>} : memref<80x128xf32, #tpu.memory_space<vmem>>, vector<16xf32>,
          %get3A_480 = arith.index_cast %add3A_428 : i32 to index
          %get3A_481 = arith.constant 112 : index
          %get3A_482 = tpu.vector_load %arg12[%get3A_480, %get3A_481] {strides = array<i32>} : memref<80x128xf32, #tpu.memory_space<vmem>>, vector<16xf32>,
          %mul3A_483 = arith.mulf %get3A_482, %gather3A_430 : vector<16xf32>
          %swap3A_484 = arith.index_cast %add3A_428 : i32 to index
          %swap3A_485 = arith.constant 112 : index
          %swap3A_486 = tpu.vector_load %arg12[%swap3A_484, %swap3A_485] {strides = array<i32>} : memref<80x128xf32, #tpu.memory_space<vmem>>, vector<16xf32>,
          tpu.vector_store %arg12[%swap3A_484, %swap3A_485], %mul3A_483 {strides = array<i32>} : memref<80x128xf32, #tpu.memory_space<vmem>>, vector<16xf32>,
          %scan3A_487 = arith.constant 2 : i32
          %scan3A_488 = arith.addi %scan3A_362, %scan3A_487 : i32
          %mul3A_489 = arith.constant 1 : i32
          %mul3A_490 = arith.muli %scan3A_488, %mul3A_489 : i32
          %add3A_491 = arith.constant 0 : i32
          %add3A_492 = arith.addi %add3A_491, %mul3A_490 : i32
          %broadcast_in_dim3A_493 = vector.broadcast %add3A_492 : i32 to vector<16xi32>
          %gather3A_494 = tpu.vector_load_idx %arg18[%broadcast_in_dim3A_493] : memref<80xf32, #tpu.memory_space<vmem>>[vector<16xi32>], vector<16xf32>,
          %get3A_495 = arith.index_cast %add3A_492 : i32 to index
          %get3A_496 = arith.constant 0 : index
          %get3A_497 = tpu.vector_load %arg12[%get3A_495, %get3A_496] {strides = array<i32>} : memref<80x128xf32, #tpu.memory_space<vmem>>, vector<16xf32>,
          %mul3A_498 = arith.mulf %get3A_497, %gather3A_494 : vector<16xf32>
          %swap3A_499 = arith.index_cast %add3A_492 : i32 to index
          %swap3A_500 = arith.constant 0 : index
          %swap3A_501 = tpu.vector_load %arg12[%swap3A_499, %swap3A_500] {strides = array<i32>} : memref<80x128xf32, #tpu.memory_space<vmem>>, vector<16xf32>,
          tpu.vector_store %arg12[%swap3A_499, %swap3A_500], %mul3A_498 {strides = array<i32>} : memref<80x128xf32, #tpu.memory_space<vmem>>, vector<16xf32>,
          %get3A_502 = arith.index_cast %add3A_492 : i32 to index
          %get3A_503 = arith.constant 16 : index
          %get3A_504 = tpu.vector_load %arg12[%get3A_502, %get3A_503] {strides = array<i32>} : memref<80x128xf32, #tpu.memory_space<vmem>>, vector<16xf32>,
          %mul3A_505 = arith.mulf %get3A_504, %gather3A_494 : vector<16xf32>
          %swap3A_506 = arith.index_cast %add3A_492 : i32 to index
          %swap3A_507 = arith.constant 16 : index
          %swap3A_508 = tpu.vector_load %arg12[%swap3A_506, %swap3A_507] {strides = array<i32>} : memref<80x128xf32, #tpu.memory_space<vmem>>, vector<16xf32>,
          tpu.vector_store %arg12[%swap3A_506, %swap3A_507], %mul3A_505 {strides = array<i32>} : memref<80x128xf32, #tpu.memory_space<vmem>>, vector<16xf32>,
          %get3A_509 = arith.index_cast %add3A_492 : i32 to index
          %get3A_510 = arith.constant 32 : index
          %get3A_511 = tpu.vector_load %arg12[%get3A_509, %get3A_510] {strides = array<i32>} : memref<80x128xf32, #tpu.memory_space<vmem>>, vector<16xf32>,
          %mul3A_512 = arith.mulf %get3A_511, %gather3A_494 : vector<16xf32>
          %swap3A_513 = arith.index_cast %add3A_492 : i32 to index
          %swap3A_514 = arith.constant 32 : index
          %swap3A_515 = tpu.vector_load %arg12[%swap3A_513, %swap3A_514] {strides = array<i32>} : memref<80x128xf32, #tpu.memory_space<vmem>>, vector<16xf32>,
          tpu.vector_store %arg12[%swap3A_513, %swap3A_514], %mul3A_512 {strides = array<i32>} : memref<80x128xf32, #tpu.memory_space<vmem>>, vector<16xf32>,
          %get3A_516 = arith.index_cast %add3A_492 : i32 to index
          %get3A_517 = arith.constant 48 : index
          %get3A_518 = tpu.vector_load %arg12[%get3A_516, %get3A_517] {strides = array<i32>} : memref<80x128xf32, #tpu.memory_space<vmem>>, vector<16xf32>,
          %mul3A_519 = arith.mulf %get3A_518, %gather3A_494 : vector<16xf32>
          %swap3A_520 = arith.index_cast %add3A_492 : i32 to index
          %swap3A_521 = arith.constant 48 : index
          %swap3A_522 = tpu.vector_load %arg12[%swap3A_520, %swap3A_521] {strides = array<i32>} : memref<80x128xf32, #tpu.memory_space<vmem>>, vector<16xf32>,
          tpu.vector_store %arg12[%swap3A_520, %swap3A_521], %mul3A_519 {strides = array<i32>} : memref<80x128xf32, #tpu.memory_space<vmem>>, vector<16xf32>,
          %get3A_523 = arith.index_cast %add3A_492 : i32 to index
          %get3A_524 = arith.constant 64 : index
          %get3A_525 = tpu.vector_load %arg12[%get3A_523, %get3A_524] {strides = array<i32>} : memref<80x128xf32, #tpu.memory_space<vmem>>, vector<16xf32>,
          %mul3A_526 = arith.mulf %get3A_525, %gather3A_494 : vector<16xf32>
          %swap3A_527 = arith.index_cast %add3A_492 : i32 to index
          %swap3A_528 = arith.constant 64 : index
          %swap3A_529 = tpu.vector_load %arg12[%swap3A_527, %swap3A_528] {strides = array<i32>} : memref<80x128xf32, #tpu.memory_space<vmem>>, vector<16xf32>,
          tpu.vector_store %arg12[%swap3A_527, %swap3A_528], %mul3A_526 {strides = array<i32>} : memref<80x128xf32, #tpu.memory_space<vmem>>, vector<16xf32>,
          %get3A_530 = arith.index_cast %add3A_492 : i32 to index
          %get3A_531 = arith.constant 80 : index
          %get3A_532 = tpu.vector_load %arg12[%get3A_530, %get3A_531] {strides = array<i32>} : memref<80x128xf32, #tpu.memory_space<vmem>>, vector<16xf32>,
          %mul3A_533 = arith.mulf %get3A_532, %gather3A_494 : vector<16xf32>
          %swap3A_534 = arith.index_cast %add3A_492 : i32 to index
          %swap3A_535 = arith.constant 80 : index
          %swap3A_536 = tpu.vector_load %arg12[%swap3A_534, %swap3A_535] {strides = array<i32>} : memref<80x128xf32, #tpu.memory_space<vmem>>, vector<16xf32>,
          tpu.vector_store %arg12[%swap3A_534, %swap3A_535], %mul3A_533 {strides = array<i32>} : memref<80x128xf32, #tpu.memory_space<vmem>>, vector<16xf32>,
          %get3A_537 = arith.index_cast %add3A_492 : i32 to index
          %get3A_538 = arith.constant 96 : index
          %get3A_539 = tpu.vector_load %arg12[%get3A_537, %get3A_538] {strides = array<i32>} : memref<80x128xf32, #tpu.memory_space<vmem>>, vector<16xf32>,
          %mul3A_540 = arith.mulf %get3A_539, %gather3A_494 : vector<16xf32>
          %swap3A_541 = arith.index_cast %add3A_492 : i32 to index
          %swap3A_542 = arith.constant 96 : index
          %swap3A_543 = tpu.vector_load %arg12[%swap3A_541, %swap3A_542] {strides = array<i32>} : memref<80x128xf32, #tpu.memory_space<vmem>>, vector<16xf32>,
          tpu.vector_store %arg12[%swap3A_541, %swap3A_542], %mul3A_540 {strides = array<i32>} : memref<80x128xf32, #tpu.memory_space<vmem>>, vector<16xf32>,
          %get3A_544 = arith.index_cast %add3A_492 : i32 to index
          %get3A_545 = arith.constant 112 : index
          %get3A_546 = tpu.vector_load %arg12[%get3A_544, %get3A_545] {strides = array<i32>} : memref<80x128xf32, #tpu.memory_space<vmem>>, vector<16xf32>,
          %mul3A_547 = arith.mulf %get3A_546, %gather3A_494 : vector<16xf32>
          %swap3A_548 = arith.index_cast %add3A_492 : i32 to index
          %swap3A_549 = arith.constant 112 : index
          %swap3A_550 = tpu.vector_load %arg12[%swap3A_548, %swap3A_549] {strides = array<i32>} : memref<80x128xf32, #tpu.memory_space<vmem>>, vector<16xf32>,
          tpu.vector_store %arg12[%swap3A_548, %swap3A_549], %mul3A_547 {strides = array<i32>} : memref<80x128xf32, #tpu.memory_space<vmem>>, vector<16xf32>,
          %scan3A_551 = arith.constant 3 : i32
          %scan3A_552 = arith.addi %scan3A_362, %scan3A_551 : i32
          %mul3A_553 = arith.constant 1 : i32
          %mul3A_554 = arith.muli %scan3A_552, %mul3A_553 : i32
          %add3A_555 = arith.constant 0 : i32
          %add3A_556 = arith.addi %add3A_555, %mul3A_554 : i32
          %broadcast_in_dim3A_557 = vector.broadcast %add3A_556 : i32 to vector<16xi32>
          %gather3A_558 = tpu.vector_load_idx %arg18[%broadcast_in_dim3A_557] : memref<80xf32, #tpu.memory_space<vmem>>[vector<16xi32>], vector<16xf32>,
          %get3A_559 = arith.index_cast %add3A_556 : i32 to index
          %get3A_560 = arith.constant 0 : index
          %get3A_561 = tpu.vector_load %arg12[%get3A_559, %get3A_560] {strides = array<i32>} : memref<80x128xf32, #tpu.memory_space<vmem>>, vector<16xf32>,
          %mul3A_562 = arith.mulf %get3A_561, %gather3A_558 : vector<16xf32>
          %swap3A_563 = arith.index_cast %add3A_556 : i32 to index
          %swap3A_564 = arith.constant 0 : index
          %swap3A_565 = tpu.vector_load %arg12[%swap3A_563, %swap3A_564] {strides = array<i32>} : memref<80x128xf32, #tpu.memory_space<vmem>>, vector<16xf32>,
          tpu.vector_store %arg12[%swap3A_563, %swap3A_564], %mul3A_562 {strides = array<i32>} : memref<80x128xf32, #tpu.memory_space<vmem>>, vector<16xf32>,
          %get3A_566 = arith.index_cast %add3A_556 : i32 to index
          %get3A_567 = arith.constant 16 : index
          %get3A_568 = tpu.vector_load %arg12[%get3A_566, %get3A_567] {strides = array<i32>} : memref<80x128xf32, #tpu.memory_space<vmem>>, vector<16xf32>,
          %mul3A_569 = arith.mulf %get3A_568, %gather3A_558 : vector<16xf32>
          %swap3A_570 = arith.index_cast %add3A_556 : i32 to index
          %swap3A_571 = arith.constant 16 : index
          %swap3A_572 = tpu.vector_load %arg12[%swap3A_570, %swap3A_571] {strides = array<i32>} : memref<80x128xf32, #tpu.memory_space<vmem>>, vector<16xf32>,
          tpu.vector_store %arg12[%swap3A_570, %swap3A_571], %mul3A_569 {strides = array<i32>} : memref<80x128xf32, #tpu.memory_space<vmem>>, vector<16xf32>,
          %get3A_573 = arith.index_cast %add3A_556 : i32 to index
          %get3A_574 = arith.constant 32 : index
          %get3A_575 = tpu.vector_load %arg12[%get3A_573, %get3A_574] {strides = array<i32>} : memref<80x128xf32, #tpu.memory_space<vmem>>, vector<16xf32>,
          %mul3A_576 = arith.mulf %get3A_575, %gather3A_558 : vector<16xf32>
          %swap3A_577 = arith.index_cast %add3A_556 : i32 to index
          %swap3A_578 = arith.constant 32 : index
          %swap3A_579 = tpu.vector_load %arg12[%swap3A_577, %swap3A_578] {strides = array<i32>} : memref<80x128xf32, #tpu.memory_space<vmem>>, vector<16xf32>,
          tpu.vector_store %arg12[%swap3A_577, %swap3A_578], %mul3A_576 {strides = array<i32>} : memref<80x128xf32, #tpu.memory_space<vmem>>, vector<16xf32>,
          %get3A_580 = arith.index_cast %add3A_556 : i32 to index
          %get3A_581 = arith.constant 48 : index
          %get3A_582 = tpu.vector_load %arg12[%get3A_580, %get3A_581] {strides = array<i32>} : memref<80x128xf32, #tpu.memory_space<vmem>>, vector<16xf32>,
          %mul3A_583 = arith.mulf %get3A_582, %gather3A_558 : vector<16xf32>
          %swap3A_584 = arith.index_cast %add3A_556 : i32 to index
          %swap3A_585 = arith.constant 48 : index
          %swap3A_586 = tpu.vector_load %arg12[%swap3A_584, %swap3A_585] {strides = array<i32>} : memref<80x128xf32, #tpu.memory_space<vmem>>, vector<16xf32>,
          tpu.vector_store %arg12[%swap3A_584, %swap3A_585], %mul3A_583 {strides = array<i32>} : memref<80x128xf32, #tpu.memory_space<vmem>>, vector<16xf32>,
          %get3A_587 = arith.index_cast %add3A_556 : i32 to index
          %get3A_588 = arith.constant 64 : index
          %get3A_589 = tpu.vector_load %arg12[%get3A_587, %get3A_588] {strides = array<i32>} : memref<80x128xf32, #tpu.memory_space<vmem>>, vector<16xf32>,
          %mul3A_590 = arith.mulf %get3A_589, %gather3A_558 : vector<16xf32>
          %swap3A_591 = arith.index_cast %add3A_556 : i32 to index
          %swap3A_592 = arith.constant 64 : index
          %swap3A_593 = tpu.vector_load %arg12[%swap3A_591, %swap3A_592] {strides = array<i32>} : memref<80x128xf32, #tpu.memory_space<vmem>>, vector<16xf32>,
          tpu.vector_store %arg12[%swap3A_591, %swap3A_592], %mul3A_590 {strides = array<i32>} : memref<80x128xf32, #tpu.memory_space<vmem>>, vector<16xf32>,
          %get3A_594 = arith.index_cast %add3A_556 : i32 to index
          %get3A_595 = arith.constant 80 : index
          %get3A_596 = tpu.vector_load %arg12[%get3A_594, %get3A_595] {strides = array<i32>} : memref<80x128xf32, #tpu.memory_space<vmem>>, vector<16xf32>,
          %mul3A_597 = arith.mulf %get3A_596, %gather3A_558 : vector<16xf32>
          %swap3A_598 = arith.index_cast %add3A_556 : i32 to index
          %swap3A_599 = arith.constant 80 : index
          %swap3A_600 = tpu.vector_load %arg12[%swap3A_598, %swap3A_599] {strides = array<i32>} : memref<80x128xf32, #tpu.memory_space<vmem>>, vector<16xf32>,
          tpu.vector_store %arg12[%swap3A_598, %swap3A_599], %mul3A_597 {strides = array<i32>} : memref<80x128xf32, #tpu.memory_space<vmem>>, vector<16xf32>,
          %get3A_601 = arith.index_cast %add3A_556 : i32 to index
          %get3A_602 = arith.constant 96 : index
          %get3A_603 = tpu.vector_load %arg12[%get3A_601, %get3A_602] {strides = array<i32>} : memref<80x128xf32, #tpu.memory_space<vmem>>, vector<16xf32>,
          %mul3A_604 = arith.mulf %get3A_603, %gather3A_558 : vector<16xf32>
          %swap3A_605 = arith.index_cast %add3A_556 : i32 to index
          %swap3A_606 = arith.constant 96 : index
          %swap3A_607 = tpu.vector_load %arg12[%swap3A_605, %swap3A_606] {strides = array<i32>} : memref<80x128xf32, #tpu.memory_space<vmem>>, vector<16xf32>,
          tpu.vector_store %arg12[%swap3A_605, %swap3A_606], %mul3A_604 {strides = array<i32>} : memref<80x128xf32, #tpu.memory_space<vmem>>, vector<16xf32>,
          %get3A_608 = arith.index_cast %add3A_556 : i32 to index
          %get3A_609 = arith.constant 112 : index
          %get3A_610 = tpu.vector_load %arg12[%get3A_608, %get3A_609] {strides = array<i32>} : memref<80x128xf32, #tpu.memory_space<vmem>>, vector<16xf32>,
          %mul3A_611 = arith.mulf %get3A_610, %gather3A_558 : vector<16xf32>
          %swap3A_612 = arith.index_cast %add3A_556 : i32 to index
          %swap3A_613 = arith.constant 112 : index
          %swap3A_614 = tpu.vector_load %arg12[%swap3A_612, %swap3A_613] {strides = array<i32>} : memref<80x128xf32, #tpu.memory_space<vmem>>, vector<16xf32>,
          tpu.vector_store %arg12[%swap3A_612, %swap3A_613], %mul3A_611 {strides = array<i32>} : memref<80x128xf32, #tpu.memory_space<vmem>>, vector<16xf32>,
          %scan3A_615 = arith.constant 4 : i32
          %scan3A_616 = arith.addi %scan3A_362, %scan3A_615 : i32
          %mul3A_617 = arith.constant 1 : i32
          %mul3A_618 = arith.muli %scan3A_616, %mul3A_617 : i32
          %add3A_619 = arith.constant 0 : i32
          %add3A_620 = arith.addi %add3A_619, %mul3A_618 : i32
          %broadcast_in_dim3A_621 = vector.broadcast %add3A_620 : i32 to vector<16xi32>
          %gather3A_622 = tpu.vector_load_idx %arg18[%broadcast_in_dim3A_621] : memref<80xf32, #tpu.memory_space<vmem>>[vector<16xi32>], vector<16xf32>,
          %get3A_623 = arith.index_cast %add3A_620 : i32 to index
          %get3A_624 = arith.constant 0 : index
          %get3A_625 = tpu.vector_load %arg12[%get3A_623, %get3A_624] {strides = array<i32>} : memref<80x128xf32, #tpu.memory_space<vmem>>, vector<16xf32>,
          %mul3A_626 = arith.mulf %get3A_625, %gather3A_622 : vector<16xf32>
          %swap3A_627 = arith.index_cast %add3A_620 : i32 to index
          %swap3A_628 = arith.constant 0 : index
          %swap3A_629 = tpu.vector_load %arg12[%swap3A_627, %swap3A_628] {strides = array<i32>} : memref<80x128xf32, #tpu.memory_space<vmem>>, vector<16xf32>,
          tpu.vector_store %arg12[%swap3A_627, %swap3A_628], %mul3A_626 {strides = array<i32>} : memref<80x128xf32, #tpu.memory_space<vmem>>, vector<16xf32>,
          %get3A_630 = arith.index_cast %add3A_620 : i32 to index
          %get3A_631 = arith.constant 16 : index
          %get3A_632 = tpu.vector_load %arg12[%get3A_630, %get3A_631] {strides = array<i32>} : memref<80x128xf32, #tpu.memory_space<vmem>>, vector<16xf32>,
          %mul3A_633 = arith.mulf %get3A_632, %gather3A_622 : vector<16xf32>
          %swap3A_634 = arith.index_cast %add3A_620 : i32 to index
          %swap3A_635 = arith.constant 16 : index
          %swap3A_636 = tpu.vector_load %arg12[%swap3A_634, %swap3A_635] {strides = array<i32>} : memref<80x128xf32, #tpu.memory_space<vmem>>, vector<16xf32>,
          tpu.vector_store %arg12[%swap3A_634, %swap3A_635], %mul3A_633 {strides = array<i32>} : memref<80x128xf32, #tpu.memory_space<vmem>>, vector<16xf32>,
          %get3A_637 = arith.index_cast %add3A_620 : i32 to index
          %get3A_638 = arith.constant 32 : index
          %get3A_639 = tpu.vector_load %arg12[%get3A_637, %get3A_638] {strides = array<i32>} : memref<80x128xf32, #tpu.memory_space<vmem>>, vector<16xf32>,
          %mul3A_640 = arith.mulf %get3A_639, %gather3A_622 : vector<16xf32>
          %swap3A_641 = arith.index_cast %add3A_620 : i32 to index
          %swap3A_642 = arith.constant 32 : index
          %swap3A_643 = tpu.vector_load %arg12[%swap3A_641, %swap3A_642] {strides = array<i32>} : memref<80x128xf32, #tpu.memory_space<vmem>>, vector<16xf32>,
          tpu.vector_store %arg12[%swap3A_641, %swap3A_642], %mul3A_640 {strides = array<i32>} : memref<80x128xf32, #tpu.memory_space<vmem>>, vector<16xf32>,
          %get3A_644 = arith.index_cast %add3A_620 : i32 to index
          %get3A_645 = arith.constant 48 : index
          %get3A_646 = tpu.vector_load %arg12[%get3A_644, %get3A_645] {strides = array<i32>} : memref<80x128xf32, #tpu.memory_space<vmem>>, vector<16xf32>,
          %mul3A_647 = arith.mulf %get3A_646, %gather3A_622 : vector<16xf32>
          %swap3A_648 = arith.index_cast %add3A_620 : i32 to index
          %swap3A_649 = arith.constant 48 : index
          %swap3A_650 = tpu.vector_load %arg12[%swap3A_648, %swap3A_649] {strides = array<i32>} : memref<80x128xf32, #tpu.memory_space<vmem>>, vector<16xf32>,
          tpu.vector_store %arg12[%swap3A_648, %swap3A_649], %mul3A_647 {strides = array<i32>} : memref<80x128xf32, #tpu.memory_space<vmem>>, vector<16xf32>,
          %get3A_651 = arith.index_cast %add3A_620 : i32 to index
          %get3A_652 = arith.constant 64 : index
          %get3A_653 = tpu.vector_load %arg12[%get3A_651, %get3A_652] {strides = array<i32>} : memref<80x128xf32, #tpu.memory_space<vmem>>, vector<16xf32>,
          %mul3A_654 = arith.mulf %get3A_653, %gather3A_622 : vector<16xf32>
          %swap3A_655 = arith.index_cast %add3A_620 : i32 to index
          %swap3A_656 = arith.constant 64 : index
          %swap3A_657 = tpu.vector_load %arg12[%swap3A_655, %swap3A_656] {strides = array<i32>} : memref<80x128xf32, #tpu.memory_space<vmem>>, vector<16xf32>,
          tpu.vector_store %arg12[%swap3A_655, %swap3A_656], %mul3A_654 {strides = array<i32>} : memref<80x128xf32, #tpu.memory_space<vmem>>, vector<16xf32>,
          %get3A_658 = arith.index_cast %add3A_620 : i32 to index
          %get3A_659 = arith.constant 80 : index
          %get3A_660 = tpu.vector_load %arg12[%get3A_658, %get3A_659] {strides = array<i32>} : memref<80x128xf32, #tpu.memory_space<vmem>>, vector<16xf32>,
          %mul3A_661 = arith.mulf %get3A_660, %gather3A_622 : vector<16xf32>
          %swap3A_662 = arith.index_cast %add3A_620 : i32 to index
          %swap3A_663 = arith.constant 80 : index
          %swap3A_664 = tpu.vector_load %arg12[%swap3A_662, %swap3A_663] {strides = array<i32>} : memref<80x128xf32, #tpu.memory_space<vmem>>, vector<16xf32>,
          tpu.vector_store %arg12[%swap3A_662, %swap3A_663], %mul3A_661 {strides = array<i32>} : memref<80x128xf32, #tpu.memory_space<vmem>>, vector<16xf32>,
          %get3A_665 = arith.index_cast %add3A_620 : i32 to index
          %get3A_666 = arith.constant 96 : index
          %get3A_667 = tpu.vector_load %arg12[%get3A_665, %get3A_666] {strides = array<i32>} : memref<80x128xf32, #tpu.memory_space<vmem>>, vector<16xf32>,
          %mul3A_668 = arith.mulf %get3A_667, %gather3A_622 : vector<16xf32>
          %swap3A_669 = arith.index_cast %add3A_620 : i32 to index
          %swap3A_670 = arith.constant 96 : index
          %swap3A_671 = tpu.vector_load %arg12[%swap3A_669, %swap3A_670] {strides = array<i32>} : memref<80x128xf32, #tpu.memory_space<vmem>>, vector<16xf32>,
          tpu.vector_store %arg12[%swap3A_669, %swap3A_670], %mul3A_668 {strides = array<i32>} : memref<80x128xf32, #tpu.memory_space<vmem>>, vector<16xf32>,
          %get3A_672 = arith.index_cast %add3A_620 : i32 to index
          %get3A_673 = arith.constant 112 : index
          %get3A_674 = tpu.vector_load %arg12[%get3A_672, %get3A_673] {strides = array<i32>} : memref<80x128xf32, #tpu.memory_space<vmem>>, vector<16xf32>,
          %mul3A_675 = arith.mulf %get3A_674, %gather3A_622 : vector<16xf32>
          %swap3A_676 = arith.index_cast %add3A_620 : i32 to index
          %swap3A_677 = arith.constant 112 : index
          %swap3A_678 = tpu.vector_load %arg12[%swap3A_676, %swap3A_677] {strides = array<i32>} : memref<80x128xf32, #tpu.memory_space<vmem>>, vector<16xf32>,
          tpu.vector_store %arg12[%swap3A_676, %swap3A_677], %mul3A_675 {strides = array<i32>} : memref<80x128xf32, #tpu.memory_space<vmem>>, vector<16xf32>,
          %scan3A_679 = arith.constant 5 : i32
          %scan3A_680 = arith.addi %scan3A_362, %scan3A_679 : i32
          %mul3A_681 = arith.constant 1 : i32
          %mul3A_682 = arith.muli %scan3A_680, %mul3A_681 : i32
          %add3A_683 = arith.constant 0 : i32
          %add3A_684 = arith.addi %add3A_683, %mul3A_682 : i32
          %broadcast_in_dim3A_685 = vector.broadcast %add3A_684 : i32 to vector<16xi32>
          %gather3A_686 = tpu.vector_load_idx %arg18[%broadcast_in_dim3A_685] : memref<80xf32, #tpu.memory_space<vmem>>[vector<16xi32>], vector<16xf32>,
          %get3A_687 = arith.index_cast %add3A_684 : i32 to index
          %get3A_688 = arith.constant 0 : index
          %get3A_689 = tpu.vector_load %arg12[%get3A_687, %get3A_688] {strides = array<i32>} : memref<80x128xf32, #tpu.memory_space<vmem>>, vector<16xf32>,
          %mul3A_690 = arith.mulf %get3A_689, %gather3A_686 : vector<16xf32>
          %swap3A_691 = arith.index_cast %add3A_684 : i32 to index
          %swap3A_692 = arith.constant 0 : index
          %swap3A_693 = tpu.vector_load %arg12[%swap3A_691, %swap3A_692] {strides = array<i32>} : memref<80x128xf32, #tpu.memory_space<vmem>>, vector<16xf32>,
          tpu.vector_store %arg12[%swap3A_691, %swap3A_692], %mul3A_690 {strides = array<i32>} : memref<80x128xf32, #tpu.memory_space<vmem>>, vector<16xf32>,
          %get3A_694 = arith.index_cast %add3A_684 : i32 to index
          %get3A_695 = arith.constant 16 : index
          %get3A_696 = tpu.vector_load %arg12[%get3A_694, %get3A_695] {strides = array<i32>} : memref<80x128xf32, #tpu.memory_space<vmem>>, vector<16xf32>,
          %mul3A_697 = arith.mulf %get3A_696, %gather3A_686 : vector<16xf32>
          %swap3A_698 = arith.index_cast %add3A_684 : i32 to index
          %swap3A_699 = arith.constant 16 : index
          %swap3A_700 = tpu.vector_load %arg12[%swap3A_698, %swap3A_699] {strides = array<i32>} : memref<80x128xf32, #tpu.memory_space<vmem>>, vector<16xf32>,
          tpu.vector_store %arg12[%swap3A_698, %swap3A_699], %mul3A_697 {strides = array<i32>} : memref<80x128xf32, #tpu.memory_space<vmem>>, vector<16xf32>,
          %get3A_701 = arith.index_cast %add3A_684 : i32 to index
          %get3A_702 = arith.constant 32 : index
          %get3A_703 = tpu.vector_load %arg12[%get3A_701, %get3A_702] {strides = array<i32>} : memref<80x128xf32, #tpu.memory_space<vmem>>, vector<16xf32>,
          %mul3A_704 = arith.mulf %get3A_703, %gather3A_686 : vector<16xf32>
          %swap3A_705 = arith.index_cast %add3A_684 : i32 to index
          %swap3A_706 = arith.constant 32 : index
          %swap3A_707 = tpu.vector_load %arg12[%swap3A_705, %swap3A_706] {strides = array<i32>} : memref<80x128xf32, #tpu.memory_space<vmem>>, vector<16xf32>,
          tpu.vector_store %arg12[%swap3A_705, %swap3A_706], %mul3A_704 {strides = array<i32>} : memref<80x128xf32, #tpu.memory_space<vmem>>, vector<16xf32>,
          %get3A_708 = arith.index_cast %add3A_684 : i32 to index
          %get3A_709 = arith.constant 48 : index
          %get3A_710 = tpu.vector_load %arg12[%get3A_708, %get3A_709] {strides = array<i32>} : memref<80x128xf32, #tpu.memory_space<vmem>>, vector<16xf32>,
          %mul3A_711 = arith.mulf %get3A_710, %gather3A_686 : vector<16xf32>
          %swap3A_712 = arith.index_cast %add3A_684 : i32 to index
          %swap3A_713 = arith.constant 48 : index
          %swap3A_714 = tpu.vector_load %arg12[%swap3A_712, %swap3A_713] {strides = array<i32>} : memref<80x128xf32, #tpu.memory_space<vmem>>, vector<16xf32>,
          tpu.vector_store %arg12[%swap3A_712, %swap3A_713], %mul3A_711 {strides = array<i32>} : memref<80x128xf32, #tpu.memory_space<vmem>>, vector<16xf32>,
          %get3A_715 = arith.index_cast %add3A_684 : i32 to index
          %get3A_716 = arith.constant 64 : index
          %get3A_717 = tpu.vector_load %arg12[%get3A_715, %get3A_716] {strides = array<i32>} : memref<80x128xf32, #tpu.memory_space<vmem>>, vector<16xf32>,
          %mul3A_718 = arith.mulf %get3A_717, %gather3A_686 : vector<16xf32>
          %swap3A_719 = arith.index_cast %add3A_684 : i32 to index
          %swap3A_720 = arith.constant 64 : index
          %swap3A_721 = tpu.vector_load %arg12[%swap3A_719, %swap3A_720] {strides = array<i32>} : memref<80x128xf32, #tpu.memory_space<vmem>>, vector<16xf32>,
          tpu.vector_store %arg12[%swap3A_719, %swap3A_720], %mul3A_718 {strides = array<i32>} : memref<80x128xf32, #tpu.memory_space<vmem>>, vector<16xf32>,
          %get3A_722 = arith.index_cast %add3A_684 : i32 to index
          %get3A_723 = arith.constant 80 : index
          %get3A_724 = tpu.vector_load %arg12[%get3A_722, %get3A_723] {strides = array<i32>} : memref<80x128xf32, #tpu.memory_space<vmem>>, vector<16xf32>,
          %mul3A_725 = arith.mulf %get3A_724, %gather3A_686 : vector<16xf32>
          %swap3A_726 = arith.index_cast %add3A_684 : i32 to index
          %swap3A_727 = arith.constant 80 : index
          %swap3A_728 = tpu.vector_load %arg12[%swap3A_726, %swap3A_727] {strides = array<i32>} : memref<80x128xf32, #tpu.memory_space<vmem>>, vector<16xf32>,
          tpu.vector_store %arg12[%swap3A_726, %swap3A_727], %mul3A_725 {strides = array<i32>} : memref<80x128xf32, #tpu.memory_space<vmem>>, vector<16xf32>,
          %get3A_729 = arith.index_cast %add3A_684 : i32 to index
          %get3A_730 = arith.constant 96 : index
          %get3A_731 = tpu.vector_load %arg12[%get3A_729, %get3A_730] {strides = array<i32>} : memref<80x128xf32, #tpu.memory_space<vmem>>, vector<16xf32>,
          %mul3A_732 = arith.mulf %get3A_731, %gather3A_686 : vector<16xf32>
          %swap3A_733 = arith.index_cast %add3A_684 : i32 to index
          %swap3A_734 = arith.constant 96 : index
          %swap3A_735 = tpu.vector_load %arg12[%swap3A_733, %swap3A_734] {strides = array<i32>} : memref<80x128xf32, #tpu.memory_space<vmem>>, vector<16xf32>,
          tpu.vector_store %arg12[%swap3A_733, %swap3A_734], %mul3A_732 {strides = array<i32>} : memref<80x128xf32, #tpu.memory_space<vmem>>, vector<16xf32>,
          %get3A_736 = arith.index_cast %add3A_684 : i32 to index
          %get3A_737 = arith.constant 112 : index
          %get3A_738 = tpu.vector_load %arg12[%get3A_736, %get3A_737] {strides = array<i32>} : memref<80x128xf32, #tpu.memory_space<vmem>>, vector<16xf32>,
          %mul3A_739 = arith.mulf %get3A_738, %gather3A_686 : vector<16xf32>
          %swap3A_740 = arith.index_cast %add3A_684 : i32 to index
          %swap3A_741 = arith.constant 112 : index
          %swap3A_742 = tpu.vector_load %arg12[%swap3A_740, %swap3A_741] {strides = array<i32>} : memref<80x128xf32, #tpu.memory_space<vmem>>, vector<16xf32>,
          tpu.vector_store %arg12[%swap3A_740, %swap3A_741], %mul3A_739 {strides = array<i32>} : memref<80x128xf32, #tpu.memory_space<vmem>>, vector<16xf32>,
          %scan3A_743 = arith.constant 6 : i32
          %scan3A_744 = arith.addi %scan3A_362, %scan3A_743 : i32
          %mul3A_745 = arith.constant 1 : i32
          %mul3A_746 = arith.muli %scan3A_744, %mul3A_745 : i32
          %add3A_747 = arith.constant 0 : i32
          %add3A_748 = arith.addi %add3A_747, %mul3A_746 : i32
          %broadcast_in_dim3A_749 = vector.broadcast %add3A_748 : i32 to vector<16xi32>
          %gather3A_750 = tpu.vector_load_idx %arg18[%broadcast_in_dim3A_749] : memref<80xf32, #tpu.memory_space<vmem>>[vector<16xi32>], vector<16xf32>,
          %get3A_751 = arith.index_cast %add3A_748 : i32 to index
          %get3A_752 = arith.constant 0 : index
          %get3A_753 = tpu.vector_load %arg12[%get3A_751, %get3A_752] {strides = array<i32>} : memref<80x128xf32, #tpu.memory_space<vmem>>, vector<16xf32>,
          %mul3A_754 = arith.mulf %get3A_753, %gather3A_750 : vector<16xf32>
          %swap3A_755 = arith.index_cast %add3A_748 : i32 to index
          %swap3A_756 = arith.constant 0 : index
          %swap3A_757 = tpu.vector_load %arg12[%swap3A_755, %swap3A_756] {strides = array<i32>} : memref<80x128xf32, #tpu.memory_space<vmem>>, vector<16xf32>,
          tpu.vector_store %arg12[%swap3A_755, %swap3A_756], %mul3A_754 {strides = array<i32>} : memref<80x128xf32, #tpu.memory_space<vmem>>, vector<16xf32>,
          %get3A_758 = arith.index_cast %add3A_748 : i32 to index
          %get3A_759 = arith.constant 16 : index
          %get3A_760 = tpu.vector_load %arg12[%get3A_758, %get3A_759] {strides = array<i32>} : memref<80x128xf32, #tpu.memory_space<vmem>>, vector<16xf32>,
          %mul3A_761 = arith.mulf %get3A_760, %gather3A_750 : vector<16xf32>
          %swap3A_762 = arith.index_cast %add3A_748 : i32 to index
          %swap3A_763 = arith.constant 16 : index
          %swap3A_764 = tpu.vector_load %arg12[%swap3A_762, %swap3A_763] {strides = array<i32>} : memref<80x128xf32, #tpu.memory_space<vmem>>, vector<16xf32>,
          tpu.vector_store %arg12[%swap3A_762, %swap3A_763], %mul3A_761 {strides = array<i32>} : memref<80x128xf32, #tpu.memory_space<vmem>>, vector<16xf32>,
          %get3A_765 = arith.index_cast %add3A_748 : i32 to index
          %get3A_766 = arith.constant 32 : index
          %get3A_767 = tpu.vector_load %arg12[%get3A_765, %get3A_766] {strides = array<i32>} : memref<80x128xf32, #tpu.memory_space<vmem>>, vector<16xf32>,
          %mul3A_768 = arith.mulf %get3A_767, %gather3A_750 : vector<16xf32>
          %swap3A_769 = arith.index_cast %add3A_748 : i32 to index
          %swap3A_770 = arith.constant 32 : index
          %swap3A_771 = tpu.vector_load %arg12[%swap3A_769, %swap3A_770] {strides = array<i32>} : memref<80x128xf32, #tpu.memory_space<vmem>>, vector<16xf32>,
          tpu.vector_store %arg12[%swap3A_769, %swap3A_770], %mul3A_768 {strides = array<i32>} : memref<80x128xf32, #tpu.memory_space<vmem>>, vector<16xf32>,
          %get3A_772 = arith.index_cast %add3A_748 : i32 to index
          %get3A_773 = arith.constant 48 : index
          %get3A_774 = tpu.vector_load %arg12[%get3A_772, %get3A_773] {strides = array<i32>} : memref<80x128xf32, #tpu.memory_space<vmem>>, vector<16xf32>,
          %mul3A_775 = arith.mulf %get3A_774, %gather3A_750 : vector<16xf32>
          %swap3A_776 = arith.index_cast %add3A_748 : i32 to index
          %swap3A_777 = arith.constant 48 : index
          %swap3A_778 = tpu.vector_load %arg12[%swap3A_776, %swap3A_777] {strides = array<i32>} : memref<80x128xf32, #tpu.memory_space<vmem>>, vector<16xf32>,
          tpu.vector_store %arg12[%swap3A_776, %swap3A_777], %mul3A_775 {strides = array<i32>} : memref<80x128xf32, #tpu.memory_space<vmem>>, vector<16xf32>,
          %get3A_779 = arith.index_cast %add3A_748 : i32 to index
          %get3A_780 = arith.constant 64 : index
          %get3A_781 = tpu.vector_load %arg12[%get3A_779, %get3A_780] {strides = array<i32>} : memref<80x128xf32, #tpu.memory_space<vmem>>, vector<16xf32>,
          %mul3A_782 = arith.mulf %get3A_781, %gather3A_750 : vector<16xf32>
          %swap3A_783 = arith.index_cast %add3A_748 : i32 to index
          %swap3A_784 = arith.constant 64 : index
          %swap3A_785 = tpu.vector_load %arg12[%swap3A_783, %swap3A_784] {strides = array<i32>} : memref<80x128xf32, #tpu.memory_space<vmem>>, vector<16xf32>,
          tpu.vector_store %arg12[%swap3A_783, %swap3A_784], %mul3A_782 {strides = array<i32>} : memref<80x128xf32, #tpu.memory_space<vmem>>, vector<16xf32>,
          %get3A_786 = arith.index_cast %add3A_748 : i32 to index
          %get3A_787 = arith.constant 80 : index
          %get3A_788 = tpu.vector_load %arg12[%get3A_786, %get3A_787] {strides = array<i32>} : memref<80x128xf32, #tpu.memory_space<vmem>>, vector<16xf32>,
          %mul3A_789 = arith.mulf %get3A_788, %gather3A_750 : vector<16xf32>
          %swap3A_790 = arith.index_cast %add3A_748 : i32 to index
          %swap3A_791 = arith.constant 80 : index
          %swap3A_792 = tpu.vector_load %arg12[%swap3A_790, %swap3A_791] {strides = array<i32>} : memref<80x128xf32, #tpu.memory_space<vmem>>, vector<16xf32>,
          tpu.vector_store %arg12[%swap3A_790, %swap3A_791], %mul3A_789 {strides = array<i32>} : memref<80x128xf32, #tpu.memory_space<vmem>>, vector<16xf32>,
          %get3A_793 = arith.index_cast %add3A_748 : i32 to index
          %get3A_794 = arith.constant 96 : index
          %get3A_795 = tpu.vector_load %arg12[%get3A_793, %get3A_794] {strides = array<i32>} : memref<80x128xf32, #tpu.memory_space<vmem>>, vector<16xf32>,
          %mul3A_796 = arith.mulf %get3A_795, %gather3A_750 : vector<16xf32>
          %swap3A_797 = arith.index_cast %add3A_748 : i32 to index
          %swap3A_798 = arith.constant 96 : index
          %swap3A_799 = tpu.vector_load %arg12[%swap3A_797, %swap3A_798] {strides = array<i32>} : memref<80x128xf32, #tpu.memory_space<vmem>>, vector<16xf32>,
          tpu.vector_store %arg12[%swap3A_797, %swap3A_798], %mul3A_796 {strides = array<i32>} : memref<80x128xf32, #tpu.memory_space<vmem>>, vector<16xf32>,
          %get3A_800 = arith.index_cast %add3A_748 : i32 to index
          %get3A_801 = arith.constant 112 : index
          %get3A_802 = tpu.vector_load %arg12[%get3A_800, %get3A_801] {strides = array<i32>} : memref<80x128xf32, #tpu.memory_space<vmem>>, vector<16xf32>,
          %mul3A_803 = arith.mulf %get3A_802, %gather3A_750 : vector<16xf32>
          %swap3A_804 = arith.index_cast %add3A_748 : i32 to index
          %swap3A_805 = arith.constant 112 : index
          %swap3A_806 = tpu.vector_load %arg12[%swap3A_804, %swap3A_805] {strides = array<i32>} : memref<80x128xf32, #tpu.memory_space<vmem>>, vector<16xf32>,
          tpu.vector_store %arg12[%swap3A_804, %swap3A_805], %mul3A_803 {strides = array<i32>} : memref<80x128xf32, #tpu.memory_space<vmem>>, vector<16xf32>,
          %scan3A_807 = arith.constant 7 : i32
          %scan3A_808 = arith.addi %scan3A_362, %scan3A_807 : i32
          %mul3A_809 = arith.constant 1 : i32
          %mul3A_810 = arith.muli %scan3A_808, %mul3A_809 : i32
          %add3A_811 = arith.constant 0 : i32
          %add3A_812 = arith.addi %add3A_811, %mul3A_810 : i32
          %broadcast_in_dim3A_813 = vector.broadcast %add3A_812 : i32 to vector<16xi32>
          %gather3A_814 = tpu.vector_load_idx %arg18[%broadcast_in_dim3A_813] : memref<80xf32, #tpu.memory_space<vmem>>[vector<16xi32>], vector<16xf32>,
          %get3A_815 = arith.index_cast %add3A_812 : i32 to index
          %get3A_816 = arith.constant 0 : index
          %get3A_817 = tpu.vector_load %arg12[%get3A_815, %get3A_816] {strides = array<i32>} : memref<80x128xf32, #tpu.memory_space<vmem>>, vector<16xf32>,
          %mul3A_818 = arith.mulf %get3A_817, %gather3A_814 : vector<16xf32>
          %swap3A_819 = arith.index_cast %add3A_812 : i32 to index
          %swap3A_820 = arith.constant 0 : index
          %swap3A_821 = tpu.vector_load %arg12[%swap3A_819, %swap3A_820] {strides = array<i32>} : memref<80x128xf32, #tpu.memory_space<vmem>>, vector<16xf32>,
          tpu.vector_store %arg12[%swap3A_819, %swap3A_820], %mul3A_818 {strides = array<i32>} : memref<80x128xf32, #tpu.memory_space<vmem>>, vector<16xf32>,
          %get3A_822 = arith.index_cast %add3A_812 : i32 to index
          %get3A_823 = arith.constant 16 : index
          %get3A_824 = tpu.vector_load %arg12[%get3A_822, %get3A_823] {strides = array<i32>} : memref<80x128xf32, #tpu.memory_space<vmem>>, vector<16xf32>,
          %mul3A_825 = arith.mulf %get3A_824, %gather3A_814 : vector<16xf32>
          %swap3A_826 = arith.index_cast %add3A_812 : i32 to index
          %swap3A_827 = arith.constant 16 : index
          %swap3A_828 = tpu.vector_load %arg12[%swap3A_826, %swap3A_827] {strides = array<i32>} : memref<80x128xf32, #tpu.memory_space<vmem>>, vector<16xf32>,
          tpu.vector_store %arg12[%swap3A_826, %swap3A_827], %mul3A_825 {strides = array<i32>} : memref<80x128xf32, #tpu.memory_space<vmem>>, vector<16xf32>,
          %get3A_829 = arith.index_cast %add3A_812 : i32 to index
          %get3A_830 = arith.constant 32 : index
          %get3A_831 = tpu.vector_load %arg12[%get3A_829, %get3A_830] {strides = array<i32>} : memref<80x128xf32, #tpu.memory_space<vmem>>, vector<16xf32>,
          %mul3A_832 = arith.mulf %get3A_831, %gather3A_814 : vector<16xf32>
          %swap3A_833 = arith.index_cast %add3A_812 : i32 to index
          %swap3A_834 = arith.constant 32 : index
          %swap3A_835 = tpu.vector_load %arg12[%swap3A_833, %swap3A_834] {strides = array<i32>} : memref<80x128xf32, #tpu.memory_space<vmem>>, vector<16xf32>,
          tpu.vector_store %arg12[%swap3A_833, %swap3A_834], %mul3A_832 {strides = array<i32>} : memref<80x128xf32, #tpu.memory_space<vmem>>, vector<16xf32>,
          %get3A_836 = arith.index_cast %add3A_812 : i32 to index
          %get3A_837 = arith.constant 48 : index
          %get3A_838 = tpu.vector_load %arg12[%get3A_836, %get3A_837] {strides = array<i32>} : memref<80x128xf32, #tpu.memory_space<vmem>>, vector<16xf32>,
          %mul3A_839 = arith.mulf %get3A_838, %gather3A_814 : vector<16xf32>
          %swap3A_840 = arith.index_cast %add3A_812 : i32 to index
          %swap3A_841 = arith.constant 48 : index
          %swap3A_842 = tpu.vector_load %arg12[%swap3A_840, %swap3A_841] {strides = array<i32>} : memref<80x128xf32, #tpu.memory_space<vmem>>, vector<16xf32>,
          tpu.vector_store %arg12[%swap3A_840, %swap3A_841], %mul3A_839 {strides = array<i32>} : memref<80x128xf32, #tpu.memory_space<vmem>>, vector<16xf32>,
          %get3A_843 = arith.index_cast %add3A_812 : i32 to index
          %get3A_844 = arith.constant 64 : index
          %get3A_845 = tpu.vector_load %arg12[%get3A_843, %get3A_844] {strides = array<i32>} : memref<80x128xf32, #tpu.memory_space<vmem>>, vector<16xf32>,
          %mul3A_846 = arith.mulf %get3A_845, %gather3A_814 : vector<16xf32>
          %swap3A_847 = arith.index_cast %add3A_812 : i32 to index
          %swap3A_848 = arith.constant 64 : index
          %swap3A_849 = tpu.vector_load %arg12[%swap3A_847, %swap3A_848] {strides = array<i32>} : memref<80x128xf32, #tpu.memory_space<vmem>>, vector<16xf32>,
          tpu.vector_store %arg12[%swap3A_847, %swap3A_848], %mul3A_846 {strides = array<i32>} : memref<80x128xf32, #tpu.memory_space<vmem>>, vector<16xf32>,
          %get3A_850 = arith.index_cast %add3A_812 : i32 to index
          %get3A_851 = arith.constant 80 : index
          %get3A_852 = tpu.vector_load %arg12[%get3A_850, %get3A_851] {strides = array<i32>} : memref<80x128xf32, #tpu.memory_space<vmem>>, vector<16xf32>,
          %mul3A_853 = arith.mulf %get3A_852, %gather3A_814 : vector<16xf32>
          %swap3A_854 = arith.index_cast %add3A_812 : i32 to index
          %swap3A_855 = arith.constant 80 : index
          %swap3A_856 = tpu.vector_load %arg12[%swap3A_854, %swap3A_855] {strides = array<i32>} : memref<80x128xf32, #tpu.memory_space<vmem>>, vector<16xf32>,
          tpu.vector_store %arg12[%swap3A_854, %swap3A_855], %mul3A_853 {strides = array<i32>} : memref<80x128xf32, #tpu.memory_space<vmem>>, vector<16xf32>,
          %get3A_857 = arith.index_cast %add3A_812 : i32 to index
          %get3A_858 = arith.constant 96 : index
          %get3A_859 = tpu.vector_load %arg12[%get3A_857, %get3A_858] {strides = array<i32>} : memref<80x128xf32, #tpu.memory_space<vmem>>, vector<16xf32>,
          %mul3A_860 = arith.mulf %get3A_859, %gather3A_814 : vector<16xf32>
          %swap3A_861 = arith.index_cast %add3A_812 : i32 to index
          %swap3A_862 = arith.constant 96 : index
          %swap3A_863 = tpu.vector_load %arg12[%swap3A_861, %swap3A_862] {strides = array<i32>} : memref<80x128xf32, #tpu.memory_space<vmem>>, vector<16xf32>,
          tpu.vector_store %arg12[%swap3A_861, %swap3A_862], %mul3A_860 {strides = array<i32>} : memref<80x128xf32, #tpu.memory_space<vmem>>, vector<16xf32>,
          %get3A_864 = arith.index_cast %add3A_812 : i32 to index
          %get3A_865 = arith.constant 112 : index
          %get3A_866 = tpu.vector_load %arg12[%get3A_864, %get3A_865] {strides = array<i32>} : memref<80x128xf32, #tpu.memory_space<vmem>>, vector<16xf32>,
          %mul3A_867 = arith.mulf %get3A_866, %gather3A_814 : vector<16xf32>
          %swap3A_868 = arith.index_cast %add3A_812 : i32 to index
          %swap3A_869 = arith.constant 112 : index
          %swap3A_870 = tpu.vector_load %arg12[%swap3A_868, %swap3A_869] {strides = array<i32>} : memref<80x128xf32, #tpu.memory_space<vmem>>, vector<16xf32>,
          tpu.vector_store %arg12[%swap3A_868, %swap3A_869], %mul3A_867 {strides = array<i32>} : memref<80x128xf32, #tpu.memory_space<vmem>>, vector<16xf32>,
        }
        %scan3A_299 = arith.constant 80 : i32
        %jit3A_300 = arith.constant 25 : i32
        %div3A_301 = arith.divsi %add3A_82, %jit3A_300 : i32
        %sign3A_302 = arith.constant 0 : i32
        %sign3A_303 = arith.cmpi sgt, %add3A_82, %sign3A_302 : i32
        %sign3A_304 = arith.extui %sign3A_303 : i1 to i32
        %sign3A_305 = arith.constant 0 : i32
        %sign3A_306 = arith.cmpi slt, %add3A_82, %sign3A_305 : i32
        %sign3A_307 = arith.extui %sign3A_306 : i1 to i32
        %sign3A_308 = arith.subi %sign3A_304, %sign3A_307 : i32
        %sign3A_309 = arith.constant 0 : i32
        %sign3A_310 = arith.cmpi sgt, %jit3A_300, %sign3A_309 : i32
        %sign3A_311 = arith.extui %sign3A_310 : i1 to i32
        %sign3A_312 = arith.constant 0 : i32
        %sign3A_313 = arith.cmpi slt, %jit3A_300, %sign3A_312 : i32
        %sign3A_314 = arith.extui %sign3A_313 : i1 to i32
        %sign3A_315 = arith.subi %sign3A_311, %sign3A_314 : i32
        %ne3A_316 = arith.cmpi ne, %sign3A_308, %sign3A_315 : i32
        %rem3A_317 = arith.remsi %add3A_82, %jit3A_300 : i32
        %ne3A_318 = arith.constant 0 : i32
        %ne3A_319 = arith.cmpi ne, %rem3A_317, %ne3A_318 : i32
        %and3A_320 = arith.andi %ne3A_316, %ne3A_319 : i1
        %sub3A_321 = arith.constant 1 : i32
        %sub3A_322 = arith.subi %div3A_301, %sub3A_321 : i32
        %select_n3A_323 = arith.select %and3A_320, %sub3A_322, %div3A_301 : i32
        %jit3A_324 = arith.constant 2 : i32
        %eq3A_325 = arith.constant 0 : i32
        %eq3A_326 = arith.cmpi eq, %jit3A_324, %eq3A_325 : i32
        %jit3A_327 = arith.constant 1 : i32
        %select_n3A_328 = arith.select %eq3A_326, %jit3A_327, %jit3A_324 : i32
        %rem3A_329 = arith.remsi %select_n3A_323, %select_n3A_328 : i32
        %ne3A_330 = arith.constant 0 : i32
        %ne3A_331 = arith.cmpi ne, %rem3A_329, %ne3A_330 : i32
        %lt3A_332 = arith.constant 0 : i32
        %lt3A_333 = arith.cmpi slt, %rem3A_329, %lt3A_332 : i32
        %lt3A_334 = arith.constant 0 : i32
        %lt3A_335 = arith.cmpi slt, %select_n3A_328, %lt3A_334 : i32
        %ne3A_336 = arith.xori %lt3A_333, %lt3A_335 : i1
        %and3A_337 = arith.andi %ne3A_336, %ne3A_331 : i1
        %add3A_338 = arith.addi %rem3A_329, %select_n3A_328 : i32
        %select_n3A_339 = arith.select %and3A_337, %add3A_338, %rem3A_329 : i32
        %jit3A_340 = arith.constant 25 : i32
        %eq3A_341 = arith.constant 0 : i32
        %eq3A_342 = arith.cmpi eq, %jit3A_340, %eq3A_341 : i32
        %jit3A_343 = arith.constant 1 : i32
        %select_n3A_344 = arith.select %eq3A_342, %jit3A_343, %jit3A_340 : i32
        %rem3A_345 = arith.remsi %add3A_82, %select_n3A_344 : i32
        %ne3A_346 = arith.constant 0 : i32
        %ne3A_347 = arith.cmpi ne, %rem3A_345, %ne3A_346 : i32
        %lt3A_348 = arith.constant 0 : i32
        %lt3A_349 = arith.cmpi slt, %rem3A_345, %lt3A_348 : i32
        %lt3A_350 = arith.constant 0 : i32
        %lt3A_351 = arith.cmpi slt, %select_n3A_344, %lt3A_350 : i32
        %ne3A_352 = arith.xori %lt3A_349, %lt3A_351 : i1
        %and3A_353 = arith.andi %ne3A_352, %ne3A_347 : i1
        %add3A_354 = arith.addi %rem3A_345, %select_n3A_344 : i32
        %select_n3A_355 = arith.select %and3A_353, %add3A_354, %rem3A_345 : i32
        %dma_start3A_356 = arith.constant 0 : i32
        %dma_start3A_357 = tpu.memref_slice %arg11[%select_n3A_339, %select_n3A_355, %dma_start3A_356] : memref<2x25x80xi32, #tpu.memory_space<vmem>> -> memref<1x1x80xi32, #tpu.memory_space<vmem>>
        %dma_start3A_358 = tpu.memref_squeeze %dma_start3A_357 : memref<1x1x80xi32, #tpu.memory_space<vmem>> -> memref<80xi32, #tpu.memory_space<vmem>>
        %dma_start3A_359 = arith.constant 0 : i32
        %dma_start3A_360 = arith.constant 0 : i32
        %dma_start3A_361 = tpu.memref_slice %arg25[%dma_start3A_359, %dma_start3A_360] : memref<10000x128xf32, #tpu.memory_space<vmem_shared>> -> memref<10000x128xf32, #tpu.memory_space<vmem_shared>>
        tpu.enqueue_indirect_dma source(%arg12 : memref<80x128xf32, #tpu.memory_space<vmem>>) target(%dma_start3A_361 : memref<10000x128xf32, #tpu.memory_space<vmem_shared>>) offsets(%dma_start3A_358 : memref<80xi32, #tpu.memory_space<vmem>>) semaphore(%arg30 : memref<!tpu.dma_semaphore, #tpu.memory_space<semaphore_mem>>) {add = true}
      } else {
      }
      %add3A_155 = arith.constant 1 : i32
      %add3A_156 = arith.addi %add3A_82, %add3A_155 : i32
      %lt3A_157 = arith.constant 125 : i32
      %lt3A_158 = arith.cmpi slt, %add3A_156, %lt3A_157 : i32
      %convert_element_type3A_159 = arith.extui %lt3A_158 : i1 to i32
      %cond3A_160 = arith.constant 0 : i32
      %cond3A_161 = arith.cmpi ne, %convert_element_type3A_159, %cond3A_160 : i32
      scf.if %cond3A_161 {
        %jit3A_236 = arith.constant 25 : i32
        %div3A = arith.divsi %add3A_156, %jit3A_236 : i32
        %sign3A = arith.constant 0 : i32
        %sign3A_237 = arith.cmpi sgt, %add3A_156, %sign3A : i32
        %sign3A_238 = arith.extui %sign3A_237 : i1 to i32
        %sign3A_239 = arith.constant 0 : i32
        %sign3A_240 = arith.cmpi slt, %add3A_156, %sign3A_239 : i32
        %sign3A_241 = arith.extui %sign3A_240 : i1 to i32
        %sign3A_242 = arith.subi %sign3A_238, %sign3A_241 : i32
        %sign3A_243 = arith.constant 0 : i32
        %sign3A_244 = arith.cmpi sgt, %jit3A_236, %sign3A_243 : i32
        %sign3A_245 = arith.extui %sign3A_244 : i1 to i32
        %sign3A_246 = arith.constant 0 : i32
        %sign3A_247 = arith.cmpi slt, %jit3A_236, %sign3A_246 : i32
        %sign3A_248 = arith.extui %sign3A_247 : i1 to i32
        %sign3A_249 = arith.subi %sign3A_245, %sign3A_248 : i32
        %ne3A_250 = arith.cmpi ne, %sign3A_242, %sign3A_249 : i32
        %rem3A_251 = arith.remsi %add3A_156, %jit3A_236 : i32
        %ne3A_252 = arith.constant 0 : i32
        %ne3A_253 = arith.cmpi ne, %rem3A_251, %ne3A_252 : i32
        %and3A_254 = arith.andi %ne3A_250, %ne3A_253 : i1
        %sub3A = arith.constant 1 : i32
        %sub3A_255 = arith.subi %div3A, %sub3A : i32
        %select_n3A_256 = arith.select %and3A_254, %sub3A_255, %div3A : i32
        %jit3A_257 = arith.constant 2 : i32
        %eq3A_258 = arith.constant 0 : i32
        %eq3A_259 = arith.cmpi eq, %jit3A_257, %eq3A_258 : i32
        %jit3A_260 = arith.constant 1 : i32
        %select_n3A_261 = arith.select %eq3A_259, %jit3A_260, %jit3A_257 : i32
        %rem3A_262 = arith.remsi %select_n3A_256, %select_n3A_261 : i32
        %ne3A_263 = arith.constant 0 : i32
        %ne3A_264 = arith.cmpi ne, %rem3A_262, %ne3A_263 : i32
        %lt3A_265 = arith.constant 0 : i32
        %lt3A_266 = arith.cmpi slt, %rem3A_262, %lt3A_265 : i32
        %lt3A_267 = arith.constant 0 : i32
        %lt3A_268 = arith.cmpi slt, %select_n3A_261, %lt3A_267 : i32
        %ne3A_269 = arith.xori %lt3A_266, %lt3A_268 : i1
        %and3A_270 = arith.andi %ne3A_269, %ne3A_264 : i1
        %add3A_271 = arith.addi %rem3A_262, %select_n3A_261 : i32
        %select_n3A_272 = arith.select %and3A_270, %add3A_271, %rem3A_262 : i32
        %jit3A_273 = arith.constant 25 : i32
        %eq3A_274 = arith.constant 0 : i32
        %eq3A_275 = arith.cmpi eq, %jit3A_273, %eq3A_274 : i32
        %jit3A_276 = arith.constant 1 : i32
        %select_n3A_277 = arith.select %eq3A_275, %jit3A_276, %jit3A_273 : i32
        %rem3A_278 = arith.remsi %add3A_156, %select_n3A_277 : i32
        %ne3A_279 = arith.constant 0 : i32
        %ne3A_280 = arith.cmpi ne, %rem3A_278, %ne3A_279 : i32
        %lt3A_281 = arith.constant 0 : i32
        %lt3A_282 = arith.cmpi slt, %rem3A_278, %lt3A_281 : i32
        %lt3A_283 = arith.constant 0 : i32
        %lt3A_284 = arith.cmpi slt, %select_n3A_277, %lt3A_283 : i32
        %ne3A_285 = arith.xori %lt3A_282, %lt3A_284 : i1
        %and3A_286 = arith.andi %ne3A_285, %ne3A_280 : i1
        %add3A_287 = arith.addi %rem3A_278, %select_n3A_277 : i32
        %select_n3A_288 = arith.select %and3A_286, %add3A_287, %rem3A_278 : i32
        %dma_wait3A_289 = arith.constant 0 : i32
        %dma_wait3A_290 = tpu.memref_slice %arg10[%select_n3A_272, %select_n3A_288, %dma_wait3A_289] : memref<2x25x80xi32, #tpu.memory_space<vmem>> -> memref<1x1x80xi32, #tpu.memory_space<vmem>>
        %dma_wait3A_291 = tpu.memref_squeeze %dma_wait3A_290 : memref<1x1x80xi32, #tpu.memory_space<vmem>> -> memref<80xi32, #tpu.memory_space<vmem>>
        %dma_wait3A_292 = arith.constant 0 : i32
        %dma_wait3A_293 = tpu.memref_slice %arg22[%dma_wait3A_292] : memref<10240xf32, #tpu.memory_space<vmem_shared>> -> memref<10240xf32, #tpu.memory_space<vmem_shared>>
        tpu.wait_indirect_dma semaphore(%arg29 : memref<!tpu.dma_semaphore, #tpu.memory_space<semaphore_mem>>) src(%dma_wait3A_293 : memref<10240xf32, #tpu.memory_space<vmem_shared>>) dst(%arg15 : memref<80xf32, #tpu.memory_space<vmem>>)
        %jit3A_294 = arith.constant 25 : i32
        %div3A_295 = arith.divsi %add3A_156, %jit3A_294 : i32
        %sign3A_296 = arith.constant 0 : i32
        %sign3A_297 = arith.cmpi sgt, %add3A_156, %sign3A_296 : i32
        %sign3A_298 = arith.extui %sign3A_297 : i1 to i32
        %sign3A_299 = arith.constant 0 : i32
        %sign3A_300 = arith.cmpi slt, %add3A_156, %sign3A_299 : i32
        %sign3A_301 = arith.extui %sign3A_300 : i1 to i32
        %sign3A_302 = arith.subi %sign3A_298, %sign3A_301 : i32
        %sign3A_303 = arith.constant 0 : i32
        %sign3A_304 = arith.cmpi sgt, %jit3A_294, %sign3A_303 : i32
        %sign3A_305 = arith.extui %sign3A_304 : i1 to i32
        %sign3A_306 = arith.constant 0 : i32
        %sign3A_307 = arith.cmpi slt, %jit3A_294, %sign3A_306 : i32
        %sign3A_308 = arith.extui %sign3A_307 : i1 to i32
        %sign3A_309 = arith.subi %sign3A_305, %sign3A_308 : i32
        %ne3A_310 = arith.cmpi ne, %sign3A_302, %sign3A_309 : i32
        %rem3A_311 = arith.remsi %add3A_156, %jit3A_294 : i32
        %ne3A_312 = arith.constant 0 : i32
        %ne3A_313 = arith.cmpi ne, %rem3A_311, %ne3A_312 : i32
        %and3A_314 = arith.andi %ne3A_310, %ne3A_313 : i1
        %sub3A_315 = arith.constant 1 : i32
        %sub3A_316 = arith.subi %div3A_295, %sub3A_315 : i32
        %select_n3A_317 = arith.select %and3A_314, %sub3A_316, %div3A_295 : i32
        %jit3A_318 = arith.constant 2 : i32
        %eq3A_319 = arith.constant 0 : i32
        %eq3A_320 = arith.cmpi eq, %jit3A_318, %eq3A_319 : i32
        %jit3A_321 = arith.constant 1 : i32
        %select_n3A_322 = arith.select %eq3A_320, %jit3A_321, %jit3A_318 : i32
        %rem3A_323 = arith.remsi %select_n3A_317, %select_n3A_322 : i32
        %ne3A_324 = arith.constant 0 : i32
        %ne3A_325 = arith.cmpi ne, %rem3A_323, %ne3A_324 : i32
        %lt3A_326 = arith.constant 0 : i32
        %lt3A_327 = arith.cmpi slt, %rem3A_323, %lt3A_326 : i32
        %lt3A_328 = arith.constant 0 : i32
        %lt3A_329 = arith.cmpi slt, %select_n3A_322, %lt3A_328 : i32
        %ne3A_330 = arith.xori %lt3A_327, %lt3A_329 : i1
        %and3A_331 = arith.andi %ne3A_330, %ne3A_325 : i1
        %add3A_332 = arith.addi %rem3A_323, %select_n3A_322 : i32
        %select_n3A_333 = arith.select %and3A_331, %add3A_332, %rem3A_323 : i32
        %jit3A_334 = arith.constant 25 : i32
        %eq3A_335 = arith.constant 0 : i32
        %eq3A_336 = arith.cmpi eq, %jit3A_334, %eq3A_335 : i32
        %jit3A_337 = arith.constant 1 : i32
        %select_n3A_338 = arith.select %eq3A_336, %jit3A_337, %jit3A_334 : i32
        %rem3A_339 = arith.remsi %add3A_156, %select_n3A_338 : i32
        %ne3A_340 = arith.constant 0 : i32
        %ne3A_341 = arith.cmpi ne, %rem3A_339, %ne3A_340 : i32
        %lt3A_342 = arith.constant 0 : i32
        %lt3A_343 = arith.cmpi slt, %rem3A_339, %lt3A_342 : i32
        %lt3A_344 = arith.constant 0 : i32
        %lt3A_345 = arith.cmpi slt, %select_n3A_338, %lt3A_344 : i32
        %ne3A_346 = arith.xori %lt3A_343, %lt3A_345 : i1
        %and3A_347 = arith.andi %ne3A_346, %ne3A_341 : i1
        %add3A_348 = arith.addi %rem3A_339, %select_n3A_338 : i32
        %select_n3A_349 = arith.select %and3A_347, %add3A_348, %rem3A_339 : i32
        %dma_wait3A_350 = arith.constant 0 : i32
        %dma_wait3A_351 = tpu.memref_slice %arg11[%select_n3A_333, %select_n3A_349, %dma_wait3A_350] : memref<2x25x80xi32, #tpu.memory_space<vmem>> -> memref<1x1x80xi32, #tpu.memory_space<vmem>>
        %dma_wait3A_352 = tpu.memref_squeeze %dma_wait3A_351 : memref<1x1x80xi32, #tpu.memory_space<vmem>> -> memref<80xi32, #tpu.memory_space<vmem>>
        %dma_wait3A_353 = arith.constant 0 : i32
        %dma_wait3A_354 = tpu.memref_slice %arg23[%dma_wait3A_353] : memref<10240xf32, #tpu.memory_space<vmem_shared>> -> memref<10240xf32, #tpu.memory_space<vmem_shared>>
        tpu.wait_indirect_dma semaphore(%arg29 : memref<!tpu.dma_semaphore, #tpu.memory_space<semaphore_mem>>) src(%dma_wait3A_354 : memref<10240xf32, #tpu.memory_space<vmem_shared>>) dst(%arg17 : memref<80xf32, #tpu.memory_space<vmem>>)
        %ge3A_355 = arith.constant 2 : i32
        %ge3A_356 = arith.cmpi sge, %add3A_156, %ge3A_355 : i32
        %convert_element_type3A_357 = arith.extui %ge3A_356 : i1 to i32
        %cond3A_358 = arith.constant 0 : i32
        %cond3A_359 = arith.cmpi ne, %convert_element_type3A_357, %cond3A_358 : i32
        scf.if %cond3A_359 {
          %dma_wait3A_538 = arith.constant 0 : i32
          %dma_wait3A_539 = arith.constant 0 : i32
          %dma_wait3A_540 = arith.constant 0 : i32
          %dma_wait3A_541 = tpu.memref_slice %arg11[%dma_wait3A_538, %dma_wait3A_539, %dma_wait3A_540] : memref<2x25x80xi32, #tpu.memory_space<vmem>> -> memref<1x1x80xi32, #tpu.memory_space<vmem>>
          %dma_wait3A_542 = tpu.memref_squeeze %dma_wait3A_541 : memref<1x1x80xi32, #tpu.memory_space<vmem>> -> memref<80xi32, #tpu.memory_space<vmem>>
          %dma_wait3A_543 = arith.constant 0 : i32
          %dma_wait3A_544 = tpu.memref_slice %arg24[%dma_wait3A_543] : memref<10240xf32, #tpu.memory_space<vmem_shared>> -> memref<10240xf32, #tpu.memory_space<vmem_shared>>
          tpu.wait_indirect_dma semaphore(%arg33 : memref<!tpu.dma_semaphore, #tpu.memory_space<semaphore_mem>>) src(%arg19 : memref<80xf32, #tpu.memory_space<vmem>>) dst(%dma_wait3A_544 : memref<10240xf32, #tpu.memory_space<vmem_shared>>)
        } else {
        }
        %get3A_360 = arith.constant 0 : index
        %get3A_361 = tpu.vector_load %arg17[%get3A_360] {strides = array<i32>} : memref<80xf32, #tpu.memory_space<vmem>>, vector<16xf32>,
        %get3A_362 = arith.constant 0 : index
        %get3A_363 = tpu.vector_load %arg15[%get3A_362] {strides = array<i32>} : memref<80xf32, #tpu.memory_space<vmem>>, vector<16xf32>,
        %add3A_364 = arith.addf %get3A_363, %get3A_361 : vector<16xf32>
        %gt3A = arith.constant 0.000000e+00 : f32
        %gt3A_365 = vector.broadcast %gt3A : f32 to vector<16xf32>
        %gt3A_366 = arith.cmpf ogt, %add3A_364, %gt3A_365 : vector<16xf32>
        %mul3A_367 = arith.constant 0.00999999977 : f32
        %mul3A_368 = vector.broadcast %mul3A_367 : f32 to vector<16xf32>
        %mul3A_369 = arith.mulf %mul3A_368, %add3A_364 : vector<16xf32>
        %select_n3A_370 = arith.select %gt3A_366, %add3A_364, %mul3A_369 : vector<16xi1>, vector<16xf32>
        %add3A_371 = arith.addf %get3A_4, %get3A_361 : vector<16xf32>
        %gt3A_372 = arith.constant 0.000000e+00 : f32
        %gt3A_373 = vector.broadcast %gt3A_372 : f32 to vector<16xf32>
        %gt3A_374 = arith.cmpf ogt, %add3A_371, %gt3A_373 : vector<16xf32>
        %mul3A_375 = arith.constant 0.00999999977 : f32
        %mul3A_376 = vector.broadcast %mul3A_375 : f32 to vector<16xf32>
        %mul3A_377 = arith.mulf %mul3A_376, %add3A_371 : vector<16xf32>
        %select_n3A_378 = arith.select %gt3A_374, %add3A_371, %mul3A_377 : vector<16xi1>, vector<16xf32>
        %sub3A_379 = arith.subf %select_n3A_370, %select_n3A_378 : vector<16xf32>
        %exp3A = math.exp %sub3A_379 : vector<16xf32>
        %swap3A = arith.constant 0 : index
        %swap3A_380 = tpu.vector_load %arg19[%swap3A] {strides = array<i32>} : memref<80xf32, #tpu.memory_space<vmem>>, vector<16xf32>,
        tpu.vector_store %arg19[%swap3A], %exp3A {strides = array<i32>} : memref<80xf32, #tpu.memory_space<vmem>>, vector<16xf32>,
        %get3A_381 = arith.constant 16 : index
        %get3A_382 = tpu.vector_load %arg17[%get3A_381] {strides = array<i32>} : memref<80xf32, #tpu.memory_space<vmem>>, vector<16xf32>,
        %get3A_383 = arith.constant 16 : index
        %get3A_384 = tpu.vector_load %arg15[%get3A_383] {strides = array<i32>} : memref<80xf32, #tpu.memory_space<vmem>>, vector<16xf32>,
        %add3A_385 = arith.addf %get3A_384, %get3A_382 : vector<16xf32>
        %gt3A_386 = arith.constant 0.000000e+00 : f32
        %gt3A_387 = vector.broadcast %gt3A_386 : f32 to vector<16xf32>
        %gt3A_388 = arith.cmpf ogt, %add3A_385, %gt3A_387 : vector<16xf32>
        %mul3A_389 = arith.constant 0.00999999977 : f32
        %mul3A_390 = vector.broadcast %mul3A_389 : f32 to vector<16xf32>
        %mul3A_391 = arith.mulf %mul3A_390, %add3A_385 : vector<16xf32>
        %select_n3A_392 = arith.select %gt3A_388, %add3A_385, %mul3A_391 : vector<16xi1>, vector<16xf32>
        %add3A_393 = arith.addf %get3A_4, %get3A_382 : vector<16xf32>
        %gt3A_394 = arith.constant 0.000000e+00 : f32
        %gt3A_395 = vector.broadcast %gt3A_394 : f32 to vector<16xf32>
        %gt3A_396 = arith.cmpf ogt, %add3A_393, %gt3A_395 : vector<16xf32>
        %mul3A_397 = arith.constant 0.00999999977 : f32
        %mul3A_398 = vector.broadcast %mul3A_397 : f32 to vector<16xf32>
        %mul3A_399 = arith.mulf %mul3A_398, %add3A_393 : vector<16xf32>
        %select_n3A_400 = arith.select %gt3A_396, %add3A_393, %mul3A_399 : vector<16xi1>, vector<16xf32>
        %sub3A_401 = arith.subf %select_n3A_392, %select_n3A_400 : vector<16xf32>
        %exp3A_402 = math.exp %sub3A_401 : vector<16xf32>
        %swap3A_403 = arith.constant 16 : index
        %swap3A_404 = tpu.vector_load %arg19[%swap3A_403] {strides = array<i32>} : memref<80xf32, #tpu.memory_space<vmem>>, vector<16xf32>,
        tpu.vector_store %arg19[%swap3A_403], %exp3A_402 {strides = array<i32>} : memref<80xf32, #tpu.memory_space<vmem>>, vector<16xf32>,
        %get3A_405 = arith.constant 32 : index
        %get3A_406 = tpu.vector_load %arg17[%get3A_405] {strides = array<i32>} : memref<80xf32, #tpu.memory_space<vmem>>, vector<16xf32>,
        %get3A_407 = arith.constant 32 : index
        %get3A_408 = tpu.vector_load %arg15[%get3A_407] {strides = array<i32>} : memref<80xf32, #tpu.memory_space<vmem>>, vector<16xf32>,
        %add3A_409 = arith.addf %get3A_408, %get3A_406 : vector<16xf32>
        %gt3A_410 = arith.constant 0.000000e+00 : f32
        %gt3A_411 = vector.broadcast %gt3A_410 : f32 to vector<16xf32>
        %gt3A_412 = arith.cmpf ogt, %add3A_409, %gt3A_411 : vector<16xf32>
        %mul3A_413 = arith.constant 0.00999999977 : f32
        %mul3A_414 = vector.broadcast %mul3A_413 : f32 to vector<16xf32>
        %mul3A_415 = arith.mulf %mul3A_414, %add3A_409 : vector<16xf32>
        %select_n3A_416 = arith.select %gt3A_412, %add3A_409, %mul3A_415 : vector<16xi1>, vector<16xf32>
        %add3A_417 = arith.addf %get3A_4, %get3A_406 : vector<16xf32>
        %gt3A_418 = arith.constant 0.000000e+00 : f32
        %gt3A_419 = vector.broadcast %gt3A_418 : f32 to vector<16xf32>
        %gt3A_420 = arith.cmpf ogt, %add3A_417, %gt3A_419 : vector<16xf32>
        %mul3A_421 = arith.constant 0.00999999977 : f32
        %mul3A_422 = vector.broadcast %mul3A_421 : f32 to vector<16xf32>
        %mul3A_423 = arith.mulf %mul3A_422, %add3A_417 : vector<16xf32>
        %select_n3A_424 = arith.select %gt3A_420, %add3A_417, %mul3A_423 : vector<16xi1>, vector<16xf32>
        %sub3A_425 = arith.subf %select_n3A_416, %select_n3A_424 : vector<16xf32>
        %exp3A_426 = math.exp %sub3A_425 : vector<16xf32>
        %swap3A_427 = arith.constant 32 : index
        %swap3A_428 = tpu.vector_load %arg19[%swap3A_427] {strides = array<i32>} : memref<80xf32, #tpu.memory_space<vmem>>, vector<16xf32>,
        tpu.vector_store %arg19[%swap3A_427], %exp3A_426 {strides = array<i32>} : memref<80xf32, #tpu.memory_space<vmem>>, vector<16xf32>,
        %get3A_429 = arith.constant 48 : index
        %get3A_430 = tpu.vector_load %arg17[%get3A_429] {strides = array<i32>} : memref<80xf32, #tpu.memory_space<vmem>>, vector<16xf32>,
        %get3A_431 = arith.constant 48 : index
        %get3A_432 = tpu.vector_load %arg15[%get3A_431] {strides = array<i32>} : memref<80xf32, #tpu.memory_space<vmem>>, vector<16xf32>,
        %add3A_433 = arith.addf %get3A_432, %get3A_430 : vector<16xf32>
        %gt3A_434 = arith.constant 0.000000e+00 : f32
        %gt3A_435 = vector.broadcast %gt3A_434 : f32 to vector<16xf32>
        %gt3A_436 = arith.cmpf ogt, %add3A_433, %gt3A_435 : vector<16xf32>
        %mul3A_437 = arith.constant 0.00999999977 : f32
        %mul3A_438 = vector.broadcast %mul3A_437 : f32 to vector<16xf32>
        %mul3A_439 = arith.mulf %mul3A_438, %add3A_433 : vector<16xf32>
        %select_n3A_440 = arith.select %gt3A_436, %add3A_433, %mul3A_439 : vector<16xi1>, vector<16xf32>
        %add3A_441 = arith.addf %get3A_4, %get3A_430 : vector<16xf32>
        %gt3A_442 = arith.constant 0.000000e+00 : f32
        %gt3A_443 = vector.broadcast %gt3A_442 : f32 to vector<16xf32>
        %gt3A_444 = arith.cmpf ogt, %add3A_441, %gt3A_443 : vector<16xf32>
        %mul3A_445 = arith.constant 0.00999999977 : f32
        %mul3A_446 = vector.broadcast %mul3A_445 : f32 to vector<16xf32>
        %mul3A_447 = arith.mulf %mul3A_446, %add3A_441 : vector<16xf32>
        %select_n3A_448 = arith.select %gt3A_444, %add3A_441, %mul3A_447 : vector<16xi1>, vector<16xf32>
        %sub3A_449 = arith.subf %select_n3A_440, %select_n3A_448 : vector<16xf32>
        %exp3A_450 = math.exp %sub3A_449 : vector<16xf32>
        %swap3A_451 = arith.constant 48 : index
        %swap3A_452 = tpu.vector_load %arg19[%swap3A_451] {strides = array<i32>} : memref<80xf32, #tpu.memory_space<vmem>>, vector<16xf32>,
        tpu.vector_store %arg19[%swap3A_451], %exp3A_450 {strides = array<i32>} : memref<80xf32, #tpu.memory_space<vmem>>, vector<16xf32>,
        %get3A_453 = arith.constant 64 : index
        %get3A_454 = tpu.vector_load %arg17[%get3A_453] {strides = array<i32>} : memref<80xf32, #tpu.memory_space<vmem>>, vector<16xf32>,
        %get3A_455 = arith.constant 64 : index
        %get3A_456 = tpu.vector_load %arg15[%get3A_455] {strides = array<i32>} : memref<80xf32, #tpu.memory_space<vmem>>, vector<16xf32>,
        %add3A_457 = arith.addf %get3A_456, %get3A_454 : vector<16xf32>
        %gt3A_458 = arith.constant 0.000000e+00 : f32
        %gt3A_459 = vector.broadcast %gt3A_458 : f32 to vector<16xf32>
        %gt3A_460 = arith.cmpf ogt, %add3A_457, %gt3A_459 : vector<16xf32>
        %mul3A_461 = arith.constant 0.00999999977 : f32
        %mul3A_462 = vector.broadcast %mul3A_461 : f32 to vector<16xf32>
        %mul3A_463 = arith.mulf %mul3A_462, %add3A_457 : vector<16xf32>
        %select_n3A_464 = arith.select %gt3A_460, %add3A_457, %mul3A_463 : vector<16xi1>, vector<16xf32>
        %add3A_465 = arith.addf %get3A_4, %get3A_454 : vector<16xf32>
        %gt3A_466 = arith.constant 0.000000e+00 : f32
        %gt3A_467 = vector.broadcast %gt3A_466 : f32 to vector<16xf32>
        %gt3A_468 = arith.cmpf ogt, %add3A_465, %gt3A_467 : vector<16xf32>
        %mul3A_469 = arith.constant 0.00999999977 : f32
        %mul3A_470 = vector.broadcast %mul3A_469 : f32 to vector<16xf32>
        %mul3A_471 = arith.mulf %mul3A_470, %add3A_465 : vector<16xf32>
        %select_n3A_472 = arith.select %gt3A_468, %add3A_465, %mul3A_471 : vector<16xi1>, vector<16xf32>
        %sub3A_473 = arith.subf %select_n3A_464, %select_n3A_472 : vector<16xf32>
        %exp3A_474 = math.exp %sub3A_473 : vector<16xf32>
        %swap3A_475 = arith.constant 64 : index
        %swap3A_476 = tpu.vector_load %arg19[%swap3A_475] {strides = array<i32>} : memref<80xf32, #tpu.memory_space<vmem>>, vector<16xf32>,
        tpu.vector_store %arg19[%swap3A_475], %exp3A_474 {strides = array<i32>} : memref<80xf32, #tpu.memory_space<vmem>>, vector<16xf32>,
        %jit3A_477 = arith.constant 25 : i32
        %div3A_478 = arith.divsi %add3A_156, %jit3A_477 : i32
        %sign3A_479 = arith.constant 0 : i32
        %sign3A_480 = arith.cmpi sgt, %add3A_156, %sign3A_479 : i32
        %sign3A_481 = arith.extui %sign3A_480 : i1 to i32
        %sign3A_482 = arith.constant 0 : i32
        %sign3A_483 = arith.cmpi slt, %add3A_156, %sign3A_482 : i32
        %sign3A_484 = arith.extui %sign3A_483 : i1 to i32
        %sign3A_485 = arith.subi %sign3A_481, %sign3A_484 : i32
        %sign3A_486 = arith.constant 0 : i32
        %sign3A_487 = arith.cmpi sgt, %jit3A_477, %sign3A_486 : i32
        %sign3A_488 = arith.extui %sign3A_487 : i1 to i32
        %sign3A_489 = arith.constant 0 : i32
        %sign3A_490 = arith.cmpi slt, %jit3A_477, %sign3A_489 : i32
        %sign3A_491 = arith.extui %sign3A_490 : i1 to i32
        %sign3A_492 = arith.subi %sign3A_488, %sign3A_491 : i32
        %ne3A_493 = arith.cmpi ne, %sign3A_485, %sign3A_492 : i32
        %rem3A_494 = arith.remsi %add3A_156, %jit3A_477 : i32
        %ne3A_495 = arith.constant 0 : i32
        %ne3A_496 = arith.cmpi ne, %rem3A_494, %ne3A_495 : i32
        %and3A_497 = arith.andi %ne3A_493, %ne3A_496 : i1
        %sub3A_498 = arith.constant 1 : i32
        %sub3A_499 = arith.subi %div3A_478, %sub3A_498 : i32
        %select_n3A_500 = arith.select %and3A_497, %sub3A_499, %div3A_478 : i32
        %jit3A_501 = arith.constant 2 : i32
        %eq3A_502 = arith.constant 0 : i32
        %eq3A_503 = arith.cmpi eq, %jit3A_501, %eq3A_502 : i32
        %jit3A_504 = arith.constant 1 : i32
        %select_n3A_505 = arith.select %eq3A_503, %jit3A_504, %jit3A_501 : i32
        %rem3A_506 = arith.remsi %select_n3A_500, %select_n3A_505 : i32
        %ne3A_507 = arith.constant 0 : i32
        %ne3A_508 = arith.cmpi ne, %rem3A_506, %ne3A_507 : i32
        %lt3A_509 = arith.constant 0 : i32
        %lt3A_510 = arith.cmpi slt, %rem3A_506, %lt3A_509 : i32
        %lt3A_511 = arith.constant 0 : i32
        %lt3A_512 = arith.cmpi slt, %select_n3A_505, %lt3A_511 : i32
        %ne3A_513 = arith.xori %lt3A_510, %lt3A_512 : i1
        %and3A_514 = arith.andi %ne3A_513, %ne3A_508 : i1
        %add3A_515 = arith.addi %rem3A_506, %select_n3A_505 : i32
        %select_n3A_516 = arith.select %and3A_514, %add3A_515, %rem3A_506 : i32
        %jit3A_517 = arith.constant 25 : i32
        %eq3A_518 = arith.constant 0 : i32
        %eq3A_519 = arith.cmpi eq, %jit3A_517, %eq3A_518 : i32
        %jit3A_520 = arith.constant 1 : i32
        %select_n3A_521 = arith.select %eq3A_519, %jit3A_520, %jit3A_517 : i32
        %rem3A_522 = arith.remsi %add3A_156, %select_n3A_521 : i32
        %ne3A_523 = arith.constant 0 : i32
        %ne3A_524 = arith.cmpi ne, %rem3A_522, %ne3A_523 : i32
        %lt3A_525 = arith.constant 0 : i32
        %lt3A_526 = arith.cmpi slt, %rem3A_522, %lt3A_525 : i32
        %lt3A_527 = arith.constant 0 : i32
        %lt3A_528 = arith.cmpi slt, %select_n3A_521, %lt3A_527 : i32
        %ne3A_529 = arith.xori %lt3A_526, %lt3A_528 : i1
        %and3A_530 = arith.andi %ne3A_529, %ne3A_524 : i1
        %add3A_531 = arith.addi %rem3A_522, %select_n3A_521 : i32
        %select_n3A_532 = arith.select %and3A_530, %add3A_531, %rem3A_522 : i32
        %dma_start3A_533 = arith.constant 0 : i32
        %dma_start3A_534 = tpu.memref_slice %arg11[%select_n3A_516, %select_n3A_532, %dma_start3A_533] : memref<2x25x80xi32, #tpu.memory_space<vmem>> -> memref<1x1x80xi32, #tpu.memory_space<vmem>>
        %dma_start3A_535 = tpu.memref_squeeze %dma_start3A_534 : memref<1x1x80xi32, #tpu.memory_space<vmem>> -> memref<80xi32, #tpu.memory_space<vmem>>
        %dma_start3A_536 = arith.constant 0 : i32
        %dma_start3A_537 = tpu.memref_slice %arg24[%dma_start3A_536] : memref<10240xf32, #tpu.memory_space<vmem_shared>> -> memref<10240xf32, #tpu.memory_space<vmem_shared>>
        tpu.enqueue_indirect_dma source(%arg19 : memref<80xf32, #tpu.memory_space<vmem>>) target(%dma_start3A_537 : memref<10240xf32, #tpu.memory_space<vmem_shared>>) offsets(%dma_start3A_535 : memref<80xi32, #tpu.memory_space<vmem>>) semaphore(%arg33 : memref<!tpu.dma_semaphore, #tpu.memory_space<semaphore_mem>>) {add = true}
      } else {
      }
      %jit3A_162 = arith.constant 25 : i32
      %eq3A_163 = arith.constant 0 : i32
      %eq3A_164 = arith.cmpi eq, %jit3A_162, %eq3A_163 : i32
      %jit3A_165 = arith.constant 1 : i32
      %select_n3A_166 = arith.select %eq3A_164, %jit3A_165, %jit3A_162 : i32
      %rem3A_167 = arith.remsi %add3A_156, %select_n3A_166 : i32
      %ne3A_168 = arith.constant 0 : i32
      %ne3A_169 = arith.cmpi ne, %rem3A_167, %ne3A_168 : i32
      %lt3A_170 = arith.constant 0 : i32
      %lt3A_171 = arith.cmpi slt, %rem3A_167, %lt3A_170 : i32
      %lt3A_172 = arith.constant 0 : i32
      %lt3A_173 = arith.cmpi slt, %select_n3A_166, %lt3A_172 : i32
      %ne3A_174 = arith.xori %lt3A_171, %lt3A_173 : i1
      %and3A_175 = arith.andi %ne3A_174, %ne3A_169 : i1
      %add3A_176 = arith.addi %rem3A_167, %select_n3A_166 : i32
      %select_n3A_177 = arith.select %and3A_175, %add3A_176, %rem3A_167 : i32
      %eq3A_178 = arith.constant 20 : i32
      %eq3A_179 = arith.cmpi eq, %select_n3A_177, %eq3A_178 : i32
      %add3A_180 = arith.constant 5 : i32
      %add3A_181 = arith.addi %add3A_156, %add3A_180 : i32
      %lt3A_182 = arith.constant 125 : i32
      %lt3A_183 = arith.cmpi slt, %add3A_181, %lt3A_182 : i32
      %and3A_184 = arith.andi %eq3A_179, %lt3A_183 : i1
      %convert_element_type3A_185 = arith.extui %and3A_184 : i1 to i32
      %cond3A_186 = arith.constant 0 : i32
      %cond3A_187 = arith.cmpi ne, %convert_element_type3A_185, %cond3A_186 : i32
      scf.if %cond3A_187 {
        %jit3A_236 = arith.constant 25 : i32
        %div3A = arith.divsi %add3A_156, %jit3A_236 : i32
        %sign3A = arith.constant 0 : i32
        %sign3A_237 = arith.cmpi sgt, %add3A_156, %sign3A : i32
        %sign3A_238 = arith.extui %sign3A_237 : i1 to i32
        %sign3A_239 = arith.constant 0 : i32
        %sign3A_240 = arith.cmpi slt, %add3A_156, %sign3A_239 : i32
        %sign3A_241 = arith.extui %sign3A_240 : i1 to i32
        %sign3A_242 = arith.subi %sign3A_238, %sign3A_241 : i32
        %sign3A_243 = arith.constant 0 : i32
        %sign3A_244 = arith.cmpi sgt, %jit3A_236, %sign3A_243 : i32
        %sign3A_245 = arith.extui %sign3A_244 : i1 to i32
        %sign3A_246 = arith.constant 0 : i32
        %sign3A_247 = arith.cmpi slt, %jit3A_236, %sign3A_246 : i32
        %sign3A_248 = arith.extui %sign3A_247 : i1 to i32
        %sign3A_249 = arith.subi %sign3A_245, %sign3A_248 : i32
        %ne3A_250 = arith.cmpi ne, %sign3A_242, %sign3A_249 : i32
        %rem3A_251 = arith.remsi %add3A_156, %jit3A_236 : i32
        %ne3A_252 = arith.constant 0 : i32
        %ne3A_253 = arith.cmpi ne, %rem3A_251, %ne3A_252 : i32
        %and3A_254 = arith.andi %ne3A_250, %ne3A_253 : i1
        %sub3A = arith.constant 1 : i32
        %sub3A_255 = arith.subi %div3A, %sub3A : i32
        %select_n3A_256 = arith.select %and3A_254, %sub3A_255, %div3A : i32
        %add3A_257 = arith.constant 1 : i32
        %add3A_258 = arith.addi %select_n3A_256, %add3A_257 : i32
        %jit3A_259 = arith.constant 2 : i32
        %eq3A_260 = arith.constant 0 : i32
        %eq3A_261 = arith.cmpi eq, %jit3A_259, %eq3A_260 : i32
        %jit3A_262 = arith.constant 1 : i32
        %select_n3A_263 = arith.select %eq3A_261, %jit3A_262, %jit3A_259 : i32
        %rem3A_264 = arith.remsi %add3A_258, %select_n3A_263 : i32
        %ne3A_265 = arith.constant 0 : i32
        %ne3A_266 = arith.cmpi ne, %rem3A_264, %ne3A_265 : i32
        %lt3A_267 = arith.constant 0 : i32
        %lt3A_268 = arith.cmpi slt, %rem3A_264, %lt3A_267 : i32
        %lt3A_269 = arith.constant 0 : i32
        %lt3A_270 = arith.cmpi slt, %select_n3A_263, %lt3A_269 : i32
        %ne3A_271 = arith.xori %lt3A_268, %lt3A_270 : i1
        %and3A_272 = arith.andi %ne3A_271, %ne3A_266 : i1
        %add3A_273 = arith.addi %rem3A_264, %select_n3A_263 : i32
        %select_n3A_274 = arith.select %and3A_272, %add3A_273, %rem3A_264 : i32
        %dma_start3A_275 = arith.constant 0 : i32
        %dma_start3A_276 = arith.constant 0 : i32
        %dma_start3A_277 = tpu.memref_slice %arg10[%select_n3A_274, %dma_start3A_275, %dma_start3A_276] : memref<2x25x80xi32, #tpu.memory_space<vmem>> -> memref<1x25x80xi32, #tpu.memory_space<vmem>>
        %dma_start3A_278 = tpu.memref_squeeze %dma_start3A_277 : memref<1x25x80xi32, #tpu.memory_space<vmem>> -> memref<25x80xi32, #tpu.memory_space<vmem>>
        %dma_start3A_279 = arith.constant 0 : i32
        %dma_start3A_280 = arith.constant 0 : i32
        %dma_start3A_281 = tpu.memref_slice %arg5[%add3A, %add3A_258, %dma_start3A_279, %dma_start3A_280] : memref<32x5x25x80xi32, #tpu.memory_space<hbm>> -> memref<1x1x25x80xi32, #tpu.memory_space<hbm>>
        %dma_start3A_282 = tpu.memref_squeeze %dma_start3A_281 : memref<1x1x25x80xi32, #tpu.memory_space<hbm>> -> memref<25x80xi32, #tpu.memory_space<hbm>>
        %dma_start3A_283 = arith.constant 0 : i32
        %dma_start3A_284 = arith.constant 0 : i32
        %dma_start3A_285 = tpu.memref_slice %arg10[%select_n3A_274, %dma_start3A_283, %dma_start3A_284] : memref<2x25x80xi32, #tpu.memory_space<vmem>> -> memref<1x25x80xi32, #tpu.memory_space<vmem>>
        %dma_start3A_286 = tpu.memref_squeeze %dma_start3A_285 : memref<1x25x80xi32, #tpu.memory_space<vmem>> -> memref<25x80xi32, #tpu.memory_space<vmem>>
        %dma_start3A_287 = arith.constant 0 : i32
        %dma_start3A_288 = arith.constant 0 : i32
        %dma_start3A_289 = tpu.memref_slice %arg5[%add3A, %add3A_258, %dma_start3A_287, %dma_start3A_288] : memref<32x5x25x80xi32, #tpu.memory_space<hbm>> -> memref<1x1x25x80xi32, #tpu.memory_space<hbm>>
        %dma_start3A_290 = tpu.memref_squeeze %dma_start3A_289 : memref<1x1x25x80xi32, #tpu.memory_space<hbm>> -> memref<25x80xi32, #tpu.memory_space<hbm>>
        tpu.enqueue_dma source(%dma_start3A_290 : memref<25x80xi32, #tpu.memory_space<hbm>>) target(%dma_start3A_286 : memref<25x80xi32, #tpu.memory_space<vmem>>) target_semaphore(%arg34 : memref<!tpu.dma_semaphore, #tpu.memory_space<semaphore_mem>>)
        %jit3A_291 = arith.constant 2 : i32
        %eq3A_292 = arith.constant 0 : i32
        %eq3A_293 = arith.cmpi eq, %jit3A_291, %eq3A_292 : i32
        %jit3A_294 = arith.constant 1 : i32
        %select_n3A_295 = arith.select %eq3A_293, %jit3A_294, %jit3A_291 : i32
        %rem3A_296 = arith.remsi %add3A_258, %select_n3A_295 : i32
        %ne3A_297 = arith.constant 0 : i32
        %ne3A_298 = arith.cmpi ne, %rem3A_296, %ne3A_297 : i32
        %lt3A_299 = arith.constant 0 : i32
        %lt3A_300 = arith.cmpi slt, %rem3A_296, %lt3A_299 : i32
        %lt3A_301 = arith.constant 0 : i32
        %lt3A_302 = arith.cmpi slt, %select_n3A_295, %lt3A_301 : i32
        %ne3A_303 = arith.xori %lt3A_300, %lt3A_302 : i1
        %and3A_304 = arith.andi %ne3A_303, %ne3A_298 : i1
        %add3A_305 = arith.addi %rem3A_296, %select_n3A_295 : i32
        %select_n3A_306 = arith.select %and3A_304, %add3A_305, %rem3A_296 : i32
        %dma_start3A_307 = arith.constant 0 : i32
        %dma_start3A_308 = arith.constant 0 : i32
        %dma_start3A_309 = tpu.memref_slice %arg11[%select_n3A_306, %dma_start3A_307, %dma_start3A_308] : memref<2x25x80xi32, #tpu.memory_space<vmem>> -> memref<1x25x80xi32, #tpu.memory_space<vmem>>
        %dma_start3A_310 = tpu.memref_squeeze %dma_start3A_309 : memref<1x25x80xi32, #tpu.memory_space<vmem>> -> memref<25x80xi32, #tpu.memory_space<vmem>>
        %dma_start3A_311 = arith.constant 0 : i32
        %dma_start3A_312 = arith.constant 0 : i32
        %dma_start3A_313 = tpu.memref_slice %arg6[%add3A, %add3A_258, %dma_start3A_311, %dma_start3A_312] : memref<32x5x25x80xi32, #tpu.memory_space<hbm>> -> memref<1x1x25x80xi32, #tpu.memory_space<hbm>>
        %dma_start3A_314 = tpu.memref_squeeze %dma_start3A_313 : memref<1x1x25x80xi32, #tpu.memory_space<hbm>> -> memref<25x80xi32, #tpu.memory_space<hbm>>
        %dma_start3A_315 = arith.constant 0 : i32
        %dma_start3A_316 = arith.constant 0 : i32
        %dma_start3A_317 = tpu.memref_slice %arg11[%select_n3A_306, %dma_start3A_315, %dma_start3A_316] : memref<2x25x80xi32, #tpu.memory_space<vmem>> -> memref<1x25x80xi32, #tpu.memory_space<vmem>>
        %dma_start3A_318 = tpu.memref_squeeze %dma_start3A_317 : memref<1x25x80xi32, #tpu.memory_space<vmem>> -> memref<25x80xi32, #tpu.memory_space<vmem>>
        %dma_start3A_319 = arith.constant 0 : i32
        %dma_start3A_320 = arith.constant 0 : i32
        %dma_start3A_321 = tpu.memref_slice %arg6[%add3A, %add3A_258, %dma_start3A_319, %dma_start3A_320] : memref<32x5x25x80xi32, #tpu.memory_space<hbm>> -> memref<1x1x25x80xi32, #tpu.memory_space<hbm>>
        %dma_start3A_322 = tpu.memref_squeeze %dma_start3A_321 : memref<1x1x25x80xi32, #tpu.memory_space<hbm>> -> memref<25x80xi32, #tpu.memory_space<hbm>>
        tpu.enqueue_dma source(%dma_start3A_322 : memref<25x80xi32, #tpu.memory_space<hbm>>) target(%dma_start3A_318 : memref<25x80xi32, #tpu.memory_space<vmem>>) target_semaphore(%arg34 : memref<!tpu.dma_semaphore, #tpu.memory_space<semaphore_mem>>)
      } else {
      }
      %add3A_188 = arith.constant 1 : i32
      %add3A_189 = arith.addi %add3A_156, %add3A_188 : i32
      %jit3A_190 = arith.constant 25 : i32
      %eq3A_191 = arith.constant 0 : i32
      %eq3A_192 = arith.cmpi eq, %jit3A_190, %eq3A_191 : i32
      %jit3A_193 = arith.constant 1 : i32
      %select_n3A_194 = arith.select %eq3A_192, %jit3A_193, %jit3A_190 : i32
      %rem3A_195 = arith.remsi %add3A_189, %select_n3A_194 : i32
      %ne3A_196 = arith.constant 0 : i32
      %ne3A_197 = arith.cmpi ne, %rem3A_195, %ne3A_196 : i32
      %lt3A_198 = arith.constant 0 : i32
      %lt3A_199 = arith.cmpi slt, %rem3A_195, %lt3A_198 : i32
      %lt3A_200 = arith.constant 0 : i32
      %lt3A_201 = arith.cmpi slt, %select_n3A_194, %lt3A_200 : i32
      %ne3A_202 = arith.xori %lt3A_199, %lt3A_201 : i1
      %and3A_203 = arith.andi %ne3A_202, %ne3A_197 : i1
      %add3A_204 = arith.addi %rem3A_195, %select_n3A_194 : i32
      %select_n3A_205 = arith.select %and3A_203, %add3A_204, %rem3A_195 : i32
      %eq3A_206 = arith.constant 0 : i32
      %eq3A_207 = arith.cmpi eq, %select_n3A_205, %eq3A_206 : i32
      %add3A_208 = arith.constant 1 : i32
      %add3A_209 = arith.addi %add3A_156, %add3A_208 : i32
      %lt3A_210 = arith.constant 125 : i32
      %lt3A_211 = arith.cmpi slt, %add3A_209, %lt3A_210 : i32
      %and3A_212 = arith.andi %eq3A_207, %lt3A_211 : i1
      %convert_element_type3A_213 = arith.extui %and3A_212 : i1 to i32
      %cond3A_214 = arith.constant 0 : i32
      %cond3A_215 = arith.cmpi ne, %convert_element_type3A_213, %cond3A_214 : i32
      scf.if %cond3A_215 {
        %add3A_236 = arith.constant 1 : i32
        %add3A_237 = arith.addi %add3A_156, %add3A_236 : i32
        %jit3A_238 = arith.constant 25 : i32
        %div3A = arith.divsi %add3A_237, %jit3A_238 : i32
        %sign3A = arith.constant 0 : i32
        %sign3A_239 = arith.cmpi sgt, %add3A_237, %sign3A : i32
        %sign3A_240 = arith.extui %sign3A_239 : i1 to i32
        %sign3A_241 = arith.constant 0 : i32
        %sign3A_242 = arith.cmpi slt, %add3A_237, %sign3A_241 : i32
        %sign3A_243 = arith.extui %sign3A_242 : i1 to i32
        %sign3A_244 = arith.subi %sign3A_240, %sign3A_243 : i32
        %sign3A_245 = arith.constant 0 : i32
        %sign3A_246 = arith.cmpi sgt, %jit3A_238, %sign3A_245 : i32
        %sign3A_247 = arith.extui %sign3A_246 : i1 to i32
        %sign3A_248 = arith.constant 0 : i32
        %sign3A_249 = arith.cmpi slt, %jit3A_238, %sign3A_248 : i32
        %sign3A_250 = arith.extui %sign3A_249 : i1 to i32
        %sign3A_251 = arith.subi %sign3A_247, %sign3A_250 : i32
        %ne3A_252 = arith.cmpi ne, %sign3A_244, %sign3A_251 : i32
        %rem3A_253 = arith.remsi %add3A_237, %jit3A_238 : i32
        %ne3A_254 = arith.constant 0 : i32
        %ne3A_255 = arith.cmpi ne, %rem3A_253, %ne3A_254 : i32
        %and3A_256 = arith.andi %ne3A_252, %ne3A_255 : i1
        %sub3A = arith.constant 1 : i32
        %sub3A_257 = arith.subi %div3A, %sub3A : i32
        %select_n3A_258 = arith.select %and3A_256, %sub3A_257, %div3A : i32
        %jit3A_259 = arith.constant 2 : i32
        %eq3A_260 = arith.constant 0 : i32
        %eq3A_261 = arith.cmpi eq, %jit3A_259, %eq3A_260 : i32
        %jit3A_262 = arith.constant 1 : i32
        %select_n3A_263 = arith.select %eq3A_261, %jit3A_262, %jit3A_259 : i32
        %rem3A_264 = arith.remsi %select_n3A_258, %select_n3A_263 : i32
        %ne3A_265 = arith.constant 0 : i32
        %ne3A_266 = arith.cmpi ne, %rem3A_264, %ne3A_265 : i32
        %lt3A_267 = arith.constant 0 : i32
        %lt3A_268 = arith.cmpi slt, %rem3A_264, %lt3A_267 : i32
        %lt3A_269 = arith.constant 0 : i32
        %lt3A_270 = arith.cmpi slt, %select_n3A_263, %lt3A_269 : i32
        %ne3A_271 = arith.xori %lt3A_268, %lt3A_270 : i1
        %and3A_272 = arith.andi %ne3A_271, %ne3A_266 : i1
        %add3A_273 = arith.addi %rem3A_264, %select_n3A_263 : i32
        %select_n3A_274 = arith.select %and3A_272, %add3A_273, %rem3A_264 : i32
        %dma_wait3A_275 = arith.constant 0 : i32
        %dma_wait3A_276 = arith.constant 0 : i32
        %dma_wait3A_277 = tpu.memref_slice %arg10[%select_n3A_274, %dma_wait3A_275, %dma_wait3A_276] : memref<2x25x80xi32, #tpu.memory_space<vmem>> -> memref<1x25x80xi32, #tpu.memory_space<vmem>>
        %dma_wait3A_278 = tpu.memref_squeeze %dma_wait3A_277 : memref<1x25x80xi32, #tpu.memory_space<vmem>> -> memref<25x80xi32, #tpu.memory_space<vmem>>
        %dma_wait3A_279 = arith.constant 0 : i32
        %dma_wait3A_280 = arith.constant 0 : i32
        %dma_wait3A_281 = tpu.memref_slice %arg5[%add3A, %select_n3A_258, %dma_wait3A_279, %dma_wait3A_280] : memref<32x5x25x80xi32, #tpu.memory_space<hbm>> -> memref<1x1x25x80xi32, #tpu.memory_space<hbm>>
        %dma_wait3A_282 = tpu.memref_squeeze %dma_wait3A_281 : memref<1x1x25x80xi32, #tpu.memory_space<hbm>> -> memref<25x80xi32, #tpu.memory_space<hbm>>
        %dma_wait3A_283 = arith.constant 0 : i32
        %dma_wait3A_284 = arith.constant 0 : i32
        %dma_wait3A_285 = tpu.memref_slice %arg10[%select_n3A_274, %dma_wait3A_283, %dma_wait3A_284] : memref<2x25x80xi32, #tpu.memory_space<vmem>> -> memref<1x25x80xi32, #tpu.memory_space<vmem>>
        %dma_wait3A_286 = tpu.memref_squeeze %dma_wait3A_285 : memref<1x25x80xi32, #tpu.memory_space<vmem>> -> memref<25x80xi32, #tpu.memory_space<vmem>>
        %dma_wait3A_287 = arith.constant 0 : i32
        %dma_wait3A_288 = arith.constant 0 : i32
        %dma_wait3A_289 = tpu.memref_slice %arg5[%add3A, %select_n3A_258, %dma_wait3A_287, %dma_wait3A_288] : memref<32x5x25x80xi32, #tpu.memory_space<hbm>> -> memref<1x1x25x80xi32, #tpu.memory_space<hbm>>
        %dma_wait3A_290 = tpu.memref_squeeze %dma_wait3A_289 : memref<1x1x25x80xi32, #tpu.memory_space<hbm>> -> memref<25x80xi32, #tpu.memory_space<hbm>>
        tpu.wait_dma2 semaphore(%arg34 : memref<!tpu.dma_semaphore, #tpu.memory_space<semaphore_mem>>) src(%dma_wait3A_290 : memref<25x80xi32, #tpu.memory_space<hbm>>) dst(%dma_wait3A_286 : memref<25x80xi32, #tpu.memory_space<vmem>>)
        %jit3A_291 = arith.constant 2 : i32
        %eq3A_292 = arith.constant 0 : i32
        %eq3A_293 = arith.cmpi eq, %jit3A_291, %eq3A_292 : i32
        %jit3A_294 = arith.constant 1 : i32
        %select_n3A_295 = arith.select %eq3A_293, %jit3A_294, %jit3A_291 : i32
        %rem3A_296 = arith.remsi %select_n3A_258, %select_n3A_295 : i32
        %ne3A_297 = arith.constant 0 : i32
        %ne3A_298 = arith.cmpi ne, %rem3A_296, %ne3A_297 : i32
        %lt3A_299 = arith.constant 0 : i32
        %lt3A_300 = arith.cmpi slt, %rem3A_296, %lt3A_299 : i32
        %lt3A_301 = arith.constant 0 : i32
        %lt3A_302 = arith.cmpi slt, %select_n3A_295, %lt3A_301 : i32
        %ne3A_303 = arith.xori %lt3A_300, %lt3A_302 : i1
        %and3A_304 = arith.andi %ne3A_303, %ne3A_298 : i1
        %add3A_305 = arith.addi %rem3A_296, %select_n3A_295 : i32
        %select_n3A_306 = arith.select %and3A_304, %add3A_305, %rem3A_296 : i32
        %dma_wait3A_307 = arith.constant 0 : i32
        %dma_wait3A_308 = arith.constant 0 : i32
        %dma_wait3A_309 = tpu.memref_slice %arg11[%select_n3A_306, %dma_wait3A_307, %dma_wait3A_308] : memref<2x25x80xi32, #tpu.memory_space<vmem>> -> memref<1x25x80xi32, #tpu.memory_space<vmem>>
        %dma_wait3A_310 = tpu.memref_squeeze %dma_wait3A_309 : memref<1x25x80xi32, #tpu.memory_space<vmem>> -> memref<25x80xi32, #tpu.memory_space<vmem>>
        %dma_wait3A_311 = arith.constant 0 : i32
        %dma_wait3A_312 = arith.constant 0 : i32
        %dma_wait3A_313 = tpu.memref_slice %arg6[%add3A, %select_n3A_258, %dma_wait3A_311, %dma_wait3A_312] : memref<32x5x25x80xi32, #tpu.memory_space<hbm>> -> memref<1x1x25x80xi32, #tpu.memory_space<hbm>>
        %dma_wait3A_314 = tpu.memref_squeeze %dma_wait3A_313 : memref<1x1x25x80xi32, #tpu.memory_space<hbm>> -> memref<25x80xi32, #tpu.memory_space<hbm>>
        %dma_wait3A_315 = arith.constant 0 : i32
        %dma_wait3A_316 = arith.constant 0 : i32
        %dma_wait3A_317 = tpu.memref_slice %arg11[%select_n3A_306, %dma_wait3A_315, %dma_wait3A_316] : memref<2x25x80xi32, #tpu.memory_space<vmem>> -> memref<1x25x80xi32, #tpu.memory_space<vmem>>
        %dma_wait3A_318 = tpu.memref_squeeze %dma_wait3A_317 : memref<1x25x80xi32, #tpu.memory_space<vmem>> -> memref<25x80xi32, #tpu.memory_space<vmem>>
        %dma_wait3A_319 = arith.constant 0 : i32
        %dma_wait3A_320 = arith.constant 0 : i32
        %dma_wait3A_321 = tpu.memref_slice %arg6[%add3A, %select_n3A_258, %dma_wait3A_319, %dma_wait3A_320] : memref<32x5x25x80xi32, #tpu.memory_space<hbm>> -> memref<1x1x25x80xi32, #tpu.memory_space<hbm>>
        %dma_wait3A_322 = tpu.memref_squeeze %dma_wait3A_321 : memref<1x1x25x80xi32, #tpu.memory_space<hbm>> -> memref<25x80xi32, #tpu.memory_space<hbm>>
        tpu.wait_dma2 semaphore(%arg34 : memref<!tpu.dma_semaphore, #tpu.memory_space<semaphore_mem>>) src(%dma_wait3A_322 : memref<25x80xi32, #tpu.memory_space<hbm>>) dst(%dma_wait3A_318 : memref<25x80xi32, #tpu.memory_space<vmem>>)
      } else {
      }
      %ge3A_216 = arith.constant 1 : i32
      %ge3A_217 = arith.cmpi sge, %add3A_156, %ge3A_216 : i32
      %le3A_218 = arith.constant 125 : i32
      %le3A_219 = arith.cmpi sle, %add3A_156, %le3A_218 : i32
      %and3A_220 = arith.andi %ge3A_217, %le3A_219 : i1
      %convert_element_type3A_221 = arith.extui %and3A_220 : i1 to i32
      %cond3A_222 = arith.constant 0 : i32
      %cond3A_223 = arith.cmpi ne, %convert_element_type3A_221, %cond3A_222 : i32
      scf.if %cond3A_223 {
        %dma_wait3A_236 = arith.constant 0 : i32
        %dma_wait3A_237 = arith.constant 0 : i32
        %dma_wait3A_238 = arith.constant 0 : i32
        %dma_wait3A_239 = tpu.memref_slice %arg11[%dma_wait3A_236, %dma_wait3A_237, %dma_wait3A_238] : memref<2x25x80xi32, #tpu.memory_space<vmem>> -> memref<1x1x80xi32, #tpu.memory_space<vmem>>
        %dma_wait3A_240 = tpu.memref_squeeze %dma_wait3A_239 : memref<1x1x80xi32, #tpu.memory_space<vmem>> -> memref<80xi32, #tpu.memory_space<vmem>>
        %dma_wait3A_241 = arith.constant 0 : i32
        %dma_wait3A_242 = arith.constant 0 : i32
        %dma_wait3A_243 = tpu.memref_slice %arg25[%dma_wait3A_241, %dma_wait3A_242] : memref<10000x128xf32, #tpu.memory_space<vmem_shared>> -> memref<10000x128xf32, #tpu.memory_space<vmem_shared>>
        tpu.wait_indirect_dma semaphore(%arg30 : memref<!tpu.dma_semaphore, #tpu.memory_space<semaphore_mem>>) src(%arg12 : memref<80x128xf32, #tpu.memory_space<vmem>>) dst(%dma_wait3A_243 : memref<10000x128xf32, #tpu.memory_space<vmem_shared>>)
      } else {
      }
      %add3A_224 = arith.constant 1 : i32
      %add3A_225 = arith.addi %add3A_156, %add3A_224 : i32
      %lt3A_226 = arith.constant 125 : i32
      %lt3A_227 = arith.cmpi slt, %add3A_225, %lt3A_226 : i32
      %convert_element_type3A_228 = arith.extui %lt3A_227 : i1 to i32
      %cond3A_229 = arith.constant 0 : i32
      %cond3A_230 = arith.cmpi ne, %convert_element_type3A_228, %cond3A_229 : i32
      scf.if %cond3A_230 {
        %jit3A_236 = arith.constant 25 : i32
        %div3A = arith.divsi %add3A_225, %jit3A_236 : i32
        %sign3A = arith.constant 0 : i32
        %sign3A_237 = arith.cmpi sgt, %add3A_225, %sign3A : i32
        %sign3A_238 = arith.extui %sign3A_237 : i1 to i32
        %sign3A_239 = arith.constant 0 : i32
        %sign3A_240 = arith.cmpi slt, %add3A_225, %sign3A_239 : i32
        %sign3A_241 = arith.extui %sign3A_240 : i1 to i32
        %sign3A_242 = arith.subi %sign3A_238, %sign3A_241 : i32
        %sign3A_243 = arith.constant 0 : i32
        %sign3A_244 = arith.cmpi sgt, %jit3A_236, %sign3A_243 : i32
        %sign3A_245 = arith.extui %sign3A_244 : i1 to i32
        %sign3A_246 = arith.constant 0 : i32
        %sign3A_247 = arith.cmpi slt, %jit3A_236, %sign3A_246 : i32
        %sign3A_248 = arith.extui %sign3A_247 : i1 to i32
        %sign3A_249 = arith.subi %sign3A_245, %sign3A_248 : i32
        %ne3A_250 = arith.cmpi ne, %sign3A_242, %sign3A_249 : i32
        %rem3A_251 = arith.remsi %add3A_225, %jit3A_236 : i32
        %ne3A_252 = arith.constant 0 : i32
        %ne3A_253 = arith.cmpi ne, %rem3A_251, %ne3A_252 : i32
        %and3A_254 = arith.andi %ne3A_250, %ne3A_253 : i1
        %sub3A = arith.constant 1 : i32
        %sub3A_255 = arith.subi %div3A, %sub3A : i32
        %select_n3A_256 = arith.select %and3A_254, %sub3A_255, %div3A : i32
        %jit3A_257 = arith.constant 2 : i32
        %eq3A_258 = arith.constant 0 : i32
        %eq3A_259 = arith.cmpi eq, %jit3A_257, %eq3A_258 : i32
        %jit3A_260 = arith.constant 1 : i32
        %select_n3A_261 = arith.select %eq3A_259, %jit3A_260, %jit3A_257 : i32
        %rem3A_262 = arith.remsi %select_n3A_256, %select_n3A_261 : i32
        %ne3A_263 = arith.constant 0 : i32
        %ne3A_264 = arith.cmpi ne, %rem3A_262, %ne3A_263 : i32
        %lt3A_265 = arith.constant 0 : i32
        %lt3A_266 = arith.cmpi slt, %rem3A_262, %lt3A_265 : i32
        %lt3A_267 = arith.constant 0 : i32
        %lt3A_268 = arith.cmpi slt, %select_n3A_261, %lt3A_267 : i32
        %ne3A_269 = arith.xori %lt3A_266, %lt3A_268 : i1
        %and3A_270 = arith.andi %ne3A_269, %ne3A_264 : i1
        %add3A_271 = arith.addi %rem3A_262, %select_n3A_261 : i32
        %select_n3A_272 = arith.select %and3A_270, %add3A_271, %rem3A_262 : i32
        %jit3A_273 = arith.constant 25 : i32
        %eq3A_274 = arith.constant 0 : i32
        %eq3A_275 = arith.cmpi eq, %jit3A_273, %eq3A_274 : i32
        %jit3A_276 = arith.constant 1 : i32
        %select_n3A_277 = arith.select %eq3A_275, %jit3A_276, %jit3A_273 : i32
        %rem3A_278 = arith.remsi %add3A_225, %select_n3A_277 : i32
        %ne3A_279 = arith.constant 0 : i32
        %ne3A_280 = arith.cmpi ne, %rem3A_278, %ne3A_279 : i32
        %lt3A_281 = arith.constant 0 : i32
        %lt3A_282 = arith.cmpi slt, %rem3A_278, %lt3A_281 : i32
        %lt3A_283 = arith.constant 0 : i32
        %lt3A_284 = arith.cmpi slt, %select_n3A_277, %lt3A_283 : i32
        %ne3A_285 = arith.xori %lt3A_282, %lt3A_284 : i1
        %and3A_286 = arith.andi %ne3A_285, %ne3A_280 : i1
        %add3A_287 = arith.addi %rem3A_278, %select_n3A_277 : i32
        %select_n3A_288 = arith.select %and3A_286, %add3A_287, %rem3A_278 : i32
        %dma_start3A_289 = arith.constant 0 : i32
        %dma_start3A_290 = tpu.memref_slice %arg10[%select_n3A_272, %select_n3A_288, %dma_start3A_289] : memref<2x25x80xi32, #tpu.memory_space<vmem>> -> memref<1x1x80xi32, #tpu.memory_space<vmem>>
        %dma_start3A_291 = tpu.memref_squeeze %dma_start3A_290 : memref<1x1x80xi32, #tpu.memory_space<vmem>> -> memref<80xi32, #tpu.memory_space<vmem>>
        %dma_start3A_292 = arith.constant 0 : i32
        %dma_start3A_293 = arith.constant 0 : i32
        %dma_start3A_294 = tpu.memref_slice %arg7[%dma_start3A_292, %dma_start3A_293] : memref<10000x128xf32, #tpu.memory_space<hbm>> -> memref<10000x128xf32, #tpu.memory_space<hbm>>
        tpu.enqueue_indirect_dma source(%dma_start3A_294 : memref<10000x128xf32, #tpu.memory_space<hbm>>) target(%arg12 : memref<80x128xf32, #tpu.memory_space<vmem>>) offsets(%dma_start3A_291 : memref<80xi32, #tpu.memory_space<vmem>>) semaphore(%arg26 : memref<!tpu.dma_semaphore, #tpu.memory_space<semaphore_mem>>)
        %jit3A_295 = arith.constant 25 : i32
        %div3A_296 = arith.divsi %add3A_225, %jit3A_295 : i32
        %sign3A_297 = arith.constant 0 : i32
        %sign3A_298 = arith.cmpi sgt, %add3A_225, %sign3A_297 : i32
        %sign3A_299 = arith.extui %sign3A_298 : i1 to i32
        %sign3A_300 = arith.constant 0 : i32
        %sign3A_301 = arith.cmpi slt, %add3A_225, %sign3A_300 : i32
        %sign3A_302 = arith.extui %sign3A_301 : i1 to i32
        %sign3A_303 = arith.subi %sign3A_299, %sign3A_302 : i32
        %sign3A_304 = arith.constant 0 : i32
        %sign3A_305 = arith.cmpi sgt, %jit3A_295, %sign3A_304 : i32
        %sign3A_306 = arith.extui %sign3A_305 : i1 to i32
        %sign3A_307 = arith.constant 0 : i32
        %sign3A_308 = arith.cmpi slt, %jit3A_295, %sign3A_307 : i32
        %sign3A_309 = arith.extui %sign3A_308 : i1 to i32
        %sign3A_310 = arith.subi %sign3A_306, %sign3A_309 : i32
        %ne3A_311 = arith.cmpi ne, %sign3A_303, %sign3A_310 : i32
        %rem3A_312 = arith.remsi %add3A_225, %jit3A_295 : i32
        %ne3A_313 = arith.constant 0 : i32
        %ne3A_314 = arith.cmpi ne, %rem3A_312, %ne3A_313 : i32
        %and3A_315 = arith.andi %ne3A_311, %ne3A_314 : i1
        %sub3A_316 = arith.constant 1 : i32
        %sub3A_317 = arith.subi %div3A_296, %sub3A_316 : i32
        %select_n3A_318 = arith.select %and3A_315, %sub3A_317, %div3A_296 : i32
        %jit3A_319 = arith.constant 2 : i32
        %eq3A_320 = arith.constant 0 : i32
        %eq3A_321 = arith.cmpi eq, %jit3A_319, %eq3A_320 : i32
        %jit3A_322 = arith.constant 1 : i32
        %select_n3A_323 = arith.select %eq3A_321, %jit3A_322, %jit3A_319 : i32
        %rem3A_324 = arith.remsi %select_n3A_318, %select_n3A_323 : i32
        %ne3A_325 = arith.constant 0 : i32
        %ne3A_326 = arith.cmpi ne, %rem3A_324, %ne3A_325 : i32
        %lt3A_327 = arith.constant 0 : i32
        %lt3A_328 = arith.cmpi slt, %rem3A_324, %lt3A_327 : i32
        %lt3A_329 = arith.constant 0 : i32
        %lt3A_330 = arith.cmpi slt, %select_n3A_323, %lt3A_329 : i32
        %ne3A_331 = arith.xori %lt3A_328, %lt3A_330 : i1
        %and3A_332 = arith.andi %ne3A_331, %ne3A_326 : i1
        %add3A_333 = arith.addi %rem3A_324, %select_n3A_323 : i32
        %select_n3A_334 = arith.select %and3A_332, %add3A_333, %rem3A_324 : i32
        %jit3A_335 = arith.constant 25 : i32
        %eq3A_336 = arith.constant 0 : i32
        %eq3A_337 = arith.cmpi eq, %jit3A_335, %eq3A_336 : i32
        %jit3A_338 = arith.constant 1 : i32
        %select_n3A_339 = arith.select %eq3A_337, %jit3A_338, %jit3A_335 : i32
        %rem3A_340 = arith.remsi %add3A_225, %select_n3A_339 : i32
        %ne3A_341 = arith.constant 0 : i32
        %ne3A_342 = arith.cmpi ne, %rem3A_340, %ne3A_341 : i32
        %lt3A_343 = arith.constant 0 : i32
        %lt3A_344 = arith.cmpi slt, %rem3A_340, %lt3A_343 : i32
        %lt3A_345 = arith.constant 0 : i32
        %lt3A_346 = arith.cmpi slt, %select_n3A_339, %lt3A_345 : i32
        %ne3A_347 = arith.xori %lt3A_344, %lt3A_346 : i1
        %and3A_348 = arith.andi %ne3A_347, %ne3A_342 : i1
        %add3A_349 = arith.addi %rem3A_340, %select_n3A_339 : i32
        %select_n3A_350 = arith.select %and3A_348, %add3A_349, %rem3A_340 : i32
        %dma_start3A_351 = arith.constant 0 : i32
        %dma_start3A_352 = tpu.memref_slice %arg10[%select_n3A_334, %select_n3A_350, %dma_start3A_351] : memref<2x25x80xi32, #tpu.memory_space<vmem>> -> memref<1x1x80xi32, #tpu.memory_space<vmem>>
        %dma_start3A_353 = tpu.memref_squeeze %dma_start3A_352 : memref<1x1x80xi32, #tpu.memory_space<vmem>> -> memref<80xi32, #tpu.memory_space<vmem>>
        %dma_start3A_354 = arith.constant 0 : i32
        %dma_start3A_355 = tpu.memref_slice %arg22[%dma_start3A_354] : memref<10240xf32, #tpu.memory_space<vmem_shared>> -> memref<10240xf32, #tpu.memory_space<vmem_shared>>
        tpu.enqueue_indirect_dma source(%dma_start3A_355 : memref<10240xf32, #tpu.memory_space<vmem_shared>>) target(%arg14 : memref<80xf32, #tpu.memory_space<vmem>>) offsets(%dma_start3A_353 : memref<80xi32, #tpu.memory_space<vmem>>) semaphore(%arg28 : memref<!tpu.dma_semaphore, #tpu.memory_space<semaphore_mem>>)
        %jit3A_356 = arith.constant 25 : i32
        %div3A_357 = arith.divsi %add3A_225, %jit3A_356 : i32
        %sign3A_358 = arith.constant 0 : i32
        %sign3A_359 = arith.cmpi sgt, %add3A_225, %sign3A_358 : i32
        %sign3A_360 = arith.extui %sign3A_359 : i1 to i32
        %sign3A_361 = arith.constant 0 : i32
        %sign3A_362 = arith.cmpi slt, %add3A_225, %sign3A_361 : i32
        %sign3A_363 = arith.extui %sign3A_362 : i1 to i32
        %sign3A_364 = arith.subi %sign3A_360, %sign3A_363 : i32
        %sign3A_365 = arith.constant 0 : i32
        %sign3A_366 = arith.cmpi sgt, %jit3A_356, %sign3A_365 : i32
        %sign3A_367 = arith.extui %sign3A_366 : i1 to i32
        %sign3A_368 = arith.constant 0 : i32
        %sign3A_369 = arith.cmpi slt, %jit3A_356, %sign3A_368 : i32
        %sign3A_370 = arith.extui %sign3A_369 : i1 to i32
        %sign3A_371 = arith.subi %sign3A_367, %sign3A_370 : i32
        %ne3A_372 = arith.cmpi ne, %sign3A_364, %sign3A_371 : i32
        %rem3A_373 = arith.remsi %add3A_225, %jit3A_356 : i32
        %ne3A_374 = arith.constant 0 : i32
        %ne3A_375 = arith.cmpi ne, %rem3A_373, %ne3A_374 : i32
        %and3A_376 = arith.andi %ne3A_372, %ne3A_375 : i1
        %sub3A_377 = arith.constant 1 : i32
        %sub3A_378 = arith.subi %div3A_357, %sub3A_377 : i32
        %select_n3A_379 = arith.select %and3A_376, %sub3A_378, %div3A_357 : i32
        %jit3A_380 = arith.constant 2 : i32
        %eq3A_381 = arith.constant 0 : i32
        %eq3A_382 = arith.cmpi eq, %jit3A_380, %eq3A_381 : i32
        %jit3A_383 = arith.constant 1 : i32
        %select_n3A_384 = arith.select %eq3A_382, %jit3A_383, %jit3A_380 : i32
        %rem3A_385 = arith.remsi %select_n3A_379, %select_n3A_384 : i32
        %ne3A_386 = arith.constant 0 : i32
        %ne3A_387 = arith.cmpi ne, %rem3A_385, %ne3A_386 : i32
        %lt3A_388 = arith.constant 0 : i32
        %lt3A_389 = arith.cmpi slt, %rem3A_385, %lt3A_388 : i32
        %lt3A_390 = arith.constant 0 : i32
        %lt3A_391 = arith.cmpi slt, %select_n3A_384, %lt3A_390 : i32
        %ne3A_392 = arith.xori %lt3A_389, %lt3A_391 : i1
        %and3A_393 = arith.andi %ne3A_392, %ne3A_387 : i1
        %add3A_394 = arith.addi %rem3A_385, %select_n3A_384 : i32
        %select_n3A_395 = arith.select %and3A_393, %add3A_394, %rem3A_385 : i32
        %jit3A_396 = arith.constant 25 : i32
        %eq3A_397 = arith.constant 0 : i32
        %eq3A_398 = arith.cmpi eq, %jit3A_396, %eq3A_397 : i32
        %jit3A_399 = arith.constant 1 : i32
        %select_n3A_400 = arith.select %eq3A_398, %jit3A_399, %jit3A_396 : i32
        %rem3A_401 = arith.remsi %add3A_225, %select_n3A_400 : i32
        %ne3A_402 = arith.constant 0 : i32
        %ne3A_403 = arith.cmpi ne, %rem3A_401, %ne3A_402 : i32
        %lt3A_404 = arith.constant 0 : i32
        %lt3A_405 = arith.cmpi slt, %rem3A_401, %lt3A_404 : i32
        %lt3A_406 = arith.constant 0 : i32
        %lt3A_407 = arith.cmpi slt, %select_n3A_400, %lt3A_406 : i32
        %ne3A_408 = arith.xori %lt3A_405, %lt3A_407 : i1
        %and3A_409 = arith.andi %ne3A_408, %ne3A_403 : i1
        %add3A_410 = arith.addi %rem3A_401, %select_n3A_400 : i32
        %select_n3A_411 = arith.select %and3A_409, %add3A_410, %rem3A_401 : i32
        %dma_start3A_412 = arith.constant 0 : i32
        %dma_start3A_413 = tpu.memref_slice %arg11[%select_n3A_395, %select_n3A_411, %dma_start3A_412] : memref<2x25x80xi32, #tpu.memory_space<vmem>> -> memref<1x1x80xi32, #tpu.memory_space<vmem>>
        %dma_start3A_414 = tpu.memref_squeeze %dma_start3A_413 : memref<1x1x80xi32, #tpu.memory_space<vmem>> -> memref<80xi32, #tpu.memory_space<vmem>>
        %dma_start3A_415 = arith.constant 0 : i32
        %dma_start3A_416 = tpu.memref_slice %arg23[%dma_start3A_415] : memref<10240xf32, #tpu.memory_space<vmem_shared>> -> memref<10240xf32, #tpu.memory_space<vmem_shared>>
        tpu.enqueue_indirect_dma source(%dma_start3A_416 : memref<10240xf32, #tpu.memory_space<vmem_shared>>) target(%arg16 : memref<80xf32, #tpu.memory_space<vmem>>) offsets(%dma_start3A_414 : memref<80xi32, #tpu.memory_space<vmem>>) semaphore(%arg28 : memref<!tpu.dma_semaphore, #tpu.memory_space<semaphore_mem>>)
      } else {
      }
      %lt3A_231 = arith.constant 125 : i32
      %lt3A_232 = arith.cmpi slt, %add3A_156, %lt3A_231 : i32
      %convert_element_type3A_233 = arith.extui %lt3A_232 : i1 to i32
      %cond3A_234 = arith.constant 0 : i32
      %cond3A_235 = arith.cmpi ne, %convert_element_type3A_233, %cond3A_234 : i32
      scf.if %cond3A_235 {
        %jit3A_236 = arith.constant 25 : i32
        %div3A = arith.divsi %add3A_156, %jit3A_236 : i32
        %sign3A = arith.constant 0 : i32
        %sign3A_237 = arith.cmpi sgt, %add3A_156, %sign3A : i32
        %sign3A_238 = arith.extui %sign3A_237 : i1 to i32
        %sign3A_239 = arith.constant 0 : i32
        %sign3A_240 = arith.cmpi slt, %add3A_156, %sign3A_239 : i32
        %sign3A_241 = arith.extui %sign3A_240 : i1 to i32
        %sign3A_242 = arith.subi %sign3A_238, %sign3A_241 : i32
        %sign3A_243 = arith.constant 0 : i32
        %sign3A_244 = arith.cmpi sgt, %jit3A_236, %sign3A_243 : i32
        %sign3A_245 = arith.extui %sign3A_244 : i1 to i32
        %sign3A_246 = arith.constant 0 : i32
        %sign3A_247 = arith.cmpi slt, %jit3A_236, %sign3A_246 : i32
        %sign3A_248 = arith.extui %sign3A_247 : i1 to i32
        %sign3A_249 = arith.subi %sign3A_245, %sign3A_248 : i32
        %ne3A_250 = arith.cmpi ne, %sign3A_242, %sign3A_249 : i32
        %rem3A_251 = arith.remsi %add3A_156, %jit3A_236 : i32
        %ne3A_252 = arith.constant 0 : i32
        %ne3A_253 = arith.cmpi ne, %rem3A_251, %ne3A_252 : i32
        %and3A_254 = arith.andi %ne3A_250, %ne3A_253 : i1
        %sub3A = arith.constant 1 : i32
        %sub3A_255 = arith.subi %div3A, %sub3A : i32
        %select_n3A_256 = arith.select %and3A_254, %sub3A_255, %div3A : i32
        %jit3A_257 = arith.constant 2 : i32
        %eq3A_258 = arith.constant 0 : i32
        %eq3A_259 = arith.cmpi eq, %jit3A_257, %eq3A_258 : i32
        %jit3A_260 = arith.constant 1 : i32
        %select_n3A_261 = arith.select %eq3A_259, %jit3A_260, %jit3A_257 : i32
        %rem3A_262 = arith.remsi %select_n3A_256, %select_n3A_261 : i32
        %ne3A_263 = arith.constant 0 : i32
        %ne3A_264 = arith.cmpi ne, %rem3A_262, %ne3A_263 : i32
        %lt3A_265 = arith.constant 0 : i32
        %lt3A_266 = arith.cmpi slt, %rem3A_262, %lt3A_265 : i32
        %lt3A_267 = arith.constant 0 : i32
        %lt3A_268 = arith.cmpi slt, %select_n3A_261, %lt3A_267 : i32
        %ne3A_269 = arith.xori %lt3A_266, %lt3A_268 : i1
        %and3A_270 = arith.andi %ne3A_269, %ne3A_264 : i1
        %add3A_271 = arith.addi %rem3A_262, %select_n3A_261 : i32
        %select_n3A_272 = arith.select %and3A_270, %add3A_271, %rem3A_262 : i32
        %jit3A_273 = arith.constant 25 : i32
        %eq3A_274 = arith.constant 0 : i32
        %eq3A_275 = arith.cmpi eq, %jit3A_273, %eq3A_274 : i32
        %jit3A_276 = arith.constant 1 : i32
        %select_n3A_277 = arith.select %eq3A_275, %jit3A_276, %jit3A_273 : i32
        %rem3A_278 = arith.remsi %add3A_156, %select_n3A_277 : i32
        %ne3A_279 = arith.constant 0 : i32
        %ne3A_280 = arith.cmpi ne, %rem3A_278, %ne3A_279 : i32
        %lt3A_281 = arith.constant 0 : i32
        %lt3A_282 = arith.cmpi slt, %rem3A_278, %lt3A_281 : i32
        %lt3A_283 = arith.constant 0 : i32
        %lt3A_284 = arith.cmpi slt, %select_n3A_277, %lt3A_283 : i32
        %ne3A_285 = arith.xori %lt3A_282, %lt3A_284 : i1
        %and3A_286 = arith.andi %ne3A_285, %ne3A_280 : i1
        %add3A_287 = arith.addi %rem3A_278, %select_n3A_277 : i32
        %select_n3A_288 = arith.select %and3A_286, %add3A_287, %rem3A_278 : i32
        %dma_wait3A_289 = arith.constant 0 : i32
        %dma_wait3A_290 = tpu.memref_slice %arg10[%select_n3A_272, %select_n3A_288, %dma_wait3A_289] : memref<2x25x80xi32, #tpu.memory_space<vmem>> -> memref<1x1x80xi32, #tpu.memory_space<vmem>>
        %dma_wait3A_291 = tpu.memref_squeeze %dma_wait3A_290 : memref<1x1x80xi32, #tpu.memory_space<vmem>> -> memref<80xi32, #tpu.memory_space<vmem>>
        %dma_wait3A_292 = arith.constant 0 : i32
        %dma_wait3A_293 = arith.constant 0 : i32
        %dma_wait3A_294 = tpu.memref_slice %arg7[%dma_wait3A_292, %dma_wait3A_293] : memref<10000x128xf32, #tpu.memory_space<hbm>> -> memref<10000x128xf32, #tpu.memory_space<hbm>>
        tpu.wait_indirect_dma semaphore(%arg27 : memref<!tpu.dma_semaphore, #tpu.memory_space<semaphore_mem>>) src(%dma_wait3A_294 : memref<10000x128xf32, #tpu.memory_space<hbm>>) dst(%arg13 : memref<80x128xf32, #tpu.memory_space<vmem>>)
        %scan3A_295 = arith.constant 0 : i32
        %scan3A_296 = arith.constant 80 : i32
        %scan3A_297 = arith.addi %scan3A_295, %scan3A_296 : i32
        %scan3A_298 = arith.constant 8 : i32
        scf.for %scan3A_362 = %scan3A_295 to %scan3A_297 step %scan3A_298  : i32 {
          %mul3A_363 = arith.constant 1 : i32
          %mul3A_364 = arith.muli %scan3A_362, %mul3A_363 : i32
          %add3A_365 = arith.constant 0 : i32
          %add3A_366 = arith.addi %add3A_365, %mul3A_364 : i32
          %broadcast_in_dim3A_367 = vector.broadcast %add3A_366 : i32 to vector<16xi32>
          %gather3A = tpu.vector_load_idx %arg19[%broadcast_in_dim3A_367] : memref<80xf32, #tpu.memory_space<vmem>>[vector<16xi32>], vector<16xf32>,
          %get3A_368 = arith.index_cast %add3A_366 : i32 to index
          %get3A_369 = arith.constant 0 : index
          %get3A_370 = tpu.vector_load %arg13[%get3A_368, %get3A_369] {strides = array<i32>} : memref<80x128xf32, #tpu.memory_space<vmem>>, vector<16xf32>,
          %mul3A_371 = arith.mulf %get3A_370, %gather3A : vector<16xf32>
          %swap3A = arith.index_cast %add3A_366 : i32 to index
          %swap3A_372 = arith.constant 0 : index
          %swap3A_373 = tpu.vector_load %arg13[%swap3A, %swap3A_372] {strides = array<i32>} : memref<80x128xf32, #tpu.memory_space<vmem>>, vector<16xf32>,
          tpu.vector_store %arg13[%swap3A, %swap3A_372], %mul3A_371 {strides = array<i32>} : memref<80x128xf32, #tpu.memory_space<vmem>>, vector<16xf32>,
          %get3A_374 = arith.index_cast %add3A_366 : i32 to index
          %get3A_375 = arith.constant 16 : index
          %get3A_376 = tpu.vector_load %arg13[%get3A_374, %get3A_375] {strides = array<i32>} : memref<80x128xf32, #tpu.memory_space<vmem>>, vector<16xf32>,
          %mul3A_377 = arith.mulf %get3A_376, %gather3A : vector<16xf32>
          %swap3A_378 = arith.index_cast %add3A_366 : i32 to index
          %swap3A_379 = arith.constant 16 : index
          %swap3A_380 = tpu.vector_load %arg13[%swap3A_378, %swap3A_379] {strides = array<i32>} : memref<80x128xf32, #tpu.memory_space<vmem>>, vector<16xf32>,
          tpu.vector_store %arg13[%swap3A_378, %swap3A_379], %mul3A_377 {strides = array<i32>} : memref<80x128xf32, #tpu.memory_space<vmem>>, vector<16xf32>,
          %get3A_381 = arith.index_cast %add3A_366 : i32 to index
          %get3A_382 = arith.constant 32 : index
          %get3A_383 = tpu.vector_load %arg13[%get3A_381, %get3A_382] {strides = array<i32>} : memref<80x128xf32, #tpu.memory_space<vmem>>, vector<16xf32>,
          %mul3A_384 = arith.mulf %get3A_383, %gather3A : vector<16xf32>
          %swap3A_385 = arith.index_cast %add3A_366 : i32 to index
          %swap3A_386 = arith.constant 32 : index
          %swap3A_387 = tpu.vector_load %arg13[%swap3A_385, %swap3A_386] {strides = array<i32>} : memref<80x128xf32, #tpu.memory_space<vmem>>, vector<16xf32>,
          tpu.vector_store %arg13[%swap3A_385, %swap3A_386], %mul3A_384 {strides = array<i32>} : memref<80x128xf32, #tpu.memory_space<vmem>>, vector<16xf32>,
          %get3A_388 = arith.index_cast %add3A_366 : i32 to index
          %get3A_389 = arith.constant 48 : index
          %get3A_390 = tpu.vector_load %arg13[%get3A_388, %get3A_389] {strides = array<i32>} : memref<80x128xf32, #tpu.memory_space<vmem>>, vector<16xf32>,
          %mul3A_391 = arith.mulf %get3A_390, %gather3A : vector<16xf32>
          %swap3A_392 = arith.index_cast %add3A_366 : i32 to index
          %swap3A_393 = arith.constant 48 : index
          %swap3A_394 = tpu.vector_load %arg13[%swap3A_392, %swap3A_393] {strides = array<i32>} : memref<80x128xf32, #tpu.memory_space<vmem>>, vector<16xf32>,
          tpu.vector_store %arg13[%swap3A_392, %swap3A_393], %mul3A_391 {strides = array<i32>} : memref<80x128xf32, #tpu.memory_space<vmem>>, vector<16xf32>,
          %get3A_395 = arith.index_cast %add3A_366 : i32 to index
          %get3A_396 = arith.constant 64 : index
          %get3A_397 = tpu.vector_load %arg13[%get3A_395, %get3A_396] {strides = array<i32>} : memref<80x128xf32, #tpu.memory_space<vmem>>, vector<16xf32>,
          %mul3A_398 = arith.mulf %get3A_397, %gather3A : vector<16xf32>
          %swap3A_399 = arith.index_cast %add3A_366 : i32 to index
          %swap3A_400 = arith.constant 64 : index
          %swap3A_401 = tpu.vector_load %arg13[%swap3A_399, %swap3A_400] {strides = array<i32>} : memref<80x128xf32, #tpu.memory_space<vmem>>, vector<16xf32>,
          tpu.vector_store %arg13[%swap3A_399, %swap3A_400], %mul3A_398 {strides = array<i32>} : memref<80x128xf32, #tpu.memory_space<vmem>>, vector<16xf32>,
          %get3A_402 = arith.index_cast %add3A_366 : i32 to index
          %get3A_403 = arith.constant 80 : index
          %get3A_404 = tpu.vector_load %arg13[%get3A_402, %get3A_403] {strides = array<i32>} : memref<80x128xf32, #tpu.memory_space<vmem>>, vector<16xf32>,
          %mul3A_405 = arith.mulf %get3A_404, %gather3A : vector<16xf32>
          %swap3A_406 = arith.index_cast %add3A_366 : i32 to index
          %swap3A_407 = arith.constant 80 : index
          %swap3A_408 = tpu.vector_load %arg13[%swap3A_406, %swap3A_407] {strides = array<i32>} : memref<80x128xf32, #tpu.memory_space<vmem>>, vector<16xf32>,
          tpu.vector_store %arg13[%swap3A_406, %swap3A_407], %mul3A_405 {strides = array<i32>} : memref<80x128xf32, #tpu.memory_space<vmem>>, vector<16xf32>,
          %get3A_409 = arith.index_cast %add3A_366 : i32 to index
          %get3A_410 = arith.constant 96 : index
          %get3A_411 = tpu.vector_load %arg13[%get3A_409, %get3A_410] {strides = array<i32>} : memref<80x128xf32, #tpu.memory_space<vmem>>, vector<16xf32>,
          %mul3A_412 = arith.mulf %get3A_411, %gather3A : vector<16xf32>
          %swap3A_413 = arith.index_cast %add3A_366 : i32 to index
          %swap3A_414 = arith.constant 96 : index
          %swap3A_415 = tpu.vector_load %arg13[%swap3A_413, %swap3A_414] {strides = array<i32>} : memref<80x128xf32, #tpu.memory_space<vmem>>, vector<16xf32>,
          tpu.vector_store %arg13[%swap3A_413, %swap3A_414], %mul3A_412 {strides = array<i32>} : memref<80x128xf32, #tpu.memory_space<vmem>>, vector<16xf32>,
          %get3A_416 = arith.index_cast %add3A_366 : i32 to index
          %get3A_417 = arith.constant 112 : index
          %get3A_418 = tpu.vector_load %arg13[%get3A_416, %get3A_417] {strides = array<i32>} : memref<80x128xf32, #tpu.memory_space<vmem>>, vector<16xf32>,
          %mul3A_419 = arith.mulf %get3A_418, %gather3A : vector<16xf32>
          %swap3A_420 = arith.index_cast %add3A_366 : i32 to index
          %swap3A_421 = arith.constant 112 : index
          %swap3A_422 = tpu.vector_load %arg13[%swap3A_420, %swap3A_421] {strides = array<i32>} : memref<80x128xf32, #tpu.memory_space<vmem>>, vector<16xf32>,
          tpu.vector_store %arg13[%swap3A_420, %swap3A_421], %mul3A_419 {strides = array<i32>} : memref<80x128xf32, #tpu.memory_space<vmem>>, vector<16xf32>,
          %scan3A_423 = arith.constant 1 : i32
          %scan3A_424 = arith.addi %scan3A_362, %scan3A_423 : i32
          %mul3A_425 = arith.constant 1 : i32
          %mul3A_426 = arith.muli %scan3A_424, %mul3A_425 : i32
          %add3A_427 = arith.constant 0 : i32
          %add3A_428 = arith.addi %add3A_427, %mul3A_426 : i32
          %broadcast_in_dim3A_429 = vector.broadcast %add3A_428 : i32 to vector<16xi32>
          %gather3A_430 = tpu.vector_load_idx %arg19[%broadcast_in_dim3A_429] : memref<80xf32, #tpu.memory_space<vmem>>[vector<16xi32>], vector<16xf32>,
          %get3A_431 = arith.index_cast %add3A_428 : i32 to index
          %get3A_432 = arith.constant 0 : index
          %get3A_433 = tpu.vector_load %arg13[%get3A_431, %get3A_432] {strides = array<i32>} : memref<80x128xf32, #tpu.memory_space<vmem>>, vector<16xf32>,
          %mul3A_434 = arith.mulf %get3A_433, %gather3A_430 : vector<16xf32>
          %swap3A_435 = arith.index_cast %add3A_428 : i32 to index
          %swap3A_436 = arith.constant 0 : index
          %swap3A_437 = tpu.vector_load %arg13[%swap3A_435, %swap3A_436] {strides = array<i32>} : memref<80x128xf32, #tpu.memory_space<vmem>>, vector<16xf32>,
          tpu.vector_store %arg13[%swap3A_435, %swap3A_436], %mul3A_434 {strides = array<i32>} : memref<80x128xf32, #tpu.memory_space<vmem>>, vector<16xf32>,
          %get3A_438 = arith.index_cast %add3A_428 : i32 to index
          %get3A_439 = arith.constant 16 : index
          %get3A_440 = tpu.vector_load %arg13[%get3A_438, %get3A_439] {strides = array<i32>} : memref<80x128xf32, #tpu.memory_space<vmem>>, vector<16xf32>,
          %mul3A_441 = arith.mulf %get3A_440, %gather3A_430 : vector<16xf32>
          %swap3A_442 = arith.index_cast %add3A_428 : i32 to index
          %swap3A_443 = arith.constant 16 : index
          %swap3A_444 = tpu.vector_load %arg13[%swap3A_442, %swap3A_443] {strides = array<i32>} : memref<80x128xf32, #tpu.memory_space<vmem>>, vector<16xf32>,
          tpu.vector_store %arg13[%swap3A_442, %swap3A_443], %mul3A_441 {strides = array<i32>} : memref<80x128xf32, #tpu.memory_space<vmem>>, vector<16xf32>,
          %get3A_445 = arith.index_cast %add3A_428 : i32 to index
          %get3A_446 = arith.constant 32 : index
          %get3A_447 = tpu.vector_load %arg13[%get3A_445, %get3A_446] {strides = array<i32>} : memref<80x128xf32, #tpu.memory_space<vmem>>, vector<16xf32>,
          %mul3A_448 = arith.mulf %get3A_447, %gather3A_430 : vector<16xf32>
          %swap3A_449 = arith.index_cast %add3A_428 : i32 to index
          %swap3A_450 = arith.constant 32 : index
          %swap3A_451 = tpu.vector_load %arg13[%swap3A_449, %swap3A_450] {strides = array<i32>} : memref<80x128xf32, #tpu.memory_space<vmem>>, vector<16xf32>,
          tpu.vector_store %arg13[%swap3A_449, %swap3A_450], %mul3A_448 {strides = array<i32>} : memref<80x128xf32, #tpu.memory_space<vmem>>, vector<16xf32>,
          %get3A_452 = arith.index_cast %add3A_428 : i32 to index
          %get3A_453 = arith.constant 48 : index
          %get3A_454 = tpu.vector_load %arg13[%get3A_452, %get3A_453] {strides = array<i32>} : memref<80x128xf32, #tpu.memory_space<vmem>>, vector<16xf32>,
          %mul3A_455 = arith.mulf %get3A_454, %gather3A_430 : vector<16xf32>
          %swap3A_456 = arith.index_cast %add3A_428 : i32 to index
          %swap3A_457 = arith.constant 48 : index
          %swap3A_458 = tpu.vector_load %arg13[%swap3A_456, %swap3A_457] {strides = array<i32>} : memref<80x128xf32, #tpu.memory_space<vmem>>, vector<16xf32>,
          tpu.vector_store %arg13[%swap3A_456, %swap3A_457], %mul3A_455 {strides = array<i32>} : memref<80x128xf32, #tpu.memory_space<vmem>>, vector<16xf32>,
          %get3A_459 = arith.index_cast %add3A_428 : i32 to index
          %get3A_460 = arith.constant 64 : index
          %get3A_461 = tpu.vector_load %arg13[%get3A_459, %get3A_460] {strides = array<i32>} : memref<80x128xf32, #tpu.memory_space<vmem>>, vector<16xf32>,
          %mul3A_462 = arith.mulf %get3A_461, %gather3A_430 : vector<16xf32>
          %swap3A_463 = arith.index_cast %add3A_428 : i32 to index
          %swap3A_464 = arith.constant 64 : index
          %swap3A_465 = tpu.vector_load %arg13[%swap3A_463, %swap3A_464] {strides = array<i32>} : memref<80x128xf32, #tpu.memory_space<vmem>>, vector<16xf32>,
          tpu.vector_store %arg13[%swap3A_463, %swap3A_464], %mul3A_462 {strides = array<i32>} : memref<80x128xf32, #tpu.memory_space<vmem>>, vector<16xf32>,
          %get3A_466 = arith.index_cast %add3A_428 : i32 to index
          %get3A_467 = arith.constant 80 : index
          %get3A_468 = tpu.vector_load %arg13[%get3A_466, %get3A_467] {strides = array<i32>} : memref<80x128xf32, #tpu.memory_space<vmem>>, vector<16xf32>,
          %mul3A_469 = arith.mulf %get3A_468, %gather3A_430 : vector<16xf32>
          %swap3A_470 = arith.index_cast %add3A_428 : i32 to index
          %swap3A_471 = arith.constant 80 : index
          %swap3A_472 = tpu.vector_load %arg13[%swap3A_470, %swap3A_471] {strides = array<i32>} : memref<80x128xf32, #tpu.memory_space<vmem>>, vector<16xf32>,
          tpu.vector_store %arg13[%swap3A_470, %swap3A_471], %mul3A_469 {strides = array<i32>} : memref<80x128xf32, #tpu.memory_space<vmem>>, vector<16xf32>,
          %get3A_473 = arith.index_cast %add3A_428 : i32 to index
          %get3A_474 = arith.constant 96 : index
          %get3A_475 = tpu.vector_load %arg13[%get3A_473, %get3A_474] {strides = array<i32>} : memref<80x128xf32, #tpu.memory_space<vmem>>, vector<16xf32>,
          %mul3A_476 = arith.mulf %get3A_475, %gather3A_430 : vector<16xf32>
          %swap3A_477 = arith.index_cast %add3A_428 : i32 to index
          %swap3A_478 = arith.constant 96 : index
          %swap3A_479 = tpu.vector_load %arg13[%swap3A_477, %swap3A_478] {strides = array<i32>} : memref<80x128xf32, #tpu.memory_space<vmem>>, vector<16xf32>,
          tpu.vector_store %arg13[%swap3A_477, %swap3A_478], %mul3A_476 {strides = array<i32>} : memref<80x128xf32, #tpu.memory_space<vmem>>, vector<16xf32>,
          %get3A_480 = arith.index_cast %add3A_428 : i32 to index
          %get3A_481 = arith.constant 112 : index
          %get3A_482 = tpu.vector_load %arg13[%get3A_480, %get3A_481] {strides = array<i32>} : memref<80x128xf32, #tpu.memory_space<vmem>>, vector<16xf32>,
          %mul3A_483 = arith.mulf %get3A_482, %gather3A_430 : vector<16xf32>
          %swap3A_484 = arith.index_cast %add3A_428 : i32 to index
          %swap3A_485 = arith.constant 112 : index
          %swap3A_486 = tpu.vector_load %arg13[%swap3A_484, %swap3A_485] {strides = array<i32>} : memref<80x128xf32, #tpu.memory_space<vmem>>, vector<16xf32>,
          tpu.vector_store %arg13[%swap3A_484, %swap3A_485], %mul3A_483 {strides = array<i32>} : memref<80x128xf32, #tpu.memory_space<vmem>>, vector<16xf32>,
          %scan3A_487 = arith.constant 2 : i32
          %scan3A_488 = arith.addi %scan3A_362, %scan3A_487 : i32
          %mul3A_489 = arith.constant 1 : i32
          %mul3A_490 = arith.muli %scan3A_488, %mul3A_489 : i32
          %add3A_491 = arith.constant 0 : i32
          %add3A_492 = arith.addi %add3A_491, %mul3A_490 : i32
          %broadcast_in_dim3A_493 = vector.broadcast %add3A_492 : i32 to vector<16xi32>
          %gather3A_494 = tpu.vector_load_idx %arg19[%broadcast_in_dim3A_493] : memref<80xf32, #tpu.memory_space<vmem>>[vector<16xi32>], vector<16xf32>,
          %get3A_495 = arith.index_cast %add3A_492 : i32 to index
          %get3A_496 = arith.constant 0 : index
          %get3A_497 = tpu.vector_load %arg13[%get3A_495, %get3A_496] {strides = array<i32>} : memref<80x128xf32, #tpu.memory_space<vmem>>, vector<16xf32>,
          %mul3A_498 = arith.mulf %get3A_497, %gather3A_494 : vector<16xf32>
          %swap3A_499 = arith.index_cast %add3A_492 : i32 to index
          %swap3A_500 = arith.constant 0 : index
          %swap3A_501 = tpu.vector_load %arg13[%swap3A_499, %swap3A_500] {strides = array<i32>} : memref<80x128xf32, #tpu.memory_space<vmem>>, vector<16xf32>,
          tpu.vector_store %arg13[%swap3A_499, %swap3A_500], %mul3A_498 {strides = array<i32>} : memref<80x128xf32, #tpu.memory_space<vmem>>, vector<16xf32>,
          %get3A_502 = arith.index_cast %add3A_492 : i32 to index
          %get3A_503 = arith.constant 16 : index
          %get3A_504 = tpu.vector_load %arg13[%get3A_502, %get3A_503] {strides = array<i32>} : memref<80x128xf32, #tpu.memory_space<vmem>>, vector<16xf32>,
          %mul3A_505 = arith.mulf %get3A_504, %gather3A_494 : vector<16xf32>
          %swap3A_506 = arith.index_cast %add3A_492 : i32 to index
          %swap3A_507 = arith.constant 16 : index
          %swap3A_508 = tpu.vector_load %arg13[%swap3A_506, %swap3A_507] {strides = array<i32>} : memref<80x128xf32, #tpu.memory_space<vmem>>, vector<16xf32>,
          tpu.vector_store %arg13[%swap3A_506, %swap3A_507], %mul3A_505 {strides = array<i32>} : memref<80x128xf32, #tpu.memory_space<vmem>>, vector<16xf32>,
          %get3A_509 = arith.index_cast %add3A_492 : i32 to index
          %get3A_510 = arith.constant 32 : index
          %get3A_511 = tpu.vector_load %arg13[%get3A_509, %get3A_510] {strides = array<i32>} : memref<80x128xf32, #tpu.memory_space<vmem>>, vector<16xf32>,
          %mul3A_512 = arith.mulf %get3A_511, %gather3A_494 : vector<16xf32>
          %swap3A_513 = arith.index_cast %add3A_492 : i32 to index
          %swap3A_514 = arith.constant 32 : index
          %swap3A_515 = tpu.vector_load %arg13[%swap3A_513, %swap3A_514] {strides = array<i32>} : memref<80x128xf32, #tpu.memory_space<vmem>>, vector<16xf32>,
          tpu.vector_store %arg13[%swap3A_513, %swap3A_514], %mul3A_512 {strides = array<i32>} : memref<80x128xf32, #tpu.memory_space<vmem>>, vector<16xf32>,
          %get3A_516 = arith.index_cast %add3A_492 : i32 to index
          %get3A_517 = arith.constant 48 : index
          %get3A_518 = tpu.vector_load %arg13[%get3A_516, %get3A_517] {strides = array<i32>} : memref<80x128xf32, #tpu.memory_space<vmem>>, vector<16xf32>,
          %mul3A_519 = arith.mulf %get3A_518, %gather3A_494 : vector<16xf32>
          %swap3A_520 = arith.index_cast %add3A_492 : i32 to index
          %swap3A_521 = arith.constant 48 : index
          %swap3A_522 = tpu.vector_load %arg13[%swap3A_520, %swap3A_521] {strides = array<i32>} : memref<80x128xf32, #tpu.memory_space<vmem>>, vector<16xf32>,
          tpu.vector_store %arg13[%swap3A_520, %swap3A_521], %mul3A_519 {strides = array<i32>} : memref<80x128xf32, #tpu.memory_space<vmem>>, vector<16xf32>,
          %get3A_523 = arith.index_cast %add3A_492 : i32 to index
          %get3A_524 = arith.constant 64 : index
          %get3A_525 = tpu.vector_load %arg13[%get3A_523, %get3A_524] {strides = array<i32>} : memref<80x128xf32, #tpu.memory_space<vmem>>, vector<16xf32>,
          %mul3A_526 = arith.mulf %get3A_525, %gather3A_494 : vector<16xf32>
          %swap3A_527 = arith.index_cast %add3A_492 : i32 to index
          %swap3A_528 = arith.constant 64 : index
          %swap3A_529 = tpu.vector_load %arg13[%swap3A_527, %swap3A_528] {strides = array<i32>} : memref<80x128xf32, #tpu.memory_space<vmem>>, vector<16xf32>,
          tpu.vector_store %arg13[%swap3A_527, %swap3A_528], %mul3A_526 {strides = array<i32>} : memref<80x128xf32, #tpu.memory_space<vmem>>, vector<16xf32>,
          %get3A_530 = arith.index_cast %add3A_492 : i32 to index
          %get3A_531 = arith.constant 80 : index
          %get3A_532 = tpu.vector_load %arg13[%get3A_530, %get3A_531] {strides = array<i32>} : memref<80x128xf32, #tpu.memory_space<vmem>>, vector<16xf32>,
          %mul3A_533 = arith.mulf %get3A_532, %gather3A_494 : vector<16xf32>
          %swap3A_534 = arith.index_cast %add3A_492 : i32 to index
          %swap3A_535 = arith.constant 80 : index
          %swap3A_536 = tpu.vector_load %arg13[%swap3A_534, %swap3A_535] {strides = array<i32>} : memref<80x128xf32, #tpu.memory_space<vmem>>, vector<16xf32>,
          tpu.vector_store %arg13[%swap3A_534, %swap3A_535], %mul3A_533 {strides = array<i32>} : memref<80x128xf32, #tpu.memory_space<vmem>>, vector<16xf32>,
          %get3A_537 = arith.index_cast %add3A_492 : i32 to index
          %get3A_538 = arith.constant 96 : index
          %get3A_539 = tpu.vector_load %arg13[%get3A_537, %get3A_538] {strides = array<i32>} : memref<80x128xf32, #tpu.memory_space<vmem>>, vector<16xf32>,
          %mul3A_540 = arith.mulf %get3A_539, %gather3A_494 : vector<16xf32>
          %swap3A_541 = arith.index_cast %add3A_492 : i32 to index
          %swap3A_542 = arith.constant 96 : index
          %swap3A_543 = tpu.vector_load %arg13[%swap3A_541, %swap3A_542] {strides = array<i32>} : memref<80x128xf32, #tpu.memory_space<vmem>>, vector<16xf32>,
          tpu.vector_store %arg13[%swap3A_541, %swap3A_542], %mul3A_540 {strides = array<i32>} : memref<80x128xf32, #tpu.memory_space<vmem>>, vector<16xf32>,
          %get3A_544 = arith.index_cast %add3A_492 : i32 to index
          %get3A_545 = arith.constant 112 : index
          %get3A_546 = tpu.vector_load %arg13[%get3A_544, %get3A_545] {strides = array<i32>} : memref<80x128xf32, #tpu.memory_space<vmem>>, vector<16xf32>,
          %mul3A_547 = arith.mulf %get3A_546, %gather3A_494 : vector<16xf32>
          %swap3A_548 = arith.index_cast %add3A_492 : i32 to index
          %swap3A_549 = arith.constant 112 : index
          %swap3A_550 = tpu.vector_load %arg13[%swap3A_548, %swap3A_549] {strides = array<i32>} : memref<80x128xf32, #tpu.memory_space<vmem>>, vector<16xf32>,
          tpu.vector_store %arg13[%swap3A_548, %swap3A_549], %mul3A_547 {strides = array<i32>} : memref<80x128xf32, #tpu.memory_space<vmem>>, vector<16xf32>,
          %scan3A_551 = arith.constant 3 : i32
          %scan3A_552 = arith.addi %scan3A_362, %scan3A_551 : i32
          %mul3A_553 = arith.constant 1 : i32
          %mul3A_554 = arith.muli %scan3A_552, %mul3A_553 : i32
          %add3A_555 = arith.constant 0 : i32
          %add3A_556 = arith.addi %add3A_555, %mul3A_554 : i32
          %broadcast_in_dim3A_557 = vector.broadcast %add3A_556 : i32 to vector<16xi32>
          %gather3A_558 = tpu.vector_load_idx %arg19[%broadcast_in_dim3A_557] : memref<80xf32, #tpu.memory_space<vmem>>[vector<16xi32>], vector<16xf32>,
          %get3A_559 = arith.index_cast %add3A_556 : i32 to index
          %get3A_560 = arith.constant 0 : index
          %get3A_561 = tpu.vector_load %arg13[%get3A_559, %get3A_560] {strides = array<i32>} : memref<80x128xf32, #tpu.memory_space<vmem>>, vector<16xf32>,
          %mul3A_562 = arith.mulf %get3A_561, %gather3A_558 : vector<16xf32>
          %swap3A_563 = arith.index_cast %add3A_556 : i32 to index
          %swap3A_564 = arith.constant 0 : index
          %swap3A_565 = tpu.vector_load %arg13[%swap3A_563, %swap3A_564] {strides = array<i32>} : memref<80x128xf32, #tpu.memory_space<vmem>>, vector<16xf32>,
          tpu.vector_store %arg13[%swap3A_563, %swap3A_564], %mul3A_562 {strides = array<i32>} : memref<80x128xf32, #tpu.memory_space<vmem>>, vector<16xf32>,
          %get3A_566 = arith.index_cast %add3A_556 : i32 to index
          %get3A_567 = arith.constant 16 : index
          %get3A_568 = tpu.vector_load %arg13[%get3A_566, %get3A_567] {strides = array<i32>} : memref<80x128xf32, #tpu.memory_space<vmem>>, vector<16xf32>,
          %mul3A_569 = arith.mulf %get3A_568, %gather3A_558 : vector<16xf32>
          %swap3A_570 = arith.index_cast %add3A_556 : i32 to index
          %swap3A_571 = arith.constant 16 : index
          %swap3A_572 = tpu.vector_load %arg13[%swap3A_570, %swap3A_571] {strides = array<i32>} : memref<80x128xf32, #tpu.memory_space<vmem>>, vector<16xf32>,
          tpu.vector_store %arg13[%swap3A_570, %swap3A_571], %mul3A_569 {strides = array<i32>} : memref<80x128xf32, #tpu.memory_space<vmem>>, vector<16xf32>,
          %get3A_573 = arith.index_cast %add3A_556 : i32 to index
          %get3A_574 = arith.constant 32 : index
          %get3A_575 = tpu.vector_load %arg13[%get3A_573, %get3A_574] {strides = array<i32>} : memref<80x128xf32, #tpu.memory_space<vmem>>, vector<16xf32>,
          %mul3A_576 = arith.mulf %get3A_575, %gather3A_558 : vector<16xf32>
          %swap3A_577 = arith.index_cast %add3A_556 : i32 to index
          %swap3A_578 = arith.constant 32 : index
          %swap3A_579 = tpu.vector_load %arg13[%swap3A_577, %swap3A_578] {strides = array<i32>} : memref<80x128xf32, #tpu.memory_space<vmem>>, vector<16xf32>,
          tpu.vector_store %arg13[%swap3A_577, %swap3A_578], %mul3A_576 {strides = array<i32>} : memref<80x128xf32, #tpu.memory_space<vmem>>, vector<16xf32>,
          %get3A_580 = arith.index_cast %add3A_556 : i32 to index
          %get3A_581 = arith.constant 48 : index
          %get3A_582 = tpu.vector_load %arg13[%get3A_580, %get3A_581] {strides = array<i32>} : memref<80x128xf32, #tpu.memory_space<vmem>>, vector<16xf32>,
          %mul3A_583 = arith.mulf %get3A_582, %gather3A_558 : vector<16xf32>
          %swap3A_584 = arith.index_cast %add3A_556 : i32 to index
          %swap3A_585 = arith.constant 48 : index
          %swap3A_586 = tpu.vector_load %arg13[%swap3A_584, %swap3A_585] {strides = array<i32>} : memref<80x128xf32, #tpu.memory_space<vmem>>, vector<16xf32>,
          tpu.vector_store %arg13[%swap3A_584, %swap3A_585], %mul3A_583 {strides = array<i32>} : memref<80x128xf32, #tpu.memory_space<vmem>>, vector<16xf32>,
          %get3A_587 = arith.index_cast %add3A_556 : i32 to index
          %get3A_588 = arith.constant 64 : index
          %get3A_589 = tpu.vector_load %arg13[%get3A_587, %get3A_588] {strides = array<i32>} : memref<80x128xf32, #tpu.memory_space<vmem>>, vector<16xf32>,
          %mul3A_590 = arith.mulf %get3A_589, %gather3A_558 : vector<16xf32>
          %swap3A_591 = arith.index_cast %add3A_556 : i32 to index
          %swap3A_592 = arith.constant 64 : index
          %swap3A_593 = tpu.vector_load %arg13[%swap3A_591, %swap3A_592] {strides = array<i32>} : memref<80x128xf32, #tpu.memory_space<vmem>>, vector<16xf32>,
          tpu.vector_store %arg13[%swap3A_591, %swap3A_592], %mul3A_590 {strides = array<i32>} : memref<80x128xf32, #tpu.memory_space<vmem>>, vector<16xf32>,
          %get3A_594 = arith.index_cast %add3A_556 : i32 to index
          %get3A_595 = arith.constant 80 : index
          %get3A_596 = tpu.vector_load %arg13[%get3A_594, %get3A_595] {strides = array<i32>} : memref<80x128xf32, #tpu.memory_space<vmem>>, vector<16xf32>,
          %mul3A_597 = arith.mulf %get3A_596, %gather3A_558 : vector<16xf32>
          %swap3A_598 = arith.index_cast %add3A_556 : i32 to index
          %swap3A_599 = arith.constant 80 : index
          %swap3A_600 = tpu.vector_load %arg13[%swap3A_598, %swap3A_599] {strides = array<i32>} : memref<80x128xf32, #tpu.memory_space<vmem>>, vector<16xf32>,
          tpu.vector_store %arg13[%swap3A_598, %swap3A_599], %mul3A_597 {strides = array<i32>} : memref<80x128xf32, #tpu.memory_space<vmem>>, vector<16xf32>,
          %get3A_601 = arith.index_cast %add3A_556 : i32 to index
          %get3A_602 = arith.constant 96 : index
          %get3A_603 = tpu.vector_load %arg13[%get3A_601, %get3A_602] {strides = array<i32>} : memref<80x128xf32, #tpu.memory_space<vmem>>, vector<16xf32>,
          %mul3A_604 = arith.mulf %get3A_603, %gather3A_558 : vector<16xf32>
          %swap3A_605 = arith.index_cast %add3A_556 : i32 to index
          %swap3A_606 = arith.constant 96 : index
          %swap3A_607 = tpu.vector_load %arg13[%swap3A_605, %swap3A_606] {strides = array<i32>} : memref<80x128xf32, #tpu.memory_space<vmem>>, vector<16xf32>,
          tpu.vector_store %arg13[%swap3A_605, %swap3A_606], %mul3A_604 {strides = array<i32>} : memref<80x128xf32, #tpu.memory_space<vmem>>, vector<16xf32>,
          %get3A_608 = arith.index_cast %add3A_556 : i32 to index
          %get3A_609 = arith.constant 112 : index
          %get3A_610 = tpu.vector_load %arg13[%get3A_608, %get3A_609] {strides = array<i32>} : memref<80x128xf32, #tpu.memory_space<vmem>>, vector<16xf32>,
          %mul3A_611 = arith.mulf %get3A_610, %gather3A_558 : vector<16xf32>
          %swap3A_612 = arith.index_cast %add3A_556 : i32 to index
          %swap3A_613 = arith.constant 112 : index
          %swap3A_614 = tpu.vector_load %arg13[%swap3A_612, %swap3A_613] {strides = array<i32>} : memref<80x128xf32, #tpu.memory_space<vmem>>, vector<16xf32>,
          tpu.vector_store %arg13[%swap3A_612, %swap3A_613], %mul3A_611 {strides = array<i32>} : memref<80x128xf32, #tpu.memory_space<vmem>>, vector<16xf32>,
          %scan3A_615 = arith.constant 4 : i32
          %scan3A_616 = arith.addi %scan3A_362, %scan3A_615 : i32
          %mul3A_617 = arith.constant 1 : i32
          %mul3A_618 = arith.muli %scan3A_616, %mul3A_617 : i32
          %add3A_619 = arith.constant 0 : i32
          %add3A_620 = arith.addi %add3A_619, %mul3A_618 : i32
          %broadcast_in_dim3A_621 = vector.broadcast %add3A_620 : i32 to vector<16xi32>
          %gather3A_622 = tpu.vector_load_idx %arg19[%broadcast_in_dim3A_621] : memref<80xf32, #tpu.memory_space<vmem>>[vector<16xi32>], vector<16xf32>,
          %get3A_623 = arith.index_cast %add3A_620 : i32 to index
          %get3A_624 = arith.constant 0 : index
          %get3A_625 = tpu.vector_load %arg13[%get3A_623, %get3A_624] {strides = array<i32>} : memref<80x128xf32, #tpu.memory_space<vmem>>, vector<16xf32>,
          %mul3A_626 = arith.mulf %get3A_625, %gather3A_622 : vector<16xf32>
          %swap3A_627 = arith.index_cast %add3A_620 : i32 to index
          %swap3A_628 = arith.constant 0 : index
          %swap3A_629 = tpu.vector_load %arg13[%swap3A_627, %swap3A_628] {strides = array<i32>} : memref<80x128xf32, #tpu.memory_space<vmem>>, vector<16xf32>,
          tpu.vector_store %arg13[%swap3A_627, %swap3A_628], %mul3A_626 {strides = array<i32>} : memref<80x128xf32, #tpu.memory_space<vmem>>, vector<16xf32>,
          %get3A_630 = arith.index_cast %add3A_620 : i32 to index
          %get3A_631 = arith.constant 16 : index
          %get3A_632 = tpu.vector_load %arg13[%get3A_630, %get3A_631] {strides = array<i32>} : memref<80x128xf32, #tpu.memory_space<vmem>>, vector<16xf32>,
          %mul3A_633 = arith.mulf %get3A_632, %gather3A_622 : vector<16xf32>
          %swap3A_634 = arith.index_cast %add3A_620 : i32 to index
          %swap3A_635 = arith.constant 16 : index
          %swap3A_636 = tpu.vector_load %arg13[%swap3A_634, %swap3A_635] {strides = array<i32>} : memref<80x128xf32, #tpu.memory_space<vmem>>, vector<16xf32>,
          tpu.vector_store %arg13[%swap3A_634, %swap3A_635], %mul3A_633 {strides = array<i32>} : memref<80x128xf32, #tpu.memory_space<vmem>>, vector<16xf32>,
          %get3A_637 = arith.index_cast %add3A_620 : i32 to index
          %get3A_638 = arith.constant 32 : index
          %get3A_639 = tpu.vector_load %arg13[%get3A_637, %get3A_638] {strides = array<i32>} : memref<80x128xf32, #tpu.memory_space<vmem>>, vector<16xf32>,
          %mul3A_640 = arith.mulf %get3A_639, %gather3A_622 : vector<16xf32>
          %swap3A_641 = arith.index_cast %add3A_620 : i32 to index
          %swap3A_642 = arith.constant 32 : index
          %swap3A_643 = tpu.vector_load %arg13[%swap3A_641, %swap3A_642] {strides = array<i32>} : memref<80x128xf32, #tpu.memory_space<vmem>>, vector<16xf32>,
          tpu.vector_store %arg13[%swap3A_641, %swap3A_642], %mul3A_640 {strides = array<i32>} : memref<80x128xf32, #tpu.memory_space<vmem>>, vector<16xf32>,
          %get3A_644 = arith.index_cast %add3A_620 : i32 to index
          %get3A_645 = arith.constant 48 : index
          %get3A_646 = tpu.vector_load %arg13[%get3A_644, %get3A_645] {strides = array<i32>} : memref<80x128xf32, #tpu.memory_space<vmem>>, vector<16xf32>,
          %mul3A_647 = arith.mulf %get3A_646, %gather3A_622 : vector<16xf32>
          %swap3A_648 = arith.index_cast %add3A_620 : i32 to index
          %swap3A_649 = arith.constant 48 : index
          %swap3A_650 = tpu.vector_load %arg13[%swap3A_648, %swap3A_649] {strides = array<i32>} : memref<80x128xf32, #tpu.memory_space<vmem>>, vector<16xf32>,
          tpu.vector_store %arg13[%swap3A_648, %swap3A_649], %mul3A_647 {strides = array<i32>} : memref<80x128xf32, #tpu.memory_space<vmem>>, vector<16xf32>,
          %get3A_651 = arith.index_cast %add3A_620 : i32 to index
          %get3A_652 = arith.constant 64 : index
          %get3A_653 = tpu.vector_load %arg13[%get3A_651, %get3A_652] {strides = array<i32>} : memref<80x128xf32, #tpu.memory_space<vmem>>, vector<16xf32>,
          %mul3A_654 = arith.mulf %get3A_653, %gather3A_622 : vector<16xf32>
          %swap3A_655 = arith.index_cast %add3A_620 : i32 to index
          %swap3A_656 = arith.constant 64 : index
          %swap3A_657 = tpu.vector_load %arg13[%swap3A_655, %swap3A_656] {strides = array<i32>} : memref<80x128xf32, #tpu.memory_space<vmem>>, vector<16xf32>,
          tpu.vector_store %arg13[%swap3A_655, %swap3A_656], %mul3A_654 {strides = array<i32>} : memref<80x128xf32, #tpu.memory_space<vmem>>, vector<16xf32>,
          %get3A_658 = arith.index_cast %add3A_620 : i32 to index
          %get3A_659 = arith.constant 80 : index
          %get3A_660 = tpu.vector_load %arg13[%get3A_658, %get3A_659] {strides = array<i32>} : memref<80x128xf32, #tpu.memory_space<vmem>>, vector<16xf32>,
          %mul3A_661 = arith.mulf %get3A_660, %gather3A_622 : vector<16xf32>
          %swap3A_662 = arith.index_cast %add3A_620 : i32 to index
          %swap3A_663 = arith.constant 80 : index
          %swap3A_664 = tpu.vector_load %arg13[%swap3A_662, %swap3A_663] {strides = array<i32>} : memref<80x128xf32, #tpu.memory_space<vmem>>, vector<16xf32>,
          tpu.vector_store %arg13[%swap3A_662, %swap3A_663], %mul3A_661 {strides = array<i32>} : memref<80x128xf32, #tpu.memory_space<vmem>>, vector<16xf32>,
          %get3A_665 = arith.index_cast %add3A_620 : i32 to index
          %get3A_666 = arith.constant 96 : index
          %get3A_667 = tpu.vector_load %arg13[%get3A_665, %get3A_666] {strides = array<i32>} : memref<80x128xf32, #tpu.memory_space<vmem>>, vector<16xf32>,
          %mul3A_668 = arith.mulf %get3A_667, %gather3A_622 : vector<16xf32>
          %swap3A_669 = arith.index_cast %add3A_620 : i32 to index
          %swap3A_670 = arith.constant 96 : index
          %swap3A_671 = tpu.vector_load %arg13[%swap3A_669, %swap3A_670] {strides = array<i32>} : memref<80x128xf32, #tpu.memory_space<vmem>>, vector<16xf32>,
          tpu.vector_store %arg13[%swap3A_669, %swap3A_670], %mul3A_668 {strides = array<i32>} : memref<80x128xf32, #tpu.memory_space<vmem>>, vector<16xf32>,
          %get3A_672 = arith.index_cast %add3A_620 : i32 to index
          %get3A_673 = arith.constant 112 : index
          %get3A_674 = tpu.vector_load %arg13[%get3A_672, %get3A_673] {strides = array<i32>} : memref<80x128xf32, #tpu.memory_space<vmem>>, vector<16xf32>,
          %mul3A_675 = arith.mulf %get3A_674, %gather3A_622 : vector<16xf32>
          %swap3A_676 = arith.index_cast %add3A_620 : i32 to index
          %swap3A_677 = arith.constant 112 : index
          %swap3A_678 = tpu.vector_load %arg13[%swap3A_676, %swap3A_677] {strides = array<i32>} : memref<80x128xf32, #tpu.memory_space<vmem>>, vector<16xf32>,
          tpu.vector_store %arg13[%swap3A_676, %swap3A_677], %mul3A_675 {strides = array<i32>} : memref<80x128xf32, #tpu.memory_space<vmem>>, vector<16xf32>,
          %scan3A_679 = arith.constant 5 : i32
          %scan3A_680 = arith.addi %scan3A_362, %scan3A_679 : i32
          %mul3A_681 = arith.constant 1 : i32
          %mul3A_682 = arith.muli %scan3A_680, %mul3A_681 : i32
          %add3A_683 = arith.constant 0 : i32
          %add3A_684 = arith.addi %add3A_683, %mul3A_682 : i32
          %broadcast_in_dim3A_685 = vector.broadcast %add3A_684 : i32 to vector<16xi32>
          %gather3A_686 = tpu.vector_load_idx %arg19[%broadcast_in_dim3A_685] : memref<80xf32, #tpu.memory_space<vmem>>[vector<16xi32>], vector<16xf32>,
          %get3A_687 = arith.index_cast %add3A_684 : i32 to index
          %get3A_688 = arith.constant 0 : index
          %get3A_689 = tpu.vector_load %arg13[%get3A_687, %get3A_688] {strides = array<i32>} : memref<80x128xf32, #tpu.memory_space<vmem>>, vector<16xf32>,
          %mul3A_690 = arith.mulf %get3A_689, %gather3A_686 : vector<16xf32>
          %swap3A_691 = arith.index_cast %add3A_684 : i32 to index
          %swap3A_692 = arith.constant 0 : index
          %swap3A_693 = tpu.vector_load %arg13[%swap3A_691, %swap3A_692] {strides = array<i32>} : memref<80x128xf32, #tpu.memory_space<vmem>>, vector<16xf32>,
          tpu.vector_store %arg13[%swap3A_691, %swap3A_692], %mul3A_690 {strides = array<i32>} : memref<80x128xf32, #tpu.memory_space<vmem>>, vector<16xf32>,
          %get3A_694 = arith.index_cast %add3A_684 : i32 to index
          %get3A_695 = arith.constant 16 : index
          %get3A_696 = tpu.vector_load %arg13[%get3A_694, %get3A_695] {strides = array<i32>} : memref<80x128xf32, #tpu.memory_space<vmem>>, vector<16xf32>,
          %mul3A_697 = arith.mulf %get3A_696, %gather3A_686 : vector<16xf32>
          %swap3A_698 = arith.index_cast %add3A_684 : i32 to index
          %swap3A_699 = arith.constant 16 : index
          %swap3A_700 = tpu.vector_load %arg13[%swap3A_698, %swap3A_699] {strides = array<i32>} : memref<80x128xf32, #tpu.memory_space<vmem>>, vector<16xf32>,
          tpu.vector_store %arg13[%swap3A_698, %swap3A_699], %mul3A_697 {strides = array<i32>} : memref<80x128xf32, #tpu.memory_space<vmem>>, vector<16xf32>,
          %get3A_701 = arith.index_cast %add3A_684 : i32 to index
          %get3A_702 = arith.constant 32 : index
          %get3A_703 = tpu.vector_load %arg13[%get3A_701, %get3A_702] {strides = array<i32>} : memref<80x128xf32, #tpu.memory_space<vmem>>, vector<16xf32>,
          %mul3A_704 = arith.mulf %get3A_703, %gather3A_686 : vector<16xf32>
          %swap3A_705 = arith.index_cast %add3A_684 : i32 to index
          %swap3A_706 = arith.constant 32 : index
          %swap3A_707 = tpu.vector_load %arg13[%swap3A_705, %swap3A_706] {strides = array<i32>} : memref<80x128xf32, #tpu.memory_space<vmem>>, vector<16xf32>,
          tpu.vector_store %arg13[%swap3A_705, %swap3A_706], %mul3A_704 {strides = array<i32>} : memref<80x128xf32, #tpu.memory_space<vmem>>, vector<16xf32>,
          %get3A_708 = arith.index_cast %add3A_684 : i32 to index
          %get3A_709 = arith.constant 48 : index
          %get3A_710 = tpu.vector_load %arg13[%get3A_708, %get3A_709] {strides = array<i32>} : memref<80x128xf32, #tpu.memory_space<vmem>>, vector<16xf32>,
          %mul3A_711 = arith.mulf %get3A_710, %gather3A_686 : vector<16xf32>
          %swap3A_712 = arith.index_cast %add3A_684 : i32 to index
          %swap3A_713 = arith.constant 48 : index
          %swap3A_714 = tpu.vector_load %arg13[%swap3A_712, %swap3A_713] {strides = array<i32>} : memref<80x128xf32, #tpu.memory_space<vmem>>, vector<16xf32>,
          tpu.vector_store %arg13[%swap3A_712, %swap3A_713], %mul3A_711 {strides = array<i32>} : memref<80x128xf32, #tpu.memory_space<vmem>>, vector<16xf32>,
          %get3A_715 = arith.index_cast %add3A_684 : i32 to index
          %get3A_716 = arith.constant 64 : index
          %get3A_717 = tpu.vector_load %arg13[%get3A_715, %get3A_716] {strides = array<i32>} : memref<80x128xf32, #tpu.memory_space<vmem>>, vector<16xf32>,
          %mul3A_718 = arith.mulf %get3A_717, %gather3A_686 : vector<16xf32>
          %swap3A_719 = arith.index_cast %add3A_684 : i32 to index
          %swap3A_720 = arith.constant 64 : index
          %swap3A_721 = tpu.vector_load %arg13[%swap3A_719, %swap3A_720] {strides = array<i32>} : memref<80x128xf32, #tpu.memory_space<vmem>>, vector<16xf32>,
          tpu.vector_store %arg13[%swap3A_719, %swap3A_720], %mul3A_718 {strides = array<i32>} : memref<80x128xf32, #tpu.memory_space<vmem>>, vector<16xf32>,
          %get3A_722 = arith.index_cast %add3A_684 : i32 to index
          %get3A_723 = arith.constant 80 : index
          %get3A_724 = tpu.vector_load %arg13[%get3A_722, %get3A_723] {strides = array<i32>} : memref<80x128xf32, #tpu.memory_space<vmem>>, vector<16xf32>,
          %mul3A_725 = arith.mulf %get3A_724, %gather3A_686 : vector<16xf32>
          %swap3A_726 = arith.index_cast %add3A_684 : i32 to index
          %swap3A_727 = arith.constant 80 : index
          %swap3A_728 = tpu.vector_load %arg13[%swap3A_726, %swap3A_727] {strides = array<i32>} : memref<80x128xf32, #tpu.memory_space<vmem>>, vector<16xf32>,
          tpu.vector_store %arg13[%swap3A_726, %swap3A_727], %mul3A_725 {strides = array<i32>} : memref<80x128xf32, #tpu.memory_space<vmem>>, vector<16xf32>,
          %get3A_729 = arith.index_cast %add3A_684 : i32 to index
          %get3A_730 = arith.constant 96 : index
          %get3A_731 = tpu.vector_load %arg13[%get3A_729, %get3A_730] {strides = array<i32>} : memref<80x128xf32, #tpu.memory_space<vmem>>, vector<16xf32>,
          %mul3A_732 = arith.mulf %get3A_731, %gather3A_686 : vector<16xf32>
          %swap3A_733 = arith.index_cast %add3A_684 : i32 to index
          %swap3A_734 = arith.constant 96 : index
          %swap3A_735 = tpu.vector_load %arg13[%swap3A_733, %swap3A_734] {strides = array<i32>} : memref<80x128xf32, #tpu.memory_space<vmem>>, vector<16xf32>,
          tpu.vector_store %arg13[%swap3A_733, %swap3A_734], %mul3A_732 {strides = array<i32>} : memref<80x128xf32, #tpu.memory_space<vmem>>, vector<16xf32>,
          %get3A_736 = arith.index_cast %add3A_684 : i32 to index
          %get3A_737 = arith.constant 112 : index
          %get3A_738 = tpu.vector_load %arg13[%get3A_736, %get3A_737] {strides = array<i32>} : memref<80x128xf32, #tpu.memory_space<vmem>>, vector<16xf32>,
          %mul3A_739 = arith.mulf %get3A_738, %gather3A_686 : vector<16xf32>
          %swap3A_740 = arith.index_cast %add3A_684 : i32 to index
          %swap3A_741 = arith.constant 112 : index
          %swap3A_742 = tpu.vector_load %arg13[%swap3A_740, %swap3A_741] {strides = array<i32>} : memref<80x128xf32, #tpu.memory_space<vmem>>, vector<16xf32>,
          tpu.vector_store %arg13[%swap3A_740, %swap3A_741], %mul3A_739 {strides = array<i32>} : memref<80x128xf32, #tpu.memory_space<vmem>>, vector<16xf32>,
          %scan3A_743 = arith.constant 6 : i32
          %scan3A_744 = arith.addi %scan3A_362, %scan3A_743 : i32
          %mul3A_745 = arith.constant 1 : i32
          %mul3A_746 = arith.muli %scan3A_744, %mul3A_745 : i32
          %add3A_747 = arith.constant 0 : i32
          %add3A_748 = arith.addi %add3A_747, %mul3A_746 : i32
          %broadcast_in_dim3A_749 = vector.broadcast %add3A_748 : i32 to vector<16xi32>
          %gather3A_750 = tpu.vector_load_idx %arg19[%broadcast_in_dim3A_749] : memref<80xf32, #tpu.memory_space<vmem>>[vector<16xi32>], vector<16xf32>,
          %get3A_751 = arith.index_cast %add3A_748 : i32 to index
          %get3A_752 = arith.constant 0 : index
          %get3A_753 = tpu.vector_load %arg13[%get3A_751, %get3A_752] {strides = array<i32>} : memref<80x128xf32, #tpu.memory_space<vmem>>, vector<16xf32>,
          %mul3A_754 = arith.mulf %get3A_753, %gather3A_750 : vector<16xf32>
          %swap3A_755 = arith.index_cast %add3A_748 : i32 to index
          %swap3A_756 = arith.constant 0 : index
          %swap3A_757 = tpu.vector_load %arg13[%swap3A_755, %swap3A_756] {strides = array<i32>} : memref<80x128xf32, #tpu.memory_space<vmem>>, vector<16xf32>,
          tpu.vector_store %arg13[%swap3A_755, %swap3A_756], %mul3A_754 {strides = array<i32>} : memref<80x128xf32, #tpu.memory_space<vmem>>, vector<16xf32>,
          %get3A_758 = arith.index_cast %add3A_748 : i32 to index
          %get3A_759 = arith.constant 16 : index
          %get3A_760 = tpu.vector_load %arg13[%get3A_758, %get3A_759] {strides = array<i32>} : memref<80x128xf32, #tpu.memory_space<vmem>>, vector<16xf32>,
          %mul3A_761 = arith.mulf %get3A_760, %gather3A_750 : vector<16xf32>
          %swap3A_762 = arith.index_cast %add3A_748 : i32 to index
          %swap3A_763 = arith.constant 16 : index
          %swap3A_764 = tpu.vector_load %arg13[%swap3A_762, %swap3A_763] {strides = array<i32>} : memref<80x128xf32, #tpu.memory_space<vmem>>, vector<16xf32>,
          tpu.vector_store %arg13[%swap3A_762, %swap3A_763], %mul3A_761 {strides = array<i32>} : memref<80x128xf32, #tpu.memory_space<vmem>>, vector<16xf32>,
          %get3A_765 = arith.index_cast %add3A_748 : i32 to index
          %get3A_766 = arith.constant 32 : index
          %get3A_767 = tpu.vector_load %arg13[%get3A_765, %get3A_766] {strides = array<i32>} : memref<80x128xf32, #tpu.memory_space<vmem>>, vector<16xf32>,
          %mul3A_768 = arith.mulf %get3A_767, %gather3A_750 : vector<16xf32>
          %swap3A_769 = arith.index_cast %add3A_748 : i32 to index
          %swap3A_770 = arith.constant 32 : index
          %swap3A_771 = tpu.vector_load %arg13[%swap3A_769, %swap3A_770] {strides = array<i32>} : memref<80x128xf32, #tpu.memory_space<vmem>>, vector<16xf32>,
          tpu.vector_store %arg13[%swap3A_769, %swap3A_770], %mul3A_768 {strides = array<i32>} : memref<80x128xf32, #tpu.memory_space<vmem>>, vector<16xf32>,
          %get3A_772 = arith.index_cast %add3A_748 : i32 to index
          %get3A_773 = arith.constant 48 : index
          %get3A_774 = tpu.vector_load %arg13[%get3A_772, %get3A_773] {strides = array<i32>} : memref<80x128xf32, #tpu.memory_space<vmem>>, vector<16xf32>,
          %mul3A_775 = arith.mulf %get3A_774, %gather3A_750 : vector<16xf32>
          %swap3A_776 = arith.index_cast %add3A_748 : i32 to index
          %swap3A_777 = arith.constant 48 : index
          %swap3A_778 = tpu.vector_load %arg13[%swap3A_776, %swap3A_777] {strides = array<i32>} : memref<80x128xf32, #tpu.memory_space<vmem>>, vector<16xf32>,
          tpu.vector_store %arg13[%swap3A_776, %swap3A_777], %mul3A_775 {strides = array<i32>} : memref<80x128xf32, #tpu.memory_space<vmem>>, vector<16xf32>,
          %get3A_779 = arith.index_cast %add3A_748 : i32 to index
          %get3A_780 = arith.constant 64 : index
          %get3A_781 = tpu.vector_load %arg13[%get3A_779, %get3A_780] {strides = array<i32>} : memref<80x128xf32, #tpu.memory_space<vmem>>, vector<16xf32>,
          %mul3A_782 = arith.mulf %get3A_781, %gather3A_750 : vector<16xf32>
          %swap3A_783 = arith.index_cast %add3A_748 : i32 to index
          %swap3A_784 = arith.constant 64 : index
          %swap3A_785 = tpu.vector_load %arg13[%swap3A_783, %swap3A_784] {strides = array<i32>} : memref<80x128xf32, #tpu.memory_space<vmem>>, vector<16xf32>,
          tpu.vector_store %arg13[%swap3A_783, %swap3A_784], %mul3A_782 {strides = array<i32>} : memref<80x128xf32, #tpu.memory_space<vmem>>, vector<16xf32>,
          %get3A_786 = arith.index_cast %add3A_748 : i32 to index
          %get3A_787 = arith.constant 80 : index
          %get3A_788 = tpu.vector_load %arg13[%get3A_786, %get3A_787] {strides = array<i32>} : memref<80x128xf32, #tpu.memory_space<vmem>>, vector<16xf32>,
          %mul3A_789 = arith.mulf %get3A_788, %gather3A_750 : vector<16xf32>
          %swap3A_790 = arith.index_cast %add3A_748 : i32 to index
          %swap3A_791 = arith.constant 80 : index
          %swap3A_792 = tpu.vector_load %arg13[%swap3A_790, %swap3A_791] {strides = array<i32>} : memref<80x128xf32, #tpu.memory_space<vmem>>, vector<16xf32>,
          tpu.vector_store %arg13[%swap3A_790, %swap3A_791], %mul3A_789 {strides = array<i32>} : memref<80x128xf32, #tpu.memory_space<vmem>>, vector<16xf32>,
          %get3A_793 = arith.index_cast %add3A_748 : i32 to index
          %get3A_794 = arith.constant 96 : index
          %get3A_795 = tpu.vector_load %arg13[%get3A_793, %get3A_794] {strides = array<i32>} : memref<80x128xf32, #tpu.memory_space<vmem>>, vector<16xf32>,
          %mul3A_796 = arith.mulf %get3A_795, %gather3A_750 : vector<16xf32>
          %swap3A_797 = arith.index_cast %add3A_748 : i32 to index
          %swap3A_798 = arith.constant 96 : index
          %swap3A_799 = tpu.vector_load %arg13[%swap3A_797, %swap3A_798] {strides = array<i32>} : memref<80x128xf32, #tpu.memory_space<vmem>>, vector<16xf32>,
          tpu.vector_store %arg13[%swap3A_797, %swap3A_798], %mul3A_796 {strides = array<i32>} : memref<80x128xf32, #tpu.memory_space<vmem>>, vector<16xf32>,
          %get3A_800 = arith.index_cast %add3A_748 : i32 to index
          %get3A_801 = arith.constant 112 : index
          %get3A_802 = tpu.vector_load %arg13[%get3A_800, %get3A_801] {strides = array<i32>} : memref<80x128xf32, #tpu.memory_space<vmem>>, vector<16xf32>,
          %mul3A_803 = arith.mulf %get3A_802, %gather3A_750 : vector<16xf32>
          %swap3A_804 = arith.index_cast %add3A_748 : i32 to index
          %swap3A_805 = arith.constant 112 : index
          %swap3A_806 = tpu.vector_load %arg13[%swap3A_804, %swap3A_805] {strides = array<i32>} : memref<80x128xf32, #tpu.memory_space<vmem>>, vector<16xf32>,
          tpu.vector_store %arg13[%swap3A_804, %swap3A_805], %mul3A_803 {strides = array<i32>} : memref<80x128xf32, #tpu.memory_space<vmem>>, vector<16xf32>,
          %scan3A_807 = arith.constant 7 : i32
          %scan3A_808 = arith.addi %scan3A_362, %scan3A_807 : i32
          %mul3A_809 = arith.constant 1 : i32
          %mul3A_810 = arith.muli %scan3A_808, %mul3A_809 : i32
          %add3A_811 = arith.constant 0 : i32
          %add3A_812 = arith.addi %add3A_811, %mul3A_810 : i32
          %broadcast_in_dim3A_813 = vector.broadcast %add3A_812 : i32 to vector<16xi32>
          %gather3A_814 = tpu.vector_load_idx %arg19[%broadcast_in_dim3A_813] : memref<80xf32, #tpu.memory_space<vmem>>[vector<16xi32>], vector<16xf32>,
          %get3A_815 = arith.index_cast %add3A_812 : i32 to index
          %get3A_816 = arith.constant 0 : index
          %get3A_817 = tpu.vector_load %arg13[%get3A_815, %get3A_816] {strides = array<i32>} : memref<80x128xf32, #tpu.memory_space<vmem>>, vector<16xf32>,
          %mul3A_818 = arith.mulf %get3A_817, %gather3A_814 : vector<16xf32>
          %swap3A_819 = arith.index_cast %add3A_812 : i32 to index
          %swap3A_820 = arith.constant 0 : index
          %swap3A_821 = tpu.vector_load %arg13[%swap3A_819, %swap3A_820] {strides = array<i32>} : memref<80x128xf32, #tpu.memory_space<vmem>>, vector<16xf32>,
          tpu.vector_store %arg13[%swap3A_819, %swap3A_820], %mul3A_818 {strides = array<i32>} : memref<80x128xf32, #tpu.memory_space<vmem>>, vector<16xf32>,
          %get3A_822 = arith.index_cast %add3A_812 : i32 to index
          %get3A_823 = arith.constant 16 : index
          %get3A_824 = tpu.vector_load %arg13[%get3A_822, %get3A_823] {strides = array<i32>} : memref<80x128xf32, #tpu.memory_space<vmem>>, vector<16xf32>,
          %mul3A_825 = arith.mulf %get3A_824, %gather3A_814 : vector<16xf32>
          %swap3A_826 = arith.index_cast %add3A_812 : i32 to index
          %swap3A_827 = arith.constant 16 : index
          %swap3A_828 = tpu.vector_load %arg13[%swap3A_826, %swap3A_827] {strides = array<i32>} : memref<80x128xf32, #tpu.memory_space<vmem>>, vector<16xf32>,
          tpu.vector_store %arg13[%swap3A_826, %swap3A_827], %mul3A_825 {strides = array<i32>} : memref<80x128xf32, #tpu.memory_space<vmem>>, vector<16xf32>,
          %get3A_829 = arith.index_cast %add3A_812 : i32 to index
          %get3A_830 = arith.constant 32 : index
          %get3A_831 = tpu.vector_load %arg13[%get3A_829, %get3A_830] {strides = array<i32>} : memref<80x128xf32, #tpu.memory_space<vmem>>, vector<16xf32>,
          %mul3A_832 = arith.mulf %get3A_831, %gather3A_814 : vector<16xf32>
          %swap3A_833 = arith.index_cast %add3A_812 : i32 to index
          %swap3A_834 = arith.constant 32 : index
          %swap3A_835 = tpu.vector_load %arg13[%swap3A_833, %swap3A_834] {strides = array<i32>} : memref<80x128xf32, #tpu.memory_space<vmem>>, vector<16xf32>,
          tpu.vector_store %arg13[%swap3A_833, %swap3A_834], %mul3A_832 {strides = array<i32>} : memref<80x128xf32, #tpu.memory_space<vmem>>, vector<16xf32>,
          %get3A_836 = arith.index_cast %add3A_812 : i32 to index
          %get3A_837 = arith.constant 48 : index
          %get3A_838 = tpu.vector_load %arg13[%get3A_836, %get3A_837] {strides = array<i32>} : memref<80x128xf32, #tpu.memory_space<vmem>>, vector<16xf32>,
          %mul3A_839 = arith.mulf %get3A_838, %gather3A_814 : vector<16xf32>
          %swap3A_840 = arith.index_cast %add3A_812 : i32 to index
          %swap3A_841 = arith.constant 48 : index
          %swap3A_842 = tpu.vector_load %arg13[%swap3A_840, %swap3A_841] {strides = array<i32>} : memref<80x128xf32, #tpu.memory_space<vmem>>, vector<16xf32>,
          tpu.vector_store %arg13[%swap3A_840, %swap3A_841], %mul3A_839 {strides = array<i32>} : memref<80x128xf32, #tpu.memory_space<vmem>>, vector<16xf32>,
          %get3A_843 = arith.index_cast %add3A_812 : i32 to index
          %get3A_844 = arith.constant 64 : index
          %get3A_845 = tpu.vector_load %arg13[%get3A_843, %get3A_844] {strides = array<i32>} : memref<80x128xf32, #tpu.memory_space<vmem>>, vector<16xf32>,
          %mul3A_846 = arith.mulf %get3A_845, %gather3A_814 : vector<16xf32>
          %swap3A_847 = arith.index_cast %add3A_812 : i32 to index
          %swap3A_848 = arith.constant 64 : index
          %swap3A_849 = tpu.vector_load %arg13[%swap3A_847, %swap3A_848] {strides = array<i32>} : memref<80x128xf32, #tpu.memory_space<vmem>>, vector<16xf32>,
          tpu.vector_store %arg13[%swap3A_847, %swap3A_848], %mul3A_846 {strides = array<i32>} : memref<80x128xf32, #tpu.memory_space<vmem>>, vector<16xf32>,
          %get3A_850 = arith.index_cast %add3A_812 : i32 to index
          %get3A_851 = arith.constant 80 : index
          %get3A_852 = tpu.vector_load %arg13[%get3A_850, %get3A_851] {strides = array<i32>} : memref<80x128xf32, #tpu.memory_space<vmem>>, vector<16xf32>,
          %mul3A_853 = arith.mulf %get3A_852, %gather3A_814 : vector<16xf32>
          %swap3A_854 = arith.index_cast %add3A_812 : i32 to index
          %swap3A_855 = arith.constant 80 : index
          %swap3A_856 = tpu.vector_load %arg13[%swap3A_854, %swap3A_855] {strides = array<i32>} : memref<80x128xf32, #tpu.memory_space<vmem>>, vector<16xf32>,
          tpu.vector_store %arg13[%swap3A_854, %swap3A_855], %mul3A_853 {strides = array<i32>} : memref<80x128xf32, #tpu.memory_space<vmem>>, vector<16xf32>,
          %get3A_857 = arith.index_cast %add3A_812 : i32 to index
          %get3A_858 = arith.constant 96 : index
          %get3A_859 = tpu.vector_load %arg13[%get3A_857, %get3A_858] {strides = array<i32>} : memref<80x128xf32, #tpu.memory_space<vmem>>, vector<16xf32>,
          %mul3A_860 = arith.mulf %get3A_859, %gather3A_814 : vector<16xf32>
          %swap3A_861 = arith.index_cast %add3A_812 : i32 to index
          %swap3A_862 = arith.constant 96 : index
          %swap3A_863 = tpu.vector_load %arg13[%swap3A_861, %swap3A_862] {strides = array<i32>} : memref<80x128xf32, #tpu.memory_space<vmem>>, vector<16xf32>,
          tpu.vector_store %arg13[%swap3A_861, %swap3A_862], %mul3A_860 {strides = array<i32>} : memref<80x128xf32, #tpu.memory_space<vmem>>, vector<16xf32>,
          %get3A_864 = arith.index_cast %add3A_812 : i32 to index
          %get3A_865 = arith.constant 112 : index
          %get3A_866 = tpu.vector_load %arg13[%get3A_864, %get3A_865] {strides = array<i32>} : memref<80x128xf32, #tpu.memory_space<vmem>>, vector<16xf32>,
          %mul3A_867 = arith.mulf %get3A_866, %gather3A_814 : vector<16xf32>
          %swap3A_868 = arith.index_cast %add3A_812 : i32 to index
          %swap3A_869 = arith.constant 112 : index
          %swap3A_870 = tpu.vector_load %arg13[%swap3A_868, %swap3A_869] {strides = array<i32>} : memref<80x128xf32, #tpu.memory_space<vmem>>, vector<16xf32>,
          tpu.vector_store %arg13[%swap3A_868, %swap3A_869], %mul3A_867 {strides = array<i32>} : memref<80x128xf32, #tpu.memory_space<vmem>>, vector<16xf32>,
        }
        %scan3A_299 = arith.constant 80 : i32
        %jit3A_300 = arith.constant 25 : i32
        %div3A_301 = arith.divsi %add3A_156, %jit3A_300 : i32
        %sign3A_302 = arith.constant 0 : i32
        %sign3A_303 = arith.cmpi sgt, %add3A_156, %sign3A_302 : i32
        %sign3A_304 = arith.extui %sign3A_303 : i1 to i32
        %sign3A_305 = arith.constant 0 : i32
        %sign3A_306 = arith.cmpi slt, %add3A_156, %sign3A_305 : i32
        %sign3A_307 = arith.extui %sign3A_306 : i1 to i32
        %sign3A_308 = arith.subi %sign3A_304, %sign3A_307 : i32
        %sign3A_309 = arith.constant 0 : i32
        %sign3A_310 = arith.cmpi sgt, %jit3A_300, %sign3A_309 : i32
        %sign3A_311 = arith.extui %sign3A_310 : i1 to i32
        %sign3A_312 = arith.constant 0 : i32
        %sign3A_313 = arith.cmpi slt, %jit3A_300, %sign3A_312 : i32
        %sign3A_314 = arith.extui %sign3A_313 : i1 to i32
        %sign3A_315 = arith.subi %sign3A_311, %sign3A_314 : i32
        %ne3A_316 = arith.cmpi ne, %sign3A_308, %sign3A_315 : i32
        %rem3A_317 = arith.remsi %add3A_156, %jit3A_300 : i32
        %ne3A_318 = arith.constant 0 : i32
        %ne3A_319 = arith.cmpi ne, %rem3A_317, %ne3A_318 : i32
        %and3A_320 = arith.andi %ne3A_316, %ne3A_319 : i1
        %sub3A_321 = arith.constant 1 : i32
        %sub3A_322 = arith.subi %div3A_301, %sub3A_321 : i32
        %select_n3A_323 = arith.select %and3A_320, %sub3A_322, %div3A_301 : i32
        %jit3A_324 = arith.constant 2 : i32
        %eq3A_325 = arith.constant 0 : i32
        %eq3A_326 = arith.cmpi eq, %jit3A_324, %eq3A_325 : i32
        %jit3A_327 = arith.constant 1 : i32
        %select_n3A_328 = arith.select %eq3A_326, %jit3A_327, %jit3A_324 : i32
        %rem3A_329 = arith.remsi %select_n3A_323, %select_n3A_328 : i32
        %ne3A_330 = arith.constant 0 : i32
        %ne3A_331 = arith.cmpi ne, %rem3A_329, %ne3A_330 : i32
        %lt3A_332 = arith.constant 0 : i32
        %lt3A_333 = arith.cmpi slt, %rem3A_329, %lt3A_332 : i32
        %lt3A_334 = arith.constant 0 : i32
        %lt3A_335 = arith.cmpi slt, %select_n3A_328, %lt3A_334 : i32
        %ne3A_336 = arith.xori %lt3A_333, %lt3A_335 : i1
        %and3A_337 = arith.andi %ne3A_336, %ne3A_331 : i1
        %add3A_338 = arith.addi %rem3A_329, %select_n3A_328 : i32
        %select_n3A_339 = arith.select %and3A_337, %add3A_338, %rem3A_329 : i32
        %jit3A_340 = arith.constant 25 : i32
        %eq3A_341 = arith.constant 0 : i32
        %eq3A_342 = arith.cmpi eq, %jit3A_340, %eq3A_341 : i32
        %jit3A_343 = arith.constant 1 : i32
        %select_n3A_344 = arith.select %eq3A_342, %jit3A_343, %jit3A_340 : i32
        %rem3A_345 = arith.remsi %add3A_156, %select_n3A_344 : i32
        %ne3A_346 = arith.constant 0 : i32
        %ne3A_347 = arith.cmpi ne, %rem3A_345, %ne3A_346 : i32
        %lt3A_348 = arith.constant 0 : i32
        %lt3A_349 = arith.cmpi slt, %rem3A_345, %lt3A_348 : i32
        %lt3A_350 = arith.constant 0 : i32
        %lt3A_351 = arith.cmpi slt, %select_n3A_344, %lt3A_350 : i32
        %ne3A_352 = arith.xori %lt3A_349, %lt3A_351 : i1
        %and3A_353 = arith.andi %ne3A_352, %ne3A_347 : i1
        %add3A_354 = arith.addi %rem3A_345, %select_n3A_344 : i32
        %select_n3A_355 = arith.select %and3A_353, %add3A_354, %rem3A_345 : i32
        %dma_start3A_356 = arith.constant 0 : i32
        %dma_start3A_357 = tpu.memref_slice %arg11[%select_n3A_339, %select_n3A_355, %dma_start3A_356] : memref<2x25x80xi32, #tpu.memory_space<vmem>> -> memref<1x1x80xi32, #tpu.memory_space<vmem>>
        %dma_start3A_358 = tpu.memref_squeeze %dma_start3A_357 : memref<1x1x80xi32, #tpu.memory_space<vmem>> -> memref<80xi32, #tpu.memory_space<vmem>>
        %dma_start3A_359 = arith.constant 0 : i32
        %dma_start3A_360 = arith.constant 0 : i32
        %dma_start3A_361 = tpu.memref_slice %arg25[%dma_start3A_359, %dma_start3A_360] : memref<10000x128xf32, #tpu.memory_space<vmem_shared>> -> memref<10000x128xf32, #tpu.memory_space<vmem_shared>>
        tpu.enqueue_indirect_dma source(%arg13 : memref<80x128xf32, #tpu.memory_space<vmem>>) target(%dma_start3A_361 : memref<10000x128xf32, #tpu.memory_space<vmem_shared>>) offsets(%dma_start3A_358 : memref<80xi32, #tpu.memory_space<vmem>>) semaphore(%arg31 : memref<!tpu.dma_semaphore, #tpu.memory_space<semaphore_mem>>) {add = true}
      } else {
      }
    }
    %scan3A_48 = arith.constant 63 : i32
    %dma_wait3A = arith.constant 0 : i32
    %dma_wait3A_49 = arith.constant 0 : i32
    %dma_wait3A_50 = arith.constant 0 : i32
    %dma_wait3A_51 = tpu.memref_slice %arg11[%dma_wait3A, %dma_wait3A_49, %dma_wait3A_50] : memref<2x25x80xi32, #tpu.memory_space<vmem>> -> memref<1x1x80xi32, #tpu.memory_space<vmem>>
    %dma_wait3A_52 = tpu.memref_squeeze %dma_wait3A_51 : memref<1x1x80xi32, #tpu.memory_space<vmem>> -> memref<80xi32, #tpu.memory_space<vmem>>
    %dma_wait3A_53 = arith.constant 0 : i32
    %dma_wait3A_54 = tpu.memref_slice %arg24[%dma_wait3A_53] : memref<10240xf32, #tpu.memory_space<vmem_shared>> -> memref<10240xf32, #tpu.memory_space<vmem_shared>>
    tpu.wait_indirect_dma semaphore(%arg32 : memref<!tpu.dma_semaphore, #tpu.memory_space<semaphore_mem>>) src(%arg18 : memref<80xf32, #tpu.memory_space<vmem>>) dst(%dma_wait3A_54 : memref<10240xf32, #tpu.memory_space<vmem_shared>>)
    %dma_wait3A_55 = arith.constant 0 : i32
    %dma_wait3A_56 = arith.constant 0 : i32
    %dma_wait3A_57 = arith.constant 0 : i32
    %dma_wait3A_58 = tpu.memref_slice %arg11[%dma_wait3A_55, %dma_wait3A_56, %dma_wait3A_57] : memref<2x25x80xi32, #tpu.memory_space<vmem>> -> memref<1x1x80xi32, #tpu.memory_space<vmem>>
    %dma_wait3A_59 = tpu.memref_squeeze %dma_wait3A_58 : memref<1x1x80xi32, #tpu.memory_space<vmem>> -> memref<80xi32, #tpu.memory_space<vmem>>
    %dma_wait3A_60 = arith.constant 0 : i32
    %dma_wait3A_61 = tpu.memref_slice %arg24[%dma_wait3A_60] : memref<10240xf32, #tpu.memory_space<vmem_shared>> -> memref<10240xf32, #tpu.memory_space<vmem_shared>>
    tpu.wait_indirect_dma semaphore(%arg33 : memref<!tpu.dma_semaphore, #tpu.memory_space<semaphore_mem>>) src(%arg19 : memref<80xf32, #tpu.memory_space<vmem>>) dst(%dma_wait3A_61 : memref<10240xf32, #tpu.memory_space<vmem_shared>>)
    %barrier3A_62 = arith.constant 0 : index
    tpu.barrier barrier_id(%barrier3A_62)
    %lt3A_63 = arith.constant 15 : i32
    %lt3A_64 = arith.cmpi slt, %arg1, %lt3A_63 : i32
    %convert_element_type3A_65 = arith.extui %lt3A_64 : i1 to i32
    %cond3A_66 = arith.constant 0 : i32
    %cond3A_67 = arith.cmpi ne, %convert_element_type3A_65, %cond3A_66 : i32
    scf.if %cond3A_67 {
      %mul3A_78 = arith.constant 640 : i32
      %mul3A_79 = arith.muli %arg1, %mul3A_78 : i32
      "tpu.region"() ({
        %run_scoped3A_80 = tpu.sem_alloc : memref<!tpu.dma_semaphore, #tpu.memory_space<semaphore_mem>>
        %dma_start3A_81 = arith.constant 0 : i32
        %dma_start3A_82 = tpu.memref_slice %arg9[%arg0, %mul3A_79, %dma_start3A_81] : memref<2x10000x128xf32, #tpu.memory_space<hbm>> -> memref<1x640x128xf32, #tpu.memory_space<hbm>>
        %dma_start3A_83 = tpu.memref_squeeze %dma_start3A_82 : memref<1x640x128xf32, #tpu.memory_space<hbm>> -> memref<640x128xf32, #tpu.memory_space<hbm>>
        %dma_start3A_84 = arith.constant 0 : i32
        %dma_start3A_85 = tpu.memref_slice %arg25[%mul3A_79, %dma_start3A_84] : memref<10000x128xf32, #tpu.memory_space<vmem_shared>> -> memref<640x128xf32, #tpu.memory_space<vmem_shared>>
        tpu.enqueue_dma source(%dma_start3A_85 : memref<640x128xf32, #tpu.memory_space<vmem_shared>>) target(%dma_start3A_83 : memref<640x128xf32, #tpu.memory_space<hbm>>) target_semaphore(%run_scoped3A_80 : memref<!tpu.dma_semaphore, #tpu.memory_space<semaphore_mem>>)
        %dma_wait3A_86 = arith.constant 0 : i32
        %dma_wait3A_87 = tpu.memref_slice %arg9[%arg0, %mul3A_79, %dma_wait3A_86] : memref<2x10000x128xf32, #tpu.memory_space<hbm>> -> memref<1x640x128xf32, #tpu.memory_space<hbm>>
        %dma_wait3A_88 = tpu.memref_squeeze %dma_wait3A_87 : memref<1x640x128xf32, #tpu.memory_space<hbm>> -> memref<640x128xf32, #tpu.memory_space<hbm>>
        %dma_wait3A_89 = arith.constant 0 : i32
        %dma_wait3A_90 = tpu.memref_slice %arg25[%mul3A_79, %dma_wait3A_89] : memref<10000x128xf32, #tpu.memory_space<vmem_shared>> -> memref<640x128xf32, #tpu.memory_space<vmem_shared>>
        tpu.wait_dma2 semaphore(%run_scoped3A_80 : memref<!tpu.dma_semaphore, #tpu.memory_space<semaphore_mem>>) src(%dma_wait3A_90 : memref<640x128xf32, #tpu.memory_space<vmem_shared>>) dst(%dma_wait3A_88 : memref<640x128xf32, #tpu.memory_space<hbm>>)
        tpu.yield
      }) : () -> ()
    } else {
    }
    %eq3A_68 = arith.constant 15 : i32
    %eq3A_69 = arith.cmpi eq, %arg1, %eq3A_68 : i32
    %convert_element_type3A_70 = arith.extui %eq3A_69 : i1 to i32
    %cond3A_71 = arith.constant 0 : i32
    %cond3A_72 = arith.cmpi ne, %convert_element_type3A_70, %cond3A_71 : i32
    scf.if %cond3A_72 {
      "tpu.region"() ({
        %run_scoped3A_78 = tpu.sem_alloc : memref<!tpu.dma_semaphore, #tpu.memory_space<semaphore_mem>>
        %dma_start3A_79 = arith.constant 9600 : i32
        %dma_start3A_80 = arith.constant 0 : i32
        %dma_start3A_81 = tpu.memref_slice %arg9[%arg0, %dma_start3A_79, %dma_start3A_80] : memref<2x10000x128xf32, #tpu.memory_space<hbm>> -> memref<1x400x128xf32, #tpu.memory_space<hbm>>
        %dma_start3A_82 = tpu.memref_squeeze %dma_start3A_81 : memref<1x400x128xf32, #tpu.memory_space<hbm>> -> memref<400x128xf32, #tpu.memory_space<hbm>>
        %dma_start3A_83 = arith.constant 9600 : i32
        %dma_start3A_84 = arith.constant 0 : i32
        %dma_start3A_85 = tpu.memref_slice %arg25[%dma_start3A_83, %dma_start3A_84] : memref<10000x128xf32, #tpu.memory_space<vmem_shared>> -> memref<400x128xf32, #tpu.memory_space<vmem_shared>>
        tpu.enqueue_dma source(%dma_start3A_85 : memref<400x128xf32, #tpu.memory_space<vmem_shared>>) target(%dma_start3A_82 : memref<400x128xf32, #tpu.memory_space<hbm>>) target_semaphore(%run_scoped3A_78 : memref<!tpu.dma_semaphore, #tpu.memory_space<semaphore_mem>>)
        %dma_wait3A_86 = arith.constant 9600 : i32
        %dma_wait3A_87 = arith.constant 0 : i32
        %dma_wait3A_88 = tpu.memref_slice %arg9[%arg0, %dma_wait3A_86, %dma_wait3A_87] : memref<2x10000x128xf32, #tpu.memory_space<hbm>> -> memref<1x400x128xf32, #tpu.memory_space<hbm>>
        %dma_wait3A_89 = tpu.memref_squeeze %dma_wait3A_88 : memref<1x400x128xf32, #tpu.memory_space<hbm>> -> memref<400x128xf32, #tpu.memory_space<hbm>>
        %dma_wait3A_90 = arith.constant 9600 : i32
        %dma_wait3A_91 = arith.constant 0 : i32
        %dma_wait3A_92 = tpu.memref_slice %arg25[%dma_wait3A_90, %dma_wait3A_91] : memref<10000x128xf32, #tpu.memory_space<vmem_shared>> -> memref<400x128xf32, #tpu.memory_space<vmem_shared>>
        tpu.wait_dma2 semaphore(%run_scoped3A_78 : memref<!tpu.dma_semaphore, #tpu.memory_space<semaphore_mem>>) src(%dma_wait3A_92 : memref<400x128xf32, #tpu.memory_space<vmem_shared>>) dst(%dma_wait3A_89 : memref<400x128xf32, #tpu.memory_space<hbm>>)
        tpu.yield
      }) : () -> ()
    } else {
    }
    %eq3A_73 = arith.constant 0 : i32
    %eq3A_74 = arith.cmpi eq, %arg1, %eq3A_73 : i32
    %convert_element_type3A_75 = arith.extui %eq3A_74 : i1 to i32
    %cond3A_76 = arith.constant 0 : i32
    %cond3A_77 = arith.cmpi ne, %convert_element_type3A_75, %cond3A_76 : i32
    scf.if %cond3A_77 {
      %run_scoped3A_78 = arith.constant 0 : i32
      "tpu.region"() ({
        %run_scoped3A_79 = tpu.sem_alloc : memref<!tpu.dma_semaphore, #tpu.memory_space<semaphore_mem>>
        %dma_start3A_80 = arith.constant 0 : i32
        %dma_start3A_81 = tpu.memref_slice %arg8[%arg0, %run_scoped3A_78, %dma_start3A_80] : memref<2x1x10240xf32, #tpu.memory_space<hbm>> -> memref<1x1x10240xf32, #tpu.memory_space<hbm>>
        %dma_start3A_82 = tpu.memref_squeeze %dma_start3A_81 : memref<1x1x10240xf32, #tpu.memory_space<hbm>> -> memref<10240xf32, #tpu.memory_space<hbm>>
        tpu.enqueue_dma source(%arg24 : memref<10240xf32, #tpu.memory_space<vmem_shared>>) target(%dma_start3A_82 : memref<10240xf32, #tpu.memory_space<hbm>>) target_semaphore(%run_scoped3A_79 : memref<!tpu.dma_semaphore, #tpu.memory_space<semaphore_mem>>)
        %dma_wait3A_83 = arith.constant 0 : i32
        %dma_wait3A_84 = tpu.memref_slice %arg8[%arg0, %run_scoped3A_78, %dma_wait3A_83] : memref<2x1x10240xf32, #tpu.memory_space<hbm>> -> memref<1x1x10240xf32, #tpu.memory_space<hbm>>
        %dma_wait3A_85 = tpu.memref_squeeze %dma_wait3A_84 : memref<1x1x10240xf32, #tpu.memory_space<hbm>> -> memref<10240xf32, #tpu.memory_space<hbm>>
        tpu.wait_dma2 semaphore(%run_scoped3A_79 : memref<!tpu.dma_semaphore, #tpu.memory_space<semaphore_mem>>) src(%arg24 : memref<10240xf32, #tpu.memory_space<vmem_shared>>) dst(%dma_wait3A_85 : memref<10240xf32, #tpu.memory_space<hbm>>)
        tpu.yield
      }) : () -> ()
    } else {
    }
    return
  }
}

module attributes {stable_mosaic.version = 14 : i64} {
  func.func @_prep_body(%arg0: memref<10000x128xf32, #tpu.memory_space<vmem>>, %arg1: memref<10000x128xf32, #tpu.memory_space<vmem>>, %arg2: memref<1x128xf32, #tpu.memory_space<vmem>>, %arg3: memref<1x128xf32, #tpu.memory_space<vmem>>, %arg4: memref<10000xf32, #tpu.memory_space<vmem>>, %arg5: memref<10000xf32, #tpu.memory_space<vmem>>, %arg6: memref<16xf32, #tpu.memory_space<vmem>>) attributes {dimension_semantics = [], scalar_prefetch = 0 : i64, scratch_operands = 0 : i64, tpu.core_type = #tpu.core_type<tc>} {
    %get3A = arith.constant 0 : index
    %get3A_0 = arith.constant 0 : index
    %get3A_1 = vector.load %arg0[%get3A, %get3A_0] : memref<10000x128xf32, #tpu.memory_space<vmem>>, vector<10000x128xf32>
    %get3A_2 = arith.constant 0 : index
    %get3A_3 = arith.constant 0 : index
    %get3A_4 = vector.load %arg2[%get3A_2, %get3A_3] : memref<1x128xf32, #tpu.memory_space<vmem>>, vector<1x128xf32>
    %mul3A = vector.broadcast %get3A_4 : vector<1x128xf32> to vector<10000x128xf32>
    %mul3A_5 = arith.mulf %get3A_1, %mul3A : vector<10000x128xf32>
    %reduce_sum3A = arith.constant dense<0.000000e+00> : vector<10000xf32>
    %reduce_sum3A_6 = vector.multi_reduction <add>, %mul3A_5, %reduce_sum3A [1] : vector<10000x128xf32> to vector<10000xf32>
    %get3A_7 = arith.constant 0 : index
    %get3A_8 = arith.constant 0 : index
    %get3A_9 = vector.load %arg1[%get3A_7, %get3A_8] : memref<10000x128xf32, #tpu.memory_space<vmem>>, vector<10000x128xf32>
    %get3A_10 = arith.constant 0 : index
    %get3A_11 = arith.constant 0 : index
    %get3A_12 = vector.load %arg3[%get3A_10, %get3A_11] : memref<1x128xf32, #tpu.memory_space<vmem>>, vector<1x128xf32>
    %mul3A_13 = vector.broadcast %get3A_12 : vector<1x128xf32> to vector<10000x128xf32>
    %mul3A_14 = arith.mulf %get3A_9, %mul3A_13 : vector<10000x128xf32>
    %reduce_sum3A_15 = arith.constant dense<0.000000e+00> : vector<10000xf32>
    %reduce_sum3A_16 = vector.multi_reduction <add>, %mul3A_14, %reduce_sum3A_15 [1] : vector<10000x128xf32> to vector<10000xf32>
    %swap3A = arith.constant 0 : index
    %swap3A_17 = vector.load %arg4[%swap3A] : memref<10000xf32, #tpu.memory_space<vmem>>, vector<10000xf32>
    tpu.vector_store %arg4[%swap3A], %reduce_sum3A_6 {strides = array<i32>} : memref<10000xf32, #tpu.memory_space<vmem>>, vector<10000xf32>,
    %swap3A_18 = arith.constant 0 : index
    %swap3A_19 = vector.load %arg5[%swap3A_18] : memref<10000xf32, #tpu.memory_space<vmem>>, vector<10000xf32>
    tpu.vector_store %arg5[%swap3A_18], %reduce_sum3A_16 {strides = array<i32>} : memref<10000xf32, #tpu.memory_space<vmem>>, vector<10000xf32>,
    %reduce_max3A = vector.shape_cast %reduce_sum3A_6 : vector<10000xf32> to vector<1x10000xf32>
    %reduce_max3A_20 = arith.constant dense<0xFF800000> : vector<1xf32>
    %reduce_max3A_21 = vector.multi_reduction <maximumf>, %reduce_max3A, %reduce_max3A_20 [1] : vector<1x10000xf32> to vector<1xf32>
    %reduce_max3A_22 = vector.shape_cast %reduce_max3A_21 : vector<1xf32> to vector<1x1xf32>
    %reduce_max3A_23 = vector.extract %reduce_max3A_22[0, 0] : f32 from vector<1x1xf32>
    %broadcast_in_dim3A = vector.broadcast %reduce_max3A_23 : f32 to vector<16xf32>
    %swap3A_24 = arith.constant 0 : index
    %swap3A_25 = vector.load %arg6[%swap3A_24] : memref<16xf32, #tpu.memory_space<vmem>>, vector<16xf32>
    tpu.vector_store %arg6[%swap3A_24], %broadcast_in_dim3A {strides = array<i32>} : memref<16xf32, #tpu.memory_space<vmem>>, vector<16xf32>,
    return
  }
}

module attributes {stable_mosaic.version = 14 : i64} {
  func.func @_finish_body(%arg0: memref<2x10000x128xf32, #tpu.memory_space<vmem>>, %arg1: memref<2x1x10240xf32, #tpu.memory_space<vmem>>, %arg2: memref<10000x128xf32, #tpu.memory_space<vmem>>) attributes {dimension_semantics = [], scalar_prefetch = 0 : i64, scratch_operands = 0 : i64, tpu.core_type = #tpu.core_type<tc>} {
    %get3A = arith.constant 0 : index
    %get3A_0 = arith.constant 0 : index
    %get3A_1 = arith.constant 0 : index
    %get3A_2 = vector.load %arg1[%get3A, %get3A_0, %get3A_1] : memref<2x1x10240xf32, #tpu.memory_space<vmem>>, vector<2x1x10240xf32>
    %reduce_sum3A = arith.constant dense<0.000000e+00> : vector<10240xf32>
    %reduce_sum3A_3 = vector.multi_reduction <add>, %get3A_2, %reduce_sum3A [0, 1] : vector<2x1x10240xf32> to vector<10240xf32>
    %slice3A = vector.extract_strided_slice %reduce_sum3A_3 {offsets = [0], sizes = [10000], strides = [1]} : vector<10240xf32> to vector<10000xf32>
    %max3A = arith.constant 1.000000e-16 : f32
    %max3A_4 = vector.broadcast %max3A : f32 to vector<10000xf32>
    %max3A_5 = arith.maximumf %slice3A, %max3A_4 : vector<10000xf32>
    %div3A = arith.constant 1.000000e+00 : f32
    %div3A_6 = vector.broadcast %div3A : f32 to vector<10000xf32>
    %div3A_7 = arith.divf %div3A_6, %max3A_5 : vector<10000xf32>
    %get3A_8 = arith.constant 0 : index
    %get3A_9 = arith.constant 0 : index
    %get3A_10 = arith.constant 0 : index
    %get3A_11 = vector.load %arg0[%get3A_8, %get3A_9, %get3A_10] : memref<2x10000x128xf32, #tpu.memory_space<vmem>>, vector<1x10000x128xf32>
    %get3A_12 = vector.shape_cast %get3A_11 : vector<1x10000x128xf32> to vector<10000x128xf32>
    %get3A_13 = arith.constant 1 : index
    %get3A_14 = arith.constant 0 : index
    %get3A_15 = arith.constant 0 : index
    %get3A_16 = vector.load %arg0[%get3A_13, %get3A_14, %get3A_15] : memref<2x10000x128xf32, #tpu.memory_space<vmem>>, vector<1x10000x128xf32>
    %get3A_17 = vector.shape_cast %get3A_16 : vector<1x10000x128xf32> to vector<10000x128xf32>
    %add3A = arith.addf %get3A_12, %get3A_17 : vector<10000x128xf32>
    %broadcast_in_dim3A = vector.shape_cast %div3A_7 : vector<10000xf32> to vector<10000x1xf32>
    %mul3A = vector.broadcast %broadcast_in_dim3A : vector<10000x1xf32> to vector<10000x128xf32>
    %mul3A_18 = arith.mulf %add3A, %mul3A : vector<10000x128xf32>
    %swap3A = arith.constant 0 : index
    %swap3A_19 = arith.constant 0 : index
    %swap3A_20 = vector.load %arg2[%swap3A, %swap3A_19] : memref<10000x128xf32, #tpu.memory_space<vmem>>, vector<10000x128xf32>
    tpu.vector_store %arg2[%swap3A, %swap3A_19], %mul3A_18 {strides = array<i32>} : memref<10000x128xf32, #tpu.memory_space<vmem>>, vector<10000x128xf32>,
    return
  }
}

</mosaic_0001>

<sc_bundles>
// kernel: kernel.5.cloned.1.call-start
scs
__scs_entry_jumppad:
0x0: {  	(pc) =	sbr.rel $0x88, $3  }
0x1: {  	(tag) =	ssettag $0x0;
	lr =	simm.s32 $0x1  }
0x2: {  	[smem:$0x3F9C] =	sst lr;
	_ =	strace $0xD0000000  }
0x3: {  	_ = 	snop  }
0x4: {  	_ = 	snop  }
0x5: {  	_ = 	snop  }
0x6: {  	_ = 	snop  }
0x7: {  	_ = 	snop  }
__scs_overlays_trampoline_lowered:
0x8: {  	[smem:$0x3FAB] =	sst s0  }
0x9: {  	[smem:$0x3FAC] =	sst s1  }
0xa: {  	[smem:$0x3FAD] =	sst s2  }
0xb: {  	[smem:$0x3FAE] =	sst s3  }
0xc: {  	[smem:$0x3FAF] =	sst s4  }
0xd: {  	[smem:$0x3FB0] =	sst s5  }
0xe: {  	[smem:$0x3FB1] =	sst s6  }
0xf: {  	[smem:$0x3FB2] =	sst s7  }
0x10: {  	[smem:$0x3FB3] =	sst s8  }
0x11: {  	[smem:$0x3FB4] =	sst s9;
	s0 =	simm.s32 @!p0 $0x0  }
0x12: {  	s1 =	sld [smem:$0x3F9A];
	s0 =	simm.s32 @p0 $0x1  }
0x13: {  	[smem:$0x3FB5] =	sst s0;
	s0 =	simm.s32 @!p1 $0x0  }
0x14: {  	s2 =	sld [smem:$0x3F99];
	s0 =	simm.s32 @p1 $0x1  }
0x15: {  	[smem:$0x3FB6] =	sst s0;
	s0 =	simm.s32 @!p2 $0x0  }
0x16: {  	s3 =	sld [smem:$0x3FDB];
	s0 =	simm.s32 @p2 $0x1  }
0x17: {  	s4 =	simm.s32 $0x1BF5;
	[smem:$0x3FB8] =	sst s0  }
0x18: {  	s0 =	sld [smem:$0x3F9B];
	_ =	swait.ge [sflag:s4], $0x0  }
0x19: {  	s7 =	sld [smem:$0x3F9C]  }
0x1a: {  	s8 =	sadd.s32 $0xFFFFE003, lr  }
0x1b: {  	s9 =	sadd.s32 $0xFFFFFEF7, lr;
	s5 =	simm.s32 $0xFFFFFFFF;
	p2 =	slt.u32 s8, $0xFFFFF086  }
0x1c: {  	p1 =	slt.u32 s9, $0xF7A;
	s5 =	simm.s32 @!p2 $0x0  }
0x1d: {  	s5 =	simm.s32 @p1 $0x1;
	p0 =	seq.s32 s7, s2  }
0x1e: {  	s7 =	smul.u32 @!p0 $0xF7A, s2;
	p2 =	seq.s32 @!p0 s5, $0x0  }
0x1f: {  	s9 =	smul.u32 $0xF7A, s1;
	s8 =	simm.s32 @!p0 $0x1BF5;
	p2 =	por !p2, p0  }
0x20: {  	[sflag:s8] =	ssyncset.s32 @!p0 $0xFFFFF086;
	s6 =	sadd.s32 @!p0 s3, s7;
	s7 =	simm.s32 @!p0 $0x108  }
0x21: {  	s3 =	sadd.s32 s3, s9;
	s6 =	sadd.s32 @!p0 $0x88, s6;
	s7 =	simm.s32 @p2 $0x1082  }
0x22: {  	[simem:s7], [sflag:s8] =	dma.local @!p0 [hbm:s6], $0xF7A  }
0x23: {  	s9 =	sor.u32 $0xD0000000, s2;
	s6 =	simm.s32 $0x108;
	_ =	swait.ge @!p0 [sflag:s8], $0x0  }
0x24: {  	s3 =	sadd.s32 $0x88, s3;
	s6 =	simm.s32 @!p1 $0x1082;
	[sflag:s4] =	ssyncset.s32 $0xFFFFF086  }
0x25: {  	[simem:s6], [sflag:s4] =	dma.local [hbm:s3], $0xF7A  }
0x26: {  	[smem:$0x3F9C] =	sst s1;
	(tag) =	ssettag s2;
	_ =	strace s9  }
0x27: {  	s1 =	sld [smem:$0x3FAC]  }
0x28: {  	s2 =	sld [smem:$0x3FAD]  }
0x29: {  	s4 =	sld [smem:$0x3FAF]  }
0x2a: {  	p0 =	seq.s32 s5, $0x0;
	s5 =	sld [smem:$0x3FB0]  }
0x2b: {  	s6 =	sld [smem:$0x3FB1]  }
0x2c: {  	s7 =	sld [smem:$0x3FB2]  }
0x2d: {  	s3 =	simm.s32 $0x108;
	s8 =	sld [smem:$0x3FB3]  }
0x2e: {  	s3 =	simm.s32 @!p0 $0x1082;
	s9 =	sld [smem:$0x3FB4]  }
0x2f: {  	lr =	sadd.s32 s0, s3;
	s0 =	sld [smem:$0x3FAB]  }
0x30: {  	s3 =	sld [smem:$0x3FAE]  }
0x31: {  	[smem:$0x3FB7] =	sst s10  }
0x32: {  	s10 =	sld [smem:$0x3FB5];
	_ =	sdelay $0x3  }
0x33: {  	p0 =	seq.s32 s10, $0x1;
	s10 =	sld [smem:$0x3FB7];
	_ =	sdelay $0x3  }
0x34: {  	[smem:$0x3FB7] =	sst s10  }
0x35: {  	s10 =	sld [smem:$0x3FB6];
	_ =	sdelay $0x3  }
0x36: {  	p1 =	seq.s32 s10, $0x1;
	s10 =	sld [smem:$0x3FB7];
	_ =	sdelay $0x3  }
0x37: {  	[smem:$0x3FB7] =	sst s10  }
0x38: {  	s10 =	sld [smem:$0x3FB8]  }
0x39: {  	_ = 	snop;
	(pc) =	sbr.ind lr, $3  }
0x3a: {  	_ = 	snop  }
0x3b: {  	_ = 	snop  }
0x3c: {  	p2 =	seq.s32 s10, $0x1;
	s10 =	sld [smem:$0x3FB7]  }
0x3d: {  	_ =	shalt  }
0x3e: {  	_ =	shalt  }
0x3f: {  	_ =	shalt  }
0x40: {  	_ =	shalt  }
0x41: {  	_ =	shalt  }
0x42: {  	_ =	shalt  }
0x43: {  	_ =	shalt  }
0x44: {  	_ =	shalt  }
0x45: {  	_ =	shalt  }
0x46: {  	_ =	shalt  }
0x47: {  	_ =	shalt  }
0x48: {  	_ =	shalt  }
0x49: {  	_ =	shalt  }
0x4a: {  	_ =	shalt  }
0x4b: {  	_ =	shalt  }
0x4c: {  	_ =	shalt  }
0x4d: {  	_ =	shalt  }
0x4e: {  	_ =	shalt  }
0x4f: {  	_ =	shalt  }
0x50: {  	_ =	shalt  }
0x51: {  	_ =	shalt  }
0x52: {  	_ =	shalt  }
0x53: {  	_ =	shalt  }
0x54: {  	_ =	shalt  }
0x55: {  	_ =	shalt  }
0x56: {  	_ =	shalt  }
0x57: {  	_ =	shalt  }
0x58: {  	_ =	shalt  }
0x59: {  	_ =	shalt  }
0x5a: {  	_ =	shalt  }
0x5b: {  	_ =	shalt  }
0x5c: {  	_ =	shalt  }
0x5d: {  	_ =	shalt  }
0x5e: {  	_ =	shalt  }
0x5f: {  	_ =	shalt  }
0x60: {  	_ =	shalt  }
0x61: {  	_ =	shalt  }
0x62: {  	_ =	shalt  }
0x63: {  	_ =	shalt  }
0x64: {  	_ =	shalt  }
0x65: {  	_ =	shalt  }
0x66: {  	_ =	shalt  }
0x67: {  	_ =	shalt  }
0x68: {  	_ =	shalt  }
0x69: {  	_ =	shalt  }
0x6a: {  	_ =	shalt  }
0x6b: {  	_ =	shalt  }
0x6c: {  	_ =	shalt  }
0x6d: {  	_ =	shalt  }
0x6e: {  	_ =	shalt  }
0x6f: {  	_ =	shalt  }
0x70: {  	_ =	shalt  }
0x71: {  	_ =	shalt  }
0x72: {  	_ =	shalt  }
0x73: {  	_ =	shalt  }
0x74: {  	_ =	shalt  }
0x75: {  	_ =	shalt  }
0x76: {  	_ =	shalt  }
0x77: {  	_ =	shalt  }
0x78: {  	_ =	shalt  }
0x79: {  	_ =	shalt  }
0x7a: {  	_ =	shalt  }
0x7b: {  	_ =	shalt  }
0x7c: {  	_ =	shalt  }
0x7d: {  	_ =	shalt  }
0x7e: {  	_ =	shalt  }
0x7f: {  	_ =	shalt  }
0x80: {  	_ =	shalt  }
0x81: {  	_ =	shalt  }
0x82: {  	_ =	shalt  }
0x83: {  	_ =	shalt  }
0x84: {  	_ =	shalt  }
0x85: {  	_ =	shalt  }
0x86: {  	_ =	shalt  }
0x87: {  	_ =	shalt  }
.Lfunc_end0:
.L_simem_size_0:
called_computation_lowered:
.L_overlay_start_0:
0x88: {  	s2 =	sld [smem:$0x3FD9]  }
0x89: {  	s3 =	sld [smem:$0x3FFE];
	_ =	sdelay $0x1  }
0x8a: {  	s1 =	srdreg.scid  }
0x8b: {  	s0 =	sand.u32 $0x1, s1  }
0x8c: {  	s17 =	sshll.u32 s0, $0xA;
	s2 =	sadd.s32 s3, s2  }
0x8d: {  	s2 =	sadd.s32 s2, s17  }
0x8e: {  	[smem:$0x3FC3] =	sst s2  }
0x8f: {  	_ = 	snop  }
0x90: {  	s2 =	sld [smem:$0x3FC9]  }
0x91: {  	s18 =	sld [smem:$0x3FD0];
	(tm) =	ssettm $0x1  }
0x92: {  	s4 =	sld [smem:$0x3FFB];
	_ =	sdelay $0x3  }
0x93: {  	_ =	strace s4  }
0x94: {  	s4 =	sld [smem:$0x3FFC];
	_ =	sdelay $0x3  }
0x95: {  	_ =	strace s4  }
0x96: {  	s4 =	sld [smem:$0x3FFD];
	_ =	sdelay $0x3  }
0x97: {  	_ =	strace s4  }
0x98: {  	_ =	strace $0x8FFFFFFF  }
0x99: {  	s19 =	sld [smem:$0x3FDB];
	_ =	sdelay $0x1  }
0x9a: {  	s5 =	simm.s32 $_scs_section_size  }
0x9b: {  	s6 =	simm.s32 $_size__tile_overlayer_lowered;
	s7 =	simm.s32 $_tile_overlayer_lowered  }
0x9c: {  	s22 =	simm.s32 $0x1BFF;
	s21 =	sshll.u32 s7, $0x1;
	s4 =	sadd.s32 s5, s19  }
0x9d: {  	s8 =	simm.s32 $0x0;
	s20 =	sshll.u32 s6, $0x1;
	s6 =	sadd.s32 s21, s4  }
0x9e: {  	[timem:s8], [sflag:s22] =	dma.local [hbm:s6], s20  }
0x9f: {  	_ =	swait.ge [sflag:s22], s20  }
0xa0: {  	s5 =	ssub.s32 $0x0, s20;
	[sflag:s22] =	ssyncset.done $0x0  }
0xa1: {  	[sflag:s22] =	ssyncadd.s32 s5;
	_ =	sdelay $0x1  }
0xa2: {  	s23 =	simm.s32 $0x1B8B  }
0xa3: {  	_ =	swait.ge [sflag:s23], $0x1  }
0xa4: {  	[sflag:s23] =	ssyncset.done $0x0  }
0xa5: {  	s25 =	simm.s32 $0x1B8E;
	s24 =	sld [smem:$0x3FFE];
	[sflag:s23] =	ssyncadd.s32 $0xFFFFFFFF  }
0xa6: {  	s26 =	simm.s32 $execute0_lowered;
	[smem:$0x3FD2] =	sst s25  }
0xa7: {  	s6 =	sshll.u32 s26, $0x1;
	_ =	strace $0x80000046;
	[dreg:$0x1] =	wrdreg $0xFFFFFFFF  }
0xa8: {  	s28 =	simm.s32 $_size_execute0_lowered;
	s4 =	sadd.s32 s4, s6;
	[dreg:$0x0] =	wrdreg $0x0  }
0xa9: {  	s6 =	sshll.u32 s28, $0x1;
	[dreg:$0x2] =	wrdreg s4  }
0xaa: {  	[dreg:$0x3] =	wrdreg s6  }
0xab: {  	[dreg:$0x4] =	wrdreg $0xC0  }
0xac: {  	_ =	task [dreg:s8], $0x5FFFF  }
0xad: {  	[dreg:$0x1] =	wrdreg $0xFFFFFFFF  }
0xae: {  	[dreg:$0x0] =	wrdreg $0x60  }
0xaf: {  	[dreg:$0x2] =	wrdreg s24  }
0xb0: {  	[dreg:$0x3] =	wrdreg s18  }
0xb1: {  	[dreg:$0x4] =	wrdreg s2  }
0xb2: {  	[dreg:$0x5] =	wrdreg $0x9D800  }
0xb3: {  	[dreg:$0x6] =	wrdreg $0x96000  }
0xb4: {  	[dreg:$0x7] =	wrdreg $0x98800  }
0xb5: {  	[dreg:$0x8] =	wrdreg $0x9B000  }
0xb6: {  	[dreg:$0x9] =	wrdreg $0x9  }
0xb7: {  	_ =	task.clear_ibuf [dreg:s8], $0xAFFFF;
	_ =	strace $0x90000046  }
0xb8: {  	s29 =	simm.s32 $0x9;
	_ =	strace $0x80000048  }
0xb9: {  	_ =	swait.ge [sflag:s29], $0x1  }
0xba: {  	[sflag:s29] =	ssyncadd.s32 $0xFFFFFFFF  }
0xbb: {  	_ =	strace $0x90000048  }
0xbc: {  	_ =	sfence  }
0xbd: {  	s30 =	sld [smem:$0x0];
	_ =	sdelay $0x2  }
0xbe: {  	s31 =	sshll.u32 s1, $0xD;
	s1 =	sshrl.u32 s1, $0x2  }
0xbf: {  	s3 =	sand.u32 $0x4000, s31;
	s1 =	sadd.s32 s1, s30  }
0xc0: {  	s0 =	sor.u32 s3, s0;
	s1 =	sshll.u32 s1, $0x11  }
0xc1: {  	s0 =	sor.u32 s1, s0  }
0xc2: {  	s0 =	sadd.s32 $0x8F2B, s0  }
0xc3: {  	[sflag:s0] =	ssyncadd.remote.s32 $0x1  }
0xc4: {  	_ =	sfence.sel $0xFFFF  }
0xc5: {  	[dreg:$0x0] =	wrdreg $0xFFFFFFFF;
	(pc) =	sbr.abs _section_cstart, $3  }
0xc6: {  	[dreg:$0x1] =	wrdreg $0xFFFFFFFF  }
0xc7: {  	_ =	task.clear_ibuf [dreg:s8], $0x2FFFF;
	_ =	strace $0x9FFFFFFF  }
0xc8: {  	(tm) =	ssettm $0x7FFFFFFF  }
0xc9: {  	_ =	shalt  }
tec
execute0_lowered:
.L_overlay_start_1:
0x0: {  	(tag) =	ssettag $0x1  }
0x1: {  	s0 =	rddreg [dreg:$0x0]  }
0x2: {  	s1 =	rddreg [dreg:$0x1]  }
0x3: {  	s2 =	rddreg [dreg:$0x2]  }
0x4: {  	s3 =	rddreg [dreg:$0x3]  }
0x5: {  	s4 =	rddreg [dreg:$0x4]  }
0x6: {  	s6 =	rddreg [dreg:$0x5]  }
0x7: {  	s7 =	rddreg [dreg:$0x6]  }
0x8: {  	s17 =	stileid.u32;
	s9 =	simm.s32 $0x0;
	s8 =	srdreg.scid  }
0x9: {  	s28 =	simm.s32 $0x2;
	s5 =	smul.u32 $0x280, s17;
	[smem:$0x7FF] =	sst s9  }
0xa: {  	s8 =	sand.u32 $0x1, s8;
	s30 =	sadd.s32 $0x1200, s0;
	s15 =	smul.u32 $0x14000, s17  }
0xb: {  	s16 =	smul.u32 $0x50000, s17;
	p0 =	seq.s32 s17, $0xF;
	p1 =	sne.s32 s17, $0xF  }
0xc: {  	_ =	strace $0x80000047;
	s10 =	sshll.u32 s8, $0x4;
	s12 =	smul.u32 $0x500, s8  }
0xd: {  	[dreg:$0x8] =	wrdreg s30;
	s13 =	ssub.s32 $0x2, s8;
	s8 =	smul.u32 $0x138800, s8  }
0xe: {  	p2 =	sne.s32 @p1 s17, $0x0;
	s29 =	sshrl.u32 s5, $0x3;
	s11 =	sor.u32 s17, s10  }
0xf: {  	s10 =	sadd.s32 $0x2000, s0;
	s14 =	sshrl.u32 s13, $0x1;
	s19 =	sshrl.u32 s16, $0x2  }
0x10: {  	s22 =	sadd.s32 s5, s4;
	s23 =	sadd.s32 s5, s6;
	s5 =	sadd.s32 s5, s7  }
0x11: {  	p2 =	por p2, !p1;
	s9 =	sadd.s32 s29, s0;
	s11 =	smul.u32 $0x5000, s11  }
0x12: {  	s12 =	sadd.s32 s12, s0;
	s0 =	sadd.s32 $0x16000, s0;
	s13 =	ssub.s32 s13, s14  }
0x13: {  	[dreg:$0x13] =	wrdreg s5;
	s26 =	sshrl.u32 s22, $0x3;
	s29 =	sshrl.u32 s23, $0x3  }
0x14: {  	s22 =	simm.s32 $0x1;
	s23 =	simm.s32 $0x4;
	[dreg:$0x17] =	wrdreg s26  }
0x15: {  	s20 =	sadd.s32 $0x1400, s9;
	s21 =	sadd.s32 $0x1A00, s9;
	[dreg:$0x18] =	wrdreg s29  }
0x16: {  	s24 =	sadd.s32 $0x64200, s12;
	s25 =	smax.u32 s13, $0x1;
	[dreg:$0x11] =	wrdreg s20  }
0x17: {  	s12 =	simm.s32 $0x4000;
	s13 =	simm.s32 $0x50;
	[dreg:$0x12] =	wrdreg s21  }
0x18: {  	s26 =	simm.s32 $0x5;
	s31 =	sshrl.u32 s11, $0x3;
	[dreg:$0x14] =	wrdreg s24  }
0x19: {  	[dreg:$0x16] =	wrdreg s25;
	s20 =	simm.s32 $0x3;
	s18 =	sadd.s32 s1, s31  }
0x1a: {  	s21 =	simm.s32 $0x9200;
	s14 =	sadd.s32 s10, s31;
	[dreg:$0x9] =	wrdreg s18  }
0x1b: {  	s24 =	simm.s32 $0x9280;
	s25 =	simm.s32 $0x9;
	[dreg:$0xa] =	wrdreg s14  }
0x1c: {  	s18 =	sadd.s32 s15, s8;
	s8 =	sshrl.u32 s8, $0x3;
	s15 =	sadd.s32 s19, s3  }
0x1d: {  	s14 =	sshrl.u32 s18, $0x3;
	s16 =	sadd.s32 $0xA000, s15;
	s18 =	sadd.s32 $0xC800, s15  }
0x1e: {  	s19 =	sadd.s32 $0xF000, s15;
	s30 =	sadd.s32 $0x2800, s15;
	[dreg:$0xc] =	wrdreg s15  }
0x1f: {  	s31 =	sadd.s32 $0x5000, s15;
	s14 =	sadd.s32 s0, s14;
	[dreg:$0x1b] =	wrdreg s30  }
0x20: {  	s0 =	sadd.s32 s0, s8;
	s8 =	sadd.s32 $0x12E800, s3;
	[dreg:$0x1c] =	wrdreg s31  }
0x21: {  	[dreg:$0xb] =	wrdreg s14;
	s14 =	sadd.s32 $0x131000, s3;
	s16 =	smov.u32 @p0 s8  }
0x22: {  	s8 =	sadd.s32 $0x133800, s3;
	s0 =	sadd.s32 $0x25800, s0;
	[dreg:$0xd] =	wrdreg s16  }
0x23: {  	s18 =	smov.u32 @p0 s14;
	s14 =	sadd.s32 $0x11800, s15;
	[dreg:$0x15] =	wrdreg s0  }
0x24: {  	s19 =	smov.u32 @p0 s8;
	s8 =	sadd.s32 $0x136000, s3;
	[dreg:$0xe] =	wrdreg s18  }
.Ltmp0:
0x25: {  	s0 =	sadd.s32 $0x12C000, s3;
	[dreg:$0xf] =	wrdreg s19;
	(pc) =	sbr.rel .LBB2_1-.Ltmp0, $4  }
0x26: {  	s5 =	sadd.s32 $0x7800, s15;
	s14 =	smov.u32 @p0 s8;
	[dreg:$0x19] =	wrdreg s0  }
0x27: {  	s5 =	smov.u32 @p0 s0;
	s0 =	simm.s32 @!p2 $0x0;
	[dreg:$0x10] =	wrdreg s14  }
0x28: {  	s16 =	simm.s32 $0x2000;
	[dreg:$0x1a] =	wrdreg s5;
	s0 =	simm.s32 @p2 $0x1  }
0x29: {  	v0 =	vimm.f32 $0.0e+00;
	s8 =	simm.s32 $0x0;
	s14 =	simm.s32 $0xA;
	[smem:$0x7FD] =	sst s0  }
.LBB2_17:
0x2a: {  	s0 =	simm.s32 $0x7  }
0x2b: {  	_ =	swait.ge [sflag:s0], $0x50  }
0x2c: {  	[sflag:s0] =	ssyncset.done $0x0  }
0x2d: {  	s19 =	simm.s32 $0x8;
	[sflag:s0] =	ssyncadd.s32 $0xFFFFFFB0  }
0x2e: {  	_ =	swait.ge [sflag:s19], $0x50  }
0x2f: {  	[sflag:s19] =	ssyncset.done $0x0  }
0x30: {  	[sflag:s19] =	ssyncadd.s32 $0xFFFFFFB0  }
0x31: {  	[bflag:$0x0] =	sbarrier.arrive $0xFFFF  }
0x32: {  	s15 =	rddreg [dreg:$0xc]  }
0x33: {  	s5 =	rddreg [dreg:$0xb]  }
0x34: {  	s8 =	rddreg [dreg:$0x1e];
	s0 =	sshrl.u32 @p1 s15, $0x3  }
0x35: {  	[hbm:s5], [sflag:s8] =	dma.local @p1 [spmem:s0], $0x2800  }
0x36: {  	s0 =	simm.s32 @p1 $0xA  }
0x37: {  	_ =	swait.ge @p1 [sflag:s0], $0x2800  }
0x38: {  	s29 =	sld [smem:$0x7FD];
	_ =	sdelay $0x2  }
0x39: {  	[sflag:s0] =	ssyncset.done @p1 $0x0;
	p2 =	seq.s32 s29, $0x1  }
0x3a: {  	s5 =	rddreg [dreg:$0x14];
	[sflag:s0] =	ssyncadd.s32 @p1 $0xFFFFD800;
	s0 =	sshrl.u32 @!p2 s7, $0x3  }
0x3b: {  	[hbm:s5], [sflag:s8] =	dma.local @!p2 [spmem:s0], $0x500  }
0x3c: {  	s0 =	simm.s32 @!p2 $0xA  }
0x3d: {  	_ =	swait.ge @!p2 [sflag:s0], $0x500  }
0x3e: {  	[sflag:s0] =	ssyncset.done @!p2 $0x0  }
0x3f: {  	[sflag:s0] =	ssyncadd.s32 @!p2 $0xFFFFFB00;
	s0 =	rddreg [dreg:$0x19]  }
0x40: {  	s5 =	rddreg [dreg:$0x15];
	s0 =	sshrl.u32 @!p1 s0, $0x3  }
0x41: {  	[hbm:s5], [sflag:s8] =	dma.local @!p1 [spmem:s0], $0x1900  }
0x42: {  	s0 =	simm.s32 @!p1 $0xA  }
0x43: {  	_ =	swait.ge @!p1 [sflag:s0], $0x1900  }
0x44: {  	s30 =	rddreg [dreg:$0x1d]  }
0x45: {  	s31 =	rddreg [dreg:$0x16];
	s8 =	sadd.s32 $0x1, s30  }
0x46: {  	p2 =	sne.s32 s8, s31  }
.Ltmp1:
0x47: {  	_ = 	snop;
	(pc) =	sbr.rel @!p2 .LBB2_18-.Ltmp1, $3  }
0x48: {  	_ =	sdelay $0x1  }
0x49: {  	[sflag:s0] =	ssyncset.done @!p1 $0x0  }
0x4a: {  	s14 =	simm.s32 $0xA;
	s16 =	simm.s32 $0x2000;
	[sflag:s0] =	ssyncadd.s32 @!p1 $0xFFFFE700  }
.LBB2_1:
0x4b: {  	[dreg:$0x1d] =	wrdreg s8  }
0x4c: {  	s5 =	simm.s32 $0x0;
	s0 =	rddreg [dreg:$0x9]  }
0x4d: {  	[tilespmem:s5], [sflag:$0xA] =	stream.linear.gather [hbm4b:s0+s5], $0xC80, $0x38;
	[tilespmem:$0x1D600] =	vst v63  }
0x4e: {  	_ =	swait.ge [sflag:s14], $0xC80  }
0x4f: {  	[sflag:s14] =	ssyncset.done $0x0  }
0x50: {  	s29 =	rddreg [dreg:$0xa];
	[sflag:s14] =	ssyncadd.s32 $0xFFFFF380  }
0x51: {  	[tilespmem:s16], [sflag:$0xA] =	stream.linear.gather [hbm4b:s29+s5], $0xC80, $0x38;
	[tilespmem:$0x1D600] =	vst v63  }
0x52: {  	_ =	swait.ge [sflag:s14], $0xC80  }
0x53: {  	[sflag:s14] =	ssyncset.done $0x0  }
0x54: {  	s31 =	simm.s32 $0x9300;
	s30 =	rddreg [dreg:$0x8];
	[sflag:s14] =	ssyncadd.s32 $0xFFFFF380  }
0x55: {  	[tilespmem:s31], [sflag:$0xA] =	stream.linear.gather [hbm4b:s30+s5], $0x80, $0x38;
	[tilespmem:$0x1D600] =	vst v63  }
0x56: {  	s9 =	stileid.u32;
	_ =	swait.ge [sflag:s14], $0x80  }
0x57: {  	s0 =	sshll.u32 s9, $0x6;
	[sflag:s14] =	ssyncset.done $0x0;
	s17 =	rddreg [dreg:$0x11]  }
0x58: {  	s9 =	sor.u32 $0x1C0A, s0;
	s18 =	rddreg [dreg:$0x17];
	[sflag:s14] =	ssyncadd.s32 $0xFFFFFF80  }
0x59: {  	v1 =	vld [tilespmem:$0x9300];
	[spmem:s18], [sflag:s9] =	dma.local [hbm:s17], $0x50  }
0x5a: {  	_ =	swait.ge [sflag:s14], $0x50;
	[dreg:$0x1e] =	wrdreg s9  }
0x5b: {  	[sflag:s14] =	ssyncset.done $0x0;
	s19 =	rddreg [dreg:$0x12]  }
0x5c: {  	s29 =	rddreg [dreg:$0x18];
	[sflag:s14] =	ssyncadd.s32 $0xFFFFFFB0  }
0x5d: {  	[spmem:s29], [sflag:s9] =	dma.local [hbm:s19], $0x50  }
0x5e: {  	s0 =	simm.s32 $0x40;
	s30 =	sand.u32 $0xFE00, s5;
	_ =	swait.ge [sflag:s14], $0x50  }
0x5f: {  	s5 =	sand.u32 $0x70, s5;
	s31 =	sshrl.u32 s30, $0x2;
	[sflag:s14] =	ssyncset.done $0x0  }
0x60: {  	s8 =	sor.u32 s5, s31;
	s5 =	simm.s32 $0x0;
	[sflag:s14] =	ssyncadd.s32 $0xFFFFFFB0  }
.LBB2_2:
0x61: {  	p3 =	sne.s32 s0, $0x9FC0  }
0x62: {  	[tilespmem:s8+$0x4000] =	vst v0;
	s5 =	sadd.s32 $0x10, s5;
	s8 =	smov.u32 s0;
	s0 =	sadd.s32 $0x40, s0  }
.Ltmp2:
0x63: {  	(pc) =	sbr.rel @p3 .LBB2_2-.Ltmp2, $4  }
0x64: {  	_ = 	snop  }
0x65: {  	s8 =	sand.u32 $0xFE00, s8  }
0x66: {  	s9 =	sand.u32 $0x70, s5;
	s8 =	sshrl.u32 s8, $0x2  }
0x67: {  	s8 =	sor.u32 s9, s8  }
0x68: {  	[tilespmem:s8+$0x4000] =	vst v0  }
0x69: {  	[tilespmem:$0x9380] =	vst v0  }
0x6a: {  	[tilespmem:$0x9390] =	vst v0  }
0x6b: {  	[tilespmem:$0x93A0] =	vst v0  }
0x6c: {  	[tilespmem:$0x93B0] =	vst v0  }
0x6d: {  	[tilespmem:$0x93C0] =	vst v0  }
0x6e: {  	[tilespmem:$0x93D0] =	vst v0  }
0x6f: {  	[tilespmem:$0x93E0] =	vst v0  }
0x70: {  	[tilespmem:$0x93F0] =	vst v0  }
0x71: {  	[tilespmem:$0x9400] =	vst v0  }
0x72: {  	[tilespmem:$0x9410] =	vst v0  }
0x73: {  	[tilespmem:$0x9420] =	vst v0  }
0x74: {  	[tilespmem:$0x9430] =	vst v0  }
0x75: {  	[tilespmem:$0x9440] =	vst v0  }
0x76: {  	[tilespmem:$0x9450] =	vst v0  }
0x77: {  	[tilespmem:$0x9460] =	vst v0  }
0x78: {  	[tilespmem:$0x9470] =	vst v0  }
0x79: {  	[tilespmem:$0x9480] =	vst v0  }
0x7a: {  	[tilespmem:$0x9490] =	vst v0  }
0x7b: {  	[tilespmem:$0x94A0] =	vst v0  }
0x7c: {  	[tilespmem:$0x94B0] =	vst v0  }
0x7d: {  	[tilespmem:$0x94C0] =	vst v0  }
0x7e: {  	[tilespmem:$0x94D0] =	vst v0  }
0x7f: {  	[tilespmem:$0x94E0] =	vst v0  }
0x80: {  	[tilespmem:$0x94F0] =	vst v0  }
0x81: {  	[tilespmem:$0x9500] =	vst v0  }
0x82: {  	[tilespmem:$0x9510] =	vst v0  }
0x83: {  	[tilespmem:$0x9520] =	vst v0  }
0x84: {  	[tilespmem:$0x9530] =	vst v0  }
0x85: {  	[tilespmem:$0x9540] =	vst v0  }
0x86: {  	[tilespmem:$0x9550] =	vst v0  }
0x87: {  	[tilespmem:$0x9560] =	vst v0  }
0x88: {  	[tilespmem:$0x9570] =	vst v0  }
0x89: {  	[tilespmem:$0x9580] =	vst v0  }
0x8a: {  	[tilespmem:$0x9590] =	vst v0  }
0x8b: {  	[tilespmem:$0x95A0] =	vst v0  }
0x8c: {  	[tilespmem:$0x95B0] =	vst v0  }
0x8d: {  	[tilespmem:$0x95C0] =	vst v0  }
0x8e: {  	[tilespmem:$0x95D0] =	vst v0  }
0x8f: {  	[tilespmem:$0x95E0] =	vst v0  }
0x90: {  	s0 =	rddreg [dreg:$0x13];
	s5 =	simm.s32 $0x9380;
	[tilespmem:$0x95F0] =	vst v0  }
0x91: {  	[spmem:s0] =	stream.linear.scatter [tilespmem:s5], [sflag:$0xA], $0x280, $0x38;
	[tilespmem:$0x1D600] =	vst v63  }
0x92: {  	_ =	swait.ge [sflag:s14], $0x280  }
0x93: {  	[sflag:s14] =	ssyncset.done $0x0  }
0x94: {  	s0 =	simm.s32 @!p0 $0x4000;
	s5 =	simm.s32 @!p0 $0xA;
	[sflag:s14] =	ssyncadd.s32 $0xFFFFFD80  }
0x95: {  	[spmem:s15] =	stream.linear.scatter @!p0 [tilespmem:s0], [sflag:$0xA], $0x2800, $0x38;
	[tilespmem:$0x1D600] =	vst v63  }
0x96: {  	_ =	swait.ge @!p0 [sflag:s5], $0x2800  }
0x97: {  	[sflag:s5] =	ssyncset.done @!p0 $0x0  }
0x98: {  	s8 =	rddreg [dreg:$0x1b];
	[sflag:s5] =	ssyncadd.s32 @!p0 $0xFFFFD800  }
0x99: {  	[spmem:s8] =	stream.linear.scatter @!p0 [tilespmem:s0], [sflag:$0xA], $0x2800, $0x38;
	[tilespmem:$0x1D600] =	vst v63  }
0x9a: {  	_ =	swait.ge @!p0 [sflag:s5], $0x2800  }
0x9b: {  	[sflag:s5] =	ssyncset.done @!p0 $0x0  }
0x9c: {  	s8 =	rddreg [dreg:$0x1c];
	[sflag:s5] =	ssyncadd.s32 @!p0 $0xFFFFD800  }
0x9d: {  	[spmem:s8] =	stream.linear.scatter @!p0 [tilespmem:s0], [sflag:$0xA], $0x2800, $0x38;
	[tilespmem:$0x1D600] =	vst v63  }
0x9e: {  	_ =	swait.ge @!p0 [sflag:s5], $0x2800  }
0x9f: {  	[sflag:s5] =	ssyncset.done @!p0 $0x0  }
0xa0: {  	s9 =	rddreg [dreg:$0x1a];
	[sflag:s5] =	ssyncadd.s32 @!p0 $0xFFFFD800  }
0xa1: {  	[spmem:s9] =	stream.linear.scatter [tilespmem:s12], [sflag:$0xA], $0x2800, $0x38;
	[tilespmem:$0x1D600] =	vst v63  }
0xa2: {  	_ =	swait.ge [sflag:s14], $0x2800  }
0xa3: {  	[sflag:s14] =	ssyncset.done $0x0  }
0xa4: {  	s15 =	rddreg [dreg:$0xd];
	[sflag:s14] =	ssyncadd.s32 $0xFFFFD800  }
0xa5: {  	[spmem:s15] =	stream.linear.scatter [tilespmem:s12], [sflag:$0xA], $0x2800, $0x38;
	[tilespmem:$0x1D600] =	vst v63  }
0xa6: {  	_ =	swait.ge [sflag:s14], $0x2800  }
0xa7: {  	[sflag:s14] =	ssyncset.done $0x0  }
0xa8: {  	s17 =	rddreg [dreg:$0xe];
	[sflag:s14] =	ssyncadd.s32 $0xFFFFD800  }
0xa9: {  	[spmem:s17] =	stream.linear.scatter [tilespmem:s12], [sflag:$0xA], $0x2800, $0x38;
	[tilespmem:$0x1D600] =	vst v63  }
0xaa: {  	_ =	swait.ge [sflag:s14], $0x2800  }
0xab: {  	[sflag:s14] =	ssyncset.done $0x0  }
0xac: {  	s18 =	rddreg [dreg:$0xf];
	[sflag:s14] =	ssyncadd.s32 $0xFFFFD800  }
0xad: {  	[spmem:s18] =	stream.linear.scatter [tilespmem:s12], [sflag:$0xA], $0x2800, $0x38;
	[tilespmem:$0x1D600] =	vst v63  }
0xae: {  	_ =	swait.ge [sflag:s14], $0x2800  }
0xaf: {  	[sflag:s14] =	ssyncset.done $0x0  }
0xb0: {  	s19 =	rddreg [dreg:$0x10];
	[sflag:s14] =	ssyncadd.s32 $0xFFFFD800  }
0xb1: {  	[spmem:s19] =	stream.linear.scatter [tilespmem:s12], [sflag:$0xA], $0x2800, $0x38;
	[tilespmem:$0x1D600] =	vst v63  }
0xb2: {  	_ =	swait.ge [sflag:s14], $0x2800  }
0xb3: {  	[sflag:s14] =	ssyncset.done $0x0  }
0xb4: {  	[sflag:s14] =	ssyncadd.s32 $0xFFFFD800  }
0xb5: {  	s29 =	simm.s32 $0x0;
	[bflag:$0x0] =	sbarrier.arrive $0xFFFF  }
0xb6: {  	[tilespmem:s12], [sflag:$0x1] =	stream.indirect.gather [hbm4b:s2+s13], $0x80, s29, s13, $0xb8;
	[tilespmem:$0x1D600] =	vst v63  }
.Ltmp3:
0xb7: {  	_ = 	snop;
	(pc) =	sbr.rel .LBB2_4-.Ltmp3, $4  }
0xb8: {  	s30 =	simm.s32 $0x9000  }
0xb9: {  	[tilespmem:s30], [sflag:$0x3] =	stream.indirect.gather [spmem:s4], $0x1, s29, s13, $0xb8;
	[tilespmem:$0x1D600] =	vst v63  }
0xba: {  	s31 =	simm.s32 $0x9100;
	s19 =	simm.s32 $0x0  }
0xbb: {  	[tilespmem:s31], [sflag:$0x3] =	stream.indirect.gather [spmem:s6], $0x1, s16, s13, $0xb8;
	[tilespmem:$0x1D600] =	vst v63  }
.LBB2_16:
0xbc: {  	s19 =	sadd.s32 $0x1, s19  }
0xbd: {  	p2 =	sne.s32 s19, $0x3F  }
.Ltmp4:
0xbe: {  	_ = 	snop;
	(pc) =	sbr.rel @!p2 .LBB2_17-.Ltmp4, $1  }
0xbf: {  	_ =	sdelay $0x3  }
.LBB2_4:
0xc0: {  	_ =	swait.ge [sflag:s20], $0x50  }
0xc1: {  	[sflag:s20] =	ssyncset.done $0x0  }
0xc2: {  	[sflag:s20] =	ssyncadd.s32 $0xFFFFFFB0  }
0xc3: {  	_ =	swait.ge [sflag:s20], $0x50  }
0xc4: {  	p4 =	seq.s32 s19, $0x0;
	[sflag:s20] =	ssyncset.done $0x0  }
0xc5: {  	s0 =	simm.s32 @!p4 $0x7;
	[sflag:s20] =	ssyncadd.s32 $0xFFFFFFB0  }
0xc6: {  	_ =	swait.ge @!p4 [sflag:s0], $0x50  }
0xc7: {  	[sflag:s0] =	ssyncset.done @!p4 $0x0  }
0xc8: {  	[sflag:s0] =	ssyncadd.s32 @!p4 $0xFFFFFFB0  }
0xc9: {  	v2 =	vld [tilespmem:$0x9100]  }
0xca: {  	v3 =	vld [tilespmem:$0x9000]  }
0xcb: {  	v4 =	vld [tilespmem:$0x9110]  }
0xcc: {  	v5 =	vld [tilespmem:$0x9010]  }
0xcd: {  	v6 =	vld [tilespmem:$0x9120]  }
0xce: {  	v7 =	vld [tilespmem:$0x9020]  }
0xcf: {  	v9 =	vld [tilespmem:$0x9130]  }
0xd0: {  	v10 =	vld [tilespmem:$0x9030]  }
0xd1: {  	v11 =	vld [tilespmem:$0x9140]  }
0xd2: {  	v12 =	vld [tilespmem:$0x9040]  }
0xd3: {  	v3 =	vadd.f32 v3, v2;
	v2 =	vadd.f32 v2, v1  }
0xd4: {  	v5 =	vadd.f32 v5, v4;
	v4 =	vadd.f32 v4, v1  }
0xd5: {  	v7 =	vadd.f32 v7, v6;
	v6 =	vadd.f32 v6, v1  }
0xd6: {  	v10 =	vadd.f32 v10, v9;
	v9 =	vadd.f32 v9, v1  }
0xd7: {  	v12 =	vadd.f32 v12, v11;
	v11 =	vadd.f32 v11, v1  }
0xd8: {  	v8 =	vmul.f32 $9.999999770e-03, v3;
	vm0 =	vgt.f32 v3, $0.0e+00;
	vm9 =	vgt.f32 v2, $0.0e+00  }
0xd9: {  	vm10 =	vgt.f32 v5, $0.0e+00;
	vm1 =	vgt.f32 v4, $0.0e+00;
	v13 =	vmul.f32 $9.999999770e-03, v4  }
0xda: {  	v14 =	vmul.f32 $9.999999770e-03, v7;
	v3 =	vsel vm0, v3, v8;
	v8 =	vmul.f32 $9.999999770e-03, v2  }
0xdb: {  	vm2 =	vgt.f32 v7, $0.0e+00;
	v62 =	vmul.f32 $9.999999770e-03, v10;
	vm11 =	vgt.f32 v6, $0.0e+00  }
0xdc: {  	vm12 =	vgt.f32 v10, $0.0e+00;
	v2 =	vsel vm9, v2, v8;
	v8 =	vmul.f32 $9.999999770e-03, v5  }
0xdd: {  	vm13 =	vgt.f32 v9, $0.0e+00;
	v63 =	vmul.f32 $9.999999770e-03, v12;
	vm14 =	vgt.f32 v12, $0.0e+00  }
0xde: {  	v4 =	vsel vm1, v4, v13;
	v5 =	vsel vm10, v5, v8;
	v8 =	vmul.f32 $9.999999770e-03, v6  }
0xdf: {  	vm15 =	vgt.f32 v11, $0.0e+00;
	v2 =	vsub.f32 v3, v2;
	v4 =	vsub.f32 v5, v4  }
0xe0: {  	v6 =	vsel vm11, v6, v8;
	v8 =	vsel vm12, v10, v62;
	v10 =	vmul.f32 $9.999999770e-03, v9  }
0xe1: {  	v7 =	vsel vm2, v7, v14;
	v5 =	vmul.f32 $9.999999770e-03, v11;
	v2 =	vmul.f32 $1.442695020e+00, v2  }
0xe2: {  	v6 =	vsub.f32 v7, v6;
	v4 =	vmul.f32 $1.442695020e+00, v4;
	v3 =	vsel vm13, v9, v10  }
0xe3: {  	v5 =	vsel vm15, v11, v5;
	v9 =	vsel vm14, v12, v63;
	v3 =	vsub.f32 v8, v3  }
0xe4: {  	(erf) = vpow2.f32 v2;
	v2 =	vmul.f32 $1.442695020e+00, v6;
	v5 =	vsub.f32 v9, v5  }
0xe5: {  	s29 =	sshll.u32 s19, $0x1;
	(erf) = vpow2.f32 v4;
	v3 =	vmul.f32 $1.442695020e+00, v3  }
0xe6: {  	s17 =	smul.u32 $0x29, s29;
	(erf) = vpow2.f32 v2;
	v2 =	vmul.f32 $1.442695020e+00, v5  }
0xe7: {  	(erf) = vpow2.f32 v3  }
0xe8: {  	s5 =	sshrl.u32 s17, $0xA;
	(erf) = vpow2.f32 v2  }
0xe9: {  	s5 =	sand.u32 $0x3F, s5  }
0xea: {  	s5 =	smul.u32 $0x19, s5;
	_ =	sdelay $0x1  }
0xeb: {  	p5 =	sgt.u32 s19, $0x3B;
	s5 =	ssub.s32 s29, s5  }
0xec: {  	s15 =	sor.u32 $0x1, s29;
	s8 =	sand.u32 $0xBF, s5;
	s5 =	sand.u32 @!p5 $0xFF, s5;
	v2 =	vpop (erf)  }
0xed: {  	s14 =	smul.u32 $0x29, s15;
	s0 =	sshll.u32 s17, $0x2;
	p3 =	sne.s32 @!p5 s5, $0x14;
	[tilespmem:$0x9200] =	vst v2;
	v3 =	vpop (erf)  }
0xee: {  	s9 =	sand.u32 $0x1000, s0;
	s0 =	sand.u32 $0x3F000, s0;
	p3 =	por p3, p5;
	[tilespmem:$0x9210] =	vst v3;
	v2 =	vpop (erf)  }
0xef: {  	s8 =	sshll.u32 s8, $0x7;
	s0 =	sadd.s32 @!p3 $0x1000, s0;
	[tilespmem:$0x9220] =	vst v2;
	v3 =	vpop (erf)  }
0xf0: {  	s18 =	sshrl.u32 s14, $0xA;
	s8 =	sor.u32 s8, s9;
	s5 =	sadd.s32 @!p3 s11, s0;
	[tilespmem:$0x9230] =	vst v3;
	v2 =	vpop (erf)  }
0xf1: {  	s30 =	sand.u32 $0x3F, s18;
	s17 =	sor.u32 $0x2000, s8;
	s5 =	sshrl.u32 @!p3 s5, $0x3;
	[tilespmem:$0x9240] =	vst v2  }
0xf2: {  	[spmem:s7] =	stream.indirect.scatter.add.f32 [tilespmem:s21], [sflag:$0x7], $0x1, s17, s13, $0xb8;
	[tilespmem:$0x1D600] =	vst v63  }
0xf3: {  	s9 =	simm.s32 @!p3 $0x0;
	s0 =	sand.u32 @!p3 $0x1000, s0;
	s8 =	sadd.s32 @!p3 s1, s5  }
0xf4: {  	[tilespmem:s0], [sflag:$0x9] =	stream.linear.gather @!p3 [hbm4b:s8+s9], $0xC80, $0x38;
	[tilespmem:$0x1D600] =	vst v63  }
0xf5: {  	s5 =	sadd.s32 @!p3 s10, s5;
	s0 =	sor.u32 @!p3 $0x2000, s0;
	s8 =	smul.u32 $0x19, s30  }
0xf6: {  	[tilespmem:s0], [sflag:$0x9] =	stream.linear.gather @!p3 [hbm4b:s5+s9], $0xC80, $0x38;
	[tilespmem:$0x1D600] =	vst v63  }
0xf7: {  	s8 =	ssub.s32 s15, s8;
	p3 =	sgt.u32 s15, $0x7C  }
0xf8: {  	s0 =	sand.u32 @!p3 $0xFF, s8  }
0xf9: {  	p6 =	sne.s32 @!p3 s0, $0x0  }
0xfa: {  	p6 =	por p6, p3  }
0xfb: {  	s0 =	simm.s32 @!p6 $0x9  }
0xfc: {  	_ =	swait.ge @!p6 [sflag:s0], $0xC80  }
0xfd: {  	[sflag:s0] =	ssyncset.done @!p6 $0x0  }
0xfe: {  	[sflag:s0] =	ssyncadd.s32 @!p6 $0xFFFFF380  }
0xff: {  	s14 =	sadd.s32 $0xFFFFFFFF, s29;
	_ =	swait.ge @!p6 [sflag:s0], $0xC80  }
0x100: {  	p2 =	sgt.u32 s14, $0x7C;
	[sflag:s0] =	ssyncset.done @!p6 $0x0  }
0x101: {  	s5 =	simm.s32 @!p2 $0x6;
	[sflag:s0] =	ssyncadd.s32 @!p6 $0xFFFFF380  }
0x102: {  	s16 =	simm.s32 $0x0;
	_ =	swait.ge @!p2 [sflag:s5], $0x2800  }
0x103: {  	s9 =	sshll.u32 @!p3 s30, $0xC;
	s0 =	sand.u32 $0xFF, s8;
	[sflag:s5] =	ssyncset.done @!p2 $0x0  }
0x104: {  	[sflag:s5] =	ssyncadd.s32 @!p2 $0xFFFFD800;
	s5 =	sand.u32 @!p3 $0x1000, s9;
	s9 =	sshll.u32 @!p3 s0, $0x7  }
0x105: {  	s14 =	simm.s32 @!p3 $0x6800;
	s5 =	sor.u32 @!p3 s9, s5;
	s9 =	simm.s32 @!p3 $0x50  }
0x106: {  	[tilespmem:s14], [sflag:$0x2] =	stream.indirect.gather @!p3 [hbm4b:s2+s9], $0x80, s5, s9, $0xb8;
	[tilespmem:$0x1D600] =	vst v63  }
0x107: {  	v2 =	vmov s16;
	s14 =	simm.s32 @!p3 $0x9080  }
0x108: {  	v2 =	vand.u32 $0xFFFFFFF8, v2;
	[tilespmem:s14], [sflag:$0x4] =	stream.indirect.gather @!p3 [spmem:s4], $0x1, s5, s9, $0xb8;
	[tilespmem:$0x1D600] =	vst v63  }
0x109: {  	v2 =	vbroadcast v2, $0x0;
	s5 =	sadd.s32 @!p3 $0x2000, s5;
	s14 =	simm.s32 @!p3 $0x9180  }
0x10a: {  	[tilespmem:s14], [sflag:$0x4] =	stream.indirect.gather @!p3 [spmem:s6], $0x1, s5, s9, $0xb8;
	[tilespmem:$0x1D600] =	vst v63  }
0x10b: {  	_ =	swait.ge [sflag:s22], $0x2800  }
0x10c: {  	[sflag:s22] =	ssyncset.done $0x0  }
0x10d: {  	s16 =	simm.s32 $0x4200;
	[sflag:s22] =	ssyncadd.s32 $0xFFFFD800  }
0x10e: {  	v4 =	vld [tilespmem:s16+$0xFFFFFE70]  }
0x10f: {  	v2 =	vld.idx.msk [tilespmem:v2+s21+$0x0], $0xffff  }
0x110: {  	v5 =	vld [tilespmem:s16+$0xFFFFFE00]  }
0x111: {  	v6 =	vld [tilespmem:s16+$0xFFFFFE20]  }
0x112: {  	v7 =	vld [tilespmem:s16+$0xFFFFFE30]  }
0x113: {  	v3 =	vld [tilespmem:s16+$0xFFFFFE50]  }
0x114: {  	v9 =	vld [tilespmem:s16+$0xFFFFFE10];
	v4 =	vmul.f32 v4, v2  }
0x115: {  	s18 =	simm.s32 $0x1;
	v8 =	vld [tilespmem:s16+$0xFFFFFE60];
	v5 =	vmul.f32 v5, v2  }
0x116: {  	v10 =	vld [tilespmem:s16+$0xFFFFFE40];
	v6 =	vmul.f32 v6, v2;
	[tilespmem:s16+$0xFFFFFE70] =	vst v4;
	v4 =	vmov s18  }
0x117: {  	v7 =	vmul.f32 v7, v2;
	[tilespmem:s16+$0xFFFFFE00] =	vst v5;
	v4 =	vand.u32 $0xFFFFFFF9, v4  }
0x118: {  	v3 =	vmul.f32 v3, v2;
	[tilespmem:s16+$0xFFFFFE20] =	vst v6;
	v4 =	vbroadcast v4, $0x0  }
0x119: {  	v5 =	vmul.f32 v9, v2;
	[tilespmem:s16+$0xFFFFFE30] =	vst v7  }
0x11a: {  	v6 =	vmul.f32 v8, v2;
	[tilespmem:s16+$0xFFFFFE50] =	vst v3  }
0x11b: {  	v2 =	vmul.f32 v10, v2;
	[tilespmem:s16+$0xFFFFFE10] =	vst v5  }
0x11c: {  	[tilespmem:s16+$0xFFFFFE60] =	vst v6  }
0x11d: {  	[tilespmem:s16+$0xFFFFFE40] =	vst v2  }
0x11e: {  	v2 =	vld.idx.msk [tilespmem:v4+s21+$0x0], $0xffff  }
0x11f: {  	v4 =	vld [tilespmem:s16+$0xFFFFFE90]  }
0x120: {  	v5 =	vld [tilespmem:s16+$0xFFFFFEC0]  }
0x121: {  	v6 =	vld [tilespmem:s16+$0xFFFFFE80]  }
0x122: {  	v7 =	vld [tilespmem:s16+$0xFFFFFED0]  }
0x123: {  	v3 =	vld [tilespmem:s16+$0xFFFFFEF0]  }
0x124: {  	v8 =	vld [tilespmem:s16+$0xFFFFFEE0];
	v4 =	vmul.f32 v4, v2  }
0x125: {  	s9 =	simm.s32 $0x2;
	v9 =	vld [tilespmem:s16+$0xFFFFFEB0];
	v5 =	vmul.f32 v5, v2  }
0x126: {  	v10 =	vld [tilespmem:s16+$0xFFFFFEA0];
	v6 =	vmul.f32 v6, v2;
	[tilespmem:s16+$0xFFFFFE90] =	vst v4;
	v4 =	vmov s9  }
0x127: {  	v7 =	vmul.f32 v7, v2;
	[tilespmem:s16+$0xFFFFFEC0] =	vst v5;
	v4 =	vand.u32 $0xFFFFFFFA, v4  }
0x128: {  	v3 =	vmul.f32 v3, v2;
	[tilespmem:s16+$0xFFFFFE80] =	vst v6;
	v4 =	vbroadcast v4, $0x0  }
0x129: {  	v5 =	vmul.f32 v8, v2;
	[tilespmem:s16+$0xFFFFFED0] =	vst v7  }
0x12a: {  	v6 =	vmul.f32 v9, v2;
	[tilespmem:s16+$0xFFFFFEF0] =	vst v3  }
0x12b: {  	v2 =	vmul.f32 v10, v2;
	[tilespmem:s16+$0xFFFFFEE0] =	vst v5  }
0x12c: {  	[tilespmem:s16+$0xFFFFFEB0] =	vst v6  }
0x12d: {  	v3 =	vld [tilespmem:s16+$0xFFFFFF00];
	[tilespmem:s16+$0xFFFFFEA0] =	vst v2  }
0x12e: {  	v2 =	vld.idx.msk [tilespmem:v4+s21+$0x0], $0xffff  }
0x12f: {  	v4 =	vld [tilespmem:s16+$0xFFFFFF60]  }
0x130: {  	v5 =	vld [tilespmem:s16+$0xFFFFFF10]  }
0x131: {  	v6 =	vld [tilespmem:s16+$0xFFFFFF50]  }
0x132: {  	v7 =	vld [tilespmem:s16+$0xFFFFFF70]  }
0x133: {  	v8 =	vld [tilespmem:s16+$0xFFFFFF20];
	v3 =	vmul.f32 v3, v2  }
0x134: {  	s14 =	simm.s32 $0x3;
	v9 =	vld [tilespmem:s16+$0xFFFFFF30];
	v4 =	vmul.f32 v4, v2  }
0x135: {  	v10 =	vld [tilespmem:s16+$0xFFFFFF40];
	v5 =	vmul.f32 v5, v2;
	[tilespmem:s16+$0xFFFFFF00] =	vst v3;
	v3 =	vmov s14  }
0x136: {  	v6 =	vmul.f32 v6, v2;
	[tilespmem:s16+$0xFFFFFF60] =	vst v4;
	v3 =	vand.u32 $0xFFFFFFFB, v3  }
0x137: {  	v4 =	vmul.f32 v7, v2;
	[tilespmem:s16+$0xFFFFFF10] =	vst v5;
	v3 =	vbroadcast v3, $0x0  }
0x138: {  	v5 =	vmul.f32 v8, v2;
	[tilespmem:s16+$0xFFFFFF50] =	vst v6  }
0x139: {  	v6 =	vmul.f32 v9, v2;
	[tilespmem:s16+$0xFFFFFF70] =	vst v4  }
0x13a: {  	v2 =	vmul.f32 v10, v2;
	[tilespmem:s16+$0xFFFFFF20] =	vst v5  }
0x13b: {  	[tilespmem:s16+$0xFFFFFF30] =	vst v6  }
0x13c: {  	[tilespmem:s16+$0xFFFFFF40] =	vst v2  }
0x13d: {  	v2 =	vld.idx.msk [tilespmem:v3+s21+$0x0], $0xffff  }
0x13e: {  	v3 =	vld [tilespmem:s16+$0xFFFFFFB0]  }
0x13f: {  	v5 =	vld [tilespmem:s16+$0xFFFFFFE0]  }
0x140: {  	v6 =	vld [tilespmem:s16+$0xFFFFFF80]  }
0x141: {  	v7 =	vld [tilespmem:s16+$0xFFFFFFD0]  }
0x142: {  	v4 =	vld [tilespmem:s16+$0xFFFFFFF0]  }
0x143: {  	v9 =	vld [tilespmem:s16+$0xFFFFFFA0];
	v3 =	vmul.f32 v3, v2  }
0x144: {  	s18 =	simm.s32 $0x4;
	v8 =	vld [tilespmem:s16+$0xFFFFFF90];
	v5 =	vmul.f32 v5, v2  }
0x145: {  	v10 =	vld [tilespmem:s16+$0xFFFFFFC0];
	v6 =	vmul.f32 v6, v2;
	[tilespmem:s16+$0xFFFFFFB0] =	vst v3;
	v3 =	vmov s18  }
0x146: {  	v7 =	vmul.f32 v7, v2;
	[tilespmem:s16+$0xFFFFFFE0] =	vst v5;
	v3 =	vand.u32 $0xFFFFFFFC, v3  }
0x147: {  	v4 =	vmul.f32 v4, v2;
	[tilespmem:s16+$0xFFFFFF80] =	vst v6;
	v3 =	vbroadcast v3, $0x0  }
0x148: {  	v11 =	vld [tilespmem:s16+$0x40];
	v5 =	vmul.f32 v9, v2;
	[tilespmem:s16+$0xFFFFFFD0] =	vst v7  }
0x149: {  	v6 =	vmul.f32 v8, v2;
	[tilespmem:s16+$0xFFFFFFF0] =	vst v4;
	v9 =	vld [tilespmem:s16+$0x0]  }
0x14a: {  	v4 =	vmul.f32 v10, v2;
	v2 =	vld [tilespmem:s16+$0x70];
	[tilespmem:s16+$0xFFFFFFA0] =	vst v5  }
0x14b: {  	v8 =	vld [tilespmem:s16+$0x20];
	[tilespmem:s16+$0xFFFFFF90] =	vst v6  }
0x14c: {  	v7 =	vld [tilespmem:s16+$0x30];
	[tilespmem:s16+$0xFFFFFFC0] =	vst v4  }
0x14d: {  	v3 =	vld.idx.msk [tilespmem:v3+s21+$0x0], $0xffff  }
0x14e: {  	v4 =	vld [tilespmem:s16+$0x50]  }
0x14f: {  	v6 =	vld [tilespmem:s16+$0x10]  }
0x150: {  	v5 =	vld [tilespmem:s16+$0x60];
	_ =	sdelay $0x1  }
0x151: {  	s31 =	simm.s32 $0x4200;
	s9 =	simm.s32 $0x8;
	s14 =	simm.s32 $0x0;
	v10 =	vmul.f32 v9, v3;
	v9 =	vmul.f32 v11, v3  }
.LBB2_5:
0x152: {  	p6 =	slt.u32 s9, $0x48;
	v8 =	vmul.f32 v8, v3;
	v7 =	vmul.f32 v7, v3;
	s5 =	sadd.s32 $0x5, s14;
	s16 =	sadd.s32 $0x400, s16  }
0x153: {  	v4 =	vmul.f32 v4, v3;
	[tilespmem:s31+$0x0] =	vst v10;
	v6 =	vmul.f32 v6, v3;
	v10 =	vmov s5;
	s5 =	smov.u32 s9;
	s9 =	sadd.s32 $0x8, s9  }
0x154: {  	v2 =	vmul.f32 v2, v3;
	[tilespmem:s31+$0x40] =	vst v9;
	v5 =	vmul.f32 v5, v3;
	v3 =	vand.u32 $0xFFFFFFFD, v10  }
0x155: {  	[tilespmem:s31+$0x20] =	vst v8;
	v3 =	vbroadcast v3, $0x0  }
0x156: {  	[tilespmem:s31+$0x50] =	vst v4  }
0x157: {  	[tilespmem:s31+$0x70] =	vst v2;
	v2 =	vld [tilespmem:s31+$0xA0]  }
0x158: {  	[tilespmem:s31+$0x30] =	vst v7;
	v4 =	vld [tilespmem:s31+$0x80]  }
0x159: {  	[tilespmem:s31+$0x60] =	vst v5;
	v5 =	vld [tilespmem:s31+$0xD0]  }
0x15a: {  	[tilespmem:s31+$0x10] =	vst v6;
	v6 =	vld [tilespmem:s31+$0xF0]  }
0x15b: {  	v3 =	vld.idx.msk [tilespmem:v3+s21+$0x0], $0xffff  }
0x15c: {  	v7 =	vld [tilespmem:s31+$0xC0]  }
0x15d: {  	v8 =	vld [tilespmem:s31+$0xB0]  }
0x15e: {  	v9 =	vld [tilespmem:s31+$0x90]  }
0x15f: {  	v10 =	vld [tilespmem:s31+$0xE0];
	_ =	sdelay $0x1  }
0x160: {  	v4 =	vmul.f32 v4, v3;
	v7 =	vmul.f32 v7, v3  }
0x161: {  	s18 =	sadd.s32 $0x6, s14;
	v2 =	vmul.f32 v2, v3;
	v8 =	vmul.f32 v8, v3  }
0x162: {  	v5 =	vmul.f32 v5, v3;
	[tilespmem:s31+$0x80] =	vst v4;
	v4 =	vmul.f32 v9, v3;
	v9 =	vmov s18  }
0x163: {  	[tilespmem:s31+$0xA0] =	vst v2;
	v2 =	vmul.f32 v10, v3;
	v3 =	vmul.f32 v6, v3;
	v6 =	vand.u32 $0xFFFFFFFE, v9  }
0x164: {  	[tilespmem:s31+$0xD0] =	vst v5;
	v5 =	vbroadcast v6, $0x0  }
0x165: {  	[tilespmem:s31+$0xC0] =	vst v7  }
0x166: {  	[tilespmem:s31+$0xF0] =	vst v3;
	v3 =	vld [tilespmem:s31+$0x120]  }
0x167: {  	[tilespmem:s31+$0xB0] =	vst v8;
	v6 =	vld [tilespmem:s31+$0x100]  }
0x168: {  	[tilespmem:s31+$0x90] =	vst v4;
	v4 =	vld [tilespmem:s31+$0x140]  }
0x169: {  	[tilespmem:s31+$0xE0] =	vst v2;
	v2 =	vld [tilespmem:s31+$0x130]  }
0x16a: {  	v5 =	vld.idx.msk [tilespmem:v5+s21+$0x0], $0xffff  }
0x16b: {  	v7 =	vld [tilespmem:s31+$0x110]  }
0x16c: {  	v8 =	vld [tilespmem:s31+$0x160]  }
0x16d: {  	v9 =	vld [tilespmem:s31+$0x150]  }
0x16e: {  	v10 =	vld [tilespmem:s31+$0x170];
	_ =	sdelay $0x1  }
0x16f: {  	v6 =	vmul.f32 v6, v5;
	v7 =	vmul.f32 v7, v5  }
0x170: {  	v3 =	vmul.f32 v3, v5;
	v2 =	vmul.f32 v2, v5  }
0x171: {  	v4 =	vmul.f32 v4, v5;
	[tilespmem:s31+$0x100] =	vst v6;
	v6 =	vmul.f32 v9, v5  }
0x172: {  	[tilespmem:s31+$0x120] =	vst v3;
	v3 =	vmul.f32 v8, v5;
	v5 =	vmul.f32 v10, v5  }
0x173: {  	s18 =	sadd.s32 $0x7, s14;
	s14 =	smov.u32 s5;
	[tilespmem:s31+$0x130] =	vst v2  }
0x174: {  	v2 =	vmov s18;
	[tilespmem:s31+$0x140] =	vst v4  }
0x175: {  	[tilespmem:s31+$0x160] =	vst v3;
	v3 =	vld [tilespmem:s31+$0x180]  }
0x176: {  	[tilespmem:s31+$0x110] =	vst v7;
	v4 =	vld [tilespmem:s31+$0x1D0]  }
0x177: {  	[tilespmem:s31+$0x150] =	vst v6;
	v6 =	vld [tilespmem:s31+$0x190]  }
0x178: {  	[tilespmem:s31+$0x170] =	vst v5;
	v5 =	vld [tilespmem:s31+$0x1F0]  }
0x179: {  	v2 =	vld.idx.msk [tilespmem:v2+s21+$0x0], $0xffff  }
0x17a: {  	v7 =	vld [tilespmem:s31+$0x1B0]  }
0x17b: {  	v8 =	vld [tilespmem:s31+$0x1A0]  }
0x17c: {  	v9 =	vld [tilespmem:s31+$0x1C0]  }
0x17d: {  	v10 =	vld [tilespmem:s31+$0x1E0];
	_ =	sdelay $0x1  }
0x17e: {  	v3 =	vmul.f32 v3, v2;
	v6 =	vmul.f32 v6, v2  }
0x17f: {  	v7 =	vmul.f32 v7, v2;
	v8 =	vmul.f32 v8, v2  }
0x180: {  	v11 =	vmov s14;
	v4 =	vmul.f32 v4, v2;
	[tilespmem:s31+$0x180] =	vst v3;
	v3 =	vmul.f32 v9, v2  }
0x181: {  	v9 =	vand.u32 $0xFFFFFFF8, v11;
	[tilespmem:s31+$0x190] =	vst v6;
	v6 =	vmul.f32 v10, v2;
	v2 =	vmul.f32 v5, v2  }
0x182: {  	v5 =	vbroadcast v9, $0x0;
	[tilespmem:s31+$0x1D0] =	vst v4  }
0x183: {  	[tilespmem:s31+$0x1A0] =	vst v8  }
0x184: {  	v4 =	vld [tilespmem:s16+$0xFFFFFE50];
	[tilespmem:s31+$0x1F0] =	vst v2  }
0x185: {  	v2 =	vld [tilespmem:s16+$0xFFFFFE30];
	[tilespmem:s31+$0x1B0] =	vst v7  }
0x186: {  	v7 =	vld [tilespmem:s16+$0xFFFFFE60];
	[tilespmem:s31+$0x1E0] =	vst v6  }
0x187: {  	v6 =	vld [tilespmem:s16+$0xFFFFFE70];
	[tilespmem:s31+$0x1C0] =	vst v3;
	s31 =	smov.u32 s16  }
0x188: {  	v3 =	vld.idx.msk [tilespmem:v5+s21+$0x0], $0xffff  }
0x189: {  	v5 =	vld [tilespmem:s16+$0xFFFFFE00]  }
0x18a: {  	v8 =	vld [tilespmem:s16+$0xFFFFFE20]  }
0x18b: {  	v9 =	vld [tilespmem:s16+$0xFFFFFE10]  }
0x18c: {  	v10 =	vld [tilespmem:s16+$0xFFFFFE40];
	_ =	sdelay $0x1  }
0x18d: {  	v6 =	vmul.f32 v6, v3;
	v5 =	vmul.f32 v5, v3  }
0x18e: {  	s5 =	sadd.s32 $0x1, s14;
	v7 =	vmul.f32 v7, v3;
	v8 =	vmul.f32 v8, v3  }
0x18f: {  	v2 =	vmul.f32 v2, v3;
	v9 =	vmul.f32 v9, v3;
	[tilespmem:s16+$0xFFFFFE70] =	vst v6;
	v6 =	vmov s5  }
0x190: {  	[tilespmem:s16+$0xFFFFFE00] =	vst v5;
	v5 =	vmul.f32 v10, v3;
	v3 =	vmul.f32 v4, v3;
	v4 =	vand.u32 $0xFFFFFFF9, v6  }
0x191: {  	[tilespmem:s16+$0xFFFFFE20] =	vst v8;
	v4 =	vbroadcast v4, $0x0  }
0x192: {  	[tilespmem:s16+$0xFFFFFE30] =	vst v2  }
0x193: {  	[tilespmem:s16+$0xFFFFFE50] =	vst v3;
	v2 =	vld [tilespmem:s16+$0xFFFFFEF0]  }
0x194: {  	[tilespmem:s16+$0xFFFFFE10] =	vst v9;
	v3 =	vld [tilespmem:s16+$0xFFFFFED0]  }
0x195: {  	[tilespmem:s16+$0xFFFFFE60] =	vst v7;
	v6 =	vld [tilespmem:s16+$0xFFFFFEB0]  }
0x196: {  	[tilespmem:s16+$0xFFFFFE40] =	vst v5;
	v5 =	vld [tilespmem:s16+$0xFFFFFEC0]  }
0x197: {  	v4 =	vld.idx.msk [tilespmem:v4+s21+$0x0], $0xffff  }
0x198: {  	v7 =	vld [tilespmem:s16+$0xFFFFFE90]  }
0x199: {  	v8 =	vld [tilespmem:s16+$0xFFFFFE80]  }
0x19a: {  	v9 =	vld [tilespmem:s16+$0xFFFFFEA0]  }
0x19b: {  	v10 =	vld [tilespmem:s16+$0xFFFFFEE0];
	_ =	sdelay $0x1  }
0x19c: {  	v5 =	vmul.f32 v5, v4;
	v7 =	vmul.f32 v7, v4  }
0x19d: {  	s5 =	sadd.s32 $0x2, s14;
	v6 =	vmul.f32 v6, v4;
	v8 =	vmul.f32 v8, v4  }
0x19e: {  	v3 =	vmul.f32 v3, v4;
	[tilespmem:s16+$0xFFFFFE90] =	vst v7;
	v7 =	vmul.f32 v9, v4;
	v9 =	vmov s5  }
0x19f: {  	v2 =	vmul.f32 v2, v4;
	[tilespmem:s16+$0xFFFFFEC0] =	vst v5;
	v5 =	vmul.f32 v10, v4;
	v4 =	vand.u32 $0xFFFFFFFA, v9  }
0x1a0: {  	[tilespmem:s16+$0xFFFFFE80] =	vst v8;
	v4 =	vbroadcast v4, $0x0  }
0x1a1: {  	[tilespmem:s16+$0xFFFFFED0] =	vst v3  }
0x1a2: {  	[tilespmem:s16+$0xFFFFFEE0] =	vst v5;
	v3 =	vld [tilespmem:s16+$0xFFFFFF70]  }
0x1a3: {  	[tilespmem:s16+$0xFFFFFEB0] =	vst v6;
	v5 =	vld [tilespmem:s16+$0xFFFFFF50]  }
0x1a4: {  	[tilespmem:s16+$0xFFFFFEF0] =	vst v2;
	v2 =	vld [tilespmem:s16+$0xFFFFFF20]  }
0x1a5: {  	[tilespmem:s16+$0xFFFFFEA0] =	vst v7;
	v6 =	vld [tilespmem:s16+$0xFFFFFF60]  }
0x1a6: {  	v4 =	vld.idx.msk [tilespmem:v4+s21+$0x0], $0xffff  }
0x1a7: {  	v7 =	vld [tilespmem:s16+$0xFFFFFF00]  }
0x1a8: {  	v8 =	vld [tilespmem:s16+$0xFFFFFF10]  }
0x1a9: {  	v9 =	vld [tilespmem:s16+$0xFFFFFF40]  }
0x1aa: {  	v10 =	vld [tilespmem:s16+$0xFFFFFF30];
	_ =	sdelay $0x1  }
0x1ab: {  	v6 =	vmul.f32 v6, v4;
	v7 =	vmul.f32 v7, v4  }
0x1ac: {  	s5 =	sadd.s32 $0x3, s14;
	v2 =	vmul.f32 v2, v4;
	v8 =	vmul.f32 v8, v4  }
0x1ad: {  	v5 =	vmul.f32 v5, v4;
	[tilespmem:s16+$0xFFFFFF00] =	vst v7;
	v7 =	vmul.f32 v9, v4;
	v9 =	vmov s5  }
0x1ae: {  	v3 =	vmul.f32 v3, v4;
	v10 =	vmul.f32 v10, v4;
	[tilespmem:s16+$0xFFFFFF60] =	vst v6;
	v4 =	vand.u32 $0xFFFFFFFB, v9  }
0x1af: {  	[tilespmem:s16+$0xFFFFFF10] =	vst v8;
	v4 =	vbroadcast v4, $0x0  }
0x1b0: {  	[tilespmem:s16+$0xFFFFFF50] =	vst v5  }
0x1b1: {  	[tilespmem:s16+$0xFFFFFF70] =	vst v3;
	v3 =	vld [tilespmem:s16+$0xFFFFFFF0]  }
0x1b2: {  	[tilespmem:s16+$0xFFFFFF20] =	vst v2;
	v2 =	vld [tilespmem:s16+$0xFFFFFFD0]  }
0x1b3: {  	[tilespmem:s16+$0xFFFFFF30] =	vst v10;
	v5 =	vld [tilespmem:s16+$0xFFFFFF90]  }
0x1b4: {  	[tilespmem:s16+$0xFFFFFF40] =	vst v7;
	v6 =	vld [tilespmem:s16+$0xFFFFFFE0]  }
0x1b5: {  	v4 =	vld.idx.msk [tilespmem:v4+s21+$0x0], $0xffff  }
0x1b6: {  	v7 =	vld [tilespmem:s16+$0xFFFFFFB0]  }
0x1b7: {  	v8 =	vld [tilespmem:s16+$0xFFFFFF80]  }
0x1b8: {  	v9 =	vld [tilespmem:s16+$0xFFFFFFC0]  }
0x1b9: {  	v10 =	vld [tilespmem:s16+$0xFFFFFFA0];
	_ =	sdelay $0x1  }
0x1ba: {  	v6 =	vmul.f32 v6, v4;
	v7 =	vmul.f32 v7, v4  }
0x1bb: {  	s5 =	sadd.s32 $0x4, s14;
	v5 =	vmul.f32 v5, v4;
	v8 =	vmul.f32 v8, v4  }
0x1bc: {  	v2 =	vmul.f32 v2, v4;
	[tilespmem:s16+$0xFFFFFFB0] =	vst v7;
	v7 =	vmul.f32 v9, v4;
	v9 =	vmov s5  }
0x1bd: {  	v3 =	vmul.f32 v3, v4;
	v10 =	vmul.f32 v10, v4;
	[tilespmem:s16+$0xFFFFFFE0] =	vst v6;
	v4 =	vand.u32 $0xFFFFFFFC, v9  }
0x1be: {  	[tilespmem:s16+$0xFFFFFF80] =	vst v8;
	v6 =	vbroadcast v4, $0x0  }
0x1bf: {  	[tilespmem:s16+$0xFFFFFFD0] =	vst v2  }
0x1c0: {  	[tilespmem:s16+$0xFFFFFFF0] =	vst v3;
	v9 =	vld [tilespmem:s16+$0x0]  }
0x1c1: {  	[tilespmem:s16+$0xFFFFFFA0] =	vst v10;
	v2 =	vld [tilespmem:s16+$0x70]  }
0x1c2: {  	[tilespmem:s16+$0xFFFFFF90] =	vst v5;
	v4 =	vld [tilespmem:s16+$0x50]  }
0x1c3: {  	[tilespmem:s16+$0xFFFFFFC0] =	vst v7;
	v8 =	vld [tilespmem:s16+$0x20]  }
0x1c4: {  	v3 =	vld.idx.msk [tilespmem:v6+s21+$0x0], $0xffff  }
0x1c5: {  	v11 =	vld [tilespmem:s16+$0x40]  }
.Ltmp5:
0x1c6: {  	v7 =	vld [tilespmem:s16+$0x30];
	(pc) =	sbr.rel @p6 .LBB2_5-.Ltmp5, $3  }
0x1c7: {  	v6 =	vld [tilespmem:s16+$0x10]  }
0x1c8: {  	v5 =	vld [tilespmem:s16+$0x60];
	_ =	sdelay $0x1  }
0x1c9: {  	v10 =	vmul.f32 v9, v3;
	v9 =	vmul.f32 v11, v3  }
0x1ca: {  	s5 =	sadd.s32 $0x5, s14  }
0x1cb: {  	v8 =	vmul.f32 v8, v3;
	[tilespmem:s31+$0x0] =	vst v10;
	v27 =	vmov s5  }
0x1cc: {  	v4 =	vmul.f32 v4, v3;
	[tilespmem:s31+$0x40] =	vst v9;
	v28 =	vand.u32 $0xFFFFFFFD, v27  }
0x1cd: {  	v2 =	vmul.f32 v2, v3;
	[tilespmem:s31+$0x20] =	vst v8;
	v29 =	vbroadcast v28, $0x0  }
0x1ce: {  	v7 =	vmul.f32 v7, v3;
	[tilespmem:s31+$0x50] =	vst v4  }
0x1cf: {  	v30 =	vmul.f32 v5, v3;
	[tilespmem:s31+$0x70] =	vst v2  }
0x1d0: {  	v2 =	vmul.f32 v6, v3;
	[tilespmem:s31+$0x30] =	vst v7  }
0x1d1: {  	[tilespmem:s31+$0x60] =	vst v30  }
0x1d2: {  	v3 =	vld [tilespmem:s31+$0x80];
	[tilespmem:s31+$0x10] =	vst v2  }
0x1d3: {  	v2 =	vld.idx.msk [tilespmem:v29+s21+$0x0], $0xffff  }
0x1d4: {  	v31 =	vld [tilespmem:s31+$0xA0]  }
0x1d5: {  	v32 =	vld [tilespmem:s31+$0xD0]  }
0x1d6: {  	v33 =	vld [tilespmem:s31+$0xC0]  }
0x1d7: {  	v34 =	vld [tilespmem:s31+$0xF0]  }
0x1d8: {  	v35 =	vld [tilespmem:s31+$0xB0];
	v3 =	vmul.f32 v3, v2  }
0x1d9: {  	v36 =	vld [tilespmem:s31+$0x90];
	s16 =	sadd.s32 $0x6, s14;
	v4 =	vmul.f32 v31, v2  }
0x1da: {  	v37 =	vld [tilespmem:s31+$0xE0];
	v38 =	vmov s16;
	[tilespmem:s31+$0x80] =	vst v3;
	v3 =	vmul.f32 v32, v2  }
0x1db: {  	v39 =	vand.u32 $0xFFFFFFFE, v38;
	v6 =	vmul.f32 v33, v2;
	[tilespmem:s31+$0xA0] =	vst v4  }
0x1dc: {  	v40 =	vmul.f32 v34, v2;
	[tilespmem:s31+$0xD0] =	vst v3;
	v3 =	vbroadcast v39, $0x0  }
0x1dd: {  	v41 =	vmul.f32 v35, v2;
	[tilespmem:s31+$0xC0] =	vst v6  }
0x1de: {  	v42 =	vmul.f32 v36, v2;
	[tilespmem:s31+$0xF0] =	vst v40  }
0x1df: {  	v2 =	vmul.f32 v37, v2;
	[tilespmem:s31+$0xB0] =	vst v41  }
0x1e0: {  	[tilespmem:s31+$0x90] =	vst v42  }
0x1e1: {  	v43 =	vld [tilespmem:s31+$0x100];
	[tilespmem:s31+$0xE0] =	vst v2  }
0x1e2: {  	v2 =	vld.idx.msk [tilespmem:v3+s21+$0x0], $0xffff  }
0x1e3: {  	v3 =	vld [tilespmem:s31+$0x120]  }
0x1e4: {  	v44 =	vld [tilespmem:s31+$0x130]  }
0x1e5: {  	v45 =	vld [tilespmem:s31+$0x140]  }
0x1e6: {  	v47 =	vld [tilespmem:s31+$0x110]  }
0x1e7: {  	v48 =	vld [tilespmem:s31+$0x150];
	v4 =	vmul.f32 v43, v2  }
0x1e8: {  	v46 =	vld [tilespmem:s31+$0x160];
	v3 =	vmul.f32 v3, v2  }
0x1e9: {  	v49 =	vld [tilespmem:s31+$0x170];
	v5 =	vmul.f32 v44, v2;
	[tilespmem:s31+$0x100] =	vst v4  }
0x1ea: {  	v50 =	vmul.f32 v45, v2;
	[tilespmem:s31+$0x120] =	vst v3  }
0x1eb: {  	s18 =	sadd.s32 $0x7, s14;
	v51 =	vmul.f32 v47, v2;
	[tilespmem:s31+$0x130] =	vst v5  }
0x1ec: {  	v52 =	vmov s18;
	v53 =	vmul.f32 v48, v2;
	[tilespmem:s31+$0x140] =	vst v50  }
0x1ed: {  	v3 =	vmul.f32 v46, v2;
	[tilespmem:s31+$0x110] =	vst v51  }
0x1ee: {  	v2 =	vmul.f32 v49, v2;
	[tilespmem:s31+$0x150] =	vst v53  }
0x1ef: {  	[tilespmem:s31+$0x160] =	vst v3  }
0x1f0: {  	v3 =	vld [tilespmem:s31+$0x180];
	[tilespmem:s31+$0x170] =	vst v2  }
0x1f1: {  	v2 =	vld.idx.msk [tilespmem:v52+s21+$0x0], $0xffff  }
0x1f2: {  	v54 =	vld [tilespmem:s31+$0x190]  }
0x1f3: {  	v56 =	vld [tilespmem:s31+$0x1A0]  }
0x1f4: {  	v57 =	vld [tilespmem:s31+$0x1F0]  }
0x1f5: {  	v55 =	vld [tilespmem:s31+$0x1D0]  }
0x1f6: {  	v59 =	vld [tilespmem:s31+$0x1E0];
	v3 =	vmul.f32 v3, v2  }
0x1f7: {  	v58 =	vld [tilespmem:s31+$0x1B0];
	v5 =	vmul.f32 v54, v2  }
0x1f8: {  	v60 =	vld [tilespmem:s31+$0x1C0];
	v61 =	vmul.f32 v56, v2;
	[tilespmem:s31+$0x180] =	vst v3  }
0x1f9: {  	v62 =	vmul.f32 v57, v2;
	[tilespmem:s31+$0x190] =	vst v5  }
0x1fa: {  	v3 =	vmul.f32 v55, v2;
	[tilespmem:s31+$0x1A0] =	vst v61  }
0x1fb: {  	v63 =	vmul.f32 v59, v2;
	[tilespmem:s31+$0x1F0] =	vst v62  }
.Ltmp6:
0x1fc: {  	[tilespmem:s31+$0x1D0] =	vst v3;
	v3 =	vmul.f32 v58, v2;
	(pc) =	sbr.rel @p3 .LBB2_8-.Ltmp6, $4  }
0x1fd: {  	[tilespmem:s31+$0x1E0] =	vst v63;
	v2 =	vmul.f32 v60, v2  }
0x1fe: {  	[tilespmem:s31+$0x1B0] =	vst v3  }
0x1ff: {  	[tilespmem:s31+$0x1C0] =	vst v2  }
0x200: {  	[spmem:s3] =	stream.indirect.scatter.add.f32 [tilespmem:s12], [sflag:$0x5], $0x80, s17, s13, $0xb8;
	[tilespmem:$0x1D600] =	vst v63  }
0x201: {  	_ =	swait.ge [sflag:s23], $0x50  }
0x202: {  	[sflag:s23] =	ssyncset.done $0x0  }
0x203: {  	[sflag:s23] =	ssyncadd.s32 $0xFFFFFFB0  }
0x204: {  	_ =	swait.ge [sflag:s23], $0x50  }
0x205: {  	[sflag:s23] =	ssyncset.done $0x0  }
0x206: {  	s5 =	simm.s32 @!p4 $0x8;
	[sflag:s23] =	ssyncadd.s32 $0xFFFFFFB0  }
0x207: {  	_ =	swait.ge @!p4 [sflag:s5], $0x50  }
0x208: {  	[sflag:s5] =	ssyncset.done @!p4 $0x0  }
0x209: {  	[sflag:s5] =	ssyncadd.s32 @!p4 $0xFFFFFFB0  }
0x20a: {  	v2 =	vld [tilespmem:$0x9180]  }
0x20b: {  	v3 =	vld [tilespmem:$0x9080]  }
0x20c: {  	v4 =	vld [tilespmem:$0x9190]  }
0x20d: {  	v5 =	vld [tilespmem:$0x9090]  }
0x20e: {  	v6 =	vld [tilespmem:$0x91A0]  }
0x20f: {  	v7 =	vld [tilespmem:$0x90A0]  }
0x210: {  	v10 =	vld [tilespmem:$0x91B0]  }
0x211: {  	v52 =	vld [tilespmem:$0x90B0]  }
0x212: {  	v53 =	vld [tilespmem:$0x91C0]  }
0x213: {  	v12 =	vld [tilespmem:$0x90C0]  }
0x214: {  	v3 =	vadd.f32 v3, v2  }
0x215: {  	v2 =	vadd.f32 v2, v1;
	v5 =	vadd.f32 v5, v4  }
0x216: {  	v4 =	vadd.f32 v4, v1;
	v7 =	vadd.f32 v7, v6  }
0x217: {  	v6 =	vadd.f32 v6, v1;
	v56 =	vadd.f32 v52, v10  }
0x218: {  	v58 =	vadd.f32 v10, v1;
	v60 =	vadd.f32 v12, v53;
	v8 =	vmul.f32 $9.999999770e-03, v3  }
0x219: {  	v9 =	vmul.f32 $9.999999770e-03, v2;
	vm0 =	vgt.f32 v3, $0.0e+00;
	vm1 =	vgt.f32 v2, $0.0e+00  }
0x21a: {  	vm8 =	vgt.f32 v5, $0.0e+00;
	v11 =	vmul.f32 $9.999999770e-03, v4;
	vm9 =	vgt.f32 v4, $0.0e+00  }
0x21b: {  	v54 =	vmul.f32 $9.999999770e-03, v7;
	vm10 =	vgt.f32 v7, $0.0e+00;
	v55 =	vmul.f32 $9.999999770e-03, v6  }
0x21c: {  	vm11 =	vgt.f32 v6, $0.0e+00;
	v59 =	vmul.f32 $9.999999770e-03, v56;
	vm12 =	vgt.f32 v56, $0.0e+00  }
0x21d: {  	v10 =	vmul.f32 $9.999999770e-03, v58;
	vm13 =	vgt.f32 v58, $0.0e+00;
	v61 =	vmul.f32 $9.999999770e-03, v60  }
0x21e: {  	vm14 =	vgt.f32 v60, $0.0e+00;
	v3 =	vsel vm0, v3, v8;
	v2 =	vsel vm1, v2, v9  }
0x21f: {  	v9 =	vadd.f32 v53, v1;
	v2 =	vsub.f32 v3, v2;
	v3 =	vmul.f32 $9.999999770e-03, v5  }
0x220: {  	v4 =	vsel vm9, v4, v11;
	v57 =	vsel vm11, v6, v55;
	v6 =	vsel vm13, v58, v10  }
0x221: {  	v62 =	vmul.f32 $9.999999770e-03, v9;
	vm15 =	vgt.f32 v9, $0.0e+00;
	v3 =	vsel vm8, v5, v3  }
0x222: {  	v5 =	vsel vm10, v7, v54;
	v7 =	vsel vm14, v60, v61;
	v3 =	vsub.f32 v3, v4  }
0x223: {  	v2 =	vmul.f32 $1.442695020e+00, v2;
	v4 =	vsub.f32 v5, v57;
	v5 =	vsel vm12, v56, v59  }
0x224: {  	v63 =	vsel vm15, v9, v62;
	v5 =	vsub.f32 v5, v6;
	v3 =	vmul.f32 $1.442695020e+00, v3  }
0x225: {  	(erf) = vpow2.f32 v2;
	v2 =	vsub.f32 v7, v63;
	v4 =	vmul.f32 $1.442695020e+00, v4  }
0x226: {  	(erf) = vpow2.f32 v3;
	v3 =	vmul.f32 $1.442695020e+00, v5  }
0x227: {  	v2 =	vmul.f32 $1.442695020e+00, v2;
	(erf) = vpow2.f32 v4  }
0x228: {  	(erf) = vpow2.f32 v3  }
0x229: {  	(erf) = vpow2.f32 v2;
	_ =	sdelay $0x4  }
0x22a: {  	v2 =	vpop (erf)  }
0x22b: {  	[tilespmem:$0x9280] =	vst v2;
	v3 =	vpop (erf)  }
0x22c: {  	s31 =	sshll.u32 s30, $0xC;
	v2 =	vpop (erf);
	[tilespmem:$0x9290] =	vst v3  }
0x22d: {  	s9 =	sshll.u32 s0, $0x7;
	s5 =	sand.u32 $0x1000, s31;
	v3 =	vpop (erf);
	[tilespmem:$0x92A0] =	vst v2  }
0x22e: {  	s5 =	sadd.s32 s9, s5;
	[tilespmem:$0x92B0] =	vst v3;
	v2 =	vpop (erf)  }
0x22f: {  	s5 =	sadd.s32 $0x2000, s5;
	[tilespmem:$0x92C0] =	vst v2  }
0x230: {  	[spmem:s7] =	stream.indirect.scatter.add.f32 [tilespmem:s24], [sflag:$0x8], $0x1, s5, s13, $0xb8;
	[tilespmem:$0x1D600] =	vst v63  }
.LBB2_8:
0x231: {  	s5 =	sand.u32 @!p5 $0xFF, s8  }
0x232: {  	p2 =	sne.s32 @!p5 s5, $0x14  }
0x233: {  	p4 =	por p2, p5  }
0x234: {  	s5 =	smulhi.u32 @!p4 $0x51EB851F, s15;
	_ =	sdelay $0x1  }
0x235: {  	s5 =	sshll.u32 @!p4 s5, $0x9  }
0x236: {  	s5 =	sand.u32 @!p4 $0xFFFFF000, s5  }
0x237: {  	s5 =	sadd.s32 @!p4 $0x1000, s5  }
0x238: {  	s14 =	sadd.s32 $0x2, s29;
	s8 =	sadd.s32 @!p4 s11, s5  }
0x239: {  	s16 =	smulhi.u32 $0x51EB851F, s14;
	s8 =	sshrl.u32 @!p4 s8, $0x3  }
0x23a: {  	s15 =	simm.s32 @!p4 $0x0;
	s9 =	sand.u32 @!p4 $0x1000, s5;
	s5 =	sadd.s32 @!p4 s1, s8  }
0x23b: {  	[tilespmem:s9], [sflag:$0x9] =	stream.linear.gather @!p4 [hbm4b:s5+s15], $0xC80, $0x38;
	[tilespmem:$0x1D600] =	vst v63  }
0x23c: {  	s5 =	sshrl.u32 s16, $0x3  }
0x23d: {  	s8 =	sadd.s32 @!p4 s10, s8;
	s9 =	sor.u32 @!p4 $0x2000, s9;
	s16 =	smul.u32 $0x19, s5  }
0x23e: {  	[tilespmem:s9], [sflag:$0x9] =	stream.linear.gather @!p4 [hbm4b:s8+s15], $0xC80, $0x38;
	[tilespmem:$0x1D600] =	vst v63  }
0x23f: {  	p4 =	seq.s32 s19, $0x3E;
	s8 =	ssub.s32 s14, s16  }
0x240: {  	p2 =	sne.s32 @!p4 s8, $0x0  }
0x241: {  	p2 =	por p4, p2  }
.Ltmp7:
0x242: {  	_ = 	snop;
	(pc) =	sbr.rel @p2 .LBB2_10-.Ltmp7, $1  }
0x243: {  	_ =	sdelay $0x3  }
0x244: {  	_ =	swait.ge [sflag:s25], $0xC80  }
0x245: {  	[sflag:s25] =	ssyncset.done $0x0  }
0x246: {  	[sflag:s25] =	ssyncadd.s32 $0xFFFFF380  }
0x247: {  	_ =	swait.ge [sflag:s25], $0xC80  }
0x248: {  	[sflag:s25] =	ssyncset.done $0x0  }
0x249: {  	[sflag:s25] =	ssyncadd.s32 $0xFFFFF380  }
0x24a: {  	_ =	swait.ge [sflag:s26], $0x2800  }
0x24b: {  	[sflag:s26] =	ssyncset.done $0x0  }
0x24c: {  	[sflag:s26] =	ssyncadd.s32 $0xFFFFD800  }
.LBB2_11:
0x24d: {  	s5 =	sshll.u32 s5, $0xC  }
0x24e: {  	s8 =	sshll.u32 s8, $0x7;
	s5 =	sand.u32 $0x1000, s5  }
0x24f: {  	s5 =	sor.u32 s8, s5  }
0x250: {  	[tilespmem:s12], [sflag:$0x1] =	stream.indirect.gather [hbm4b:s2+s13], $0x80, s5, s13, $0xb8;
	[tilespmem:$0x1D600] =	vst v63  }
0x251: {  	s29 =	simm.s32 $0x9000  }
0x252: {  	[tilespmem:s29], [sflag:$0x3] =	stream.indirect.gather [spmem:s4], $0x1, s5, s13, $0xb8;
	[tilespmem:$0x1D600] =	vst v63  }
0x253: {  	s31 =	simm.s32 $0x9100;
	s5 =	sadd.s32 $0x2000, s5  }
0x254: {  	[tilespmem:s31], [sflag:$0x3] =	stream.indirect.gather [spmem:s6], $0x1, s5, s13, $0xb8;
	[tilespmem:$0x1D600] =	vst v63  }
.LBB2_12:
.Ltmp8:
0x255: {  	(pc) =	sbr.rel @p3 .LBB2_16-.Ltmp8, $1  }
0x256: {  	_ =	sdelay $0x3  }
0x257: {  	s8 =	simm.s32 $0x0  }
0x258: {  	v2 =	vmov s8  }
0x259: {  	v2 =	vand.u32 $0xFFFFFFF8, v2  }
0x25a: {  	v2 =	vbroadcast v2, $0x0;
	_ =	sdelay $0x1  }
0x25b: {  	_ =	swait.ge [sflag:s28], $0x2800  }
0x25c: {  	[sflag:s28] =	ssyncset.done $0x0  }
0x25d: {  	s15 =	simm.s32 $0x6A00;
	[sflag:s28] =	ssyncadd.s32 $0xFFFFD800  }
0x25e: {  	v4 =	vld [tilespmem:s15+$0xFFFFFE70]  }
0x25f: {  	v2 =	vld.idx.msk [tilespmem:v2+s24+$0x0], $0xffff  }
0x260: {  	v5 =	vld [tilespmem:s15+$0xFFFFFE00]  }
0x261: {  	v6 =	vld [tilespmem:s15+$0xFFFFFE20]  }
0x262: {  	v7 =	vld [tilespmem:s15+$0xFFFFFE30]  }
0x263: {  	v3 =	vld [tilespmem:s15+$0xFFFFFE50]  }
0x264: {  	v9 =	vld [tilespmem:s15+$0xFFFFFE10];
	v4 =	vmul.f32 v4, v2  }
0x265: {  	s5 =	simm.s32 $0x1;
	v8 =	vld [tilespmem:s15+$0xFFFFFE60];
	v5 =	vmul.f32 v5, v2  }
0x266: {  	v10 =	vld [tilespmem:s15+$0xFFFFFE40];
	v6 =	vmul.f32 v6, v2;
	[tilespmem:s15+$0xFFFFFE70] =	vst v4;
	v4 =	vmov s5  }
0x267: {  	v7 =	vmul.f32 v7, v2;
	[tilespmem:s15+$0xFFFFFE00] =	vst v5;
	v4 =	vand.u32 $0xFFFFFFF9, v4  }
0x268: {  	v3 =	vmul.f32 v3, v2;
	[tilespmem:s15+$0xFFFFFE20] =	vst v6;
	v4 =	vbroadcast v4, $0x0  }
0x269: {  	v5 =	vmul.f32 v9, v2;
	[tilespmem:s15+$0xFFFFFE30] =	vst v7  }
0x26a: {  	v6 =	vmul.f32 v8, v2;
	[tilespmem:s15+$0xFFFFFE50] =	vst v3  }
0x26b: {  	v2 =	vmul.f32 v10, v2;
	[tilespmem:s15+$0xFFFFFE10] =	vst v5  }
0x26c: {  	[tilespmem:s15+$0xFFFFFE60] =	vst v6  }
0x26d: {  	[tilespmem:s15+$0xFFFFFE40] =	vst v2  }
0x26e: {  	v2 =	vld.idx.msk [tilespmem:v4+s24+$0x0], $0xffff  }
0x26f: {  	v4 =	vld [tilespmem:s15+$0xFFFFFE90]  }
0x270: {  	v5 =	vld [tilespmem:s15+$0xFFFFFEC0]  }
0x271: {  	v6 =	vld [tilespmem:s15+$0xFFFFFE80]  }
0x272: {  	v7 =	vld [tilespmem:s15+$0xFFFFFED0]  }
0x273: {  	v3 =	vld [tilespmem:s15+$0xFFFFFEF0]  }
0x274: {  	v8 =	vld [tilespmem:s15+$0xFFFFFEE0];
	v4 =	vmul.f32 v4, v2  }
0x275: {  	s18 =	simm.s32 $0x2;
	v9 =	vld [tilespmem:s15+$0xFFFFFEB0];
	v5 =	vmul.f32 v5, v2  }
0x276: {  	v10 =	vld [tilespmem:s15+$0xFFFFFEA0];
	v6 =	vmul.f32 v6, v2;
	[tilespmem:s15+$0xFFFFFE90] =	vst v4;
	v4 =	vmov s18  }
0x277: {  	v7 =	vmul.f32 v7, v2;
	[tilespmem:s15+$0xFFFFFEC0] =	vst v5;
	v4 =	vand.u32 $0xFFFFFFFA, v4  }
0x278: {  	v3 =	vmul.f32 v3, v2;
	[tilespmem:s15+$0xFFFFFE80] =	vst v6;
	v4 =	vbroadcast v4, $0x0  }
0x279: {  	v5 =	vmul.f32 v8, v2;
	[tilespmem:s15+$0xFFFFFED0] =	vst v7  }
0x27a: {  	v6 =	vmul.f32 v9, v2;
	[tilespmem:s15+$0xFFFFFEF0] =	vst v3  }
0x27b: {  	v2 =	vmul.f32 v10, v2;
	[tilespmem:s15+$0xFFFFFEE0] =	vst v5  }
0x27c: {  	[tilespmem:s15+$0xFFFFFEB0] =	vst v6  }
0x27d: {  	v3 =	vld [tilespmem:s15+$0xFFFFFF00];
	[tilespmem:s15+$0xFFFFFEA0] =	vst v2  }
0x27e: {  	v2 =	vld.idx.msk [tilespmem:v4+s24+$0x0], $0xffff  }
0x27f: {  	v4 =	vld [tilespmem:s15+$0xFFFFFF60]  }
0x280: {  	v5 =	vld [tilespmem:s15+$0xFFFFFF10]  }
0x281: {  	v6 =	vld [tilespmem:s15+$0xFFFFFF50]  }
0x282: {  	v7 =	vld [tilespmem:s15+$0xFFFFFF70]  }
0x283: {  	v8 =	vld [tilespmem:s15+$0xFFFFFF20];
	v3 =	vmul.f32 v3, v2  }
0x284: {  	s29 =	simm.s32 $0x3;
	v9 =	vld [tilespmem:s15+$0xFFFFFF30];
	v4 =	vmul.f32 v4, v2  }
0x285: {  	v10 =	vld [tilespmem:s15+$0xFFFFFF40];
	v5 =	vmul.f32 v5, v2;
	[tilespmem:s15+$0xFFFFFF00] =	vst v3;
	v3 =	vmov s29  }
0x286: {  	v6 =	vmul.f32 v6, v2;
	[tilespmem:s15+$0xFFFFFF60] =	vst v4;
	v3 =	vand.u32 $0xFFFFFFFB, v3  }
0x287: {  	v4 =	vmul.f32 v7, v2;
	[tilespmem:s15+$0xFFFFFF10] =	vst v5;
	v3 =	vbroadcast v3, $0x0  }
0x288: {  	v5 =	vmul.f32 v8, v2;
	[tilespmem:s15+$0xFFFFFF50] =	vst v6  }
0x289: {  	v6 =	vmul.f32 v9, v2;
	[tilespmem:s15+$0xFFFFFF70] =	vst v4  }
0x28a: {  	v2 =	vmul.f32 v10, v2;
	[tilespmem:s15+$0xFFFFFF20] =	vst v5  }
0x28b: {  	[tilespmem:s15+$0xFFFFFF30] =	vst v6  }
0x28c: {  	[tilespmem:s15+$0xFFFFFF40] =	vst v2  }
0x28d: {  	v2 =	vld.idx.msk [tilespmem:v3+s24+$0x0], $0xffff  }
0x28e: {  	v3 =	vld [tilespmem:s15+$0xFFFFFFB0]  }
0x28f: {  	v5 =	vld [tilespmem:s15+$0xFFFFFFE0]  }
0x290: {  	v6 =	vld [tilespmem:s15+$0xFFFFFF80]  }
0x291: {  	v7 =	vld [tilespmem:s15+$0xFFFFFFD0]  }
0x292: {  	v4 =	vld [tilespmem:s15+$0xFFFFFFF0]  }
0x293: {  	v9 =	vld [tilespmem:s15+$0xFFFFFFA0];
	v3 =	vmul.f32 v3, v2  }
0x294: {  	s31 =	simm.s32 $0x4;
	v8 =	vld [tilespmem:s15+$0xFFFFFF90];
	v5 =	vmul.f32 v5, v2  }
0x295: {  	v10 =	vld [tilespmem:s15+$0xFFFFFFC0];
	v6 =	vmul.f32 v6, v2;
	[tilespmem:s15+$0xFFFFFFB0] =	vst v3;
	v3 =	vmov s31  }
0x296: {  	v7 =	vmul.f32 v7, v2;
	[tilespmem:s15+$0xFFFFFFE0] =	vst v5;
	v3 =	vand.u32 $0xFFFFFFFC, v3  }
0x297: {  	v4 =	vmul.f32 v4, v2;
	[tilespmem:s15+$0xFFFFFF80] =	vst v6;
	v3 =	vbroadcast v3, $0x0  }
0x298: {  	v11 =	vld [tilespmem:s15+$0x40];
	v5 =	vmul.f32 v9, v2;
	[tilespmem:s15+$0xFFFFFFD0] =	vst v7  }
0x299: {  	v6 =	vmul.f32 v8, v2;
	[tilespmem:s15+$0xFFFFFFF0] =	vst v4;
	v9 =	vld [tilespmem:s15+$0x0]  }
0x29a: {  	v4 =	vmul.f32 v10, v2;
	v2 =	vld [tilespmem:s15+$0x70];
	[tilespmem:s15+$0xFFFFFFA0] =	vst v5  }
0x29b: {  	v8 =	vld [tilespmem:s15+$0x20];
	[tilespmem:s15+$0xFFFFFF90] =	vst v6  }
0x29c: {  	v7 =	vld [tilespmem:s15+$0x30];
	[tilespmem:s15+$0xFFFFFFC0] =	vst v4  }
0x29d: {  	v3 =	vld.idx.msk [tilespmem:v3+s24+$0x0], $0xffff  }
0x29e: {  	v4 =	vld [tilespmem:s15+$0x50]  }
0x29f: {  	v6 =	vld [tilespmem:s15+$0x10]  }
0x2a0: {  	v5 =	vld [tilespmem:s15+$0x60];
	_ =	sdelay $0x1  }
0x2a1: {  	s9 =	simm.s32 $0x8;
	s16 =	simm.s32 $0x6A00;
	v10 =	vmul.f32 v9, v3;
	v9 =	vmul.f32 v11, v3  }
.LBB2_14:
0x2a2: {  	p3 =	slt.u32 s9, $0x48;
	v8 =	vmul.f32 v8, v3;
	v7 =	vmul.f32 v7, v3;
	s5 =	sadd.s32 $0x5, s8;
	s15 =	sadd.s32 $0x400, s15  }
0x2a3: {  	v4 =	vmul.f32 v4, v3;
	[tilespmem:s16+$0x0] =	vst v10;
	v6 =	vmul.f32 v6, v3;
	v10 =	vmov s5;
	s5 =	smov.u32 s9;
	s9 =	sadd.s32 $0x8, s9  }
0x2a4: {  	v2 =	vmul.f32 v2, v3;
	[tilespmem:s16+$0x40] =	vst v9;
	v5 =	vmul.f32 v5, v3;
	v3 =	vand.u32 $0xFFFFFFFD, v10  }
0x2a5: {  	[tilespmem:s16+$0x20] =	vst v8;
	v3 =	vbroadcast v3, $0x0  }
0x2a6: {  	[tilespmem:s16+$0x50] =	vst v4  }
0x2a7: {  	[tilespmem:s16+$0x70] =	vst v2;
	v2 =	vld [tilespmem:s16+$0xA0]  }
0x2a8: {  	[tilespmem:s16+$0x30] =	vst v7;
	v4 =	vld [tilespmem:s16+$0x80]  }
0x2a9: {  	[tilespmem:s16+$0x60] =	vst v5;
	v5 =	vld [tilespmem:s16+$0xD0]  }
0x2aa: {  	[tilespmem:s16+$0x10] =	vst v6;
	v6 =	vld [tilespmem:s16+$0xF0]  }
0x2ab: {  	v3 =	vld.idx.msk [tilespmem:v3+s24+$0x0], $0xffff  }
0x2ac: {  	v7 =	vld [tilespmem:s16+$0xC0]  }
0x2ad: {  	v8 =	vld [tilespmem:s16+$0xB0]  }
0x2ae: {  	v9 =	vld [tilespmem:s16+$0x90]  }
0x2af: {  	v10 =	vld [tilespmem:s16+$0xE0];
	_ =	sdelay $0x1  }
0x2b0: {  	v4 =	vmul.f32 v4, v3;
	v7 =	vmul.f32 v7, v3  }
0x2b1: {  	s14 =	sadd.s32 $0x6, s8;
	v2 =	vmul.f32 v2, v3;
	v8 =	vmul.f32 v8, v3  }
0x2b2: {  	v5 =	vmul.f32 v5, v3;
	[tilespmem:s16+$0x80] =	vst v4;
	v4 =	vmul.f32 v9, v3;
	v9 =	vmov s14  }
0x2b3: {  	[tilespmem:s16+$0xA0] =	vst v2;
	v2 =	vmul.f32 v10, v3;
	v3 =	vmul.f32 v6, v3;
	v6 =	vand.u32 $0xFFFFFFFE, v9  }
0x2b4: {  	[tilespmem:s16+$0xD0] =	vst v5;
	v5 =	vbroadcast v6, $0x0  }
0x2b5: {  	[tilespmem:s16+$0xC0] =	vst v7  }
0x2b6: {  	[tilespmem:s16+$0xF0] =	vst v3;
	v3 =	vld [tilespmem:s16+$0x120]  }
0x2b7: {  	[tilespmem:s16+$0xB0] =	vst v8;
	v6 =	vld [tilespmem:s16+$0x100]  }
0x2b8: {  	[tilespmem:s16+$0x90] =	vst v4;
	v4 =	vld [tilespmem:s16+$0x140]  }
0x2b9: {  	[tilespmem:s16+$0xE0] =	vst v2;
	v2 =	vld [tilespmem:s16+$0x130]  }
0x2ba: {  	v5 =	vld.idx.msk [tilespmem:v5+s24+$0x0], $0xffff  }
0x2bb: {  	v7 =	vld [tilespmem:s16+$0x110]  }
0x2bc: {  	v8 =	vld [tilespmem:s16+$0x160]  }
0x2bd: {  	v9 =	vld [tilespmem:s16+$0x150]  }
0x2be: {  	v10 =	vld [tilespmem:s16+$0x170];
	_ =	sdelay $0x1  }
0x2bf: {  	v6 =	vmul.f32 v6, v5;
	v7 =	vmul.f32 v7, v5  }
0x2c0: {  	v3 =	vmul.f32 v3, v5;
	v2 =	vmul.f32 v2, v5  }
0x2c1: {  	v4 =	vmul.f32 v4, v5;
	[tilespmem:s16+$0x100] =	vst v6;
	v6 =	vmul.f32 v9, v5  }
0x2c2: {  	[tilespmem:s16+$0x120] =	vst v3;
	v3 =	vmul.f32 v8, v5;
	v5 =	vmul.f32 v10, v5  }
0x2c3: {  	s14 =	sadd.s32 $0x7, s8;
	s8 =	smov.u32 s5;
	[tilespmem:s16+$0x130] =	vst v2  }
0x2c4: {  	v2 =	vmov s14;
	[tilespmem:s16+$0x140] =	vst v4  }
0x2c5: {  	[tilespmem:s16+$0x160] =	vst v3;
	v3 =	vld [tilespmem:s16+$0x180]  }
0x2c6: {  	[tilespmem:s16+$0x110] =	vst v7;
	v4 =	vld [tilespmem:s16+$0x1D0]  }
0x2c7: {  	[tilespmem:s16+$0x150] =	vst v6;
	v6 =	vld [tilespmem:s16+$0x190]  }
0x2c8: {  	[tilespmem:s16+$0x170] =	vst v5;
	v5 =	vld [tilespmem:s16+$0x1F0]  }
0x2c9: {  	v2 =	vld.idx.msk [tilespmem:v2+s24+$0x0], $0xffff  }
0x2ca: {  	v7 =	vld [tilespmem:s16+$0x1B0]  }
0x2cb: {  	v8 =	vld [tilespmem:s16+$0x1A0]  }
0x2cc: {  	v9 =	vld [tilespmem:s16+$0x1C0]  }
0x2cd: {  	v10 =	vld [tilespmem:s16+$0x1E0];
	_ =	sdelay $0x1  }
0x2ce: {  	v3 =	vmul.f32 v3, v2;
	v6 =	vmul.f32 v6, v2  }
0x2cf: {  	v7 =	vmul.f32 v7, v2;
	v8 =	vmul.f32 v8, v2  }
0x2d0: {  	v11 =	vmov s8;
	v4 =	vmul.f32 v4, v2;
	[tilespmem:s16+$0x180] =	vst v3;
	v3 =	vmul.f32 v9, v2  }
0x2d1: {  	v9 =	vand.u32 $0xFFFFFFF8, v11;
	[tilespmem:s16+$0x190] =	vst v6;
	v6 =	vmul.f32 v10, v2;
	v2 =	vmul.f32 v5, v2  }
0x2d2: {  	v5 =	vbroadcast v9, $0x0;
	[tilespmem:s16+$0x1D0] =	vst v4  }
0x2d3: {  	[tilespmem:s16+$0x1A0] =	vst v8  }
0x2d4: {  	v4 =	vld [tilespmem:s15+$0xFFFFFE50];
	[tilespmem:s16+$0x1F0] =	vst v2  }
0x2d5: {  	v2 =	vld [tilespmem:s15+$0xFFFFFE30];
	[tilespmem:s16+$0x1B0] =	vst v7  }
0x2d6: {  	v7 =	vld [tilespmem:s15+$0xFFFFFE60];
	[tilespmem:s16+$0x1E0] =	vst v6  }
0x2d7: {  	v6 =	vld [tilespmem:s15+$0xFFFFFE70];
	[tilespmem:s16+$0x1C0] =	vst v3;
	s16 =	smov.u32 s15  }
0x2d8: {  	v3 =	vld.idx.msk [tilespmem:v5+s24+$0x0], $0xffff  }
0x2d9: {  	v5 =	vld [tilespmem:s15+$0xFFFFFE00]  }
0x2da: {  	v8 =	vld [tilespmem:s15+$0xFFFFFE20]  }
0x2db: {  	v9 =	vld [tilespmem:s15+$0xFFFFFE10]  }
0x2dc: {  	v10 =	vld [tilespmem:s15+$0xFFFFFE40];
	_ =	sdelay $0x1  }
0x2dd: {  	v6 =	vmul.f32 v6, v3;
	v5 =	vmul.f32 v5, v3  }
0x2de: {  	s5 =	sadd.s32 $0x1, s8;
	v7 =	vmul.f32 v7, v3;
	v8 =	vmul.f32 v8, v3  }
0x2df: {  	v2 =	vmul.f32 v2, v3;
	v9 =	vmul.f32 v9, v3;
	[tilespmem:s15+$0xFFFFFE70] =	vst v6;
	v6 =	vmov s5  }
0x2e0: {  	[tilespmem:s15+$0xFFFFFE00] =	vst v5;
	v5 =	vmul.f32 v10, v3;
	v3 =	vmul.f32 v4, v3;
	v4 =	vand.u32 $0xFFFFFFF9, v6  }
0x2e1: {  	[tilespmem:s15+$0xFFFFFE20] =	vst v8;
	v4 =	vbroadcast v4, $0x0  }
0x2e2: {  	[tilespmem:s15+$0xFFFFFE30] =	vst v2  }
0x2e3: {  	[tilespmem:s15+$0xFFFFFE50] =	vst v3;
	v2 =	vld [tilespmem:s15+$0xFFFFFEF0]  }
0x2e4: {  	[tilespmem:s15+$0xFFFFFE10] =	vst v9;
	v3 =	vld [tilespmem:s15+$0xFFFFFED0]  }
0x2e5: {  	[tilespmem:s15+$0xFFFFFE60] =	vst v7;
	v6 =	vld [tilespmem:s15+$0xFFFFFEB0]  }
0x2e6: {  	[tilespmem:s15+$0xFFFFFE40] =	vst v5;
	v5 =	vld [tilespmem:s15+$0xFFFFFEC0]  }
0x2e7: {  	v4 =	vld.idx.msk [tilespmem:v4+s24+$0x0], $0xffff  }
0x2e8: {  	v7 =	vld [tilespmem:s15+$0xFFFFFE90]  }
0x2e9: {  	v8 =	vld [tilespmem:s15+$0xFFFFFE80]  }
0x2ea: {  	v9 =	vld [tilespmem:s15+$0xFFFFFEA0]  }
0x2eb: {  	v10 =	vld [tilespmem:s15+$0xFFFFFEE0];
	_ =	sdelay $0x1  }
0x2ec: {  	v5 =	vmul.f32 v5, v4;
	v7 =	vmul.f32 v7, v4  }
0x2ed: {  	s5 =	sadd.s32 $0x2, s8;
	v6 =	vmul.f32 v6, v4;
	v8 =	vmul.f32 v8, v4  }
0x2ee: {  	v3 =	vmul.f32 v3, v4;
	[tilespmem:s15+$0xFFFFFE90] =	vst v7;
	v7 =	vmul.f32 v9, v4;
	v9 =	vmov s5  }
0x2ef: {  	v2 =	vmul.f32 v2, v4;
	[tilespmem:s15+$0xFFFFFEC0] =	vst v5;
	v5 =	vmul.f32 v10, v4;
	v4 =	vand.u32 $0xFFFFFFFA, v9  }
0x2f0: {  	[tilespmem:s15+$0xFFFFFE80] =	vst v8;
	v4 =	vbroadcast v4, $0x0  }
0x2f1: {  	[tilespmem:s15+$0xFFFFFED0] =	vst v3  }
0x2f2: {  	[tilespmem:s15+$0xFFFFFEE0] =	vst v5;
	v3 =	vld [tilespmem:s15+$0xFFFFFF70]  }
0x2f3: {  	[tilespmem:s15+$0xFFFFFEB0] =	vst v6;
	v5 =	vld [tilespmem:s15+$0xFFFFFF50]  }
0x2f4: {  	[tilespmem:s15+$0xFFFFFEF0] =	vst v2;
	v2 =	vld [tilespmem:s15+$0xFFFFFF20]  }
0x2f5: {  	[tilespmem:s15+$0xFFFFFEA0] =	vst v7;
	v6 =	vld [tilespmem:s15+$0xFFFFFF60]  }
0x2f6: {  	v4 =	vld.idx.msk [tilespmem:v4+s24+$0x0], $0xffff  }
0x2f7: {  	v7 =	vld [tilespmem:s15+$0xFFFFFF00]  }
0x2f8: {  	v8 =	vld [tilespmem:s15+$0xFFFFFF10]  }
0x2f9: {  	v9 =	vld [tilespmem:s15+$0xFFFFFF40]  }
0x2fa: {  	v10 =	vld [tilespmem:s15+$0xFFFFFF30];
	_ =	sdelay $0x1  }
0x2fb: {  	v6 =	vmul.f32 v6, v4;
	v7 =	vmul.f32 v7, v4  }
0x2fc: {  	s5 =	sadd.s32 $0x3, s8;
	v2 =	vmul.f32 v2, v4;
	v8 =	vmul.f32 v8, v4  }
0x2fd: {  	v5 =	vmul.f32 v5, v4;
	[tilespmem:s15+$0xFFFFFF00] =	vst v7;
	v7 =	vmul.f32 v9, v4;
	v9 =	vmov s5  }
0x2fe: {  	v3 =	vmul.f32 v3, v4;
	v10 =	vmul.f32 v10, v4;
	[tilespmem:s15+$0xFFFFFF60] =	vst v6;
	v4 =	vand.u32 $0xFFFFFFFB, v9  }
0x2ff: {  	[tilespmem:s15+$0xFFFFFF10] =	vst v8;
	v4 =	vbroadcast v4, $0x0  }
0x300: {  	[tilespmem:s15+$0xFFFFFF50] =	vst v5  }
0x301: {  	[tilespmem:s15+$0xFFFFFF70] =	vst v3;
	v3 =	vld [tilespmem:s15+$0xFFFFFFF0]  }
0x302: {  	[tilespmem:s15+$0xFFFFFF20] =	vst v2;
	v2 =	vld [tilespmem:s15+$0xFFFFFFD0]  }
0x303: {  	[tilespmem:s15+$0xFFFFFF30] =	vst v10;
	v5 =	vld [tilespmem:s15+$0xFFFFFF90]  }
0x304: {  	[tilespmem:s15+$0xFFFFFF40] =	vst v7;
	v6 =	vld [tilespmem:s15+$0xFFFFFFE0]  }
0x305: {  	v4 =	vld.idx.msk [tilespmem:v4+s24+$0x0], $0xffff  }
0x306: {  	v7 =	vld [tilespmem:s15+$0xFFFFFFB0]  }
0x307: {  	v8 =	vld [tilespmem:s15+$0xFFFFFF80]  }
0x308: {  	v9 =	vld [tilespmem:s15+$0xFFFFFFC0]  }
0x309: {  	v10 =	vld [tilespmem:s15+$0xFFFFFFA0];
	_ =	sdelay $0x1  }
0x30a: {  	v6 =	vmul.f32 v6, v4;
	v7 =	vmul.f32 v7, v4  }
0x30b: {  	s5 =	sadd.s32 $0x4, s8;
	v5 =	vmul.f32 v5, v4;
	v8 =	vmul.f32 v8, v4  }
0x30c: {  	v2 =	vmul.f32 v2, v4;
	[tilespmem:s15+$0xFFFFFFB0] =	vst v7;
	v7 =	vmul.f32 v9, v4;
	v9 =	vmov s5  }
0x30d: {  	v3 =	vmul.f32 v3, v4;
	v10 =	vmul.f32 v10, v4;
	[tilespmem:s15+$0xFFFFFFE0] =	vst v6;
	v4 =	vand.u32 $0xFFFFFFFC, v9  }
0x30e: {  	[tilespmem:s15+$0xFFFFFF80] =	vst v8;
	v6 =	vbroadcast v4, $0x0  }
0x30f: {  	[tilespmem:s15+$0xFFFFFFD0] =	vst v2  }
0x310: {  	[tilespmem:s15+$0xFFFFFFF0] =	vst v3;
	v9 =	vld [tilespmem:s15+$0x0]  }
0x311: {  	[tilespmem:s15+$0xFFFFFFA0] =	vst v10;
	v2 =	vld [tilespmem:s15+$0x70]  }
0x312: {  	[tilespmem:s15+$0xFFFFFF90] =	vst v5;
	v4 =	vld [tilespmem:s15+$0x50]  }
0x313: {  	[tilespmem:s15+$0xFFFFFFC0] =	vst v7;
	v8 =	vld [tilespmem:s15+$0x20]  }
0x314: {  	v3 =	vld.idx.msk [tilespmem:v6+s24+$0x0], $0xffff  }
0x315: {  	v11 =	vld [tilespmem:s15+$0x40]  }
.Ltmp9:
0x316: {  	v7 =	vld [tilespmem:s15+$0x30];
	(pc) =	sbr.rel @p3 .LBB2_14-.Ltmp9, $3  }
0x317: {  	v6 =	vld [tilespmem:s15+$0x10]  }
0x318: {  	v5 =	vld [tilespmem:s15+$0x60];
	_ =	sdelay $0x1  }
0x319: {  	v10 =	vmul.f32 v9, v3;
	v9 =	vmul.f32 v11, v3  }
0x31a: {  	s5 =	sadd.s32 $0x5, s8  }
0x31b: {  	v8 =	vmul.f32 v8, v3;
	[tilespmem:s16+$0x0] =	vst v10;
	v27 =	vmov s5  }
0x31c: {  	v4 =	vmul.f32 v4, v3;
	[tilespmem:s16+$0x40] =	vst v9;
	v28 =	vand.u32 $0xFFFFFFFD, v27  }
0x31d: {  	v2 =	vmul.f32 v2, v3;
	[tilespmem:s16+$0x20] =	vst v8;
	v29 =	vbroadcast v28, $0x0  }
0x31e: {  	v7 =	vmul.f32 v7, v3;
	[tilespmem:s16+$0x50] =	vst v4  }
0x31f: {  	v30 =	vmul.f32 v5, v3;
	[tilespmem:s16+$0x70] =	vst v2  }
0x320: {  	v2 =	vmul.f32 v6, v3;
	[tilespmem:s16+$0x30] =	vst v7  }
0x321: {  	[tilespmem:s16+$0x60] =	vst v30  }
0x322: {  	v3 =	vld [tilespmem:s16+$0x80];
	[tilespmem:s16+$0x10] =	vst v2  }
0x323: {  	v2 =	vld.idx.msk [tilespmem:v29+s24+$0x0], $0xffff  }
0x324: {  	v31 =	vld [tilespmem:s16+$0xA0]  }
0x325: {  	v32 =	vld [tilespmem:s16+$0xD0]  }
0x326: {  	v33 =	vld [tilespmem:s16+$0xC0]  }
0x327: {  	v34 =	vld [tilespmem:s16+$0xF0]  }
0x328: {  	v35 =	vld [tilespmem:s16+$0xB0];
	v3 =	vmul.f32 v3, v2  }
0x329: {  	v36 =	vld [tilespmem:s16+$0x90];
	s18 =	sadd.s32 $0x6, s8;
	v4 =	vmul.f32 v31, v2  }
0x32a: {  	v37 =	vld [tilespmem:s16+$0xE0];
	v38 =	vmov s18;
	[tilespmem:s16+$0x80] =	vst v3;
	v3 =	vmul.f32 v32, v2  }
0x32b: {  	v39 =	vand.u32 $0xFFFFFFFE, v38;
	v6 =	vmul.f32 v33, v2;
	[tilespmem:s16+$0xA0] =	vst v4  }
0x32c: {  	v40 =	vmul.f32 v34, v2;
	[tilespmem:s16+$0xD0] =	vst v3;
	v3 =	vbroadcast v39, $0x0  }
0x32d: {  	v41 =	vmul.f32 v35, v2;
	[tilespmem:s16+$0xC0] =	vst v6  }
0x32e: {  	v42 =	vmul.f32 v36, v2;
	[tilespmem:s16+$0xF0] =	vst v40  }
0x32f: {  	v2 =	vmul.f32 v37, v2;
	[tilespmem:s16+$0xB0] =	vst v41  }
0x330: {  	[tilespmem:s16+$0x90] =	vst v42  }
0x331: {  	v43 =	vld [tilespmem:s16+$0x100];
	[tilespmem:s16+$0xE0] =	vst v2  }
0x332: {  	v2 =	vld.idx.msk [tilespmem:v3+s24+$0x0], $0xffff  }
0x333: {  	v3 =	vld [tilespmem:s16+$0x120]  }
0x334: {  	v44 =	vld [tilespmem:s16+$0x130]  }
0x335: {  	v45 =	vld [tilespmem:s16+$0x140]  }
0x336: {  	v47 =	vld [tilespmem:s16+$0x110]  }
0x337: {  	v48 =	vld [tilespmem:s16+$0x150];
	v4 =	vmul.f32 v43, v2  }
0x338: {  	v46 =	vld [tilespmem:s16+$0x160];
	v3 =	vmul.f32 v3, v2  }
0x339: {  	v49 =	vld [tilespmem:s16+$0x170];
	v5 =	vmul.f32 v44, v2;
	[tilespmem:s16+$0x100] =	vst v4  }
0x33a: {  	v50 =	vmul.f32 v45, v2;
	[tilespmem:s16+$0x120] =	vst v3  }
0x33b: {  	s29 =	sadd.s32 $0x7, s8;
	v51 =	vmul.f32 v47, v2;
	[tilespmem:s16+$0x130] =	vst v5  }
0x33c: {  	v52 =	vmov s29;
	v53 =	vmul.f32 v48, v2;
	[tilespmem:s16+$0x140] =	vst v50  }
0x33d: {  	v3 =	vmul.f32 v46, v2;
	[tilespmem:s16+$0x110] =	vst v51  }
0x33e: {  	v2 =	vmul.f32 v49, v2;
	[tilespmem:s16+$0x150] =	vst v53  }
0x33f: {  	[tilespmem:s16+$0x160] =	vst v3  }
0x340: {  	v3 =	vld [tilespmem:s16+$0x180];
	[tilespmem:s16+$0x170] =	vst v2  }
0x341: {  	v2 =	vld.idx.msk [tilespmem:v52+s24+$0x0], $0xffff  }
0x342: {  	v54 =	vld [tilespmem:s16+$0x190]  }
0x343: {  	v56 =	vld [tilespmem:s16+$0x1A0]  }
0x344: {  	v57 =	vld [tilespmem:s16+$0x1F0]  }
0x345: {  	v55 =	vld [tilespmem:s16+$0x1D0]  }
0x346: {  	v59 =	vld [tilespmem:s16+$0x1E0];
	v3 =	vmul.f32 v3, v2  }
0x347: {  	v58 =	vld [tilespmem:s16+$0x1B0];
	v5 =	vmul.f32 v54, v2  }
0x348: {  	v60 =	vld [tilespmem:s16+$0x1C0];
	v61 =	vmul.f32 v56, v2;
	[tilespmem:s16+$0x180] =	vst v3  }
0x349: {  	v62 =	vmul.f32 v57, v2;
	[tilespmem:s16+$0x190] =	vst v5  }
0x34a: {  	v3 =	vmul.f32 v55, v2;
	[tilespmem:s16+$0x1A0] =	vst v61  }
0x34b: {  	v63 =	vmul.f32 v59, v2;
	[tilespmem:s16+$0x1F0] =	vst v62  }
.Ltmp10:
0x34c: {  	s30 =	sshll.u32 s30, $0xC;
	[tilespmem:s16+$0x1D0] =	vst v3;
	v3 =	vmul.f32 v58, v2;
	(pc) =	sbr.rel .LBB2_16-.Ltmp10, $4  }
0x34d: {  	s0 =	sshll.u32 s0, $0x7;
	s5 =	sand.u32 $0x1000, s30;
	[tilespmem:s16+$0x1E0] =	vst v63;
	v2 =	vmul.f32 v60, v2  }
0x34e: {  	s0 =	sadd.s32 s0, s5;
	[tilespmem:s16+$0x1B0] =	vst v3  }
0x34f: {  	s31 =	simm.s32 $0x6800;
	s0 =	sadd.s32 $0x2000, s0;
	[tilespmem:s16+$0x1C0] =	vst v2  }
0x350: {  	[spmem:s3] =	stream.indirect.scatter.add.f32 [tilespmem:s31], [sflag:$0x6], $0x80, s0, s13, $0xb8;
	[tilespmem:$0x1D600] =	vst v63  }
.LBB2_10:
.Ltmp11:
0x351: {  	(pc) =	sbr.rel @p4 .LBB2_12-.Ltmp11, $4  }
.Ltmp12:
0x352: {  	(pc) =	sbr.rel @!p4 .LBB2_11-.Ltmp12, $4  }
0x353: {  	_ =	swait.ge [sflag:s26], $0x2800  }
0x354: {  	[sflag:s26] =	ssyncset.done $0x0  }
0x355: {  	[sflag:s26] =	ssyncadd.s32 $0xFFFFD800  }
0x356: {  	_ = 	snop  }
.LBB2_18:
0x357: {  	_ =	sfence.sel $0x180000  }
0x358: {  	[bflag:$0x0] =	sbarrier.arrive $0xFFFF  }
0x359: {  	_ =	strace $0x90000047  }
0x35a: {  	s0 =	stileid.u32;
	[bflag:$0x2] =	sbarrier.arrive $0xFFFF  }
0x35b: {  	p0 =	sne.s32 s0, $0x0;
	s0 =	rddreg [dreg:$0x7]  }
0x35c: {  	s0 =	sadd.s32 @!p0 $0x100000, s0  }
0x35d: {  	[sflag:s0] =	ssyncadd.tile.s32 @!p0 $0x1;
	_ =	shalt  }
.Lfunc_end2:
_tile_overlayer_lowered:
.L_overlay_start_2:
0x35e: {  	(tag) =	ssettag $0x2  }
0x35f: {  	s0 =	rddreg [dreg:$0x0];
	s2 =	stileid.u32  }
0x360: {  	s1 =	rddreg [dreg:$0x1];
	p0 =	sne.s32 s2, $0x0  }
0x361: {  	s3 =	rddreg [dreg:$0x2];
	[bflag:$0x3] =	sbarrier.arrive $0xFFFF;
	s2 =	simm.s32 @!p0 $0x1C0A  }
0x362: {  	[timem:s3], [sflag:s2] =	dma.local @!p0 [hbm:s0], s1  }
0x363: {  	s0 =	simm.s32 @!p0 $0xA  }
0x364: {  	_ =	swait.ge @!p0 [sflag:s0], s1  }
0x365: {  	s1 =	ssub.s32 @!p0 $0x0, s1;
	[sflag:s0] =	ssyncset.done @!p0 $0x0  }
0x366: {  	[sflag:s0] =	ssyncadd.s32 @!p0 s1  }
0x367: {  	[bflag:$0x3] =	sbarrier.arrive $0xFFFF  }
0x368: {  	_ =	shalt  }

</sc_bundles>
